<compile_context>
chip_gen: v7x
topology: tpu7x:2x2x1
jax: 0.10.2.dev20260603
libtpu: 0.0.44.dev20260713+nightly
codegen_flags: <defaults>
</compile_context>

<pallas_src>
import jax
import jax.numpy as jnp
from jax import lax
from jax.experimental import pallas as pl
from jax.experimental.pallas import tpu as pltpu
from jax.experimental.pallas import tpu_sc as plsc

B = 4
S = 4096
D = 1024
NC = 2
NS = 16
LN = 16
TPB = NS // (B // NC)
ROWS_PER_TILE = (B * S) // (NC * NS)
FB = 16
N_FILL_CHUNKS = ROWS_PER_TILE // FB
SB = 512
LW = 128


def _count_body(x_ref, lens_ref):
    j = pl.program_id(0)
    sb = pl.program_id(1)

    @pl.when((j == 0) & (sb == 0))
    def _():
        lens_ref[...] = jnp.zeros((B, LW), jnp.int32)

    xb = x_ref[0]
    rs = jnp.sum(xb, axis=1)
    cnt = jnp.sum((rs != 0.0).astype(jnp.int32))
    row_iota = lax.broadcasted_iota(jnp.int32, (B, LW), 0)
    lens_ref[...] += jnp.where(row_iota == j, cnt, 0)


def _fill_body(table_hbm, ivec_hbm, zeros_hbm, lens_hbm, out_hbm,
               icode_buf, zero_buf, ivec_v, lens_v, sem_a, sem_c):
    c = lax.axis_index("c")
    s = lax.axis_index("s")
    batch = c * (B // NC) + s // TPB
    k = s % TPB
    seq_base = k * ROWS_PER_TILE

    pltpu.sync_copy(ivec_hbm, ivec_v)
    i_val = ivec_v[...][0]
    prep_cps = [
        pltpu.async_copy(table_hbm.at[pl.ds(i_val, 1), :],
                         icode_buf.at[pl.ds(f, 1), :], sem_c)
        for f in range(FB)
    ]
    prep_cps.append(pltpu.async_copy(zeros_hbm, zero_buf, sem_c))

    pltpu.sync_copy(lens_hbm.at[batch], lens_v)
    lens = lens_v[pl.ds(0, LN)][0]
    nf = jnp.clip(lens - seq_base, 0, ROWS_PER_TILE)
    fc = nf // FB
    cc_ = (nf + FB - 1) // FB

    for cp in prep_cps:
        cp.wait()

    fired = []
    for t in range(N_FILL_CHUNKS):
        dst = batch * S + seq_base + t * FB
        icp = pltpu.make_async_copy(
            icode_buf, out_hbm.at[pl.ds(dst, FB), :], sem_a)
        zcp = pltpu.make_async_copy(
            zero_buf, out_hbm.at[pl.ds(dst, FB), :], sem_a)
        tt = jnp.int32(t)

        @pl.when(tt < fc)
        def _():
            icp.start()

        @pl.when(tt >= cc_)
        def _():
            zcp.start()

        fired.append((tt, icp, zcp))

    def fill_row(rr, _):
        pltpu.sync_copy(icode_buf.at[pl.ds(0, 1), :],
                        out_hbm.at[pl.ds(batch * S + rr, 1), :])
        return 0

    def zero_row(rr, _):
        pltpu.sync_copy(zero_buf.at[pl.ds(0, 1), :],
                        out_hbm.at[pl.ds(batch * S + rr, 1), :])
        return 0

    lax.fori_loop(fc * FB, nf, fill_row, 0)
    lax.fori_loop(nf, cc_ * FB, zero_row, 0)

    for tt, icp, zcp in fired:
        @pl.when(tt < fc)
        def _():
            icp.wait()

        @pl.when(tt >= cc_)
        def _():
            zcp.wait()


@jax.jit
def _run(x, table, ivec, zeros_src):
    lens = pl.pallas_call(
        _count_body,
        grid=(B, S // SB),
        in_specs=[pl.BlockSpec((1, SB, D), lambda j, sb: (j, sb, 0))],
        out_specs=pl.BlockSpec((B, LW), lambda j, sb: (0, 0)),
        out_shape=jax.ShapeDtypeStruct((B, LW), jnp.int32),
    )(x)

    mesh = plsc.VectorSubcoreMesh(core_axis_name="c", subcore_axis_name="s")
    out = pl.kernel(
        _fill_body,
        out_type=jax.ShapeDtypeStruct((B * S, D), jnp.float32),
        mesh=mesh,
        scratch_types=[
            pltpu.VMEM((FB, D), jnp.float32),
            pltpu.VMEM((FB, D), jnp.float32),
            pltpu.VMEM((LN,), jnp.int32),
            pltpu.VMEM((LW,), jnp.int32),
            pltpu.SemaphoreType.DMA,
            pltpu.SemaphoreType.DMA,
        ],
    )(table, ivec, zeros_src, lens)
    return out.reshape(B, S, D)


def kernel(x, table, i):
    ivec = jnp.full((LN,), i, jnp.int32)
    zeros_src = jnp.zeros((FB, D), jnp.float32)
    return _run(x, table, ivec, zeros_src)

# --- scband reference (transcript-rebuilt; emitter-appended) ---
"""Pipeline reference for scband-layer-enc-49692771614968 (READ-ONLY COPY).

The authoritative reference and input builder live on the scoring server;
editing this copy changes nothing except your own understanding.
"""

import jax, jax.numpy as jnp
import numpy as np

LAYER_NUM = 24
EMB_DIMS = 1024


def _make_table():
    pos = np.arange(LAYER_NUM)[:, None].astype(np.float64)
    j = np.arange(EMB_DIMS)[None, :]
    code = pos / np.power(10000.0, 2.0 * (j // 2) / EMB_DIMS)
    code[:, 0::2] = np.sin(code[:, 0::2])
    code[:, 1::2] = np.cos(code[:, 1::2])
    return jnp.asarray(code, dtype=jnp.float32)


def setup_inputs(seed: int = 0) -> dict:
    key = jax.random.key(seed)
    x = jax.random.normal(key, (4, 4096, 1024), dtype=jnp.float32)
    return {"x": x, "table": _make_table(), "i": 5}


def reference(x, table, i):
    # i_code = embedding lookup of single index i -> shape [1, emb_dims]
    i_code = jnp.take(table, jnp.array([i]), axis=0)
    # x is 3D: x_lens = x.sum(2).abs().sign().sum(1)
    lens = jnp.sum(jnp.sign(jnp.abs(jnp.sum(x, axis=2))), axis=1)
    # per-row: layer_code[j, :x_len, :] = i_code  (vectorized with a position mask)
    mask = jnp.arange(x.shape[1], dtype=lens.dtype)[None, :] < lens[:, None]
    layer_code = jnp.where(mask[:, :, None], i_code[None, :, :], jnp.zeros((), dtype=jnp.float32))
    return layer_code

if __name__ == "__main__":
    import jax
    _d = setup_inputs()
    print(jax.jit(kernel)(*tuple(_d.values())))

</pallas_src>

<mosaic_0001>
#map = affine_map<(d0, d1) -> (0, 0)>
#map1 = affine_map<(d0, d1) -> (0)>
module attributes {stable_mosaic.version = 14 : i64} {
  func.func @_fill_body(%arg0: i32, %arg1: i32, %arg2: memref<24x1024xf32, #tpu.memory_space<hbm>>, %arg3: memref<16xi32, #tpu.memory_space<hbm>>, %arg4: memref<16x1024xf32, #tpu.memory_space<hbm>>, %arg5: memref<4x128xi32, #tpu.memory_space<hbm>>, %arg6: memref<16384x1024xf32, #tpu.memory_space<hbm>>, %arg7: memref<16x1024xf32, #tpu.memory_space<vmem>>, %arg8: memref<16x1024xf32, #tpu.memory_space<vmem>>, %arg9: memref<16xi32, #tpu.memory_space<vmem>>, %arg10: memref<128xi32, #tpu.memory_space<vmem>>, %arg11: memref<!tpu.dma_semaphore, #tpu.memory_space<semaphore_mem>>, %arg12: memref<!tpu.dma_semaphore, #tpu.memory_space<semaphore_mem>>) attributes {dimension_semantics = [#tpu.dimension_semantics<core_parallel>, #tpu.dimension_semantics<subcore_parallel>], iteration_bounds = array<i64: 2, 16>, scalar_prefetch = 0 : i64, scratch_operands = 6 : i64, tpu.core_type = #tpu.core_type<sc_vector_subcore>, window_params = [{transform_indices = #map}, {transform_indices = #map1}, {transform_indices = #map}, {transform_indices = #map}, {transform_indices = #map}]} {
    %mul3A = arith.constant 2 : i32
    %mul3A_0 = arith.muli %arg0, %mul3A : i32
    %jit3A = arith.constant 8 : i32
    %div3A = arith.divsi %arg1, %jit3A : i32
    %sign3A = arith.constant 0 : i32
    %sign3A_1 = arith.cmpi sgt, %arg1, %sign3A : i32
    %sign3A_2 = arith.extui %sign3A_1 : i1 to i32
    %sign3A_3 = arith.constant 0 : i32
    %sign3A_4 = arith.cmpi slt, %arg1, %sign3A_3 : i32
    %sign3A_5 = arith.extui %sign3A_4 : i1 to i32
    %sign3A_6 = arith.subi %sign3A_2, %sign3A_5 : i32
    %sign3A_7 = arith.constant 0 : i32
    %sign3A_8 = arith.cmpi sgt, %jit3A, %sign3A_7 : i32
    %sign3A_9 = arith.extui %sign3A_8 : i1 to i32
    %sign3A_10 = arith.constant 0 : i32
    %sign3A_11 = arith.cmpi slt, %jit3A, %sign3A_10 : i32
    %sign3A_12 = arith.extui %sign3A_11 : i1 to i32
    %sign3A_13 = arith.subi %sign3A_9, %sign3A_12 : i32
    %ne3A = arith.cmpi ne, %sign3A_6, %sign3A_13 : i32
    %rem3A = arith.remsi %arg1, %jit3A : i32
    %ne3A_14 = arith.constant 0 : i32
    %ne3A_15 = arith.cmpi ne, %rem3A, %ne3A_14 : i32
    %and3A = arith.andi %ne3A, %ne3A_15 : i1
    %sub3A = arith.constant 1 : i32
    %sub3A_16 = arith.subi %div3A, %sub3A : i32
    %select_n3A = arith.select %and3A, %sub3A_16, %div3A : i32
    %add3A = arith.addi %mul3A_0, %select_n3A : i32
    %jit3A_17 = arith.constant 8 : i32
    %eq3A = arith.constant 0 : i32
    %eq3A_18 = arith.cmpi eq, %jit3A_17, %eq3A : i32
    %jit3A_19 = arith.constant 1 : i32
    %select_n3A_20 = arith.select %eq3A_18, %jit3A_19, %jit3A_17 : i32
    %rem3A_21 = arith.remsi %arg1, %select_n3A_20 : i32
    %ne3A_22 = arith.constant 0 : i32
    %ne3A_23 = arith.cmpi ne, %rem3A_21, %ne3A_22 : i32
    %lt3A = arith.constant 0 : i32
    %lt3A_24 = arith.cmpi slt, %rem3A_21, %lt3A : i32
    %lt3A_25 = arith.constant 0 : i32
    %lt3A_26 = arith.cmpi slt, %select_n3A_20, %lt3A_25 : i32
    %ne3A_27 = arith.xori %lt3A_24, %lt3A_26 : i1
    %and3A_28 = arith.andi %ne3A_27, %ne3A_23 : i1
    %add3A_29 = arith.addi %rem3A_21, %select_n3A_20 : i32
    %select_n3A_30 = arith.select %and3A_28, %add3A_29, %rem3A_21 : i32
    %mul3A_31 = arith.constant 512 : i32
    %mul3A_32 = arith.muli %select_n3A_30, %mul3A_31 : i32
    "tpu.region"() ({
      %run_scoped3A = tpu.sem_alloc : memref<!tpu.dma_semaphore, #tpu.memory_space<semaphore_mem>>
      tpu.enqueue_dma source(%arg3 : memref<16xi32, #tpu.memory_space<hbm>>) target(%arg9 : memref<16xi32, #tpu.memory_space<vmem>>) target_semaphore(%run_scoped3A : memref<!tpu.dma_semaphore, #tpu.memory_space<semaphore_mem>>)
      tpu.wait_dma2 semaphore(%run_scoped3A : memref<!tpu.dma_semaphore, #tpu.memory_space<semaphore_mem>>) src(%arg3 : memref<16xi32, #tpu.memory_space<hbm>>) dst(%arg9 : memref<16xi32, #tpu.memory_space<vmem>>)
      tpu.yield
    }) : () -> ()
    %get3A = arith.constant 0 : index
    %get3A_33 = tpu.vector_load %arg9[%get3A] {strides = array<i32>} : memref<16xi32, #tpu.memory_space<vmem>>, vector<16xi32>,
    %get3A_34 = vector.shape_cast %get3A_33 : vector<16xi32> to vector<16xi32>
    %slice3A = vector.extract_strided_slice %get3A_34 {offsets = [0], sizes = [1], strides = [1]} : vector<16xi32> to vector<1xi32>
    %squeeze3A = vector.extract %slice3A[0] : i32 from vector<1xi32>
    %dma_start3A = arith.constant 0 : i32
    %dma_start3A_35 = arith.constant 0 : i32
    %dma_start3A_36 = tpu.memref_slice %arg7[%dma_start3A, %dma_start3A_35] : memref<16x1024xf32, #tpu.memory_space<vmem>> -> memref<1x1024xf32, #tpu.memory_space<vmem>>
    %dma_start3A_37 = arith.constant 0 : i32
    %dma_start3A_38 = tpu.memref_slice %arg2[%squeeze3A, %dma_start3A_37] : memref<24x1024xf32, #tpu.memory_space<hbm>> -> memref<1x1024xf32, #tpu.memory_space<hbm>>
    %dma_start3A_39 = arith.constant 0 : i32
    %dma_start3A_40 = arith.constant 0 : i32
    %dma_start3A_41 = tpu.memref_slice %arg7[%dma_start3A_39, %dma_start3A_40] : memref<16x1024xf32, #tpu.memory_space<vmem>> -> memref<1x1024xf32, #tpu.memory_space<vmem>>
    %dma_start3A_42 = arith.constant 0 : i32
    %dma_start3A_43 = tpu.memref_slice %arg2[%squeeze3A, %dma_start3A_42] : memref<24x1024xf32, #tpu.memory_space<hbm>> -> memref<1x1024xf32, #tpu.memory_space<hbm>>
    tpu.enqueue_dma source(%dma_start3A_43 : memref<1x1024xf32, #tpu.memory_space<hbm>>) target(%dma_start3A_41 : memref<1x1024xf32, #tpu.memory_space<vmem>>) target_semaphore(%arg12 : memref<!tpu.dma_semaphore, #tpu.memory_space<semaphore_mem>>)
    %dma_start3A_44 = arith.constant 1 : i32
    %dma_start3A_45 = arith.constant 0 : i32
    %dma_start3A_46 = tpu.memref_slice %arg7[%dma_start3A_44, %dma_start3A_45] : memref<16x1024xf32, #tpu.memory_space<vmem>> -> memref<1x1024xf32, #tpu.memory_space<vmem>>
    %dma_start3A_47 = arith.constant 0 : i32
    %dma_start3A_48 = tpu.memref_slice %arg2[%squeeze3A, %dma_start3A_47] : memref<24x1024xf32, #tpu.memory_space<hbm>> -> memref<1x1024xf32, #tpu.memory_space<hbm>>
    %dma_start3A_49 = arith.constant 1 : i32
    %dma_start3A_50 = arith.constant 0 : i32
    %dma_start3A_51 = tpu.memref_slice %arg7[%dma_start3A_49, %dma_start3A_50] : memref<16x1024xf32, #tpu.memory_space<vmem>> -> memref<1x1024xf32, #tpu.memory_space<vmem>>
    %dma_start3A_52 = arith.constant 0 : i32
    %dma_start3A_53 = tpu.memref_slice %arg2[%squeeze3A, %dma_start3A_52] : memref<24x1024xf32, #tpu.memory_space<hbm>> -> memref<1x1024xf32, #tpu.memory_space<hbm>>
    tpu.enqueue_dma source(%dma_start3A_53 : memref<1x1024xf32, #tpu.memory_space<hbm>>) target(%dma_start3A_51 : memref<1x1024xf32, #tpu.memory_space<vmem>>) target_semaphore(%arg12 : memref<!tpu.dma_semaphore, #tpu.memory_space<semaphore_mem>>)
    %dma_start3A_54 = arith.constant 2 : i32
    %dma_start3A_55 = arith.constant 0 : i32
    %dma_start3A_56 = tpu.memref_slice %arg7[%dma_start3A_54, %dma_start3A_55] : memref<16x1024xf32, #tpu.memory_space<vmem>> -> memref<1x1024xf32, #tpu.memory_space<vmem>>
    %dma_start3A_57 = arith.constant 0 : i32
    %dma_start3A_58 = tpu.memref_slice %arg2[%squeeze3A, %dma_start3A_57] : memref<24x1024xf32, #tpu.memory_space<hbm>> -> memref<1x1024xf32, #tpu.memory_space<hbm>>
    %dma_start3A_59 = arith.constant 2 : i32
    %dma_start3A_60 = arith.constant 0 : i32
    %dma_start3A_61 = tpu.memref_slice %arg7[%dma_start3A_59, %dma_start3A_60] : memref<16x1024xf32, #tpu.memory_space<vmem>> -> memref<1x1024xf32, #tpu.memory_space<vmem>>
    %dma_start3A_62 = arith.constant 0 : i32
    %dma_start3A_63 = tpu.memref_slice %arg2[%squeeze3A, %dma_start3A_62] : memref<24x1024xf32, #tpu.memory_space<hbm>> -> memref<1x1024xf32, #tpu.memory_space<hbm>>
    tpu.enqueue_dma source(%dma_start3A_63 : memref<1x1024xf32, #tpu.memory_space<hbm>>) target(%dma_start3A_61 : memref<1x1024xf32, #tpu.memory_space<vmem>>) target_semaphore(%arg12 : memref<!tpu.dma_semaphore, #tpu.memory_space<semaphore_mem>>)
    %dma_start3A_64 = arith.constant 3 : i32
    %dma_start3A_65 = arith.constant 0 : i32
    %dma_start3A_66 = tpu.memref_slice %arg7[%dma_start3A_64, %dma_start3A_65] : memref<16x1024xf32, #tpu.memory_space<vmem>> -> memref<1x1024xf32, #tpu.memory_space<vmem>>
    %dma_start3A_67 = arith.constant 0 : i32
    %dma_start3A_68 = tpu.memref_slice %arg2[%squeeze3A, %dma_start3A_67] : memref<24x1024xf32, #tpu.memory_space<hbm>> -> memref<1x1024xf32, #tpu.memory_space<hbm>>
    %dma_start3A_69 = arith.constant 3 : i32
    %dma_start3A_70 = arith.constant 0 : i32
    %dma_start3A_71 = tpu.memref_slice %arg7[%dma_start3A_69, %dma_start3A_70] : memref<16x1024xf32, #tpu.memory_space<vmem>> -> memref<1x1024xf32, #tpu.memory_space<vmem>>
    %dma_start3A_72 = arith.constant 0 : i32
    %dma_start3A_73 = tpu.memref_slice %arg2[%squeeze3A, %dma_start3A_72] : memref<24x1024xf32, #tpu.memory_space<hbm>> -> memref<1x1024xf32, #tpu.memory_space<hbm>>
    tpu.enqueue_dma source(%dma_start3A_73 : memref<1x1024xf32, #tpu.memory_space<hbm>>) target(%dma_start3A_71 : memref<1x1024xf32, #tpu.memory_space<vmem>>) target_semaphore(%arg12 : memref<!tpu.dma_semaphore, #tpu.memory_space<semaphore_mem>>)
    %dma_start3A_74 = arith.constant 4 : i32
    %dma_start3A_75 = arith.constant 0 : i32
    %dma_start3A_76 = tpu.memref_slice %arg7[%dma_start3A_74, %dma_start3A_75] : memref<16x1024xf32, #tpu.memory_space<vmem>> -> memref<1x1024xf32, #tpu.memory_space<vmem>>
    %dma_start3A_77 = arith.constant 0 : i32
    %dma_start3A_78 = tpu.memref_slice %arg2[%squeeze3A, %dma_start3A_77] : memref<24x1024xf32, #tpu.memory_space<hbm>> -> memref<1x1024xf32, #tpu.memory_space<hbm>>
    %dma_start3A_79 = arith.constant 4 : i32
    %dma_start3A_80 = arith.constant 0 : i32
    %dma_start3A_81 = tpu.memref_slice %arg7[%dma_start3A_79, %dma_start3A_80] : memref<16x1024xf32, #tpu.memory_space<vmem>> -> memref<1x1024xf32, #tpu.memory_space<vmem>>
    %dma_start3A_82 = arith.constant 0 : i32
    %dma_start3A_83 = tpu.memref_slice %arg2[%squeeze3A, %dma_start3A_82] : memref<24x1024xf32, #tpu.memory_space<hbm>> -> memref<1x1024xf32, #tpu.memory_space<hbm>>
    tpu.enqueue_dma source(%dma_start3A_83 : memref<1x1024xf32, #tpu.memory_space<hbm>>) target(%dma_start3A_81 : memref<1x1024xf32, #tpu.memory_space<vmem>>) target_semaphore(%arg12 : memref<!tpu.dma_semaphore, #tpu.memory_space<semaphore_mem>>)
    %dma_start3A_84 = arith.constant 5 : i32
    %dma_start3A_85 = arith.constant 0 : i32
    %dma_start3A_86 = tpu.memref_slice %arg7[%dma_start3A_84, %dma_start3A_85] : memref<16x1024xf32, #tpu.memory_space<vmem>> -> memref<1x1024xf32, #tpu.memory_space<vmem>>
    %dma_start3A_87 = arith.constant 0 : i32
    %dma_start3A_88 = tpu.memref_slice %arg2[%squeeze3A, %dma_start3A_87] : memref<24x1024xf32, #tpu.memory_space<hbm>> -> memref<1x1024xf32, #tpu.memory_space<hbm>>
    %dma_start3A_89 = arith.constant 5 : i32
    %dma_start3A_90 = arith.constant 0 : i32
    %dma_start3A_91 = tpu.memref_slice %arg7[%dma_start3A_89, %dma_start3A_90] : memref<16x1024xf32, #tpu.memory_space<vmem>> -> memref<1x1024xf32, #tpu.memory_space<vmem>>
    %dma_start3A_92 = arith.constant 0 : i32
    %dma_start3A_93 = tpu.memref_slice %arg2[%squeeze3A, %dma_start3A_92] : memref<24x1024xf32, #tpu.memory_space<hbm>> -> memref<1x1024xf32, #tpu.memory_space<hbm>>
    tpu.enqueue_dma source(%dma_start3A_93 : memref<1x1024xf32, #tpu.memory_space<hbm>>) target(%dma_start3A_91 : memref<1x1024xf32, #tpu.memory_space<vmem>>) target_semaphore(%arg12 : memref<!tpu.dma_semaphore, #tpu.memory_space<semaphore_mem>>)
    %dma_start3A_94 = arith.constant 6 : i32
    %dma_start3A_95 = arith.constant 0 : i32
    %dma_start3A_96 = tpu.memref_slice %arg7[%dma_start3A_94, %dma_start3A_95] : memref<16x1024xf32, #tpu.memory_space<vmem>> -> memref<1x1024xf32, #tpu.memory_space<vmem>>
    %dma_start3A_97 = arith.constant 0 : i32
    %dma_start3A_98 = tpu.memref_slice %arg2[%squeeze3A, %dma_start3A_97] : memref<24x1024xf32, #tpu.memory_space<hbm>> -> memref<1x1024xf32, #tpu.memory_space<hbm>>
    %dma_start3A_99 = arith.constant 6 : i32
    %dma_start3A_100 = arith.constant 0 : i32
    %dma_start3A_101 = tpu.memref_slice %arg7[%dma_start3A_99, %dma_start3A_100] : memref<16x1024xf32, #tpu.memory_space<vmem>> -> memref<1x1024xf32, #tpu.memory_space<vmem>>
    %dma_start3A_102 = arith.constant 0 : i32
    %dma_start3A_103 = tpu.memref_slice %arg2[%squeeze3A, %dma_start3A_102] : memref<24x1024xf32, #tpu.memory_space<hbm>> -> memref<1x1024xf32, #tpu.memory_space<hbm>>
    tpu.enqueue_dma source(%dma_start3A_103 : memref<1x1024xf32, #tpu.memory_space<hbm>>) target(%dma_start3A_101 : memref<1x1024xf32, #tpu.memory_space<vmem>>) target_semaphore(%arg12 : memref<!tpu.dma_semaphore, #tpu.memory_space<semaphore_mem>>)
    %dma_start3A_104 = arith.constant 7 : i32
    %dma_start3A_105 = arith.constant 0 : i32
    %dma_start3A_106 = tpu.memref_slice %arg7[%dma_start3A_104, %dma_start3A_105] : memref<16x1024xf32, #tpu.memory_space<vmem>> -> memref<1x1024xf32, #tpu.memory_space<vmem>>
    %dma_start3A_107 = arith.constant 0 : i32
    %dma_start3A_108 = tpu.memref_slice %arg2[%squeeze3A, %dma_start3A_107] : memref<24x1024xf32, #tpu.memory_space<hbm>> -> memref<1x1024xf32, #tpu.memory_space<hbm>>
    %dma_start3A_109 = arith.constant 7 : i32
    %dma_start3A_110 = arith.constant 0 : i32
    %dma_start3A_111 = tpu.memref_slice %arg7[%dma_start3A_109, %dma_start3A_110] : memref<16x1024xf32, #tpu.memory_space<vmem>> -> memref<1x1024xf32, #tpu.memory_space<vmem>>
    %dma_start3A_112 = arith.constant 0 : i32
    %dma_start3A_113 = tpu.memref_slice %arg2[%squeeze3A, %dma_start3A_112] : memref<24x1024xf32, #tpu.memory_space<hbm>> -> memref<1x1024xf32, #tpu.memory_space<hbm>>
    tpu.enqueue_dma source(%dma_start3A_113 : memref<1x1024xf32, #tpu.memory_space<hbm>>) target(%dma_start3A_111 : memref<1x1024xf32, #tpu.memory_space<vmem>>) target_semaphore(%arg12 : memref<!tpu.dma_semaphore, #tpu.memory_space<semaphore_mem>>)
    %dma_start3A_114 = arith.constant 8 : i32
    %dma_start3A_115 = arith.constant 0 : i32
    %dma_start3A_116 = tpu.memref_slice %arg7[%dma_start3A_114, %dma_start3A_115] : memref<16x1024xf32, #tpu.memory_space<vmem>> -> memref<1x1024xf32, #tpu.memory_space<vmem>>
    %dma_start3A_117 = arith.constant 0 : i32
    %dma_start3A_118 = tpu.memref_slice %arg2[%squeeze3A, %dma_start3A_117] : memref<24x1024xf32, #tpu.memory_space<hbm>> -> memref<1x1024xf32, #tpu.memory_space<hbm>>
    %dma_start3A_119 = arith.constant 8 : i32
    %dma_start3A_120 = arith.constant 0 : i32
    %dma_start3A_121 = tpu.memref_slice %arg7[%dma_start3A_119, %dma_start3A_120] : memref<16x1024xf32, #tpu.memory_space<vmem>> -> memref<1x1024xf32, #tpu.memory_space<vmem>>
    %dma_start3A_122 = arith.constant 0 : i32
    %dma_start3A_123 = tpu.memref_slice %arg2[%squeeze3A, %dma_start3A_122] : memref<24x1024xf32, #tpu.memory_space<hbm>> -> memref<1x1024xf32, #tpu.memory_space<hbm>>
    tpu.enqueue_dma source(%dma_start3A_123 : memref<1x1024xf32, #tpu.memory_space<hbm>>) target(%dma_start3A_121 : memref<1x1024xf32, #tpu.memory_space<vmem>>) target_semaphore(%arg12 : memref<!tpu.dma_semaphore, #tpu.memory_space<semaphore_mem>>)
    %dma_start3A_124 = arith.constant 9 : i32
    %dma_start3A_125 = arith.constant 0 : i32
    %dma_start3A_126 = tpu.memref_slice %arg7[%dma_start3A_124, %dma_start3A_125] : memref<16x1024xf32, #tpu.memory_space<vmem>> -> memref<1x1024xf32, #tpu.memory_space<vmem>>
    %dma_start3A_127 = arith.constant 0 : i32
    %dma_start3A_128 = tpu.memref_slice %arg2[%squeeze3A, %dma_start3A_127] : memref<24x1024xf32, #tpu.memory_space<hbm>> -> memref<1x1024xf32, #tpu.memory_space<hbm>>
    %dma_start3A_129 = arith.constant 9 : i32
    %dma_start3A_130 = arith.constant 0 : i32
    %dma_start3A_131 = tpu.memref_slice %arg7[%dma_start3A_129, %dma_start3A_130] : memref<16x1024xf32, #tpu.memory_space<vmem>> -> memref<1x1024xf32, #tpu.memory_space<vmem>>
    %dma_start3A_132 = arith.constant 0 : i32
    %dma_start3A_133 = tpu.memref_slice %arg2[%squeeze3A, %dma_start3A_132] : memref<24x1024xf32, #tpu.memory_space<hbm>> -> memref<1x1024xf32, #tpu.memory_space<hbm>>
    tpu.enqueue_dma source(%dma_start3A_133 : memref<1x1024xf32, #tpu.memory_space<hbm>>) target(%dma_start3A_131 : memref<1x1024xf32, #tpu.memory_space<vmem>>) target_semaphore(%arg12 : memref<!tpu.dma_semaphore, #tpu.memory_space<semaphore_mem>>)
    %dma_start3A_134 = arith.constant 10 : i32
    %dma_start3A_135 = arith.constant 0 : i32
    %dma_start3A_136 = tpu.memref_slice %arg7[%dma_start3A_134, %dma_start3A_135] : memref<16x1024xf32, #tpu.memory_space<vmem>> -> memref<1x1024xf32, #tpu.memory_space<vmem>>
    %dma_start3A_137 = arith.constant 0 : i32
    %dma_start3A_138 = tpu.memref_slice %arg2[%squeeze3A, %dma_start3A_137] : memref<24x1024xf32, #tpu.memory_space<hbm>> -> memref<1x1024xf32, #tpu.memory_space<hbm>>
    %dma_start3A_139 = arith.constant 10 : i32
    %dma_start3A_140 = arith.constant 0 : i32
    %dma_start3A_141 = tpu.memref_slice %arg7[%dma_start3A_139, %dma_start3A_140] : memref<16x1024xf32, #tpu.memory_space<vmem>> -> memref<1x1024xf32, #tpu.memory_space<vmem>>
    %dma_start3A_142 = arith.constant 0 : i32
    %dma_start3A_143 = tpu.memref_slice %arg2[%squeeze3A, %dma_start3A_142] : memref<24x1024xf32, #tpu.memory_space<hbm>> -> memref<1x1024xf32, #tpu.memory_space<hbm>>
    tpu.enqueue_dma source(%dma_start3A_143 : memref<1x1024xf32, #tpu.memory_space<hbm>>) target(%dma_start3A_141 : memref<1x1024xf32, #tpu.memory_space<vmem>>) target_semaphore(%arg12 : memref<!tpu.dma_semaphore, #tpu.memory_space<semaphore_mem>>)
    %dma_start3A_144 = arith.constant 11 : i32
    %dma_start3A_145 = arith.constant 0 : i32
    %dma_start3A_146 = tpu.memref_slice %arg7[%dma_start3A_144, %dma_start3A_145] : memref<16x1024xf32, #tpu.memory_space<vmem>> -> memref<1x1024xf32, #tpu.memory_space<vmem>>
    %dma_start3A_147 = arith.constant 0 : i32
    %dma_start3A_148 = tpu.memref_slice %arg2[%squeeze3A, %dma_start3A_147] : memref<24x1024xf32, #tpu.memory_space<hbm>> -> memref<1x1024xf32, #tpu.memory_space<hbm>>
    %dma_start3A_149 = arith.constant 11 : i32
    %dma_start3A_150 = arith.constant 0 : i32
    %dma_start3A_151 = tpu.memref_slice %arg7[%dma_start3A_149, %dma_start3A_150] : memref<16x1024xf32, #tpu.memory_space<vmem>> -> memref<1x1024xf32, #tpu.memory_space<vmem>>
    %dma_start3A_152 = arith.constant 0 : i32
    %dma_start3A_153 = tpu.memref_slice %arg2[%squeeze3A, %dma_start3A_152] : memref<24x1024xf32, #tpu.memory_space<hbm>> -> memref<1x1024xf32, #tpu.memory_space<hbm>>
    tpu.enqueue_dma source(%dma_start3A_153 : memref<1x1024xf32, #tpu.memory_space<hbm>>) target(%dma_start3A_151 : memref<1x1024xf32, #tpu.memory_space<vmem>>) target_semaphore(%arg12 : memref<!tpu.dma_semaphore, #tpu.memory_space<semaphore_mem>>)
    %dma_start3A_154 = arith.constant 12 : i32
    %dma_start3A_155 = arith.constant 0 : i32
    %dma_start3A_156 = tpu.memref_slice %arg7[%dma_start3A_154, %dma_start3A_155] : memref<16x1024xf32, #tpu.memory_space<vmem>> -> memref<1x1024xf32, #tpu.memory_space<vmem>>
    %dma_start3A_157 = arith.constant 0 : i32
    %dma_start3A_158 = tpu.memref_slice %arg2[%squeeze3A, %dma_start3A_157] : memref<24x1024xf32, #tpu.memory_space<hbm>> -> memref<1x1024xf32, #tpu.memory_space<hbm>>
    %dma_start3A_159 = arith.constant 12 : i32
    %dma_start3A_160 = arith.constant 0 : i32
    %dma_start3A_161 = tpu.memref_slice %arg7[%dma_start3A_159, %dma_start3A_160] : memref<16x1024xf32, #tpu.memory_space<vmem>> -> memref<1x1024xf32, #tpu.memory_space<vmem>>
    %dma_start3A_162 = arith.constant 0 : i32
    %dma_start3A_163 = tpu.memref_slice %arg2[%squeeze3A, %dma_start3A_162] : memref<24x1024xf32, #tpu.memory_space<hbm>> -> memref<1x1024xf32, #tpu.memory_space<hbm>>
    tpu.enqueue_dma source(%dma_start3A_163 : memref<1x1024xf32, #tpu.memory_space<hbm>>) target(%dma_start3A_161 : memref<1x1024xf32, #tpu.memory_space<vmem>>) target_semaphore(%arg12 : memref<!tpu.dma_semaphore, #tpu.memory_space<semaphore_mem>>)
    %dma_start3A_164 = arith.constant 13 : i32
    %dma_start3A_165 = arith.constant 0 : i32
    %dma_start3A_166 = tpu.memref_slice %arg7[%dma_start3A_164, %dma_start3A_165] : memref<16x1024xf32, #tpu.memory_space<vmem>> -> memref<1x1024xf32, #tpu.memory_space<vmem>>
    %dma_start3A_167 = arith.constant 0 : i32
    %dma_start3A_168 = tpu.memref_slice %arg2[%squeeze3A, %dma_start3A_167] : memref<24x1024xf32, #tpu.memory_space<hbm>> -> memref<1x1024xf32, #tpu.memory_space<hbm>>
    %dma_start3A_169 = arith.constant 13 : i32
    %dma_start3A_170 = arith.constant 0 : i32
    %dma_start3A_171 = tpu.memref_slice %arg7[%dma_start3A_169, %dma_start3A_170] : memref<16x1024xf32, #tpu.memory_space<vmem>> -> memref<1x1024xf32, #tpu.memory_space<vmem>>
    %dma_start3A_172 = arith.constant 0 : i32
    %dma_start3A_173 = tpu.memref_slice %arg2[%squeeze3A, %dma_start3A_172] : memref<24x1024xf32, #tpu.memory_space<hbm>> -> memref<1x1024xf32, #tpu.memory_space<hbm>>
    tpu.enqueue_dma source(%dma_start3A_173 : memref<1x1024xf32, #tpu.memory_space<hbm>>) target(%dma_start3A_171 : memref<1x1024xf32, #tpu.memory_space<vmem>>) target_semaphore(%arg12 : memref<!tpu.dma_semaphore, #tpu.memory_space<semaphore_mem>>)
    %dma_start3A_174 = arith.constant 14 : i32
    %dma_start3A_175 = arith.constant 0 : i32
    %dma_start3A_176 = tpu.memref_slice %arg7[%dma_start3A_174, %dma_start3A_175] : memref<16x1024xf32, #tpu.memory_space<vmem>> -> memref<1x1024xf32, #tpu.memory_space<vmem>>
    %dma_start3A_177 = arith.constant 0 : i32
    %dma_start3A_178 = tpu.memref_slice %arg2[%squeeze3A, %dma_start3A_177] : memref<24x1024xf32, #tpu.memory_space<hbm>> -> memref<1x1024xf32, #tpu.memory_space<hbm>>
    %dma_start3A_179 = arith.constant 14 : i32
    %dma_start3A_180 = arith.constant 0 : i32
    %dma_start3A_181 = tpu.memref_slice %arg7[%dma_start3A_179, %dma_start3A_180] : memref<16x1024xf32, #tpu.memory_space<vmem>> -> memref<1x1024xf32, #tpu.memory_space<vmem>>
    %dma_start3A_182 = arith.constant 0 : i32
    %dma_start3A_183 = tpu.memref_slice %arg2[%squeeze3A, %dma_start3A_182] : memref<24x1024xf32, #tpu.memory_space<hbm>> -> memref<1x1024xf32, #tpu.memory_space<hbm>>
    tpu.enqueue_dma source(%dma_start3A_183 : memref<1x1024xf32, #tpu.memory_space<hbm>>) target(%dma_start3A_181 : memref<1x1024xf32, #tpu.memory_space<vmem>>) target_semaphore(%arg12 : memref<!tpu.dma_semaphore, #tpu.memory_space<semaphore_mem>>)
    %dma_start3A_184 = arith.constant 15 : i32
    %dma_start3A_185 = arith.constant 0 : i32
    %dma_start3A_186 = tpu.memref_slice %arg7[%dma_start3A_184, %dma_start3A_185] : memref<16x1024xf32, #tpu.memory_space<vmem>> -> memref<1x1024xf32, #tpu.memory_space<vmem>>
    %dma_start3A_187 = arith.constant 0 : i32
    %dma_start3A_188 = tpu.memref_slice %arg2[%squeeze3A, %dma_start3A_187] : memref<24x1024xf32, #tpu.memory_space<hbm>> -> memref<1x1024xf32, #tpu.memory_space<hbm>>
    %dma_start3A_189 = arith.constant 15 : i32
    %dma_start3A_190 = arith.constant 0 : i32
    %dma_start3A_191 = tpu.memref_slice %arg7[%dma_start3A_189, %dma_start3A_190] : memref<16x1024xf32, #tpu.memory_space<vmem>> -> memref<1x1024xf32, #tpu.memory_space<vmem>>
    %dma_start3A_192 = arith.constant 0 : i32
    %dma_start3A_193 = tpu.memref_slice %arg2[%squeeze3A, %dma_start3A_192] : memref<24x1024xf32, #tpu.memory_space<hbm>> -> memref<1x1024xf32, #tpu.memory_space<hbm>>
    tpu.enqueue_dma source(%dma_start3A_193 : memref<1x1024xf32, #tpu.memory_space<hbm>>) target(%dma_start3A_191 : memref<1x1024xf32, #tpu.memory_space<vmem>>) target_semaphore(%arg12 : memref<!tpu.dma_semaphore, #tpu.memory_space<semaphore_mem>>)
    tpu.enqueue_dma source(%arg4 : memref<16x1024xf32, #tpu.memory_space<hbm>>) target(%arg8 : memref<16x1024xf32, #tpu.memory_space<vmem>>) target_semaphore(%arg12 : memref<!tpu.dma_semaphore, #tpu.memory_space<semaphore_mem>>)
    "tpu.region"() ({
      %run_scoped3A = tpu.sem_alloc : memref<!tpu.dma_semaphore, #tpu.memory_space<semaphore_mem>>
      %dma_start3A_1235 = arith.constant 0 : i32
      %dma_start3A_1236 = tpu.memref_slice %arg5[%add3A, %dma_start3A_1235] : memref<4x128xi32, #tpu.memory_space<hbm>> -> memref<1x128xi32, #tpu.memory_space<hbm>>
      %dma_start3A_1237 = tpu.memref_squeeze %dma_start3A_1236 : memref<1x128xi32, #tpu.memory_space<hbm>> -> memref<128xi32, #tpu.memory_space<hbm>>
      %dma_start3A_1238 = arith.constant 0 : i32
      %dma_start3A_1239 = tpu.memref_slice %arg5[%add3A, %dma_start3A_1238] : memref<4x128xi32, #tpu.memory_space<hbm>> -> memref<1x128xi32, #tpu.memory_space<hbm>>
      %dma_start3A_1240 = tpu.memref_squeeze %dma_start3A_1239 : memref<1x128xi32, #tpu.memory_space<hbm>> -> memref<128xi32, #tpu.memory_space<hbm>>
      tpu.enqueue_dma source(%dma_start3A_1240 : memref<128xi32, #tpu.memory_space<hbm>>) target(%arg10 : memref<128xi32, #tpu.memory_space<vmem>>) target_semaphore(%run_scoped3A : memref<!tpu.dma_semaphore, #tpu.memory_space<semaphore_mem>>)
      %dma_wait3A_1241 = arith.constant 0 : i32
      %dma_wait3A_1242 = tpu.memref_slice %arg5[%add3A, %dma_wait3A_1241] : memref<4x128xi32, #tpu.memory_space<hbm>> -> memref<1x128xi32, #tpu.memory_space<hbm>>
      %dma_wait3A_1243 = tpu.memref_squeeze %dma_wait3A_1242 : memref<1x128xi32, #tpu.memory_space<hbm>> -> memref<128xi32, #tpu.memory_space<hbm>>
      %dma_wait3A_1244 = arith.constant 0 : i32
      %dma_wait3A_1245 = tpu.memref_slice %arg5[%add3A, %dma_wait3A_1244] : memref<4x128xi32, #tpu.memory_space<hbm>> -> memref<1x128xi32, #tpu.memory_space<hbm>>
      %dma_wait3A_1246 = tpu.memref_squeeze %dma_wait3A_1245 : memref<1x128xi32, #tpu.memory_space<hbm>> -> memref<128xi32, #tpu.memory_space<hbm>>
      tpu.wait_dma2 semaphore(%run_scoped3A : memref<!tpu.dma_semaphore, #tpu.memory_space<semaphore_mem>>) src(%dma_wait3A_1246 : memref<128xi32, #tpu.memory_space<hbm>>) dst(%arg10 : memref<128xi32, #tpu.memory_space<vmem>>)
      tpu.yield
    }) : () -> ()
    %get3A_194 = arith.constant 0 : index
    %get3A_195 = tpu.vector_load %arg10[%get3A_194] {strides = array<i32>} : memref<128xi32, #tpu.memory_space<vmem>>, vector<16xi32>,
    %get3A_196 = vector.shape_cast %get3A_195 : vector<16xi32> to vector<16xi32>
    %slice3A_197 = vector.extract_strided_slice %get3A_196 {offsets = [0], sizes = [1], strides = [1]} : vector<16xi32> to vector<1xi32>
    %squeeze3A_198 = vector.extract %slice3A_197[0] : i32 from vector<1xi32>
    %sub3A_199 = arith.subi %squeeze3A_198, %mul3A_32 : i32
    %jit3A_200 = arith.constant 0 : i32
    %jit3A_201 = arith.constant 512 : i32
    %max3A = arith.maxsi %jit3A_200, %sub3A_199 : i32
    %min3A = arith.minsi %jit3A_201, %max3A : i32
    %jit3A_202 = arith.constant 16 : i32
    %div3A_203 = arith.divsi %min3A, %jit3A_202 : i32
    %sign3A_204 = arith.constant 0 : i32
    %sign3A_205 = arith.cmpi sgt, %min3A, %sign3A_204 : i32
    %sign3A_206 = arith.extui %sign3A_205 : i1 to i32
    %sign3A_207 = arith.constant 0 : i32
    %sign3A_208 = arith.cmpi slt, %min3A, %sign3A_207 : i32
    %sign3A_209 = arith.extui %sign3A_208 : i1 to i32
    %sign3A_210 = arith.subi %sign3A_206, %sign3A_209 : i32
    %sign3A_211 = arith.constant 0 : i32
    %sign3A_212 = arith.cmpi sgt, %jit3A_202, %sign3A_211 : i32
    %sign3A_213 = arith.extui %sign3A_212 : i1 to i32
    %sign3A_214 = arith.constant 0 : i32
    %sign3A_215 = arith.cmpi slt, %jit3A_202, %sign3A_214 : i32
    %sign3A_216 = arith.extui %sign3A_215 : i1 to i32
    %sign3A_217 = arith.subi %sign3A_213, %sign3A_216 : i32
    %ne3A_218 = arith.cmpi ne, %sign3A_210, %sign3A_217 : i32
    %rem3A_219 = arith.remsi %min3A, %jit3A_202 : i32
    %ne3A_220 = arith.constant 0 : i32
    %ne3A_221 = arith.cmpi ne, %rem3A_219, %ne3A_220 : i32
    %and3A_222 = arith.andi %ne3A_218, %ne3A_221 : i1
    %sub3A_223 = arith.constant 1 : i32
    %sub3A_224 = arith.subi %div3A_203, %sub3A_223 : i32
    %select_n3A_225 = arith.select %and3A_222, %sub3A_224, %div3A_203 : i32
    %add3A_226 = arith.constant 16 : i32
    %add3A_227 = arith.addi %min3A, %add3A_226 : i32
    %sub3A_228 = arith.constant 1 : i32
    %sub3A_229 = arith.subi %add3A_227, %sub3A_228 : i32
    %jit3A_230 = arith.constant 16 : i32
    %div3A_231 = arith.divsi %sub3A_229, %jit3A_230 : i32
    %sign3A_232 = arith.constant 0 : i32
    %sign3A_233 = arith.cmpi sgt, %sub3A_229, %sign3A_232 : i32
    %sign3A_234 = arith.extui %sign3A_233 : i1 to i32
    %sign3A_235 = arith.constant 0 : i32
    %sign3A_236 = arith.cmpi slt, %sub3A_229, %sign3A_235 : i32
    %sign3A_237 = arith.extui %sign3A_236 : i1 to i32
    %sign3A_238 = arith.subi %sign3A_234, %sign3A_237 : i32
    %sign3A_239 = arith.constant 0 : i32
    %sign3A_240 = arith.cmpi sgt, %jit3A_230, %sign3A_239 : i32
    %sign3A_241 = arith.extui %sign3A_240 : i1 to i32
    %sign3A_242 = arith.constant 0 : i32
    %sign3A_243 = arith.cmpi slt, %jit3A_230, %sign3A_242 : i32
    %sign3A_244 = arith.extui %sign3A_243 : i1 to i32
    %sign3A_245 = arith.subi %sign3A_241, %sign3A_244 : i32
    %ne3A_246 = arith.cmpi ne, %sign3A_238, %sign3A_245 : i32
    %rem3A_247 = arith.remsi %sub3A_229, %jit3A_230 : i32
    %ne3A_248 = arith.constant 0 : i32
    %ne3A_249 = arith.cmpi ne, %rem3A_247, %ne3A_248 : i32
    %and3A_250 = arith.andi %ne3A_246, %ne3A_249 : i1
    %sub3A_251 = arith.constant 1 : i32
    %sub3A_252 = arith.subi %div3A_231, %sub3A_251 : i32
    %select_n3A_253 = arith.select %and3A_250, %sub3A_252, %div3A_231 : i32
    %dma_wait3A = arith.constant 0 : i32
    %dma_wait3A_254 = arith.constant 0 : i32
    %dma_wait3A_255 = tpu.memref_slice %arg7[%dma_wait3A, %dma_wait3A_254] : memref<16x1024xf32, #tpu.memory_space<vmem>> -> memref<1x1024xf32, #tpu.memory_space<vmem>>
    %dma_wait3A_256 = arith.constant 0 : i32
    %dma_wait3A_257 = tpu.memref_slice %arg2[%squeeze3A, %dma_wait3A_256] : memref<24x1024xf32, #tpu.memory_space<hbm>> -> memref<1x1024xf32, #tpu.memory_space<hbm>>
    %dma_wait3A_258 = arith.constant 0 : i32
    %dma_wait3A_259 = arith.constant 0 : i32
    %dma_wait3A_260 = tpu.memref_slice %arg7[%dma_wait3A_258, %dma_wait3A_259] : memref<16x1024xf32, #tpu.memory_space<vmem>> -> memref<1x1024xf32, #tpu.memory_space<vmem>>
    %dma_wait3A_261 = arith.constant 0 : i32
    %dma_wait3A_262 = tpu.memref_slice %arg2[%squeeze3A, %dma_wait3A_261] : memref<24x1024xf32, #tpu.memory_space<hbm>> -> memref<1x1024xf32, #tpu.memory_space<hbm>>
    tpu.wait_dma2 semaphore(%arg12 : memref<!tpu.dma_semaphore, #tpu.memory_space<semaphore_mem>>) src(%dma_wait3A_262 : memref<1x1024xf32, #tpu.memory_space<hbm>>) dst(%dma_wait3A_260 : memref<1x1024xf32, #tpu.memory_space<vmem>>)
    %dma_wait3A_263 = arith.constant 1 : i32
    %dma_wait3A_264 = arith.constant 0 : i32
    %dma_wait3A_265 = tpu.memref_slice %arg7[%dma_wait3A_263, %dma_wait3A_264] : memref<16x1024xf32, #tpu.memory_space<vmem>> -> memref<1x1024xf32, #tpu.memory_space<vmem>>
    %dma_wait3A_266 = arith.constant 0 : i32
    %dma_wait3A_267 = tpu.memref_slice %arg2[%squeeze3A, %dma_wait3A_266] : memref<24x1024xf32, #tpu.memory_space<hbm>> -> memref<1x1024xf32, #tpu.memory_space<hbm>>
    %dma_wait3A_268 = arith.constant 1 : i32
    %dma_wait3A_269 = arith.constant 0 : i32
    %dma_wait3A_270 = tpu.memref_slice %arg7[%dma_wait3A_268, %dma_wait3A_269] : memref<16x1024xf32, #tpu.memory_space<vmem>> -> memref<1x1024xf32, #tpu.memory_space<vmem>>
    %dma_wait3A_271 = arith.constant 0 : i32
    %dma_wait3A_272 = tpu.memref_slice %arg2[%squeeze3A, %dma_wait3A_271] : memref<24x1024xf32, #tpu.memory_space<hbm>> -> memref<1x1024xf32, #tpu.memory_space<hbm>>
    tpu.wait_dma2 semaphore(%arg12 : memref<!tpu.dma_semaphore, #tpu.memory_space<semaphore_mem>>) src(%dma_wait3A_272 : memref<1x1024xf32, #tpu.memory_space<hbm>>) dst(%dma_wait3A_270 : memref<1x1024xf32, #tpu.memory_space<vmem>>)
    %dma_wait3A_273 = arith.constant 2 : i32
    %dma_wait3A_274 = arith.constant 0 : i32
    %dma_wait3A_275 = tpu.memref_slice %arg7[%dma_wait3A_273, %dma_wait3A_274] : memref<16x1024xf32, #tpu.memory_space<vmem>> -> memref<1x1024xf32, #tpu.memory_space<vmem>>
    %dma_wait3A_276 = arith.constant 0 : i32
    %dma_wait3A_277 = tpu.memref_slice %arg2[%squeeze3A, %dma_wait3A_276] : memref<24x1024xf32, #tpu.memory_space<hbm>> -> memref<1x1024xf32, #tpu.memory_space<hbm>>
    %dma_wait3A_278 = arith.constant 2 : i32
    %dma_wait3A_279 = arith.constant 0 : i32
    %dma_wait3A_280 = tpu.memref_slice %arg7[%dma_wait3A_278, %dma_wait3A_279] : memref<16x1024xf32, #tpu.memory_space<vmem>> -> memref<1x1024xf32, #tpu.memory_space<vmem>>
    %dma_wait3A_281 = arith.constant 0 : i32
    %dma_wait3A_282 = tpu.memref_slice %arg2[%squeeze3A, %dma_wait3A_281] : memref<24x1024xf32, #tpu.memory_space<hbm>> -> memref<1x1024xf32, #tpu.memory_space<hbm>>
    tpu.wait_dma2 semaphore(%arg12 : memref<!tpu.dma_semaphore, #tpu.memory_space<semaphore_mem>>) src(%dma_wait3A_282 : memref<1x1024xf32, #tpu.memory_space<hbm>>) dst(%dma_wait3A_280 : memref<1x1024xf32, #tpu.memory_space<vmem>>)
    %dma_wait3A_283 = arith.constant 3 : i32
    %dma_wait3A_284 = arith.constant 0 : i32
    %dma_wait3A_285 = tpu.memref_slice %arg7[%dma_wait3A_283, %dma_wait3A_284] : memref<16x1024xf32, #tpu.memory_space<vmem>> -> memref<1x1024xf32, #tpu.memory_space<vmem>>
    %dma_wait3A_286 = arith.constant 0 : i32
    %dma_wait3A_287 = tpu.memref_slice %arg2[%squeeze3A, %dma_wait3A_286] : memref<24x1024xf32, #tpu.memory_space<hbm>> -> memref<1x1024xf32, #tpu.memory_space<hbm>>
    %dma_wait3A_288 = arith.constant 3 : i32
    %dma_wait3A_289 = arith.constant 0 : i32
    %dma_wait3A_290 = tpu.memref_slice %arg7[%dma_wait3A_288, %dma_wait3A_289] : memref<16x1024xf32, #tpu.memory_space<vmem>> -> memref<1x1024xf32, #tpu.memory_space<vmem>>
    %dma_wait3A_291 = arith.constant 0 : i32
    %dma_wait3A_292 = tpu.memref_slice %arg2[%squeeze3A, %dma_wait3A_291] : memref<24x1024xf32, #tpu.memory_space<hbm>> -> memref<1x1024xf32, #tpu.memory_space<hbm>>
    tpu.wait_dma2 semaphore(%arg12 : memref<!tpu.dma_semaphore, #tpu.memory_space<semaphore_mem>>) src(%dma_wait3A_292 : memref<1x1024xf32, #tpu.memory_space<hbm>>) dst(%dma_wait3A_290 : memref<1x1024xf32, #tpu.memory_space<vmem>>)
    %dma_wait3A_293 = arith.constant 4 : i32
    %dma_wait3A_294 = arith.constant 0 : i32
    %dma_wait3A_295 = tpu.memref_slice %arg7[%dma_wait3A_293, %dma_wait3A_294] : memref<16x1024xf32, #tpu.memory_space<vmem>> -> memref<1x1024xf32, #tpu.memory_space<vmem>>
    %dma_wait3A_296 = arith.constant 0 : i32
    %dma_wait3A_297 = tpu.memref_slice %arg2[%squeeze3A, %dma_wait3A_296] : memref<24x1024xf32, #tpu.memory_space<hbm>> -> memref<1x1024xf32, #tpu.memory_space<hbm>>
    %dma_wait3A_298 = arith.constant 4 : i32
    %dma_wait3A_299 = arith.constant 0 : i32
    %dma_wait3A_300 = tpu.memref_slice %arg7[%dma_wait3A_298, %dma_wait3A_299] : memref<16x1024xf32, #tpu.memory_space<vmem>> -> memref<1x1024xf32, #tpu.memory_space<vmem>>
    %dma_wait3A_301 = arith.constant 0 : i32
    %dma_wait3A_302 = tpu.memref_slice %arg2[%squeeze3A, %dma_wait3A_301] : memref<24x1024xf32, #tpu.memory_space<hbm>> -> memref<1x1024xf32, #tpu.memory_space<hbm>>
    tpu.wait_dma2 semaphore(%arg12 : memref<!tpu.dma_semaphore, #tpu.memory_space<semaphore_mem>>) src(%dma_wait3A_302 : memref<1x1024xf32, #tpu.memory_space<hbm>>) dst(%dma_wait3A_300 : memref<1x1024xf32, #tpu.memory_space<vmem>>)
    %dma_wait3A_303 = arith.constant 5 : i32
    %dma_wait3A_304 = arith.constant 0 : i32
    %dma_wait3A_305 = tpu.memref_slice %arg7[%dma_wait3A_303, %dma_wait3A_304] : memref<16x1024xf32, #tpu.memory_space<vmem>> -> memref<1x1024xf32, #tpu.memory_space<vmem>>
    %dma_wait3A_306 = arith.constant 0 : i32
    %dma_wait3A_307 = tpu.memref_slice %arg2[%squeeze3A, %dma_wait3A_306] : memref<24x1024xf32, #tpu.memory_space<hbm>> -> memref<1x1024xf32, #tpu.memory_space<hbm>>
    %dma_wait3A_308 = arith.constant 5 : i32
    %dma_wait3A_309 = arith.constant 0 : i32
    %dma_wait3A_310 = tpu.memref_slice %arg7[%dma_wait3A_308, %dma_wait3A_309] : memref<16x1024xf32, #tpu.memory_space<vmem>> -> memref<1x1024xf32, #tpu.memory_space<vmem>>
    %dma_wait3A_311 = arith.constant 0 : i32
    %dma_wait3A_312 = tpu.memref_slice %arg2[%squeeze3A, %dma_wait3A_311] : memref<24x1024xf32, #tpu.memory_space<hbm>> -> memref<1x1024xf32, #tpu.memory_space<hbm>>
    tpu.wait_dma2 semaphore(%arg12 : memref<!tpu.dma_semaphore, #tpu.memory_space<semaphore_mem>>) src(%dma_wait3A_312 : memref<1x1024xf32, #tpu.memory_space<hbm>>) dst(%dma_wait3A_310 : memref<1x1024xf32, #tpu.memory_space<vmem>>)
    %dma_wait3A_313 = arith.constant 6 : i32
    %dma_wait3A_314 = arith.constant 0 : i32
    %dma_wait3A_315 = tpu.memref_slice %arg7[%dma_wait3A_313, %dma_wait3A_314] : memref<16x1024xf32, #tpu.memory_space<vmem>> -> memref<1x1024xf32, #tpu.memory_space<vmem>>
    %dma_wait3A_316 = arith.constant 0 : i32
    %dma_wait3A_317 = tpu.memref_slice %arg2[%squeeze3A, %dma_wait3A_316] : memref<24x1024xf32, #tpu.memory_space<hbm>> -> memref<1x1024xf32, #tpu.memory_space<hbm>>
    %dma_wait3A_318 = arith.constant 6 : i32
    %dma_wait3A_319 = arith.constant 0 : i32
    %dma_wait3A_320 = tpu.memref_slice %arg7[%dma_wait3A_318, %dma_wait3A_319] : memref<16x1024xf32, #tpu.memory_space<vmem>> -> memref<1x1024xf32, #tpu.memory_space<vmem>>
    %dma_wait3A_321 = arith.constant 0 : i32
    %dma_wait3A_322 = tpu.memref_slice %arg2[%squeeze3A, %dma_wait3A_321] : memref<24x1024xf32, #tpu.memory_space<hbm>> -> memref<1x1024xf32, #tpu.memory_space<hbm>>
    tpu.wait_dma2 semaphore(%arg12 : memref<!tpu.dma_semaphore, #tpu.memory_space<semaphore_mem>>) src(%dma_wait3A_322 : memref<1x1024xf32, #tpu.memory_space<hbm>>) dst(%dma_wait3A_320 : memref<1x1024xf32, #tpu.memory_space<vmem>>)
    %dma_wait3A_323 = arith.constant 7 : i32
    %dma_wait3A_324 = arith.constant 0 : i32
    %dma_wait3A_325 = tpu.memref_slice %arg7[%dma_wait3A_323, %dma_wait3A_324] : memref<16x1024xf32, #tpu.memory_space<vmem>> -> memref<1x1024xf32, #tpu.memory_space<vmem>>
    %dma_wait3A_326 = arith.constant 0 : i32
    %dma_wait3A_327 = tpu.memref_slice %arg2[%squeeze3A, %dma_wait3A_326] : memref<24x1024xf32, #tpu.memory_space<hbm>> -> memref<1x1024xf32, #tpu.memory_space<hbm>>
    %dma_wait3A_328 = arith.constant 7 : i32
    %dma_wait3A_329 = arith.constant 0 : i32
    %dma_wait3A_330 = tpu.memref_slice %arg7[%dma_wait3A_328, %dma_wait3A_329] : memref<16x1024xf32, #tpu.memory_space<vmem>> -> memref<1x1024xf32, #tpu.memory_space<vmem>>
    %dma_wait3A_331 = arith.constant 0 : i32
    %dma_wait3A_332 = tpu.memref_slice %arg2[%squeeze3A, %dma_wait3A_331] : memref<24x1024xf32, #tpu.memory_space<hbm>> -> memref<1x1024xf32, #tpu.memory_space<hbm>>
    tpu.wait_dma2 semaphore(%arg12 : memref<!tpu.dma_semaphore, #tpu.memory_space<semaphore_mem>>) src(%dma_wait3A_332 : memref<1x1024xf32, #tpu.memory_space<hbm>>) dst(%dma_wait3A_330 : memref<1x1024xf32, #tpu.memory_space<vmem>>)
    %dma_wait3A_333 = arith.constant 8 : i32
    %dma_wait3A_334 = arith.constant 0 : i32
    %dma_wait3A_335 = tpu.memref_slice %arg7[%dma_wait3A_333, %dma_wait3A_334] : memref<16x1024xf32, #tpu.memory_space<vmem>> -> memref<1x1024xf32, #tpu.memory_space<vmem>>
    %dma_wait3A_336 = arith.constant 0 : i32
    %dma_wait3A_337 = tpu.memref_slice %arg2[%squeeze3A, %dma_wait3A_336] : memref<24x1024xf32, #tpu.memory_space<hbm>> -> memref<1x1024xf32, #tpu.memory_space<hbm>>
    %dma_wait3A_338 = arith.constant 8 : i32
    %dma_wait3A_339 = arith.constant 0 : i32
    %dma_wait3A_340 = tpu.memref_slice %arg7[%dma_wait3A_338, %dma_wait3A_339] : memref<16x1024xf32, #tpu.memory_space<vmem>> -> memref<1x1024xf32, #tpu.memory_space<vmem>>
    %dma_wait3A_341 = arith.constant 0 : i32
    %dma_wait3A_342 = tpu.memref_slice %arg2[%squeeze3A, %dma_wait3A_341] : memref<24x1024xf32, #tpu.memory_space<hbm>> -> memref<1x1024xf32, #tpu.memory_space<hbm>>
    tpu.wait_dma2 semaphore(%arg12 : memref<!tpu.dma_semaphore, #tpu.memory_space<semaphore_mem>>) src(%dma_wait3A_342 : memref<1x1024xf32, #tpu.memory_space<hbm>>) dst(%dma_wait3A_340 : memref<1x1024xf32, #tpu.memory_space<vmem>>)
    %dma_wait3A_343 = arith.constant 9 : i32
    %dma_wait3A_344 = arith.constant 0 : i32
    %dma_wait3A_345 = tpu.memref_slice %arg7[%dma_wait3A_343, %dma_wait3A_344] : memref<16x1024xf32, #tpu.memory_space<vmem>> -> memref<1x1024xf32, #tpu.memory_space<vmem>>
    %dma_wait3A_346 = arith.constant 0 : i32
    %dma_wait3A_347 = tpu.memref_slice %arg2[%squeeze3A, %dma_wait3A_346] : memref<24x1024xf32, #tpu.memory_space<hbm>> -> memref<1x1024xf32, #tpu.memory_space<hbm>>
    %dma_wait3A_348 = arith.constant 9 : i32
    %dma_wait3A_349 = arith.constant 0 : i32
    %dma_wait3A_350 = tpu.memref_slice %arg7[%dma_wait3A_348, %dma_wait3A_349] : memref<16x1024xf32, #tpu.memory_space<vmem>> -> memref<1x1024xf32, #tpu.memory_space<vmem>>
    %dma_wait3A_351 = arith.constant 0 : i32
    %dma_wait3A_352 = tpu.memref_slice %arg2[%squeeze3A, %dma_wait3A_351] : memref<24x1024xf32, #tpu.memory_space<hbm>> -> memref<1x1024xf32, #tpu.memory_space<hbm>>
    tpu.wait_dma2 semaphore(%arg12 : memref<!tpu.dma_semaphore, #tpu.memory_space<semaphore_mem>>) src(%dma_wait3A_352 : memref<1x1024xf32, #tpu.memory_space<hbm>>) dst(%dma_wait3A_350 : memref<1x1024xf32, #tpu.memory_space<vmem>>)
    %dma_wait3A_353 = arith.constant 10 : i32
    %dma_wait3A_354 = arith.constant 0 : i32
    %dma_wait3A_355 = tpu.memref_slice %arg7[%dma_wait3A_353, %dma_wait3A_354] : memref<16x1024xf32, #tpu.memory_space<vmem>> -> memref<1x1024xf32, #tpu.memory_space<vmem>>
    %dma_wait3A_356 = arith.constant 0 : i32
    %dma_wait3A_357 = tpu.memref_slice %arg2[%squeeze3A, %dma_wait3A_356] : memref<24x1024xf32, #tpu.memory_space<hbm>> -> memref<1x1024xf32, #tpu.memory_space<hbm>>
    %dma_wait3A_358 = arith.constant 10 : i32
    %dma_wait3A_359 = arith.constant 0 : i32
    %dma_wait3A_360 = tpu.memref_slice %arg7[%dma_wait3A_358, %dma_wait3A_359] : memref<16x1024xf32, #tpu.memory_space<vmem>> -> memref<1x1024xf32, #tpu.memory_space<vmem>>
    %dma_wait3A_361 = arith.constant 0 : i32
    %dma_wait3A_362 = tpu.memref_slice %arg2[%squeeze3A, %dma_wait3A_361] : memref<24x1024xf32, #tpu.memory_space<hbm>> -> memref<1x1024xf32, #tpu.memory_space<hbm>>
    tpu.wait_dma2 semaphore(%arg12 : memref<!tpu.dma_semaphore, #tpu.memory_space<semaphore_mem>>) src(%dma_wait3A_362 : memref<1x1024xf32, #tpu.memory_space<hbm>>) dst(%dma_wait3A_360 : memref<1x1024xf32, #tpu.memory_space<vmem>>)
    %dma_wait3A_363 = arith.constant 11 : i32
    %dma_wait3A_364 = arith.constant 0 : i32
    %dma_wait3A_365 = tpu.memref_slice %arg7[%dma_wait3A_363, %dma_wait3A_364] : memref<16x1024xf32, #tpu.memory_space<vmem>> -> memref<1x1024xf32, #tpu.memory_space<vmem>>
    %dma_wait3A_366 = arith.constant 0 : i32
    %dma_wait3A_367 = tpu.memref_slice %arg2[%squeeze3A, %dma_wait3A_366] : memref<24x1024xf32, #tpu.memory_space<hbm>> -> memref<1x1024xf32, #tpu.memory_space<hbm>>
    %dma_wait3A_368 = arith.constant 11 : i32
    %dma_wait3A_369 = arith.constant 0 : i32
    %dma_wait3A_370 = tpu.memref_slice %arg7[%dma_wait3A_368, %dma_wait3A_369] : memref<16x1024xf32, #tpu.memory_space<vmem>> -> memref<1x1024xf32, #tpu.memory_space<vmem>>
    %dma_wait3A_371 = arith.constant 0 : i32
    %dma_wait3A_372 = tpu.memref_slice %arg2[%squeeze3A, %dma_wait3A_371] : memref<24x1024xf32, #tpu.memory_space<hbm>> -> memref<1x1024xf32, #tpu.memory_space<hbm>>
    tpu.wait_dma2 semaphore(%arg12 : memref<!tpu.dma_semaphore, #tpu.memory_space<semaphore_mem>>) src(%dma_wait3A_372 : memref<1x1024xf32, #tpu.memory_space<hbm>>) dst(%dma_wait3A_370 : memref<1x1024xf32, #tpu.memory_space<vmem>>)
    %dma_wait3A_373 = arith.constant 12 : i32
    %dma_wait3A_374 = arith.constant 0 : i32
    %dma_wait3A_375 = tpu.memref_slice %arg7[%dma_wait3A_373, %dma_wait3A_374] : memref<16x1024xf32, #tpu.memory_space<vmem>> -> memref<1x1024xf32, #tpu.memory_space<vmem>>
    %dma_wait3A_376 = arith.constant 0 : i32
    %dma_wait3A_377 = tpu.memref_slice %arg2[%squeeze3A, %dma_wait3A_376] : memref<24x1024xf32, #tpu.memory_space<hbm>> -> memref<1x1024xf32, #tpu.memory_space<hbm>>
    %dma_wait3A_378 = arith.constant 12 : i32
    %dma_wait3A_379 = arith.constant 0 : i32
    %dma_wait3A_380 = tpu.memref_slice %arg7[%dma_wait3A_378, %dma_wait3A_379] : memref<16x1024xf32, #tpu.memory_space<vmem>> -> memref<1x1024xf32, #tpu.memory_space<vmem>>
    %dma_wait3A_381 = arith.constant 0 : i32
    %dma_wait3A_382 = tpu.memref_slice %arg2[%squeeze3A, %dma_wait3A_381] : memref<24x1024xf32, #tpu.memory_space<hbm>> -> memref<1x1024xf32, #tpu.memory_space<hbm>>
    tpu.wait_dma2 semaphore(%arg12 : memref<!tpu.dma_semaphore, #tpu.memory_space<semaphore_mem>>) src(%dma_wait3A_382 : memref<1x1024xf32, #tpu.memory_space<hbm>>) dst(%dma_wait3A_380 : memref<1x1024xf32, #tpu.memory_space<vmem>>)
    %dma_wait3A_383 = arith.constant 13 : i32
    %dma_wait3A_384 = arith.constant 0 : i32
    %dma_wait3A_385 = tpu.memref_slice %arg7[%dma_wait3A_383, %dma_wait3A_384] : memref<16x1024xf32, #tpu.memory_space<vmem>> -> memref<1x1024xf32, #tpu.memory_space<vmem>>
    %dma_wait3A_386 = arith.constant 0 : i32
    %dma_wait3A_387 = tpu.memref_slice %arg2[%squeeze3A, %dma_wait3A_386] : memref<24x1024xf32, #tpu.memory_space<hbm>> -> memref<1x1024xf32, #tpu.memory_space<hbm>>
    %dma_wait3A_388 = arith.constant 13 : i32
    %dma_wait3A_389 = arith.constant 0 : i32
    %dma_wait3A_390 = tpu.memref_slice %arg7[%dma_wait3A_388, %dma_wait3A_389] : memref<16x1024xf32, #tpu.memory_space<vmem>> -> memref<1x1024xf32, #tpu.memory_space<vmem>>
    %dma_wait3A_391 = arith.constant 0 : i32
    %dma_wait3A_392 = tpu.memref_slice %arg2[%squeeze3A, %dma_wait3A_391] : memref<24x1024xf32, #tpu.memory_space<hbm>> -> memref<1x1024xf32, #tpu.memory_space<hbm>>
    tpu.wait_dma2 semaphore(%arg12 : memref<!tpu.dma_semaphore, #tpu.memory_space<semaphore_mem>>) src(%dma_wait3A_392 : memref<1x1024xf32, #tpu.memory_space<hbm>>) dst(%dma_wait3A_390 : memref<1x1024xf32, #tpu.memory_space<vmem>>)
    %dma_wait3A_393 = arith.constant 14 : i32
    %dma_wait3A_394 = arith.constant 0 : i32
    %dma_wait3A_395 = tpu.memref_slice %arg7[%dma_wait3A_393, %dma_wait3A_394] : memref<16x1024xf32, #tpu.memory_space<vmem>> -> memref<1x1024xf32, #tpu.memory_space<vmem>>
    %dma_wait3A_396 = arith.constant 0 : i32
    %dma_wait3A_397 = tpu.memref_slice %arg2[%squeeze3A, %dma_wait3A_396] : memref<24x1024xf32, #tpu.memory_space<hbm>> -> memref<1x1024xf32, #tpu.memory_space<hbm>>
    %dma_wait3A_398 = arith.constant 14 : i32
    %dma_wait3A_399 = arith.constant 0 : i32
    %dma_wait3A_400 = tpu.memref_slice %arg7[%dma_wait3A_398, %dma_wait3A_399] : memref<16x1024xf32, #tpu.memory_space<vmem>> -> memref<1x1024xf32, #tpu.memory_space<vmem>>
    %dma_wait3A_401 = arith.constant 0 : i32
    %dma_wait3A_402 = tpu.memref_slice %arg2[%squeeze3A, %dma_wait3A_401] : memref<24x1024xf32, #tpu.memory_space<hbm>> -> memref<1x1024xf32, #tpu.memory_space<hbm>>
    tpu.wait_dma2 semaphore(%arg12 : memref<!tpu.dma_semaphore, #tpu.memory_space<semaphore_mem>>) src(%dma_wait3A_402 : memref<1x1024xf32, #tpu.memory_space<hbm>>) dst(%dma_wait3A_400 : memref<1x1024xf32, #tpu.memory_space<vmem>>)
    %dma_wait3A_403 = arith.constant 15 : i32
    %dma_wait3A_404 = arith.constant 0 : i32
    %dma_wait3A_405 = tpu.memref_slice %arg7[%dma_wait3A_403, %dma_wait3A_404] : memref<16x1024xf32, #tpu.memory_space<vmem>> -> memref<1x1024xf32, #tpu.memory_space<vmem>>
    %dma_wait3A_406 = arith.constant 0 : i32
    %dma_wait3A_407 = tpu.memref_slice %arg2[%squeeze3A, %dma_wait3A_406] : memref<24x1024xf32, #tpu.memory_space<hbm>> -> memref<1x1024xf32, #tpu.memory_space<hbm>>
    %dma_wait3A_408 = arith.constant 15 : i32
    %dma_wait3A_409 = arith.constant 0 : i32
    %dma_wait3A_410 = tpu.memref_slice %arg7[%dma_wait3A_408, %dma_wait3A_409] : memref<16x1024xf32, #tpu.memory_space<vmem>> -> memref<1x1024xf32, #tpu.memory_space<vmem>>
    %dma_wait3A_411 = arith.constant 0 : i32
    %dma_wait3A_412 = tpu.memref_slice %arg2[%squeeze3A, %dma_wait3A_411] : memref<24x1024xf32, #tpu.memory_space<hbm>> -> memref<1x1024xf32, #tpu.memory_space<hbm>>
    tpu.wait_dma2 semaphore(%arg12 : memref<!tpu.dma_semaphore, #tpu.memory_space<semaphore_mem>>) src(%dma_wait3A_412 : memref<1x1024xf32, #tpu.memory_space<hbm>>) dst(%dma_wait3A_410 : memref<1x1024xf32, #tpu.memory_space<vmem>>)
    tpu.wait_dma2 semaphore(%arg12 : memref<!tpu.dma_semaphore, #tpu.memory_space<semaphore_mem>>) src(%arg4 : memref<16x1024xf32, #tpu.memory_space<hbm>>) dst(%arg8 : memref<16x1024xf32, #tpu.memory_space<vmem>>)
    %mul3A_413 = arith.constant 4096 : i32
    %mul3A_414 = arith.muli %add3A, %mul3A_413 : i32
    %add3A_415 = arith.addi %mul3A_414, %mul3A_32 : i32
    %add3A_416 = arith.constant 0 : i32
    %add3A_417 = arith.addi %add3A_415, %add3A_416 : i32
    %lt3A_418 = arith.constant 0 : i32
    %lt3A_419 = arith.cmpi slt, %lt3A_418, %select_n3A_225 : i32
    %convert_element_type3A = arith.extui %lt3A_419 : i1 to i32
    %cond3A = arith.constant 0 : i32
    %cond3A_420 = arith.cmpi ne, %convert_element_type3A, %cond3A : i32
    scf.if %cond3A_420 {
      %dma_start3A_1235 = arith.constant 0 : i32
      %dma_start3A_1236 = tpu.memref_slice %arg6[%add3A_417, %dma_start3A_1235] : memref<16384x1024xf32, #tpu.memory_space<hbm>> -> memref<16x1024xf32, #tpu.memory_space<hbm>>
      %dma_start3A_1237 = arith.constant 0 : i32
      %dma_start3A_1238 = tpu.memref_slice %arg6[%add3A_417, %dma_start3A_1237] : memref<16384x1024xf32, #tpu.memory_space<hbm>> -> memref<16x1024xf32, #tpu.memory_space<hbm>>
      tpu.enqueue_dma source(%arg7 : memref<16x1024xf32, #tpu.memory_space<vmem>>) target(%dma_start3A_1238 : memref<16x1024xf32, #tpu.memory_space<hbm>>) target_semaphore(%arg11 : memref<!tpu.dma_semaphore, #tpu.memory_space<semaphore_mem>>)
    } else {
    }
    %ge3A = arith.constant 0 : i32
    %ge3A_421 = arith.cmpi sge, %ge3A, %select_n3A_253 : i32
    %convert_element_type3A_422 = arith.extui %ge3A_421 : i1 to i32
    %cond3A_423 = arith.constant 0 : i32
    %cond3A_424 = arith.cmpi ne, %convert_element_type3A_422, %cond3A_423 : i32
    scf.if %cond3A_424 {
      %dma_start3A_1235 = arith.constant 0 : i32
      %dma_start3A_1236 = tpu.memref_slice %arg6[%add3A_417, %dma_start3A_1235] : memref<16384x1024xf32, #tpu.memory_space<hbm>> -> memref<16x1024xf32, #tpu.memory_space<hbm>>
      %dma_start3A_1237 = arith.constant 0 : i32
      %dma_start3A_1238 = tpu.memref_slice %arg6[%add3A_417, %dma_start3A_1237] : memref<16384x1024xf32, #tpu.memory_space<hbm>> -> memref<16x1024xf32, #tpu.memory_space<hbm>>
      tpu.enqueue_dma source(%arg8 : memref<16x1024xf32, #tpu.memory_space<vmem>>) target(%dma_start3A_1238 : memref<16x1024xf32, #tpu.memory_space<hbm>>) target_semaphore(%arg11 : memref<!tpu.dma_semaphore, #tpu.memory_space<semaphore_mem>>)
    } else {
    }
    %mul3A_425 = arith.constant 4096 : i32
    %mul3A_426 = arith.muli %add3A, %mul3A_425 : i32
    %add3A_427 = arith.addi %mul3A_426, %mul3A_32 : i32
    %add3A_428 = arith.constant 16 : i32
    %add3A_429 = arith.addi %add3A_427, %add3A_428 : i32
    %lt3A_430 = arith.constant 1 : i32
    %lt3A_431 = arith.cmpi slt, %lt3A_430, %select_n3A_225 : i32
    %convert_element_type3A_432 = arith.extui %lt3A_431 : i1 to i32
    %cond3A_433 = arith.constant 0 : i32
    %cond3A_434 = arith.cmpi ne, %convert_element_type3A_432, %cond3A_433 : i32
    scf.if %cond3A_434 {
      %dma_start3A_1235 = arith.constant 0 : i32
      %dma_start3A_1236 = tpu.memref_slice %arg6[%add3A_429, %dma_start3A_1235] : memref<16384x1024xf32, #tpu.memory_space<hbm>> -> memref<16x1024xf32, #tpu.memory_space<hbm>>
      %dma_start3A_1237 = arith.constant 0 : i32
      %dma_start3A_1238 = tpu.memref_slice %arg6[%add3A_429, %dma_start3A_1237] : memref<16384x1024xf32, #tpu.memory_space<hbm>> -> memref<16x1024xf32, #tpu.memory_space<hbm>>
      tpu.enqueue_dma source(%arg7 : memref<16x1024xf32, #tpu.memory_space<vmem>>) target(%dma_start3A_1238 : memref<16x1024xf32, #tpu.memory_space<hbm>>) target_semaphore(%arg11 : memref<!tpu.dma_semaphore, #tpu.memory_space<semaphore_mem>>)
    } else {
    }
    %ge3A_435 = arith.constant 1 : i32
    %ge3A_436 = arith.cmpi sge, %ge3A_435, %select_n3A_253 : i32
    %convert_element_type3A_437 = arith.extui %ge3A_436 : i1 to i32
    %cond3A_438 = arith.constant 0 : i32
    %cond3A_439 = arith.cmpi ne, %convert_element_type3A_437, %cond3A_438 : i32
    scf.if %cond3A_439 {
      %dma_start3A_1235 = arith.constant 0 : i32
      %dma_start3A_1236 = tpu.memref_slice %arg6[%add3A_429, %dma_start3A_1235] : memref<16384x1024xf32, #tpu.memory_space<hbm>> -> memref<16x1024xf32, #tpu.memory_space<hbm>>
      %dma_start3A_1237 = arith.constant 0 : i32
      %dma_start3A_1238 = tpu.memref_slice %arg6[%add3A_429, %dma_start3A_1237] : memref<16384x1024xf32, #tpu.memory_space<hbm>> -> memref<16x1024xf32, #tpu.memory_space<hbm>>
      tpu.enqueue_dma source(%arg8 : memref<16x1024xf32, #tpu.memory_space<vmem>>) target(%dma_start3A_1238 : memref<16x1024xf32, #tpu.memory_space<hbm>>) target_semaphore(%arg11 : memref<!tpu.dma_semaphore, #tpu.memory_space<semaphore_mem>>)
    } else {
    }
    %mul3A_440 = arith.constant 4096 : i32
    %mul3A_441 = arith.muli %add3A, %mul3A_440 : i32
    %add3A_442 = arith.addi %mul3A_441, %mul3A_32 : i32
    %add3A_443 = arith.constant 32 : i32
    %add3A_444 = arith.addi %add3A_442, %add3A_443 : i32
    %lt3A_445 = arith.constant 2 : i32
    %lt3A_446 = arith.cmpi slt, %lt3A_445, %select_n3A_225 : i32
    %convert_element_type3A_447 = arith.extui %lt3A_446 : i1 to i32
    %cond3A_448 = arith.constant 0 : i32
    %cond3A_449 = arith.cmpi ne, %convert_element_type3A_447, %cond3A_448 : i32
    scf.if %cond3A_449 {
      %dma_start3A_1235 = arith.constant 0 : i32
      %dma_start3A_1236 = tpu.memref_slice %arg6[%add3A_444, %dma_start3A_1235] : memref<16384x1024xf32, #tpu.memory_space<hbm>> -> memref<16x1024xf32, #tpu.memory_space<hbm>>
      %dma_start3A_1237 = arith.constant 0 : i32
      %dma_start3A_1238 = tpu.memref_slice %arg6[%add3A_444, %dma_start3A_1237] : memref<16384x1024xf32, #tpu.memory_space<hbm>> -> memref<16x1024xf32, #tpu.memory_space<hbm>>
      tpu.enqueue_dma source(%arg7 : memref<16x1024xf32, #tpu.memory_space<vmem>>) target(%dma_start3A_1238 : memref<16x1024xf32, #tpu.memory_space<hbm>>) target_semaphore(%arg11 : memref<!tpu.dma_semaphore, #tpu.memory_space<semaphore_mem>>)
    } else {
    }
    %ge3A_450 = arith.constant 2 : i32
    %ge3A_451 = arith.cmpi sge, %ge3A_450, %select_n3A_253 : i32
    %convert_element_type3A_452 = arith.extui %ge3A_451 : i1 to i32
    %cond3A_453 = arith.constant 0 : i32
    %cond3A_454 = arith.cmpi ne, %convert_element_type3A_452, %cond3A_453 : i32
    scf.if %cond3A_454 {
      %dma_start3A_1235 = arith.constant 0 : i32
      %dma_start3A_1236 = tpu.memref_slice %arg6[%add3A_444, %dma_start3A_1235] : memref<16384x1024xf32, #tpu.memory_space<hbm>> -> memref<16x1024xf32, #tpu.memory_space<hbm>>
      %dma_start3A_1237 = arith.constant 0 : i32
      %dma_start3A_1238 = tpu.memref_slice %arg6[%add3A_444, %dma_start3A_1237] : memref<16384x1024xf32, #tpu.memory_space<hbm>> -> memref<16x1024xf32, #tpu.memory_space<hbm>>
      tpu.enqueue_dma source(%arg8 : memref<16x1024xf32, #tpu.memory_space<vmem>>) target(%dma_start3A_1238 : memref<16x1024xf32, #tpu.memory_space<hbm>>) target_semaphore(%arg11 : memref<!tpu.dma_semaphore, #tpu.memory_space<semaphore_mem>>)
    } else {
    }
    %mul3A_455 = arith.constant 4096 : i32
    %mul3A_456 = arith.muli %add3A, %mul3A_455 : i32
    %add3A_457 = arith.addi %mul3A_456, %mul3A_32 : i32
    %add3A_458 = arith.constant 48 : i32
    %add3A_459 = arith.addi %add3A_457, %add3A_458 : i32
    %lt3A_460 = arith.constant 3 : i32
    %lt3A_461 = arith.cmpi slt, %lt3A_460, %select_n3A_225 : i32
    %convert_element_type3A_462 = arith.extui %lt3A_461 : i1 to i32
    %cond3A_463 = arith.constant 0 : i32
    %cond3A_464 = arith.cmpi ne, %convert_element_type3A_462, %cond3A_463 : i32
    scf.if %cond3A_464 {
      %dma_start3A_1235 = arith.constant 0 : i32
      %dma_start3A_1236 = tpu.memref_slice %arg6[%add3A_459, %dma_start3A_1235] : memref<16384x1024xf32, #tpu.memory_space<hbm>> -> memref<16x1024xf32, #tpu.memory_space<hbm>>
      %dma_start3A_1237 = arith.constant 0 : i32
      %dma_start3A_1238 = tpu.memref_slice %arg6[%add3A_459, %dma_start3A_1237] : memref<16384x1024xf32, #tpu.memory_space<hbm>> -> memref<16x1024xf32, #tpu.memory_space<hbm>>
      tpu.enqueue_dma source(%arg7 : memref<16x1024xf32, #tpu.memory_space<vmem>>) target(%dma_start3A_1238 : memref<16x1024xf32, #tpu.memory_space<hbm>>) target_semaphore(%arg11 : memref<!tpu.dma_semaphore, #tpu.memory_space<semaphore_mem>>)
    } else {
    }
    %ge3A_465 = arith.constant 3 : i32
    %ge3A_466 = arith.cmpi sge, %ge3A_465, %select_n3A_253 : i32
    %convert_element_type3A_467 = arith.extui %ge3A_466 : i1 to i32
    %cond3A_468 = arith.constant 0 : i32
    %cond3A_469 = arith.cmpi ne, %convert_element_type3A_467, %cond3A_468 : i32
    scf.if %cond3A_469 {
      %dma_start3A_1235 = arith.constant 0 : i32
      %dma_start3A_1236 = tpu.memref_slice %arg6[%add3A_459, %dma_start3A_1235] : memref<16384x1024xf32, #tpu.memory_space<hbm>> -> memref<16x1024xf32, #tpu.memory_space<hbm>>
      %dma_start3A_1237 = arith.constant 0 : i32
      %dma_start3A_1238 = tpu.memref_slice %arg6[%add3A_459, %dma_start3A_1237] : memref<16384x1024xf32, #tpu.memory_space<hbm>> -> memref<16x1024xf32, #tpu.memory_space<hbm>>
      tpu.enqueue_dma source(%arg8 : memref<16x1024xf32, #tpu.memory_space<vmem>>) target(%dma_start3A_1238 : memref<16x1024xf32, #tpu.memory_space<hbm>>) target_semaphore(%arg11 : memref<!tpu.dma_semaphore, #tpu.memory_space<semaphore_mem>>)
    } else {
    }
    %mul3A_470 = arith.constant 4096 : i32
    %mul3A_471 = arith.muli %add3A, %mul3A_470 : i32
    %add3A_472 = arith.addi %mul3A_471, %mul3A_32 : i32
    %add3A_473 = arith.constant 64 : i32
    %add3A_474 = arith.addi %add3A_472, %add3A_473 : i32
    %lt3A_475 = arith.constant 4 : i32
    %lt3A_476 = arith.cmpi slt, %lt3A_475, %select_n3A_225 : i32
    %convert_element_type3A_477 = arith.extui %lt3A_476 : i1 to i32
    %cond3A_478 = arith.constant 0 : i32
    %cond3A_479 = arith.cmpi ne, %convert_element_type3A_477, %cond3A_478 : i32
    scf.if %cond3A_479 {
      %dma_start3A_1235 = arith.constant 0 : i32
      %dma_start3A_1236 = tpu.memref_slice %arg6[%add3A_474, %dma_start3A_1235] : memref<16384x1024xf32, #tpu.memory_space<hbm>> -> memref<16x1024xf32, #tpu.memory_space<hbm>>
      %dma_start3A_1237 = arith.constant 0 : i32
      %dma_start3A_1238 = tpu.memref_slice %arg6[%add3A_474, %dma_start3A_1237] : memref<16384x1024xf32, #tpu.memory_space<hbm>> -> memref<16x1024xf32, #tpu.memory_space<hbm>>
      tpu.enqueue_dma source(%arg7 : memref<16x1024xf32, #tpu.memory_space<vmem>>) target(%dma_start3A_1238 : memref<16x1024xf32, #tpu.memory_space<hbm>>) target_semaphore(%arg11 : memref<!tpu.dma_semaphore, #tpu.memory_space<semaphore_mem>>)
    } else {
    }
    %ge3A_480 = arith.constant 4 : i32
    %ge3A_481 = arith.cmpi sge, %ge3A_480, %select_n3A_253 : i32
    %convert_element_type3A_482 = arith.extui %ge3A_481 : i1 to i32
    %cond3A_483 = arith.constant 0 : i32
    %cond3A_484 = arith.cmpi ne, %convert_element_type3A_482, %cond3A_483 : i32
    scf.if %cond3A_484 {
      %dma_start3A_1235 = arith.constant 0 : i32
      %dma_start3A_1236 = tpu.memref_slice %arg6[%add3A_474, %dma_start3A_1235] : memref<16384x1024xf32, #tpu.memory_space<hbm>> -> memref<16x1024xf32, #tpu.memory_space<hbm>>
      %dma_start3A_1237 = arith.constant 0 : i32
      %dma_start3A_1238 = tpu.memref_slice %arg6[%add3A_474, %dma_start3A_1237] : memref<16384x1024xf32, #tpu.memory_space<hbm>> -> memref<16x1024xf32, #tpu.memory_space<hbm>>
      tpu.enqueue_dma source(%arg8 : memref<16x1024xf32, #tpu.memory_space<vmem>>) target(%dma_start3A_1238 : memref<16x1024xf32, #tpu.memory_space<hbm>>) target_semaphore(%arg11 : memref<!tpu.dma_semaphore, #tpu.memory_space<semaphore_mem>>)
    } else {
    }
    %mul3A_485 = arith.constant 4096 : i32
    %mul3A_486 = arith.muli %add3A, %mul3A_485 : i32
    %add3A_487 = arith.addi %mul3A_486, %mul3A_32 : i32
    %add3A_488 = arith.constant 80 : i32
    %add3A_489 = arith.addi %add3A_487, %add3A_488 : i32
    %lt3A_490 = arith.constant 5 : i32
    %lt3A_491 = arith.cmpi slt, %lt3A_490, %select_n3A_225 : i32
    %convert_element_type3A_492 = arith.extui %lt3A_491 : i1 to i32
    %cond3A_493 = arith.constant 0 : i32
    %cond3A_494 = arith.cmpi ne, %convert_element_type3A_492, %cond3A_493 : i32
    scf.if %cond3A_494 {
      %dma_start3A_1235 = arith.constant 0 : i32
      %dma_start3A_1236 = tpu.memref_slice %arg6[%add3A_489, %dma_start3A_1235] : memref<16384x1024xf32, #tpu.memory_space<hbm>> -> memref<16x1024xf32, #tpu.memory_space<hbm>>
      %dma_start3A_1237 = arith.constant 0 : i32
      %dma_start3A_1238 = tpu.memref_slice %arg6[%add3A_489, %dma_start3A_1237] : memref<16384x1024xf32, #tpu.memory_space<hbm>> -> memref<16x1024xf32, #tpu.memory_space<hbm>>
      tpu.enqueue_dma source(%arg7 : memref<16x1024xf32, #tpu.memory_space<vmem>>) target(%dma_start3A_1238 : memref<16x1024xf32, #tpu.memory_space<hbm>>) target_semaphore(%arg11 : memref<!tpu.dma_semaphore, #tpu.memory_space<semaphore_mem>>)
    } else {
    }
    %ge3A_495 = arith.constant 5 : i32
    %ge3A_496 = arith.cmpi sge, %ge3A_495, %select_n3A_253 : i32
    %convert_element_type3A_497 = arith.extui %ge3A_496 : i1 to i32
    %cond3A_498 = arith.constant 0 : i32
    %cond3A_499 = arith.cmpi ne, %convert_element_type3A_497, %cond3A_498 : i32
    scf.if %cond3A_499 {
      %dma_start3A_1235 = arith.constant 0 : i32
      %dma_start3A_1236 = tpu.memref_slice %arg6[%add3A_489, %dma_start3A_1235] : memref<16384x1024xf32, #tpu.memory_space<hbm>> -> memref<16x1024xf32, #tpu.memory_space<hbm>>
      %dma_start3A_1237 = arith.constant 0 : i32
      %dma_start3A_1238 = tpu.memref_slice %arg6[%add3A_489, %dma_start3A_1237] : memref<16384x1024xf32, #tpu.memory_space<hbm>> -> memref<16x1024xf32, #tpu.memory_space<hbm>>
      tpu.enqueue_dma source(%arg8 : memref<16x1024xf32, #tpu.memory_space<vmem>>) target(%dma_start3A_1238 : memref<16x1024xf32, #tpu.memory_space<hbm>>) target_semaphore(%arg11 : memref<!tpu.dma_semaphore, #tpu.memory_space<semaphore_mem>>)
    } else {
    }
    %mul3A_500 = arith.constant 4096 : i32
    %mul3A_501 = arith.muli %add3A, %mul3A_500 : i32
    %add3A_502 = arith.addi %mul3A_501, %mul3A_32 : i32
    %add3A_503 = arith.constant 96 : i32
    %add3A_504 = arith.addi %add3A_502, %add3A_503 : i32
    %lt3A_505 = arith.constant 6 : i32
    %lt3A_506 = arith.cmpi slt, %lt3A_505, %select_n3A_225 : i32
    %convert_element_type3A_507 = arith.extui %lt3A_506 : i1 to i32
    %cond3A_508 = arith.constant 0 : i32
    %cond3A_509 = arith.cmpi ne, %convert_element_type3A_507, %cond3A_508 : i32
    scf.if %cond3A_509 {
      %dma_start3A_1235 = arith.constant 0 : i32
      %dma_start3A_1236 = tpu.memref_slice %arg6[%add3A_504, %dma_start3A_1235] : memref<16384x1024xf32, #tpu.memory_space<hbm>> -> memref<16x1024xf32, #tpu.memory_space<hbm>>
      %dma_start3A_1237 = arith.constant 0 : i32
      %dma_start3A_1238 = tpu.memref_slice %arg6[%add3A_504, %dma_start3A_1237] : memref<16384x1024xf32, #tpu.memory_space<hbm>> -> memref<16x1024xf32, #tpu.memory_space<hbm>>
      tpu.enqueue_dma source(%arg7 : memref<16x1024xf32, #tpu.memory_space<vmem>>) target(%dma_start3A_1238 : memref<16x1024xf32, #tpu.memory_space<hbm>>) target_semaphore(%arg11 : memref<!tpu.dma_semaphore, #tpu.memory_space<semaphore_mem>>)
    } else {
    }
    %ge3A_510 = arith.constant 6 : i32
    %ge3A_511 = arith.cmpi sge, %ge3A_510, %select_n3A_253 : i32
    %convert_element_type3A_512 = arith.extui %ge3A_511 : i1 to i32
    %cond3A_513 = arith.constant 0 : i32
    %cond3A_514 = arith.cmpi ne, %convert_element_type3A_512, %cond3A_513 : i32
    scf.if %cond3A_514 {
      %dma_start3A_1235 = arith.constant 0 : i32
      %dma_start3A_1236 = tpu.memref_slice %arg6[%add3A_504, %dma_start3A_1235] : memref<16384x1024xf32, #tpu.memory_space<hbm>> -> memref<16x1024xf32, #tpu.memory_space<hbm>>
      %dma_start3A_1237 = arith.constant 0 : i32
      %dma_start3A_1238 = tpu.memref_slice %arg6[%add3A_504, %dma_start3A_1237] : memref<16384x1024xf32, #tpu.memory_space<hbm>> -> memref<16x1024xf32, #tpu.memory_space<hbm>>
      tpu.enqueue_dma source(%arg8 : memref<16x1024xf32, #tpu.memory_space<vmem>>) target(%dma_start3A_1238 : memref<16x1024xf32, #tpu.memory_space<hbm>>) target_semaphore(%arg11 : memref<!tpu.dma_semaphore, #tpu.memory_space<semaphore_mem>>)
    } else {
    }
    %mul3A_515 = arith.constant 4096 : i32
    %mul3A_516 = arith.muli %add3A, %mul3A_515 : i32
    %add3A_517 = arith.addi %mul3A_516, %mul3A_32 : i32
    %add3A_518 = arith.constant 112 : i32
    %add3A_519 = arith.addi %add3A_517, %add3A_518 : i32
    %lt3A_520 = arith.constant 7 : i32
    %lt3A_521 = arith.cmpi slt, %lt3A_520, %select_n3A_225 : i32
    %convert_element_type3A_522 = arith.extui %lt3A_521 : i1 to i32
    %cond3A_523 = arith.constant 0 : i32
    %cond3A_524 = arith.cmpi ne, %convert_element_type3A_522, %cond3A_523 : i32
    scf.if %cond3A_524 {
      %dma_start3A_1235 = arith.constant 0 : i32
      %dma_start3A_1236 = tpu.memref_slice %arg6[%add3A_519, %dma_start3A_1235] : memref<16384x1024xf32, #tpu.memory_space<hbm>> -> memref<16x1024xf32, #tpu.memory_space<hbm>>
      %dma_start3A_1237 = arith.constant 0 : i32
      %dma_start3A_1238 = tpu.memref_slice %arg6[%add3A_519, %dma_start3A_1237] : memref<16384x1024xf32, #tpu.memory_space<hbm>> -> memref<16x1024xf32, #tpu.memory_space<hbm>>
      tpu.enqueue_dma source(%arg7 : memref<16x1024xf32, #tpu.memory_space<vmem>>) target(%dma_start3A_1238 : memref<16x1024xf32, #tpu.memory_space<hbm>>) target_semaphore(%arg11 : memref<!tpu.dma_semaphore, #tpu.memory_space<semaphore_mem>>)
    } else {
    }
    %ge3A_525 = arith.constant 7 : i32
    %ge3A_526 = arith.cmpi sge, %ge3A_525, %select_n3A_253 : i32
    %convert_element_type3A_527 = arith.extui %ge3A_526 : i1 to i32
    %cond3A_528 = arith.constant 0 : i32
    %cond3A_529 = arith.cmpi ne, %convert_element_type3A_527, %cond3A_528 : i32
    scf.if %cond3A_529 {
      %dma_start3A_1235 = arith.constant 0 : i32
      %dma_start3A_1236 = tpu.memref_slice %arg6[%add3A_519, %dma_start3A_1235] : memref<16384x1024xf32, #tpu.memory_space<hbm>> -> memref<16x1024xf32, #tpu.memory_space<hbm>>
      %dma_start3A_1237 = arith.constant 0 : i32
      %dma_start3A_1238 = tpu.memref_slice %arg6[%add3A_519, %dma_start3A_1237] : memref<16384x1024xf32, #tpu.memory_space<hbm>> -> memref<16x1024xf32, #tpu.memory_space<hbm>>
      tpu.enqueue_dma source(%arg8 : memref<16x1024xf32, #tpu.memory_space<vmem>>) target(%dma_start3A_1238 : memref<16x1024xf32, #tpu.memory_space<hbm>>) target_semaphore(%arg11 : memref<!tpu.dma_semaphore, #tpu.memory_space<semaphore_mem>>)
    } else {
    }
    %mul3A_530 = arith.constant 4096 : i32
    %mul3A_531 = arith.muli %add3A, %mul3A_530 : i32
    %add3A_532 = arith.addi %mul3A_531, %mul3A_32 : i32
    %add3A_533 = arith.constant 128 : i32
    %add3A_534 = arith.addi %add3A_532, %add3A_533 : i32
    %lt3A_535 = arith.constant 8 : i32
    %lt3A_536 = arith.cmpi slt, %lt3A_535, %select_n3A_225 : i32
    %convert_element_type3A_537 = arith.extui %lt3A_536 : i1 to i32
    %cond3A_538 = arith.constant 0 : i32
    %cond3A_539 = arith.cmpi ne, %convert_element_type3A_537, %cond3A_538 : i32
    scf.if %cond3A_539 {
      %dma_start3A_1235 = arith.constant 0 : i32
      %dma_start3A_1236 = tpu.memref_slice %arg6[%add3A_534, %dma_start3A_1235] : memref<16384x1024xf32, #tpu.memory_space<hbm>> -> memref<16x1024xf32, #tpu.memory_space<hbm>>
      %dma_start3A_1237 = arith.constant 0 : i32
      %dma_start3A_1238 = tpu.memref_slice %arg6[%add3A_534, %dma_start3A_1237] : memref<16384x1024xf32, #tpu.memory_space<hbm>> -> memref<16x1024xf32, #tpu.memory_space<hbm>>
      tpu.enqueue_dma source(%arg7 : memref<16x1024xf32, #tpu.memory_space<vmem>>) target(%dma_start3A_1238 : memref<16x1024xf32, #tpu.memory_space<hbm>>) target_semaphore(%arg11 : memref<!tpu.dma_semaphore, #tpu.memory_space<semaphore_mem>>)
    } else {
    }
    %ge3A_540 = arith.constant 8 : i32
    %ge3A_541 = arith.cmpi sge, %ge3A_540, %select_n3A_253 : i32
    %convert_element_type3A_542 = arith.extui %ge3A_541 : i1 to i32
    %cond3A_543 = arith.constant 0 : i32
    %cond3A_544 = arith.cmpi ne, %convert_element_type3A_542, %cond3A_543 : i32
    scf.if %cond3A_544 {
      %dma_start3A_1235 = arith.constant 0 : i32
      %dma_start3A_1236 = tpu.memref_slice %arg6[%add3A_534, %dma_start3A_1235] : memref<16384x1024xf32, #tpu.memory_space<hbm>> -> memref<16x1024xf32, #tpu.memory_space<hbm>>
      %dma_start3A_1237 = arith.constant 0 : i32
      %dma_start3A_1238 = tpu.memref_slice %arg6[%add3A_534, %dma_start3A_1237] : memref<16384x1024xf32, #tpu.memory_space<hbm>> -> memref<16x1024xf32, #tpu.memory_space<hbm>>
      tpu.enqueue_dma source(%arg8 : memref<16x1024xf32, #tpu.memory_space<vmem>>) target(%dma_start3A_1238 : memref<16x1024xf32, #tpu.memory_space<hbm>>) target_semaphore(%arg11 : memref<!tpu.dma_semaphore, #tpu.memory_space<semaphore_mem>>)
    } else {
    }
    %mul3A_545 = arith.constant 4096 : i32
    %mul3A_546 = arith.muli %add3A, %mul3A_545 : i32
    %add3A_547 = arith.addi %mul3A_546, %mul3A_32 : i32
    %add3A_548 = arith.constant 144 : i32
    %add3A_549 = arith.addi %add3A_547, %add3A_548 : i32
    %lt3A_550 = arith.constant 9 : i32
    %lt3A_551 = arith.cmpi slt, %lt3A_550, %select_n3A_225 : i32
    %convert_element_type3A_552 = arith.extui %lt3A_551 : i1 to i32
    %cond3A_553 = arith.constant 0 : i32
    %cond3A_554 = arith.cmpi ne, %convert_element_type3A_552, %cond3A_553 : i32
    scf.if %cond3A_554 {
      %dma_start3A_1235 = arith.constant 0 : i32
      %dma_start3A_1236 = tpu.memref_slice %arg6[%add3A_549, %dma_start3A_1235] : memref<16384x1024xf32, #tpu.memory_space<hbm>> -> memref<16x1024xf32, #tpu.memory_space<hbm>>
      %dma_start3A_1237 = arith.constant 0 : i32
      %dma_start3A_1238 = tpu.memref_slice %arg6[%add3A_549, %dma_start3A_1237] : memref<16384x1024xf32, #tpu.memory_space<hbm>> -> memref<16x1024xf32, #tpu.memory_space<hbm>>
      tpu.enqueue_dma source(%arg7 : memref<16x1024xf32, #tpu.memory_space<vmem>>) target(%dma_start3A_1238 : memref<16x1024xf32, #tpu.memory_space<hbm>>) target_semaphore(%arg11 : memref<!tpu.dma_semaphore, #tpu.memory_space<semaphore_mem>>)
    } else {
    }
    %ge3A_555 = arith.constant 9 : i32
    %ge3A_556 = arith.cmpi sge, %ge3A_555, %select_n3A_253 : i32
    %convert_element_type3A_557 = arith.extui %ge3A_556 : i1 to i32
    %cond3A_558 = arith.constant 0 : i32
    %cond3A_559 = arith.cmpi ne, %convert_element_type3A_557, %cond3A_558 : i32
    scf.if %cond3A_559 {
      %dma_start3A_1235 = arith.constant 0 : i32
      %dma_start3A_1236 = tpu.memref_slice %arg6[%add3A_549, %dma_start3A_1235] : memref<16384x1024xf32, #tpu.memory_space<hbm>> -> memref<16x1024xf32, #tpu.memory_space<hbm>>
      %dma_start3A_1237 = arith.constant 0 : i32
      %dma_start3A_1238 = tpu.memref_slice %arg6[%add3A_549, %dma_start3A_1237] : memref<16384x1024xf32, #tpu.memory_space<hbm>> -> memref<16x1024xf32, #tpu.memory_space<hbm>>
      tpu.enqueue_dma source(%arg8 : memref<16x1024xf32, #tpu.memory_space<vmem>>) target(%dma_start3A_1238 : memref<16x1024xf32, #tpu.memory_space<hbm>>) target_semaphore(%arg11 : memref<!tpu.dma_semaphore, #tpu.memory_space<semaphore_mem>>)
    } else {
    }
    %mul3A_560 = arith.constant 4096 : i32
    %mul3A_561 = arith.muli %add3A, %mul3A_560 : i32
    %add3A_562 = arith.addi %mul3A_561, %mul3A_32 : i32
    %add3A_563 = arith.constant 160 : i32
    %add3A_564 = arith.addi %add3A_562, %add3A_563 : i32
    %lt3A_565 = arith.constant 10 : i32
    %lt3A_566 = arith.cmpi slt, %lt3A_565, %select_n3A_225 : i32
    %convert_element_type3A_567 = arith.extui %lt3A_566 : i1 to i32
    %cond3A_568 = arith.constant 0 : i32
    %cond3A_569 = arith.cmpi ne, %convert_element_type3A_567, %cond3A_568 : i32
    scf.if %cond3A_569 {
      %dma_start3A_1235 = arith.constant 0 : i32
      %dma_start3A_1236 = tpu.memref_slice %arg6[%add3A_564, %dma_start3A_1235] : memref<16384x1024xf32, #tpu.memory_space<hbm>> -> memref<16x1024xf32, #tpu.memory_space<hbm>>
      %dma_start3A_1237 = arith.constant 0 : i32
      %dma_start3A_1238 = tpu.memref_slice %arg6[%add3A_564, %dma_start3A_1237] : memref<16384x1024xf32, #tpu.memory_space<hbm>> -> memref<16x1024xf32, #tpu.memory_space<hbm>>
      tpu.enqueue_dma source(%arg7 : memref<16x1024xf32, #tpu.memory_space<vmem>>) target(%dma_start3A_1238 : memref<16x1024xf32, #tpu.memory_space<hbm>>) target_semaphore(%arg11 : memref<!tpu.dma_semaphore, #tpu.memory_space<semaphore_mem>>)
    } else {
    }
    %ge3A_570 = arith.constant 10 : i32
    %ge3A_571 = arith.cmpi sge, %ge3A_570, %select_n3A_253 : i32
    %convert_element_type3A_572 = arith.extui %ge3A_571 : i1 to i32
    %cond3A_573 = arith.constant 0 : i32
    %cond3A_574 = arith.cmpi ne, %convert_element_type3A_572, %cond3A_573 : i32
    scf.if %cond3A_574 {
      %dma_start3A_1235 = arith.constant 0 : i32
      %dma_start3A_1236 = tpu.memref_slice %arg6[%add3A_564, %dma_start3A_1235] : memref<16384x1024xf32, #tpu.memory_space<hbm>> -> memref<16x1024xf32, #tpu.memory_space<hbm>>
      %dma_start3A_1237 = arith.constant 0 : i32
      %dma_start3A_1238 = tpu.memref_slice %arg6[%add3A_564, %dma_start3A_1237] : memref<16384x1024xf32, #tpu.memory_space<hbm>> -> memref<16x1024xf32, #tpu.memory_space<hbm>>
      tpu.enqueue_dma source(%arg8 : memref<16x1024xf32, #tpu.memory_space<vmem>>) target(%dma_start3A_1238 : memref<16x1024xf32, #tpu.memory_space<hbm>>) target_semaphore(%arg11 : memref<!tpu.dma_semaphore, #tpu.memory_space<semaphore_mem>>)
    } else {
    }
    %mul3A_575 = arith.constant 4096 : i32
    %mul3A_576 = arith.muli %add3A, %mul3A_575 : i32
    %add3A_577 = arith.addi %mul3A_576, %mul3A_32 : i32
    %add3A_578 = arith.constant 176 : i32
    %add3A_579 = arith.addi %add3A_577, %add3A_578 : i32
    %lt3A_580 = arith.constant 11 : i32
    %lt3A_581 = arith.cmpi slt, %lt3A_580, %select_n3A_225 : i32
    %convert_element_type3A_582 = arith.extui %lt3A_581 : i1 to i32
    %cond3A_583 = arith.constant 0 : i32
    %cond3A_584 = arith.cmpi ne, %convert_element_type3A_582, %cond3A_583 : i32
    scf.if %cond3A_584 {
      %dma_start3A_1235 = arith.constant 0 : i32
      %dma_start3A_1236 = tpu.memref_slice %arg6[%add3A_579, %dma_start3A_1235] : memref<16384x1024xf32, #tpu.memory_space<hbm>> -> memref<16x1024xf32, #tpu.memory_space<hbm>>
      %dma_start3A_1237 = arith.constant 0 : i32
      %dma_start3A_1238 = tpu.memref_slice %arg6[%add3A_579, %dma_start3A_1237] : memref<16384x1024xf32, #tpu.memory_space<hbm>> -> memref<16x1024xf32, #tpu.memory_space<hbm>>
      tpu.enqueue_dma source(%arg7 : memref<16x1024xf32, #tpu.memory_space<vmem>>) target(%dma_start3A_1238 : memref<16x1024xf32, #tpu.memory_space<hbm>>) target_semaphore(%arg11 : memref<!tpu.dma_semaphore, #tpu.memory_space<semaphore_mem>>)
    } else {
    }
    %ge3A_585 = arith.constant 11 : i32
    %ge3A_586 = arith.cmpi sge, %ge3A_585, %select_n3A_253 : i32
    %convert_element_type3A_587 = arith.extui %ge3A_586 : i1 to i32
    %cond3A_588 = arith.constant 0 : i32
    %cond3A_589 = arith.cmpi ne, %convert_element_type3A_587, %cond3A_588 : i32
    scf.if %cond3A_589 {
      %dma_start3A_1235 = arith.constant 0 : i32
      %dma_start3A_1236 = tpu.memref_slice %arg6[%add3A_579, %dma_start3A_1235] : memref<16384x1024xf32, #tpu.memory_space<hbm>> -> memref<16x1024xf32, #tpu.memory_space<hbm>>
      %dma_start3A_1237 = arith.constant 0 : i32
      %dma_start3A_1238 = tpu.memref_slice %arg6[%add3A_579, %dma_start3A_1237] : memref<16384x1024xf32, #tpu.memory_space<hbm>> -> memref<16x1024xf32, #tpu.memory_space<hbm>>
      tpu.enqueue_dma source(%arg8 : memref<16x1024xf32, #tpu.memory_space<vmem>>) target(%dma_start3A_1238 : memref<16x1024xf32, #tpu.memory_space<hbm>>) target_semaphore(%arg11 : memref<!tpu.dma_semaphore, #tpu.memory_space<semaphore_mem>>)
    } else {
    }
    %mul3A_590 = arith.constant 4096 : i32
    %mul3A_591 = arith.muli %add3A, %mul3A_590 : i32
    %add3A_592 = arith.addi %mul3A_591, %mul3A_32 : i32
    %add3A_593 = arith.constant 192 : i32
    %add3A_594 = arith.addi %add3A_592, %add3A_593 : i32
    %lt3A_595 = arith.constant 12 : i32
    %lt3A_596 = arith.cmpi slt, %lt3A_595, %select_n3A_225 : i32
    %convert_element_type3A_597 = arith.extui %lt3A_596 : i1 to i32
    %cond3A_598 = arith.constant 0 : i32
    %cond3A_599 = arith.cmpi ne, %convert_element_type3A_597, %cond3A_598 : i32
    scf.if %cond3A_599 {
      %dma_start3A_1235 = arith.constant 0 : i32
      %dma_start3A_1236 = tpu.memref_slice %arg6[%add3A_594, %dma_start3A_1235] : memref<16384x1024xf32, #tpu.memory_space<hbm>> -> memref<16x1024xf32, #tpu.memory_space<hbm>>
      %dma_start3A_1237 = arith.constant 0 : i32
      %dma_start3A_1238 = tpu.memref_slice %arg6[%add3A_594, %dma_start3A_1237] : memref<16384x1024xf32, #tpu.memory_space<hbm>> -> memref<16x1024xf32, #tpu.memory_space<hbm>>
      tpu.enqueue_dma source(%arg7 : memref<16x1024xf32, #tpu.memory_space<vmem>>) target(%dma_start3A_1238 : memref<16x1024xf32, #tpu.memory_space<hbm>>) target_semaphore(%arg11 : memref<!tpu.dma_semaphore, #tpu.memory_space<semaphore_mem>>)
    } else {
    }
    %ge3A_600 = arith.constant 12 : i32
    %ge3A_601 = arith.cmpi sge, %ge3A_600, %select_n3A_253 : i32
    %convert_element_type3A_602 = arith.extui %ge3A_601 : i1 to i32
    %cond3A_603 = arith.constant 0 : i32
    %cond3A_604 = arith.cmpi ne, %convert_element_type3A_602, %cond3A_603 : i32
    scf.if %cond3A_604 {
      %dma_start3A_1235 = arith.constant 0 : i32
      %dma_start3A_1236 = tpu.memref_slice %arg6[%add3A_594, %dma_start3A_1235] : memref<16384x1024xf32, #tpu.memory_space<hbm>> -> memref<16x1024xf32, #tpu.memory_space<hbm>>
      %dma_start3A_1237 = arith.constant 0 : i32
      %dma_start3A_1238 = tpu.memref_slice %arg6[%add3A_594, %dma_start3A_1237] : memref<16384x1024xf32, #tpu.memory_space<hbm>> -> memref<16x1024xf32, #tpu.memory_space<hbm>>
      tpu.enqueue_dma source(%arg8 : memref<16x1024xf32, #tpu.memory_space<vmem>>) target(%dma_start3A_1238 : memref<16x1024xf32, #tpu.memory_space<hbm>>) target_semaphore(%arg11 : memref<!tpu.dma_semaphore, #tpu.memory_space<semaphore_mem>>)
    } else {
    }
    %mul3A_605 = arith.constant 4096 : i32
    %mul3A_606 = arith.muli %add3A, %mul3A_605 : i32
    %add3A_607 = arith.addi %mul3A_606, %mul3A_32 : i32
    %add3A_608 = arith.constant 208 : i32
    %add3A_609 = arith.addi %add3A_607, %add3A_608 : i32
    %lt3A_610 = arith.constant 13 : i32
    %lt3A_611 = arith.cmpi slt, %lt3A_610, %select_n3A_225 : i32
    %convert_element_type3A_612 = arith.extui %lt3A_611 : i1 to i32
    %cond3A_613 = arith.constant 0 : i32
    %cond3A_614 = arith.cmpi ne, %convert_element_type3A_612, %cond3A_613 : i32
    scf.if %cond3A_614 {
      %dma_start3A_1235 = arith.constant 0 : i32
      %dma_start3A_1236 = tpu.memref_slice %arg6[%add3A_609, %dma_start3A_1235] : memref<16384x1024xf32, #tpu.memory_space<hbm>> -> memref<16x1024xf32, #tpu.memory_space<hbm>>
      %dma_start3A_1237 = arith.constant 0 : i32
      %dma_start3A_1238 = tpu.memref_slice %arg6[%add3A_609, %dma_start3A_1237] : memref<16384x1024xf32, #tpu.memory_space<hbm>> -> memref<16x1024xf32, #tpu.memory_space<hbm>>
      tpu.enqueue_dma source(%arg7 : memref<16x1024xf32, #tpu.memory_space<vmem>>) target(%dma_start3A_1238 : memref<16x1024xf32, #tpu.memory_space<hbm>>) target_semaphore(%arg11 : memref<!tpu.dma_semaphore, #tpu.memory_space<semaphore_mem>>)
    } else {
    }
    %ge3A_615 = arith.constant 13 : i32
    %ge3A_616 = arith.cmpi sge, %ge3A_615, %select_n3A_253 : i32
    %convert_element_type3A_617 = arith.extui %ge3A_616 : i1 to i32
    %cond3A_618 = arith.constant 0 : i32
    %cond3A_619 = arith.cmpi ne, %convert_element_type3A_617, %cond3A_618 : i32
    scf.if %cond3A_619 {
      %dma_start3A_1235 = arith.constant 0 : i32
      %dma_start3A_1236 = tpu.memref_slice %arg6[%add3A_609, %dma_start3A_1235] : memref<16384x1024xf32, #tpu.memory_space<hbm>> -> memref<16x1024xf32, #tpu.memory_space<hbm>>
      %dma_start3A_1237 = arith.constant 0 : i32
      %dma_start3A_1238 = tpu.memref_slice %arg6[%add3A_609, %dma_start3A_1237] : memref<16384x1024xf32, #tpu.memory_space<hbm>> -> memref<16x1024xf32, #tpu.memory_space<hbm>>
      tpu.enqueue_dma source(%arg8 : memref<16x1024xf32, #tpu.memory_space<vmem>>) target(%dma_start3A_1238 : memref<16x1024xf32, #tpu.memory_space<hbm>>) target_semaphore(%arg11 : memref<!tpu.dma_semaphore, #tpu.memory_space<semaphore_mem>>)
    } else {
    }
    %mul3A_620 = arith.constant 4096 : i32
    %mul3A_621 = arith.muli %add3A, %mul3A_620 : i32
    %add3A_622 = arith.addi %mul3A_621, %mul3A_32 : i32
    %add3A_623 = arith.constant 224 : i32
    %add3A_624 = arith.addi %add3A_622, %add3A_623 : i32
    %lt3A_625 = arith.constant 14 : i32
    %lt3A_626 = arith.cmpi slt, %lt3A_625, %select_n3A_225 : i32
    %convert_element_type3A_627 = arith.extui %lt3A_626 : i1 to i32
    %cond3A_628 = arith.constant 0 : i32
    %cond3A_629 = arith.cmpi ne, %convert_element_type3A_627, %cond3A_628 : i32
    scf.if %cond3A_629 {
      %dma_start3A_1235 = arith.constant 0 : i32
      %dma_start3A_1236 = tpu.memref_slice %arg6[%add3A_624, %dma_start3A_1235] : memref<16384x1024xf32, #tpu.memory_space<hbm>> -> memref<16x1024xf32, #tpu.memory_space<hbm>>
      %dma_start3A_1237 = arith.constant 0 : i32
      %dma_start3A_1238 = tpu.memref_slice %arg6[%add3A_624, %dma_start3A_1237] : memref<16384x1024xf32, #tpu.memory_space<hbm>> -> memref<16x1024xf32, #tpu.memory_space<hbm>>
      tpu.enqueue_dma source(%arg7 : memref<16x1024xf32, #tpu.memory_space<vmem>>) target(%dma_start3A_1238 : memref<16x1024xf32, #tpu.memory_space<hbm>>) target_semaphore(%arg11 : memref<!tpu.dma_semaphore, #tpu.memory_space<semaphore_mem>>)
    } else {
    }
    %ge3A_630 = arith.constant 14 : i32
    %ge3A_631 = arith.cmpi sge, %ge3A_630, %select_n3A_253 : i32
    %convert_element_type3A_632 = arith.extui %ge3A_631 : i1 to i32
    %cond3A_633 = arith.constant 0 : i32
    %cond3A_634 = arith.cmpi ne, %convert_element_type3A_632, %cond3A_633 : i32
    scf.if %cond3A_634 {
      %dma_start3A_1235 = arith.constant 0 : i32
      %dma_start3A_1236 = tpu.memref_slice %arg6[%add3A_624, %dma_start3A_1235] : memref<16384x1024xf32, #tpu.memory_space<hbm>> -> memref<16x1024xf32, #tpu.memory_space<hbm>>
      %dma_start3A_1237 = arith.constant 0 : i32
      %dma_start3A_1238 = tpu.memref_slice %arg6[%add3A_624, %dma_start3A_1237] : memref<16384x1024xf32, #tpu.memory_space<hbm>> -> memref<16x1024xf32, #tpu.memory_space<hbm>>
      tpu.enqueue_dma source(%arg8 : memref<16x1024xf32, #tpu.memory_space<vmem>>) target(%dma_start3A_1238 : memref<16x1024xf32, #tpu.memory_space<hbm>>) target_semaphore(%arg11 : memref<!tpu.dma_semaphore, #tpu.memory_space<semaphore_mem>>)
    } else {
    }
    %mul3A_635 = arith.constant 4096 : i32
    %mul3A_636 = arith.muli %add3A, %mul3A_635 : i32
    %add3A_637 = arith.addi %mul3A_636, %mul3A_32 : i32
    %add3A_638 = arith.constant 240 : i32
    %add3A_639 = arith.addi %add3A_637, %add3A_638 : i32
    %lt3A_640 = arith.constant 15 : i32
    %lt3A_641 = arith.cmpi slt, %lt3A_640, %select_n3A_225 : i32
    %convert_element_type3A_642 = arith.extui %lt3A_641 : i1 to i32
    %cond3A_643 = arith.constant 0 : i32
    %cond3A_644 = arith.cmpi ne, %convert_element_type3A_642, %cond3A_643 : i32
    scf.if %cond3A_644 {
      %dma_start3A_1235 = arith.constant 0 : i32
      %dma_start3A_1236 = tpu.memref_slice %arg6[%add3A_639, %dma_start3A_1235] : memref<16384x1024xf32, #tpu.memory_space<hbm>> -> memref<16x1024xf32, #tpu.memory_space<hbm>>
      %dma_start3A_1237 = arith.constant 0 : i32
      %dma_start3A_1238 = tpu.memref_slice %arg6[%add3A_639, %dma_start3A_1237] : memref<16384x1024xf32, #tpu.memory_space<hbm>> -> memref<16x1024xf32, #tpu.memory_space<hbm>>
      tpu.enqueue_dma source(%arg7 : memref<16x1024xf32, #tpu.memory_space<vmem>>) target(%dma_start3A_1238 : memref<16x1024xf32, #tpu.memory_space<hbm>>) target_semaphore(%arg11 : memref<!tpu.dma_semaphore, #tpu.memory_space<semaphore_mem>>)
    } else {
    }
    %ge3A_645 = arith.constant 15 : i32
    %ge3A_646 = arith.cmpi sge, %ge3A_645, %select_n3A_253 : i32
    %convert_element_type3A_647 = arith.extui %ge3A_646 : i1 to i32
    %cond3A_648 = arith.constant 0 : i32
    %cond3A_649 = arith.cmpi ne, %convert_element_type3A_647, %cond3A_648 : i32
    scf.if %cond3A_649 {
      %dma_start3A_1235 = arith.constant 0 : i32
      %dma_start3A_1236 = tpu.memref_slice %arg6[%add3A_639, %dma_start3A_1235] : memref<16384x1024xf32, #tpu.memory_space<hbm>> -> memref<16x1024xf32, #tpu.memory_space<hbm>>
      %dma_start3A_1237 = arith.constant 0 : i32
      %dma_start3A_1238 = tpu.memref_slice %arg6[%add3A_639, %dma_start3A_1237] : memref<16384x1024xf32, #tpu.memory_space<hbm>> -> memref<16x1024xf32, #tpu.memory_space<hbm>>
      tpu.enqueue_dma source(%arg8 : memref<16x1024xf32, #tpu.memory_space<vmem>>) target(%dma_start3A_1238 : memref<16x1024xf32, #tpu.memory_space<hbm>>) target_semaphore(%arg11 : memref<!tpu.dma_semaphore, #tpu.memory_space<semaphore_mem>>)
    } else {
    }
    %mul3A_650 = arith.constant 4096 : i32
    %mul3A_651 = arith.muli %add3A, %mul3A_650 : i32
    %add3A_652 = arith.addi %mul3A_651, %mul3A_32 : i32
    %add3A_653 = arith.constant 256 : i32
    %add3A_654 = arith.addi %add3A_652, %add3A_653 : i32
    %lt3A_655 = arith.constant 16 : i32
    %lt3A_656 = arith.cmpi slt, %lt3A_655, %select_n3A_225 : i32
    %convert_element_type3A_657 = arith.extui %lt3A_656 : i1 to i32
    %cond3A_658 = arith.constant 0 : i32
    %cond3A_659 = arith.cmpi ne, %convert_element_type3A_657, %cond3A_658 : i32
    scf.if %cond3A_659 {
      %dma_start3A_1235 = arith.constant 0 : i32
      %dma_start3A_1236 = tpu.memref_slice %arg6[%add3A_654, %dma_start3A_1235] : memref<16384x1024xf32, #tpu.memory_space<hbm>> -> memref<16x1024xf32, #tpu.memory_space<hbm>>
      %dma_start3A_1237 = arith.constant 0 : i32
      %dma_start3A_1238 = tpu.memref_slice %arg6[%add3A_654, %dma_start3A_1237] : memref<16384x1024xf32, #tpu.memory_space<hbm>> -> memref<16x1024xf32, #tpu.memory_space<hbm>>
      tpu.enqueue_dma source(%arg7 : memref<16x1024xf32, #tpu.memory_space<vmem>>) target(%dma_start3A_1238 : memref<16x1024xf32, #tpu.memory_space<hbm>>) target_semaphore(%arg11 : memref<!tpu.dma_semaphore, #tpu.memory_space<semaphore_mem>>)
    } else {
    }
    %ge3A_660 = arith.constant 16 : i32
    %ge3A_661 = arith.cmpi sge, %ge3A_660, %select_n3A_253 : i32
    %convert_element_type3A_662 = arith.extui %ge3A_661 : i1 to i32
    %cond3A_663 = arith.constant 0 : i32
    %cond3A_664 = arith.cmpi ne, %convert_element_type3A_662, %cond3A_663 : i32
    scf.if %cond3A_664 {
      %dma_start3A_1235 = arith.constant 0 : i32
      %dma_start3A_1236 = tpu.memref_slice %arg6[%add3A_654, %dma_start3A_1235] : memref<16384x1024xf32, #tpu.memory_space<hbm>> -> memref<16x1024xf32, #tpu.memory_space<hbm>>
      %dma_start3A_1237 = arith.constant 0 : i32
      %dma_start3A_1238 = tpu.memref_slice %arg6[%add3A_654, %dma_start3A_1237] : memref<16384x1024xf32, #tpu.memory_space<hbm>> -> memref<16x1024xf32, #tpu.memory_space<hbm>>
      tpu.enqueue_dma source(%arg8 : memref<16x1024xf32, #tpu.memory_space<vmem>>) target(%dma_start3A_1238 : memref<16x1024xf32, #tpu.memory_space<hbm>>) target_semaphore(%arg11 : memref<!tpu.dma_semaphore, #tpu.memory_space<semaphore_mem>>)
    } else {
    }
    %mul3A_665 = arith.constant 4096 : i32
    %mul3A_666 = arith.muli %add3A, %mul3A_665 : i32
    %add3A_667 = arith.addi %mul3A_666, %mul3A_32 : i32
    %add3A_668 = arith.constant 272 : i32
    %add3A_669 = arith.addi %add3A_667, %add3A_668 : i32
    %lt3A_670 = arith.constant 17 : i32
    %lt3A_671 = arith.cmpi slt, %lt3A_670, %select_n3A_225 : i32
    %convert_element_type3A_672 = arith.extui %lt3A_671 : i1 to i32
    %cond3A_673 = arith.constant 0 : i32
    %cond3A_674 = arith.cmpi ne, %convert_element_type3A_672, %cond3A_673 : i32
    scf.if %cond3A_674 {
      %dma_start3A_1235 = arith.constant 0 : i32
      %dma_start3A_1236 = tpu.memref_slice %arg6[%add3A_669, %dma_start3A_1235] : memref<16384x1024xf32, #tpu.memory_space<hbm>> -> memref<16x1024xf32, #tpu.memory_space<hbm>>
      %dma_start3A_1237 = arith.constant 0 : i32
      %dma_start3A_1238 = tpu.memref_slice %arg6[%add3A_669, %dma_start3A_1237] : memref<16384x1024xf32, #tpu.memory_space<hbm>> -> memref<16x1024xf32, #tpu.memory_space<hbm>>
      tpu.enqueue_dma source(%arg7 : memref<16x1024xf32, #tpu.memory_space<vmem>>) target(%dma_start3A_1238 : memref<16x1024xf32, #tpu.memory_space<hbm>>) target_semaphore(%arg11 : memref<!tpu.dma_semaphore, #tpu.memory_space<semaphore_mem>>)
    } else {
    }
    %ge3A_675 = arith.constant 17 : i32
    %ge3A_676 = arith.cmpi sge, %ge3A_675, %select_n3A_253 : i32
    %convert_element_type3A_677 = arith.extui %ge3A_676 : i1 to i32
    %cond3A_678 = arith.constant 0 : i32
    %cond3A_679 = arith.cmpi ne, %convert_element_type3A_677, %cond3A_678 : i32
    scf.if %cond3A_679 {
      %dma_start3A_1235 = arith.constant 0 : i32
      %dma_start3A_1236 = tpu.memref_slice %arg6[%add3A_669, %dma_start3A_1235] : memref<16384x1024xf32, #tpu.memory_space<hbm>> -> memref<16x1024xf32, #tpu.memory_space<hbm>>
      %dma_start3A_1237 = arith.constant 0 : i32
      %dma_start3A_1238 = tpu.memref_slice %arg6[%add3A_669, %dma_start3A_1237] : memref<16384x1024xf32, #tpu.memory_space<hbm>> -> memref<16x1024xf32, #tpu.memory_space<hbm>>
      tpu.enqueue_dma source(%arg8 : memref<16x1024xf32, #tpu.memory_space<vmem>>) target(%dma_start3A_1238 : memref<16x1024xf32, #tpu.memory_space<hbm>>) target_semaphore(%arg11 : memref<!tpu.dma_semaphore, #tpu.memory_space<semaphore_mem>>)
    } else {
    }
    %mul3A_680 = arith.constant 4096 : i32
    %mul3A_681 = arith.muli %add3A, %mul3A_680 : i32
    %add3A_682 = arith.addi %mul3A_681, %mul3A_32 : i32
    %add3A_683 = arith.constant 288 : i32
    %add3A_684 = arith.addi %add3A_682, %add3A_683 : i32
    %lt3A_685 = arith.constant 18 : i32
    %lt3A_686 = arith.cmpi slt, %lt3A_685, %select_n3A_225 : i32
    %convert_element_type3A_687 = arith.extui %lt3A_686 : i1 to i32
    %cond3A_688 = arith.constant 0 : i32
    %cond3A_689 = arith.cmpi ne, %convert_element_type3A_687, %cond3A_688 : i32
    scf.if %cond3A_689 {
      %dma_start3A_1235 = arith.constant 0 : i32
      %dma_start3A_1236 = tpu.memref_slice %arg6[%add3A_684, %dma_start3A_1235] : memref<16384x1024xf32, #tpu.memory_space<hbm>> -> memref<16x1024xf32, #tpu.memory_space<hbm>>
      %dma_start3A_1237 = arith.constant 0 : i32
      %dma_start3A_1238 = tpu.memref_slice %arg6[%add3A_684, %dma_start3A_1237] : memref<16384x1024xf32, #tpu.memory_space<hbm>> -> memref<16x1024xf32, #tpu.memory_space<hbm>>
      tpu.enqueue_dma source(%arg7 : memref<16x1024xf32, #tpu.memory_space<vmem>>) target(%dma_start3A_1238 : memref<16x1024xf32, #tpu.memory_space<hbm>>) target_semaphore(%arg11 : memref<!tpu.dma_semaphore, #tpu.memory_space<semaphore_mem>>)
    } else {
    }
    %ge3A_690 = arith.constant 18 : i32
    %ge3A_691 = arith.cmpi sge, %ge3A_690, %select_n3A_253 : i32
    %convert_element_type3A_692 = arith.extui %ge3A_691 : i1 to i32
    %cond3A_693 = arith.constant 0 : i32
    %cond3A_694 = arith.cmpi ne, %convert_element_type3A_692, %cond3A_693 : i32
    scf.if %cond3A_694 {
      %dma_start3A_1235 = arith.constant 0 : i32
      %dma_start3A_1236 = tpu.memref_slice %arg6[%add3A_684, %dma_start3A_1235] : memref<16384x1024xf32, #tpu.memory_space<hbm>> -> memref<16x1024xf32, #tpu.memory_space<hbm>>
      %dma_start3A_1237 = arith.constant 0 : i32
      %dma_start3A_1238 = tpu.memref_slice %arg6[%add3A_684, %dma_start3A_1237] : memref<16384x1024xf32, #tpu.memory_space<hbm>> -> memref<16x1024xf32, #tpu.memory_space<hbm>>
      tpu.enqueue_dma source(%arg8 : memref<16x1024xf32, #tpu.memory_space<vmem>>) target(%dma_start3A_1238 : memref<16x1024xf32, #tpu.memory_space<hbm>>) target_semaphore(%arg11 : memref<!tpu.dma_semaphore, #tpu.memory_space<semaphore_mem>>)
    } else {
    }
    %mul3A_695 = arith.constant 4096 : i32
    %mul3A_696 = arith.muli %add3A, %mul3A_695 : i32
    %add3A_697 = arith.addi %mul3A_696, %mul3A_32 : i32
    %add3A_698 = arith.constant 304 : i32
    %add3A_699 = arith.addi %add3A_697, %add3A_698 : i32
    %lt3A_700 = arith.constant 19 : i32
    %lt3A_701 = arith.cmpi slt, %lt3A_700, %select_n3A_225 : i32
    %convert_element_type3A_702 = arith.extui %lt3A_701 : i1 to i32
    %cond3A_703 = arith.constant 0 : i32
    %cond3A_704 = arith.cmpi ne, %convert_element_type3A_702, %cond3A_703 : i32
    scf.if %cond3A_704 {
      %dma_start3A_1235 = arith.constant 0 : i32
      %dma_start3A_1236 = tpu.memref_slice %arg6[%add3A_699, %dma_start3A_1235] : memref<16384x1024xf32, #tpu.memory_space<hbm>> -> memref<16x1024xf32, #tpu.memory_space<hbm>>
      %dma_start3A_1237 = arith.constant 0 : i32
      %dma_start3A_1238 = tpu.memref_slice %arg6[%add3A_699, %dma_start3A_1237] : memref<16384x1024xf32, #tpu.memory_space<hbm>> -> memref<16x1024xf32, #tpu.memory_space<hbm>>
      tpu.enqueue_dma source(%arg7 : memref<16x1024xf32, #tpu.memory_space<vmem>>) target(%dma_start3A_1238 : memref<16x1024xf32, #tpu.memory_space<hbm>>) target_semaphore(%arg11 : memref<!tpu.dma_semaphore, #tpu.memory_space<semaphore_mem>>)
    } else {
    }
    %ge3A_705 = arith.constant 19 : i32
    %ge3A_706 = arith.cmpi sge, %ge3A_705, %select_n3A_253 : i32
    %convert_element_type3A_707 = arith.extui %ge3A_706 : i1 to i32
    %cond3A_708 = arith.constant 0 : i32
    %cond3A_709 = arith.cmpi ne, %convert_element_type3A_707, %cond3A_708 : i32
    scf.if %cond3A_709 {
      %dma_start3A_1235 = arith.constant 0 : i32
      %dma_start3A_1236 = tpu.memref_slice %arg6[%add3A_699, %dma_start3A_1235] : memref<16384x1024xf32, #tpu.memory_space<hbm>> -> memref<16x1024xf32, #tpu.memory_space<hbm>>
      %dma_start3A_1237 = arith.constant 0 : i32
      %dma_start3A_1238 = tpu.memref_slice %arg6[%add3A_699, %dma_start3A_1237] : memref<16384x1024xf32, #tpu.memory_space<hbm>> -> memref<16x1024xf32, #tpu.memory_space<hbm>>
      tpu.enqueue_dma source(%arg8 : memref<16x1024xf32, #tpu.memory_space<vmem>>) target(%dma_start3A_1238 : memref<16x1024xf32, #tpu.memory_space<hbm>>) target_semaphore(%arg11 : memref<!tpu.dma_semaphore, #tpu.memory_space<semaphore_mem>>)
    } else {
    }
    %mul3A_710 = arith.constant 4096 : i32
    %mul3A_711 = arith.muli %add3A, %mul3A_710 : i32
    %add3A_712 = arith.addi %mul3A_711, %mul3A_32 : i32
    %add3A_713 = arith.constant 320 : i32
    %add3A_714 = arith.addi %add3A_712, %add3A_713 : i32
    %lt3A_715 = arith.constant 20 : i32
    %lt3A_716 = arith.cmpi slt, %lt3A_715, %select_n3A_225 : i32
    %convert_element_type3A_717 = arith.extui %lt3A_716 : i1 to i32
    %cond3A_718 = arith.constant 0 : i32
    %cond3A_719 = arith.cmpi ne, %convert_element_type3A_717, %cond3A_718 : i32
    scf.if %cond3A_719 {
      %dma_start3A_1235 = arith.constant 0 : i32
      %dma_start3A_1236 = tpu.memref_slice %arg6[%add3A_714, %dma_start3A_1235] : memref<16384x1024xf32, #tpu.memory_space<hbm>> -> memref<16x1024xf32, #tpu.memory_space<hbm>>
      %dma_start3A_1237 = arith.constant 0 : i32
      %dma_start3A_1238 = tpu.memref_slice %arg6[%add3A_714, %dma_start3A_1237] : memref<16384x1024xf32, #tpu.memory_space<hbm>> -> memref<16x1024xf32, #tpu.memory_space<hbm>>
      tpu.enqueue_dma source(%arg7 : memref<16x1024xf32, #tpu.memory_space<vmem>>) target(%dma_start3A_1238 : memref<16x1024xf32, #tpu.memory_space<hbm>>) target_semaphore(%arg11 : memref<!tpu.dma_semaphore, #tpu.memory_space<semaphore_mem>>)
    } else {
    }
    %ge3A_720 = arith.constant 20 : i32
    %ge3A_721 = arith.cmpi sge, %ge3A_720, %select_n3A_253 : i32
    %convert_element_type3A_722 = arith.extui %ge3A_721 : i1 to i32
    %cond3A_723 = arith.constant 0 : i32
    %cond3A_724 = arith.cmpi ne, %convert_element_type3A_722, %cond3A_723 : i32
    scf.if %cond3A_724 {
      %dma_start3A_1235 = arith.constant 0 : i32
      %dma_start3A_1236 = tpu.memref_slice %arg6[%add3A_714, %dma_start3A_1235] : memref<16384x1024xf32, #tpu.memory_space<hbm>> -> memref<16x1024xf32, #tpu.memory_space<hbm>>
      %dma_start3A_1237 = arith.constant 0 : i32
      %dma_start3A_1238 = tpu.memref_slice %arg6[%add3A_714, %dma_start3A_1237] : memref<16384x1024xf32, #tpu.memory_space<hbm>> -> memref<16x1024xf32, #tpu.memory_space<hbm>>
      tpu.enqueue_dma source(%arg8 : memref<16x1024xf32, #tpu.memory_space<vmem>>) target(%dma_start3A_1238 : memref<16x1024xf32, #tpu.memory_space<hbm>>) target_semaphore(%arg11 : memref<!tpu.dma_semaphore, #tpu.memory_space<semaphore_mem>>)
    } else {
    }
    %mul3A_725 = arith.constant 4096 : i32
    %mul3A_726 = arith.muli %add3A, %mul3A_725 : i32
    %add3A_727 = arith.addi %mul3A_726, %mul3A_32 : i32
    %add3A_728 = arith.constant 336 : i32
    %add3A_729 = arith.addi %add3A_727, %add3A_728 : i32
    %lt3A_730 = arith.constant 21 : i32
    %lt3A_731 = arith.cmpi slt, %lt3A_730, %select_n3A_225 : i32
    %convert_element_type3A_732 = arith.extui %lt3A_731 : i1 to i32
    %cond3A_733 = arith.constant 0 : i32
    %cond3A_734 = arith.cmpi ne, %convert_element_type3A_732, %cond3A_733 : i32
    scf.if %cond3A_734 {
      %dma_start3A_1235 = arith.constant 0 : i32
      %dma_start3A_1236 = tpu.memref_slice %arg6[%add3A_729, %dma_start3A_1235] : memref<16384x1024xf32, #tpu.memory_space<hbm>> -> memref<16x1024xf32, #tpu.memory_space<hbm>>
      %dma_start3A_1237 = arith.constant 0 : i32
      %dma_start3A_1238 = tpu.memref_slice %arg6[%add3A_729, %dma_start3A_1237] : memref<16384x1024xf32, #tpu.memory_space<hbm>> -> memref<16x1024xf32, #tpu.memory_space<hbm>>
      tpu.enqueue_dma source(%arg7 : memref<16x1024xf32, #tpu.memory_space<vmem>>) target(%dma_start3A_1238 : memref<16x1024xf32, #tpu.memory_space<hbm>>) target_semaphore(%arg11 : memref<!tpu.dma_semaphore, #tpu.memory_space<semaphore_mem>>)
    } else {
    }
    %ge3A_735 = arith.constant 21 : i32
    %ge3A_736 = arith.cmpi sge, %ge3A_735, %select_n3A_253 : i32
    %convert_element_type3A_737 = arith.extui %ge3A_736 : i1 to i32
    %cond3A_738 = arith.constant 0 : i32
    %cond3A_739 = arith.cmpi ne, %convert_element_type3A_737, %cond3A_738 : i32
    scf.if %cond3A_739 {
      %dma_start3A_1235 = arith.constant 0 : i32
      %dma_start3A_1236 = tpu.memref_slice %arg6[%add3A_729, %dma_start3A_1235] : memref<16384x1024xf32, #tpu.memory_space<hbm>> -> memref<16x1024xf32, #tpu.memory_space<hbm>>
      %dma_start3A_1237 = arith.constant 0 : i32
      %dma_start3A_1238 = tpu.memref_slice %arg6[%add3A_729, %dma_start3A_1237] : memref<16384x1024xf32, #tpu.memory_space<hbm>> -> memref<16x1024xf32, #tpu.memory_space<hbm>>
      tpu.enqueue_dma source(%arg8 : memref<16x1024xf32, #tpu.memory_space<vmem>>) target(%dma_start3A_1238 : memref<16x1024xf32, #tpu.memory_space<hbm>>) target_semaphore(%arg11 : memref<!tpu.dma_semaphore, #tpu.memory_space<semaphore_mem>>)
    } else {
    }
    %mul3A_740 = arith.constant 4096 : i32
    %mul3A_741 = arith.muli %add3A, %mul3A_740 : i32
    %add3A_742 = arith.addi %mul3A_741, %mul3A_32 : i32
    %add3A_743 = arith.constant 352 : i32
    %add3A_744 = arith.addi %add3A_742, %add3A_743 : i32
    %lt3A_745 = arith.constant 22 : i32
    %lt3A_746 = arith.cmpi slt, %lt3A_745, %select_n3A_225 : i32
    %convert_element_type3A_747 = arith.extui %lt3A_746 : i1 to i32
    %cond3A_748 = arith.constant 0 : i32
    %cond3A_749 = arith.cmpi ne, %convert_element_type3A_747, %cond3A_748 : i32
    scf.if %cond3A_749 {
      %dma_start3A_1235 = arith.constant 0 : i32
      %dma_start3A_1236 = tpu.memref_slice %arg6[%add3A_744, %dma_start3A_1235] : memref<16384x1024xf32, #tpu.memory_space<hbm>> -> memref<16x1024xf32, #tpu.memory_space<hbm>>
      %dma_start3A_1237 = arith.constant 0 : i32
      %dma_start3A_1238 = tpu.memref_slice %arg6[%add3A_744, %dma_start3A_1237] : memref<16384x1024xf32, #tpu.memory_space<hbm>> -> memref<16x1024xf32, #tpu.memory_space<hbm>>
      tpu.enqueue_dma source(%arg7 : memref<16x1024xf32, #tpu.memory_space<vmem>>) target(%dma_start3A_1238 : memref<16x1024xf32, #tpu.memory_space<hbm>>) target_semaphore(%arg11 : memref<!tpu.dma_semaphore, #tpu.memory_space<semaphore_mem>>)
    } else {
    }
    %ge3A_750 = arith.constant 22 : i32
    %ge3A_751 = arith.cmpi sge, %ge3A_750, %select_n3A_253 : i32
    %convert_element_type3A_752 = arith.extui %ge3A_751 : i1 to i32
    %cond3A_753 = arith.constant 0 : i32
    %cond3A_754 = arith.cmpi ne, %convert_element_type3A_752, %cond3A_753 : i32
    scf.if %cond3A_754 {
      %dma_start3A_1235 = arith.constant 0 : i32
      %dma_start3A_1236 = tpu.memref_slice %arg6[%add3A_744, %dma_start3A_1235] : memref<16384x1024xf32, #tpu.memory_space<hbm>> -> memref<16x1024xf32, #tpu.memory_space<hbm>>
      %dma_start3A_1237 = arith.constant 0 : i32
      %dma_start3A_1238 = tpu.memref_slice %arg6[%add3A_744, %dma_start3A_1237] : memref<16384x1024xf32, #tpu.memory_space<hbm>> -> memref<16x1024xf32, #tpu.memory_space<hbm>>
      tpu.enqueue_dma source(%arg8 : memref<16x1024xf32, #tpu.memory_space<vmem>>) target(%dma_start3A_1238 : memref<16x1024xf32, #tpu.memory_space<hbm>>) target_semaphore(%arg11 : memref<!tpu.dma_semaphore, #tpu.memory_space<semaphore_mem>>)
    } else {
    }
    %mul3A_755 = arith.constant 4096 : i32
    %mul3A_756 = arith.muli %add3A, %mul3A_755 : i32
    %add3A_757 = arith.addi %mul3A_756, %mul3A_32 : i32
    %add3A_758 = arith.constant 368 : i32
    %add3A_759 = arith.addi %add3A_757, %add3A_758 : i32
    %lt3A_760 = arith.constant 23 : i32
    %lt3A_761 = arith.cmpi slt, %lt3A_760, %select_n3A_225 : i32
    %convert_element_type3A_762 = arith.extui %lt3A_761 : i1 to i32
    %cond3A_763 = arith.constant 0 : i32
    %cond3A_764 = arith.cmpi ne, %convert_element_type3A_762, %cond3A_763 : i32
    scf.if %cond3A_764 {
      %dma_start3A_1235 = arith.constant 0 : i32
      %dma_start3A_1236 = tpu.memref_slice %arg6[%add3A_759, %dma_start3A_1235] : memref<16384x1024xf32, #tpu.memory_space<hbm>> -> memref<16x1024xf32, #tpu.memory_space<hbm>>
      %dma_start3A_1237 = arith.constant 0 : i32
      %dma_start3A_1238 = tpu.memref_slice %arg6[%add3A_759, %dma_start3A_1237] : memref<16384x1024xf32, #tpu.memory_space<hbm>> -> memref<16x1024xf32, #tpu.memory_space<hbm>>
      tpu.enqueue_dma source(%arg7 : memref<16x1024xf32, #tpu.memory_space<vmem>>) target(%dma_start3A_1238 : memref<16x1024xf32, #tpu.memory_space<hbm>>) target_semaphore(%arg11 : memref<!tpu.dma_semaphore, #tpu.memory_space<semaphore_mem>>)
    } else {
    }
    %ge3A_765 = arith.constant 23 : i32
    %ge3A_766 = arith.cmpi sge, %ge3A_765, %select_n3A_253 : i32
    %convert_element_type3A_767 = arith.extui %ge3A_766 : i1 to i32
    %cond3A_768 = arith.constant 0 : i32
    %cond3A_769 = arith.cmpi ne, %convert_element_type3A_767, %cond3A_768 : i32
    scf.if %cond3A_769 {
      %dma_start3A_1235 = arith.constant 0 : i32
      %dma_start3A_1236 = tpu.memref_slice %arg6[%add3A_759, %dma_start3A_1235] : memref<16384x1024xf32, #tpu.memory_space<hbm>> -> memref<16x1024xf32, #tpu.memory_space<hbm>>
      %dma_start3A_1237 = arith.constant 0 : i32
      %dma_start3A_1238 = tpu.memref_slice %arg6[%add3A_759, %dma_start3A_1237] : memref<16384x1024xf32, #tpu.memory_space<hbm>> -> memref<16x1024xf32, #tpu.memory_space<hbm>>
      tpu.enqueue_dma source(%arg8 : memref<16x1024xf32, #tpu.memory_space<vmem>>) target(%dma_start3A_1238 : memref<16x1024xf32, #tpu.memory_space<hbm>>) target_semaphore(%arg11 : memref<!tpu.dma_semaphore, #tpu.memory_space<semaphore_mem>>)
    } else {
    }
    %mul3A_770 = arith.constant 4096 : i32
    %mul3A_771 = arith.muli %add3A, %mul3A_770 : i32
    %add3A_772 = arith.addi %mul3A_771, %mul3A_32 : i32
    %add3A_773 = arith.constant 384 : i32
    %add3A_774 = arith.addi %add3A_772, %add3A_773 : i32
    %lt3A_775 = arith.constant 24 : i32
    %lt3A_776 = arith.cmpi slt, %lt3A_775, %select_n3A_225 : i32
    %convert_element_type3A_777 = arith.extui %lt3A_776 : i1 to i32
    %cond3A_778 = arith.constant 0 : i32
    %cond3A_779 = arith.cmpi ne, %convert_element_type3A_777, %cond3A_778 : i32
    scf.if %cond3A_779 {
      %dma_start3A_1235 = arith.constant 0 : i32
      %dma_start3A_1236 = tpu.memref_slice %arg6[%add3A_774, %dma_start3A_1235] : memref<16384x1024xf32, #tpu.memory_space<hbm>> -> memref<16x1024xf32, #tpu.memory_space<hbm>>
      %dma_start3A_1237 = arith.constant 0 : i32
      %dma_start3A_1238 = tpu.memref_slice %arg6[%add3A_774, %dma_start3A_1237] : memref<16384x1024xf32, #tpu.memory_space<hbm>> -> memref<16x1024xf32, #tpu.memory_space<hbm>>
      tpu.enqueue_dma source(%arg7 : memref<16x1024xf32, #tpu.memory_space<vmem>>) target(%dma_start3A_1238 : memref<16x1024xf32, #tpu.memory_space<hbm>>) target_semaphore(%arg11 : memref<!tpu.dma_semaphore, #tpu.memory_space<semaphore_mem>>)
    } else {
    }
    %ge3A_780 = arith.constant 24 : i32
    %ge3A_781 = arith.cmpi sge, %ge3A_780, %select_n3A_253 : i32
    %convert_element_type3A_782 = arith.extui %ge3A_781 : i1 to i32
    %cond3A_783 = arith.constant 0 : i32
    %cond3A_784 = arith.cmpi ne, %convert_element_type3A_782, %cond3A_783 : i32
    scf.if %cond3A_784 {
      %dma_start3A_1235 = arith.constant 0 : i32
      %dma_start3A_1236 = tpu.memref_slice %arg6[%add3A_774, %dma_start3A_1235] : memref<16384x1024xf32, #tpu.memory_space<hbm>> -> memref<16x1024xf32, #tpu.memory_space<hbm>>
      %dma_start3A_1237 = arith.constant 0 : i32
      %dma_start3A_1238 = tpu.memref_slice %arg6[%add3A_774, %dma_start3A_1237] : memref<16384x1024xf32, #tpu.memory_space<hbm>> -> memref<16x1024xf32, #tpu.memory_space<hbm>>
      tpu.enqueue_dma source(%arg8 : memref<16x1024xf32, #tpu.memory_space<vmem>>) target(%dma_start3A_1238 : memref<16x1024xf32, #tpu.memory_space<hbm>>) target_semaphore(%arg11 : memref<!tpu.dma_semaphore, #tpu.memory_space<semaphore_mem>>)
    } else {
    }
    %mul3A_785 = arith.constant 4096 : i32
    %mul3A_786 = arith.muli %add3A, %mul3A_785 : i32
    %add3A_787 = arith.addi %mul3A_786, %mul3A_32 : i32
    %add3A_788 = arith.constant 400 : i32
    %add3A_789 = arith.addi %add3A_787, %add3A_788 : i32
    %lt3A_790 = arith.constant 25 : i32
    %lt3A_791 = arith.cmpi slt, %lt3A_790, %select_n3A_225 : i32
    %convert_element_type3A_792 = arith.extui %lt3A_791 : i1 to i32
    %cond3A_793 = arith.constant 0 : i32
    %cond3A_794 = arith.cmpi ne, %convert_element_type3A_792, %cond3A_793 : i32
    scf.if %cond3A_794 {
      %dma_start3A_1235 = arith.constant 0 : i32
      %dma_start3A_1236 = tpu.memref_slice %arg6[%add3A_789, %dma_start3A_1235] : memref<16384x1024xf32, #tpu.memory_space<hbm>> -> memref<16x1024xf32, #tpu.memory_space<hbm>>
      %dma_start3A_1237 = arith.constant 0 : i32
      %dma_start3A_1238 = tpu.memref_slice %arg6[%add3A_789, %dma_start3A_1237] : memref<16384x1024xf32, #tpu.memory_space<hbm>> -> memref<16x1024xf32, #tpu.memory_space<hbm>>
      tpu.enqueue_dma source(%arg7 : memref<16x1024xf32, #tpu.memory_space<vmem>>) target(%dma_start3A_1238 : memref<16x1024xf32, #tpu.memory_space<hbm>>) target_semaphore(%arg11 : memref<!tpu.dma_semaphore, #tpu.memory_space<semaphore_mem>>)
    } else {
    }
    %ge3A_795 = arith.constant 25 : i32
    %ge3A_796 = arith.cmpi sge, %ge3A_795, %select_n3A_253 : i32
    %convert_element_type3A_797 = arith.extui %ge3A_796 : i1 to i32
    %cond3A_798 = arith.constant 0 : i32
    %cond3A_799 = arith.cmpi ne, %convert_element_type3A_797, %cond3A_798 : i32
    scf.if %cond3A_799 {
      %dma_start3A_1235 = arith.constant 0 : i32
      %dma_start3A_1236 = tpu.memref_slice %arg6[%add3A_789, %dma_start3A_1235] : memref<16384x1024xf32, #tpu.memory_space<hbm>> -> memref<16x1024xf32, #tpu.memory_space<hbm>>
      %dma_start3A_1237 = arith.constant 0 : i32
      %dma_start3A_1238 = tpu.memref_slice %arg6[%add3A_789, %dma_start3A_1237] : memref<16384x1024xf32, #tpu.memory_space<hbm>> -> memref<16x1024xf32, #tpu.memory_space<hbm>>
      tpu.enqueue_dma source(%arg8 : memref<16x1024xf32, #tpu.memory_space<vmem>>) target(%dma_start3A_1238 : memref<16x1024xf32, #tpu.memory_space<hbm>>) target_semaphore(%arg11 : memref<!tpu.dma_semaphore, #tpu.memory_space<semaphore_mem>>)
    } else {
    }
    %mul3A_800 = arith.constant 4096 : i32
    %mul3A_801 = arith.muli %add3A, %mul3A_800 : i32
    %add3A_802 = arith.addi %mul3A_801, %mul3A_32 : i32
    %add3A_803 = arith.constant 416 : i32
    %add3A_804 = arith.addi %add3A_802, %add3A_803 : i32
    %lt3A_805 = arith.constant 26 : i32
    %lt3A_806 = arith.cmpi slt, %lt3A_805, %select_n3A_225 : i32
    %convert_element_type3A_807 = arith.extui %lt3A_806 : i1 to i32
    %cond3A_808 = arith.constant 0 : i32
    %cond3A_809 = arith.cmpi ne, %convert_element_type3A_807, %cond3A_808 : i32
    scf.if %cond3A_809 {
      %dma_start3A_1235 = arith.constant 0 : i32
      %dma_start3A_1236 = tpu.memref_slice %arg6[%add3A_804, %dma_start3A_1235] : memref<16384x1024xf32, #tpu.memory_space<hbm>> -> memref<16x1024xf32, #tpu.memory_space<hbm>>
      %dma_start3A_1237 = arith.constant 0 : i32
      %dma_start3A_1238 = tpu.memref_slice %arg6[%add3A_804, %dma_start3A_1237] : memref<16384x1024xf32, #tpu.memory_space<hbm>> -> memref<16x1024xf32, #tpu.memory_space<hbm>>
      tpu.enqueue_dma source(%arg7 : memref<16x1024xf32, #tpu.memory_space<vmem>>) target(%dma_start3A_1238 : memref<16x1024xf32, #tpu.memory_space<hbm>>) target_semaphore(%arg11 : memref<!tpu.dma_semaphore, #tpu.memory_space<semaphore_mem>>)
    } else {
    }
    %ge3A_810 = arith.constant 26 : i32
    %ge3A_811 = arith.cmpi sge, %ge3A_810, %select_n3A_253 : i32
    %convert_element_type3A_812 = arith.extui %ge3A_811 : i1 to i32
    %cond3A_813 = arith.constant 0 : i32
    %cond3A_814 = arith.cmpi ne, %convert_element_type3A_812, %cond3A_813 : i32
    scf.if %cond3A_814 {
      %dma_start3A_1235 = arith.constant 0 : i32
      %dma_start3A_1236 = tpu.memref_slice %arg6[%add3A_804, %dma_start3A_1235] : memref<16384x1024xf32, #tpu.memory_space<hbm>> -> memref<16x1024xf32, #tpu.memory_space<hbm>>
      %dma_start3A_1237 = arith.constant 0 : i32
      %dma_start3A_1238 = tpu.memref_slice %arg6[%add3A_804, %dma_start3A_1237] : memref<16384x1024xf32, #tpu.memory_space<hbm>> -> memref<16x1024xf32, #tpu.memory_space<hbm>>
      tpu.enqueue_dma source(%arg8 : memref<16x1024xf32, #tpu.memory_space<vmem>>) target(%dma_start3A_1238 : memref<16x1024xf32, #tpu.memory_space<hbm>>) target_semaphore(%arg11 : memref<!tpu.dma_semaphore, #tpu.memory_space<semaphore_mem>>)
    } else {
    }
    %mul3A_815 = arith.constant 4096 : i32
    %mul3A_816 = arith.muli %add3A, %mul3A_815 : i32
    %add3A_817 = arith.addi %mul3A_816, %mul3A_32 : i32
    %add3A_818 = arith.constant 432 : i32
    %add3A_819 = arith.addi %add3A_817, %add3A_818 : i32
    %lt3A_820 = arith.constant 27 : i32
    %lt3A_821 = arith.cmpi slt, %lt3A_820, %select_n3A_225 : i32
    %convert_element_type3A_822 = arith.extui %lt3A_821 : i1 to i32
    %cond3A_823 = arith.constant 0 : i32
    %cond3A_824 = arith.cmpi ne, %convert_element_type3A_822, %cond3A_823 : i32
    scf.if %cond3A_824 {
      %dma_start3A_1235 = arith.constant 0 : i32
      %dma_start3A_1236 = tpu.memref_slice %arg6[%add3A_819, %dma_start3A_1235] : memref<16384x1024xf32, #tpu.memory_space<hbm>> -> memref<16x1024xf32, #tpu.memory_space<hbm>>
      %dma_start3A_1237 = arith.constant 0 : i32
      %dma_start3A_1238 = tpu.memref_slice %arg6[%add3A_819, %dma_start3A_1237] : memref<16384x1024xf32, #tpu.memory_space<hbm>> -> memref<16x1024xf32, #tpu.memory_space<hbm>>
      tpu.enqueue_dma source(%arg7 : memref<16x1024xf32, #tpu.memory_space<vmem>>) target(%dma_start3A_1238 : memref<16x1024xf32, #tpu.memory_space<hbm>>) target_semaphore(%arg11 : memref<!tpu.dma_semaphore, #tpu.memory_space<semaphore_mem>>)
    } else {
    }
    %ge3A_825 = arith.constant 27 : i32
    %ge3A_826 = arith.cmpi sge, %ge3A_825, %select_n3A_253 : i32
    %convert_element_type3A_827 = arith.extui %ge3A_826 : i1 to i32
    %cond3A_828 = arith.constant 0 : i32
    %cond3A_829 = arith.cmpi ne, %convert_element_type3A_827, %cond3A_828 : i32
    scf.if %cond3A_829 {
      %dma_start3A_1235 = arith.constant 0 : i32
      %dma_start3A_1236 = tpu.memref_slice %arg6[%add3A_819, %dma_start3A_1235] : memref<16384x1024xf32, #tpu.memory_space<hbm>> -> memref<16x1024xf32, #tpu.memory_space<hbm>>
      %dma_start3A_1237 = arith.constant 0 : i32
      %dma_start3A_1238 = tpu.memref_slice %arg6[%add3A_819, %dma_start3A_1237] : memref<16384x1024xf32, #tpu.memory_space<hbm>> -> memref<16x1024xf32, #tpu.memory_space<hbm>>
      tpu.enqueue_dma source(%arg8 : memref<16x1024xf32, #tpu.memory_space<vmem>>) target(%dma_start3A_1238 : memref<16x1024xf32, #tpu.memory_space<hbm>>) target_semaphore(%arg11 : memref<!tpu.dma_semaphore, #tpu.memory_space<semaphore_mem>>)
    } else {
    }
    %mul3A_830 = arith.constant 4096 : i32
    %mul3A_831 = arith.muli %add3A, %mul3A_830 : i32
    %add3A_832 = arith.addi %mul3A_831, %mul3A_32 : i32
    %add3A_833 = arith.constant 448 : i32
    %add3A_834 = arith.addi %add3A_832, %add3A_833 : i32
    %lt3A_835 = arith.constant 28 : i32
    %lt3A_836 = arith.cmpi slt, %lt3A_835, %select_n3A_225 : i32
    %convert_element_type3A_837 = arith.extui %lt3A_836 : i1 to i32
    %cond3A_838 = arith.constant 0 : i32
    %cond3A_839 = arith.cmpi ne, %convert_element_type3A_837, %cond3A_838 : i32
    scf.if %cond3A_839 {
      %dma_start3A_1235 = arith.constant 0 : i32
      %dma_start3A_1236 = tpu.memref_slice %arg6[%add3A_834, %dma_start3A_1235] : memref<16384x1024xf32, #tpu.memory_space<hbm>> -> memref<16x1024xf32, #tpu.memory_space<hbm>>
      %dma_start3A_1237 = arith.constant 0 : i32
      %dma_start3A_1238 = tpu.memref_slice %arg6[%add3A_834, %dma_start3A_1237] : memref<16384x1024xf32, #tpu.memory_space<hbm>> -> memref<16x1024xf32, #tpu.memory_space<hbm>>
      tpu.enqueue_dma source(%arg7 : memref<16x1024xf32, #tpu.memory_space<vmem>>) target(%dma_start3A_1238 : memref<16x1024xf32, #tpu.memory_space<hbm>>) target_semaphore(%arg11 : memref<!tpu.dma_semaphore, #tpu.memory_space<semaphore_mem>>)
    } else {
    }
    %ge3A_840 = arith.constant 28 : i32
    %ge3A_841 = arith.cmpi sge, %ge3A_840, %select_n3A_253 : i32
    %convert_element_type3A_842 = arith.extui %ge3A_841 : i1 to i32
    %cond3A_843 = arith.constant 0 : i32
    %cond3A_844 = arith.cmpi ne, %convert_element_type3A_842, %cond3A_843 : i32
    scf.if %cond3A_844 {
      %dma_start3A_1235 = arith.constant 0 : i32
      %dma_start3A_1236 = tpu.memref_slice %arg6[%add3A_834, %dma_start3A_1235] : memref<16384x1024xf32, #tpu.memory_space<hbm>> -> memref<16x1024xf32, #tpu.memory_space<hbm>>
      %dma_start3A_1237 = arith.constant 0 : i32
      %dma_start3A_1238 = tpu.memref_slice %arg6[%add3A_834, %dma_start3A_1237] : memref<16384x1024xf32, #tpu.memory_space<hbm>> -> memref<16x1024xf32, #tpu.memory_space<hbm>>
      tpu.enqueue_dma source(%arg8 : memref<16x1024xf32, #tpu.memory_space<vmem>>) target(%dma_start3A_1238 : memref<16x1024xf32, #tpu.memory_space<hbm>>) target_semaphore(%arg11 : memref<!tpu.dma_semaphore, #tpu.memory_space<semaphore_mem>>)
    } else {
    }
    %mul3A_845 = arith.constant 4096 : i32
    %mul3A_846 = arith.muli %add3A, %mul3A_845 : i32
    %add3A_847 = arith.addi %mul3A_846, %mul3A_32 : i32
    %add3A_848 = arith.constant 464 : i32
    %add3A_849 = arith.addi %add3A_847, %add3A_848 : i32
    %lt3A_850 = arith.constant 29 : i32
    %lt3A_851 = arith.cmpi slt, %lt3A_850, %select_n3A_225 : i32
    %convert_element_type3A_852 = arith.extui %lt3A_851 : i1 to i32
    %cond3A_853 = arith.constant 0 : i32
    %cond3A_854 = arith.cmpi ne, %convert_element_type3A_852, %cond3A_853 : i32
    scf.if %cond3A_854 {
      %dma_start3A_1235 = arith.constant 0 : i32
      %dma_start3A_1236 = tpu.memref_slice %arg6[%add3A_849, %dma_start3A_1235] : memref<16384x1024xf32, #tpu.memory_space<hbm>> -> memref<16x1024xf32, #tpu.memory_space<hbm>>
      %dma_start3A_1237 = arith.constant 0 : i32
      %dma_start3A_1238 = tpu.memref_slice %arg6[%add3A_849, %dma_start3A_1237] : memref<16384x1024xf32, #tpu.memory_space<hbm>> -> memref<16x1024xf32, #tpu.memory_space<hbm>>
      tpu.enqueue_dma source(%arg7 : memref<16x1024xf32, #tpu.memory_space<vmem>>) target(%dma_start3A_1238 : memref<16x1024xf32, #tpu.memory_space<hbm>>) target_semaphore(%arg11 : memref<!tpu.dma_semaphore, #tpu.memory_space<semaphore_mem>>)
    } else {
    }
    %ge3A_855 = arith.constant 29 : i32
    %ge3A_856 = arith.cmpi sge, %ge3A_855, %select_n3A_253 : i32
    %convert_element_type3A_857 = arith.extui %ge3A_856 : i1 to i32
    %cond3A_858 = arith.constant 0 : i32
    %cond3A_859 = arith.cmpi ne, %convert_element_type3A_857, %cond3A_858 : i32
    scf.if %cond3A_859 {
      %dma_start3A_1235 = arith.constant 0 : i32
      %dma_start3A_1236 = tpu.memref_slice %arg6[%add3A_849, %dma_start3A_1235] : memref<16384x1024xf32, #tpu.memory_space<hbm>> -> memref<16x1024xf32, #tpu.memory_space<hbm>>
      %dma_start3A_1237 = arith.constant 0 : i32
      %dma_start3A_1238 = tpu.memref_slice %arg6[%add3A_849, %dma_start3A_1237] : memref<16384x1024xf32, #tpu.memory_space<hbm>> -> memref<16x1024xf32, #tpu.memory_space<hbm>>
      tpu.enqueue_dma source(%arg8 : memref<16x1024xf32, #tpu.memory_space<vmem>>) target(%dma_start3A_1238 : memref<16x1024xf32, #tpu.memory_space<hbm>>) target_semaphore(%arg11 : memref<!tpu.dma_semaphore, #tpu.memory_space<semaphore_mem>>)
    } else {
    }
    %mul3A_860 = arith.constant 4096 : i32
    %mul3A_861 = arith.muli %add3A, %mul3A_860 : i32
    %add3A_862 = arith.addi %mul3A_861, %mul3A_32 : i32
    %add3A_863 = arith.constant 480 : i32
    %add3A_864 = arith.addi %add3A_862, %add3A_863 : i32
    %lt3A_865 = arith.constant 30 : i32
    %lt3A_866 = arith.cmpi slt, %lt3A_865, %select_n3A_225 : i32
    %convert_element_type3A_867 = arith.extui %lt3A_866 : i1 to i32
    %cond3A_868 = arith.constant 0 : i32
    %cond3A_869 = arith.cmpi ne, %convert_element_type3A_867, %cond3A_868 : i32
    scf.if %cond3A_869 {
      %dma_start3A_1235 = arith.constant 0 : i32
      %dma_start3A_1236 = tpu.memref_slice %arg6[%add3A_864, %dma_start3A_1235] : memref<16384x1024xf32, #tpu.memory_space<hbm>> -> memref<16x1024xf32, #tpu.memory_space<hbm>>
      %dma_start3A_1237 = arith.constant 0 : i32
      %dma_start3A_1238 = tpu.memref_slice %arg6[%add3A_864, %dma_start3A_1237] : memref<16384x1024xf32, #tpu.memory_space<hbm>> -> memref<16x1024xf32, #tpu.memory_space<hbm>>
      tpu.enqueue_dma source(%arg7 : memref<16x1024xf32, #tpu.memory_space<vmem>>) target(%dma_start3A_1238 : memref<16x1024xf32, #tpu.memory_space<hbm>>) target_semaphore(%arg11 : memref<!tpu.dma_semaphore, #tpu.memory_space<semaphore_mem>>)
    } else {
    }
    %ge3A_870 = arith.constant 30 : i32
    %ge3A_871 = arith.cmpi sge, %ge3A_870, %select_n3A_253 : i32
    %convert_element_type3A_872 = arith.extui %ge3A_871 : i1 to i32
    %cond3A_873 = arith.constant 0 : i32
    %cond3A_874 = arith.cmpi ne, %convert_element_type3A_872, %cond3A_873 : i32
    scf.if %cond3A_874 {
      %dma_start3A_1235 = arith.constant 0 : i32
      %dma_start3A_1236 = tpu.memref_slice %arg6[%add3A_864, %dma_start3A_1235] : memref<16384x1024xf32, #tpu.memory_space<hbm>> -> memref<16x1024xf32, #tpu.memory_space<hbm>>
      %dma_start3A_1237 = arith.constant 0 : i32
      %dma_start3A_1238 = tpu.memref_slice %arg6[%add3A_864, %dma_start3A_1237] : memref<16384x1024xf32, #tpu.memory_space<hbm>> -> memref<16x1024xf32, #tpu.memory_space<hbm>>
      tpu.enqueue_dma source(%arg8 : memref<16x1024xf32, #tpu.memory_space<vmem>>) target(%dma_start3A_1238 : memref<16x1024xf32, #tpu.memory_space<hbm>>) target_semaphore(%arg11 : memref<!tpu.dma_semaphore, #tpu.memory_space<semaphore_mem>>)
    } else {
    }
    %mul3A_875 = arith.constant 4096 : i32
    %mul3A_876 = arith.muli %add3A, %mul3A_875 : i32
    %add3A_877 = arith.addi %mul3A_876, %mul3A_32 : i32
    %add3A_878 = arith.constant 496 : i32
    %add3A_879 = arith.addi %add3A_877, %add3A_878 : i32
    %lt3A_880 = arith.constant 31 : i32
    %lt3A_881 = arith.cmpi slt, %lt3A_880, %select_n3A_225 : i32
    %convert_element_type3A_882 = arith.extui %lt3A_881 : i1 to i32
    %cond3A_883 = arith.constant 0 : i32
    %cond3A_884 = arith.cmpi ne, %convert_element_type3A_882, %cond3A_883 : i32
    scf.if %cond3A_884 {
      %dma_start3A_1235 = arith.constant 0 : i32
      %dma_start3A_1236 = tpu.memref_slice %arg6[%add3A_879, %dma_start3A_1235] : memref<16384x1024xf32, #tpu.memory_space<hbm>> -> memref<16x1024xf32, #tpu.memory_space<hbm>>
      %dma_start3A_1237 = arith.constant 0 : i32
      %dma_start3A_1238 = tpu.memref_slice %arg6[%add3A_879, %dma_start3A_1237] : memref<16384x1024xf32, #tpu.memory_space<hbm>> -> memref<16x1024xf32, #tpu.memory_space<hbm>>
      tpu.enqueue_dma source(%arg7 : memref<16x1024xf32, #tpu.memory_space<vmem>>) target(%dma_start3A_1238 : memref<16x1024xf32, #tpu.memory_space<hbm>>) target_semaphore(%arg11 : memref<!tpu.dma_semaphore, #tpu.memory_space<semaphore_mem>>)
    } else {
    }
    %ge3A_885 = arith.constant 31 : i32
    %ge3A_886 = arith.cmpi sge, %ge3A_885, %select_n3A_253 : i32
    %convert_element_type3A_887 = arith.extui %ge3A_886 : i1 to i32
    %cond3A_888 = arith.constant 0 : i32
    %cond3A_889 = arith.cmpi ne, %convert_element_type3A_887, %cond3A_888 : i32
    scf.if %cond3A_889 {
      %dma_start3A_1235 = arith.constant 0 : i32
      %dma_start3A_1236 = tpu.memref_slice %arg6[%add3A_879, %dma_start3A_1235] : memref<16384x1024xf32, #tpu.memory_space<hbm>> -> memref<16x1024xf32, #tpu.memory_space<hbm>>
      %dma_start3A_1237 = arith.constant 0 : i32
      %dma_start3A_1238 = tpu.memref_slice %arg6[%add3A_879, %dma_start3A_1237] : memref<16384x1024xf32, #tpu.memory_space<hbm>> -> memref<16x1024xf32, #tpu.memory_space<hbm>>
      tpu.enqueue_dma source(%arg8 : memref<16x1024xf32, #tpu.memory_space<vmem>>) target(%dma_start3A_1238 : memref<16x1024xf32, #tpu.memory_space<hbm>>) target_semaphore(%arg11 : memref<!tpu.dma_semaphore, #tpu.memory_space<semaphore_mem>>)
    } else {
    }
    %mul3A_890 = arith.constant 16 : i32
    %mul3A_891 = arith.muli %select_n3A_225, %mul3A_890 : i32
    %while3A = arith.constant 0 : i32
    %while3A_892 = arith.subi %min3A, %mul3A_891 : i32
    %while3A_893 = arith.addi %mul3A_891, %while3A_892 : i32
    %while3A_894 = arith.constant 1 : i32
    %while3A_895 = arith.divsi %while3A_892, %while3A_894 : i32
    %while3A_896 = arith.muli %while3A_895, %while3A_894 : i32
    %while3A_897 = arith.addi %mul3A_891, %while3A_896 : i32
    %while3A_898 = arith.constant 1 : i32
    %while3A_899 = scf.for %while3A_1235 = %mul3A_891 to %while3A_897 step %while3A_898 iter_args(%while3A_1236 = %while3A) -> (i32)  : i32 {
      %mul3A_1237 = arith.constant 4096 : i32
      %mul3A_1238 = arith.muli %add3A, %mul3A_1237 : i32
      %add3A_1239 = arith.addi %mul3A_1238, %while3A_1235 : i32
      "tpu.region"() ({
        %run_scoped3A = tpu.sem_alloc : memref<!tpu.dma_semaphore, #tpu.memory_space<semaphore_mem>>
        %dma_start3A_1241 = arith.constant 0 : i32
        %dma_start3A_1242 = arith.constant 0 : i32
        %dma_start3A_1243 = tpu.memref_slice %arg7[%dma_start3A_1241, %dma_start3A_1242] : memref<16x1024xf32, #tpu.memory_space<vmem>> -> memref<1x1024xf32, #tpu.memory_space<vmem>>
        %dma_start3A_1244 = arith.constant 0 : i32
        %dma_start3A_1245 = tpu.memref_slice %arg6[%add3A_1239, %dma_start3A_1244] : memref<16384x1024xf32, #tpu.memory_space<hbm>> -> memref<1x1024xf32, #tpu.memory_space<hbm>>
        %dma_start3A_1246 = arith.constant 0 : i32
        %dma_start3A_1247 = tpu.memref_slice %arg6[%add3A_1239, %dma_start3A_1246] : memref<16384x1024xf32, #tpu.memory_space<hbm>> -> memref<1x1024xf32, #tpu.memory_space<hbm>>
        %dma_start3A_1248 = arith.constant 0 : i32
        %dma_start3A_1249 = arith.constant 0 : i32
        %dma_start3A_1250 = tpu.memref_slice %arg7[%dma_start3A_1248, %dma_start3A_1249] : memref<16x1024xf32, #tpu.memory_space<vmem>> -> memref<1x1024xf32, #tpu.memory_space<vmem>>
        tpu.enqueue_dma source(%dma_start3A_1250 : memref<1x1024xf32, #tpu.memory_space<vmem>>) target(%dma_start3A_1247 : memref<1x1024xf32, #tpu.memory_space<hbm>>) target_semaphore(%run_scoped3A : memref<!tpu.dma_semaphore, #tpu.memory_space<semaphore_mem>>)
        %dma_wait3A_1251 = arith.constant 0 : i32
        %dma_wait3A_1252 = arith.constant 0 : i32
        %dma_wait3A_1253 = tpu.memref_slice %arg7[%dma_wait3A_1251, %dma_wait3A_1252] : memref<16x1024xf32, #tpu.memory_space<vmem>> -> memref<1x1024xf32, #tpu.memory_space<vmem>>
        %dma_wait3A_1254 = arith.constant 0 : i32
        %dma_wait3A_1255 = tpu.memref_slice %arg6[%add3A_1239, %dma_wait3A_1254] : memref<16384x1024xf32, #tpu.memory_space<hbm>> -> memref<1x1024xf32, #tpu.memory_space<hbm>>
        %dma_wait3A_1256 = arith.constant 0 : i32
        %dma_wait3A_1257 = tpu.memref_slice %arg6[%add3A_1239, %dma_wait3A_1256] : memref<16384x1024xf32, #tpu.memory_space<hbm>> -> memref<1x1024xf32, #tpu.memory_space<hbm>>
        %dma_wait3A_1258 = arith.constant 0 : i32
        %dma_wait3A_1259 = arith.constant 0 : i32
        %dma_wait3A_1260 = tpu.memref_slice %arg7[%dma_wait3A_1258, %dma_wait3A_1259] : memref<16x1024xf32, #tpu.memory_space<vmem>> -> memref<1x1024xf32, #tpu.memory_space<vmem>>
        tpu.wait_dma2 semaphore(%run_scoped3A : memref<!tpu.dma_semaphore, #tpu.memory_space<semaphore_mem>>) src(%dma_wait3A_1260 : memref<1x1024xf32, #tpu.memory_space<vmem>>) dst(%dma_wait3A_1257 : memref<1x1024xf32, #tpu.memory_space<hbm>>)
        tpu.yield
      }) : () -> ()
      %while3A_1240 = arith.constant 0 : i32
      scf.yield %while3A_1240 : i32
    }
    %while3A_900 = arith.constant 1 : i32
    %while3A_901 = scf.for %while3A_1235 = %while3A_897 to %while3A_893 step %while3A_900 iter_args(%while3A_1236 = %while3A_899) -> (i32)  : i32 {
      %mul3A_1237 = arith.constant 4096 : i32
      %mul3A_1238 = arith.muli %add3A, %mul3A_1237 : i32
      %add3A_1239 = arith.addi %mul3A_1238, %while3A_1235 : i32
      "tpu.region"() ({
        %run_scoped3A = tpu.sem_alloc : memref<!tpu.dma_semaphore, #tpu.memory_space<semaphore_mem>>
        %dma_start3A_1241 = arith.constant 0 : i32
        %dma_start3A_1242 = arith.constant 0 : i32
        %dma_start3A_1243 = tpu.memref_slice %arg7[%dma_start3A_1241, %dma_start3A_1242] : memref<16x1024xf32, #tpu.memory_space<vmem>> -> memref<1x1024xf32, #tpu.memory_space<vmem>>
        %dma_start3A_1244 = arith.constant 0 : i32
        %dma_start3A_1245 = tpu.memref_slice %arg6[%add3A_1239, %dma_start3A_1244] : memref<16384x1024xf32, #tpu.memory_space<hbm>> -> memref<1x1024xf32, #tpu.memory_space<hbm>>
        %dma_start3A_1246 = arith.constant 0 : i32
        %dma_start3A_1247 = tpu.memref_slice %arg6[%add3A_1239, %dma_start3A_1246] : memref<16384x1024xf32, #tpu.memory_space<hbm>> -> memref<1x1024xf32, #tpu.memory_space<hbm>>
        %dma_start3A_1248 = arith.constant 0 : i32
        %dma_start3A_1249 = arith.constant 0 : i32
        %dma_start3A_1250 = tpu.memref_slice %arg7[%dma_start3A_1248, %dma_start3A_1249] : memref<16x1024xf32, #tpu.memory_space<vmem>> -> memref<1x1024xf32, #tpu.memory_space<vmem>>
        tpu.enqueue_dma source(%dma_start3A_1250 : memref<1x1024xf32, #tpu.memory_space<vmem>>) target(%dma_start3A_1247 : memref<1x1024xf32, #tpu.memory_space<hbm>>) target_semaphore(%run_scoped3A : memref<!tpu.dma_semaphore, #tpu.memory_space<semaphore_mem>>)
        %dma_wait3A_1251 = arith.constant 0 : i32
        %dma_wait3A_1252 = arith.constant 0 : i32
        %dma_wait3A_1253 = tpu.memref_slice %arg7[%dma_wait3A_1251, %dma_wait3A_1252] : memref<16x1024xf32, #tpu.memory_space<vmem>> -> memref<1x1024xf32, #tpu.memory_space<vmem>>
        %dma_wait3A_1254 = arith.constant 0 : i32
        %dma_wait3A_1255 = tpu.memref_slice %arg6[%add3A_1239, %dma_wait3A_1254] : memref<16384x1024xf32, #tpu.memory_space<hbm>> -> memref<1x1024xf32, #tpu.memory_space<hbm>>
        %dma_wait3A_1256 = arith.constant 0 : i32
        %dma_wait3A_1257 = tpu.memref_slice %arg6[%add3A_1239, %dma_wait3A_1256] : memref<16384x1024xf32, #tpu.memory_space<hbm>> -> memref<1x1024xf32, #tpu.memory_space<hbm>>
        %dma_wait3A_1258 = arith.constant 0 : i32
        %dma_wait3A_1259 = arith.constant 0 : i32
        %dma_wait3A_1260 = tpu.memref_slice %arg7[%dma_wait3A_1258, %dma_wait3A_1259] : memref<16x1024xf32, #tpu.memory_space<vmem>> -> memref<1x1024xf32, #tpu.memory_space<vmem>>
        tpu.wait_dma2 semaphore(%run_scoped3A : memref<!tpu.dma_semaphore, #tpu.memory_space<semaphore_mem>>) src(%dma_wait3A_1260 : memref<1x1024xf32, #tpu.memory_space<vmem>>) dst(%dma_wait3A_1257 : memref<1x1024xf32, #tpu.memory_space<hbm>>)
        tpu.yield
      }) : () -> ()
      %while3A_1240 = arith.constant 0 : i32
      scf.yield %while3A_1240 : i32
    }
    %mul3A_902 = arith.constant 16 : i32
    %mul3A_903 = arith.muli %select_n3A_253, %mul3A_902 : i32
    %while3A_904 = arith.constant 0 : i32
    %while3A_905 = arith.subi %mul3A_903, %min3A : i32
    %while3A_906 = arith.addi %min3A, %while3A_905 : i32
    %while3A_907 = arith.constant 1 : i32
    %while3A_908 = arith.divsi %while3A_905, %while3A_907 : i32
    %while3A_909 = arith.muli %while3A_908, %while3A_907 : i32
    %while3A_910 = arith.addi %min3A, %while3A_909 : i32
    %while3A_911 = arith.constant 1 : i32
    %while3A_912 = scf.for %while3A_1235 = %min3A to %while3A_910 step %while3A_911 iter_args(%while3A_1236 = %while3A_904) -> (i32)  : i32 {
      %mul3A_1237 = arith.constant 4096 : i32
      %mul3A_1238 = arith.muli %add3A, %mul3A_1237 : i32
      %add3A_1239 = arith.addi %mul3A_1238, %while3A_1235 : i32
      "tpu.region"() ({
        %run_scoped3A = tpu.sem_alloc : memref<!tpu.dma_semaphore, #tpu.memory_space<semaphore_mem>>
        %dma_start3A_1241 = arith.constant 0 : i32
        %dma_start3A_1242 = arith.constant 0 : i32
        %dma_start3A_1243 = tpu.memref_slice %arg8[%dma_start3A_1241, %dma_start3A_1242] : memref<16x1024xf32, #tpu.memory_space<vmem>> -> memref<1x1024xf32, #tpu.memory_space<vmem>>
        %dma_start3A_1244 = arith.constant 0 : i32
        %dma_start3A_1245 = tpu.memref_slice %arg6[%add3A_1239, %dma_start3A_1244] : memref<16384x1024xf32, #tpu.memory_space<hbm>> -> memref<1x1024xf32, #tpu.memory_space<hbm>>
        %dma_start3A_1246 = arith.constant 0 : i32
        %dma_start3A_1247 = tpu.memref_slice %arg6[%add3A_1239, %dma_start3A_1246] : memref<16384x1024xf32, #tpu.memory_space<hbm>> -> memref<1x1024xf32, #tpu.memory_space<hbm>>
        %dma_start3A_1248 = arith.constant 0 : i32
        %dma_start3A_1249 = arith.constant 0 : i32
        %dma_start3A_1250 = tpu.memref_slice %arg8[%dma_start3A_1248, %dma_start3A_1249] : memref<16x1024xf32, #tpu.memory_space<vmem>> -> memref<1x1024xf32, #tpu.memory_space<vmem>>
        tpu.enqueue_dma source(%dma_start3A_1250 : memref<1x1024xf32, #tpu.memory_space<vmem>>) target(%dma_start3A_1247 : memref<1x1024xf32, #tpu.memory_space<hbm>>) target_semaphore(%run_scoped3A : memref<!tpu.dma_semaphore, #tpu.memory_space<semaphore_mem>>)
        %dma_wait3A_1251 = arith.constant 0 : i32
        %dma_wait3A_1252 = arith.constant 0 : i32
        %dma_wait3A_1253 = tpu.memref_slice %arg8[%dma_wait3A_1251, %dma_wait3A_1252] : memref<16x1024xf32, #tpu.memory_space<vmem>> -> memref<1x1024xf32, #tpu.memory_space<vmem>>
        %dma_wait3A_1254 = arith.constant 0 : i32
        %dma_wait3A_1255 = tpu.memref_slice %arg6[%add3A_1239, %dma_wait3A_1254] : memref<16384x1024xf32, #tpu.memory_space<hbm>> -> memref<1x1024xf32, #tpu.memory_space<hbm>>
        %dma_wait3A_1256 = arith.constant 0 : i32
        %dma_wait3A_1257 = tpu.memref_slice %arg6[%add3A_1239, %dma_wait3A_1256] : memref<16384x1024xf32, #tpu.memory_space<hbm>> -> memref<1x1024xf32, #tpu.memory_space<hbm>>
        %dma_wait3A_1258 = arith.constant 0 : i32
        %dma_wait3A_1259 = arith.constant 0 : i32
        %dma_wait3A_1260 = tpu.memref_slice %arg8[%dma_wait3A_1258, %dma_wait3A_1259] : memref<16x1024xf32, #tpu.memory_space<vmem>> -> memref<1x1024xf32, #tpu.memory_space<vmem>>
        tpu.wait_dma2 semaphore(%run_scoped3A : memref<!tpu.dma_semaphore, #tpu.memory_space<semaphore_mem>>) src(%dma_wait3A_1260 : memref<1x1024xf32, #tpu.memory_space<vmem>>) dst(%dma_wait3A_1257 : memref<1x1024xf32, #tpu.memory_space<hbm>>)
        tpu.yield
      }) : () -> ()
      %while3A_1240 = arith.constant 0 : i32
      scf.yield %while3A_1240 : i32
    }
    %while3A_913 = arith.constant 1 : i32
    %while3A_914 = scf.for %while3A_1235 = %while3A_910 to %while3A_906 step %while3A_913 iter_args(%while3A_1236 = %while3A_912) -> (i32)  : i32 {
      %mul3A_1237 = arith.constant 4096 : i32
      %mul3A_1238 = arith.muli %add3A, %mul3A_1237 : i32
      %add3A_1239 = arith.addi %mul3A_1238, %while3A_1235 : i32
      "tpu.region"() ({
        %run_scoped3A = tpu.sem_alloc : memref<!tpu.dma_semaphore, #tpu.memory_space<semaphore_mem>>
        %dma_start3A_1241 = arith.constant 0 : i32
        %dma_start3A_1242 = arith.constant 0 : i32
        %dma_start3A_1243 = tpu.memref_slice %arg8[%dma_start3A_1241, %dma_start3A_1242] : memref<16x1024xf32, #tpu.memory_space<vmem>> -> memref<1x1024xf32, #tpu.memory_space<vmem>>
        %dma_start3A_1244 = arith.constant 0 : i32
        %dma_start3A_1245 = tpu.memref_slice %arg6[%add3A_1239, %dma_start3A_1244] : memref<16384x1024xf32, #tpu.memory_space<hbm>> -> memref<1x1024xf32, #tpu.memory_space<hbm>>
        %dma_start3A_1246 = arith.constant 0 : i32
        %dma_start3A_1247 = tpu.memref_slice %arg6[%add3A_1239, %dma_start3A_1246] : memref<16384x1024xf32, #tpu.memory_space<hbm>> -> memref<1x1024xf32, #tpu.memory_space<hbm>>
        %dma_start3A_1248 = arith.constant 0 : i32
        %dma_start3A_1249 = arith.constant 0 : i32
        %dma_start3A_1250 = tpu.memref_slice %arg8[%dma_start3A_1248, %dma_start3A_1249] : memref<16x1024xf32, #tpu.memory_space<vmem>> -> memref<1x1024xf32, #tpu.memory_space<vmem>>
        tpu.enqueue_dma source(%dma_start3A_1250 : memref<1x1024xf32, #tpu.memory_space<vmem>>) target(%dma_start3A_1247 : memref<1x1024xf32, #tpu.memory_space<hbm>>) target_semaphore(%run_scoped3A : memref<!tpu.dma_semaphore, #tpu.memory_space<semaphore_mem>>)
        %dma_wait3A_1251 = arith.constant 0 : i32
        %dma_wait3A_1252 = arith.constant 0 : i32
        %dma_wait3A_1253 = tpu.memref_slice %arg8[%dma_wait3A_1251, %dma_wait3A_1252] : memref<16x1024xf32, #tpu.memory_space<vmem>> -> memref<1x1024xf32, #tpu.memory_space<vmem>>
        %dma_wait3A_1254 = arith.constant 0 : i32
        %dma_wait3A_1255 = tpu.memref_slice %arg6[%add3A_1239, %dma_wait3A_1254] : memref<16384x1024xf32, #tpu.memory_space<hbm>> -> memref<1x1024xf32, #tpu.memory_space<hbm>>
        %dma_wait3A_1256 = arith.constant 0 : i32
        %dma_wait3A_1257 = tpu.memref_slice %arg6[%add3A_1239, %dma_wait3A_1256] : memref<16384x1024xf32, #tpu.memory_space<hbm>> -> memref<1x1024xf32, #tpu.memory_space<hbm>>
        %dma_wait3A_1258 = arith.constant 0 : i32
        %dma_wait3A_1259 = arith.constant 0 : i32
        %dma_wait3A_1260 = tpu.memref_slice %arg8[%dma_wait3A_1258, %dma_wait3A_1259] : memref<16x1024xf32, #tpu.memory_space<vmem>> -> memref<1x1024xf32, #tpu.memory_space<vmem>>
        tpu.wait_dma2 semaphore(%run_scoped3A : memref<!tpu.dma_semaphore, #tpu.memory_space<semaphore_mem>>) src(%dma_wait3A_1260 : memref<1x1024xf32, #tpu.memory_space<vmem>>) dst(%dma_wait3A_1257 : memref<1x1024xf32, #tpu.memory_space<hbm>>)
        tpu.yield
      }) : () -> ()
      %while3A_1240 = arith.constant 0 : i32
      scf.yield %while3A_1240 : i32
    }
    %lt3A_915 = arith.constant 0 : i32
    %lt3A_916 = arith.cmpi slt, %lt3A_915, %select_n3A_225 : i32
    %convert_element_type3A_917 = arith.extui %lt3A_916 : i1 to i32
    %cond3A_918 = arith.constant 0 : i32
    %cond3A_919 = arith.cmpi ne, %convert_element_type3A_917, %cond3A_918 : i32
    scf.if %cond3A_919 {
      %dma_wait3A_1235 = arith.constant 0 : i32
      %dma_wait3A_1236 = tpu.memref_slice %arg6[%add3A_417, %dma_wait3A_1235] : memref<16384x1024xf32, #tpu.memory_space<hbm>> -> memref<16x1024xf32, #tpu.memory_space<hbm>>
      %dma_wait3A_1237 = arith.constant 0 : i32
      %dma_wait3A_1238 = tpu.memref_slice %arg6[%add3A_417, %dma_wait3A_1237] : memref<16384x1024xf32, #tpu.memory_space<hbm>> -> memref<16x1024xf32, #tpu.memory_space<hbm>>
      tpu.wait_dma2 semaphore(%arg11 : memref<!tpu.dma_semaphore, #tpu.memory_space<semaphore_mem>>) src(%arg7 : memref<16x1024xf32, #tpu.memory_space<vmem>>) dst(%dma_wait3A_1238 : memref<16x1024xf32, #tpu.memory_space<hbm>>)
    } else {
    }
    %ge3A_920 = arith.constant 0 : i32
    %ge3A_921 = arith.cmpi sge, %ge3A_920, %select_n3A_253 : i32
    %convert_element_type3A_922 = arith.extui %ge3A_921 : i1 to i32
    %cond3A_923 = arith.constant 0 : i32
    %cond3A_924 = arith.cmpi ne, %convert_element_type3A_922, %cond3A_923 : i32
    scf.if %cond3A_924 {
      %dma_wait3A_1235 = arith.constant 0 : i32
      %dma_wait3A_1236 = tpu.memref_slice %arg6[%add3A_417, %dma_wait3A_1235] : memref<16384x1024xf32, #tpu.memory_space<hbm>> -> memref<16x1024xf32, #tpu.memory_space<hbm>>
      %dma_wait3A_1237 = arith.constant 0 : i32
      %dma_wait3A_1238 = tpu.memref_slice %arg6[%add3A_417, %dma_wait3A_1237] : memref<16384x1024xf32, #tpu.memory_space<hbm>> -> memref<16x1024xf32, #tpu.memory_space<hbm>>
      tpu.wait_dma2 semaphore(%arg11 : memref<!tpu.dma_semaphore, #tpu.memory_space<semaphore_mem>>) src(%arg8 : memref<16x1024xf32, #tpu.memory_space<vmem>>) dst(%dma_wait3A_1238 : memref<16x1024xf32, #tpu.memory_space<hbm>>)
    } else {
    }
    %lt3A_925 = arith.constant 1 : i32
    %lt3A_926 = arith.cmpi slt, %lt3A_925, %select_n3A_225 : i32
    %convert_element_type3A_927 = arith.extui %lt3A_926 : i1 to i32
    %cond3A_928 = arith.constant 0 : i32
    %cond3A_929 = arith.cmpi ne, %convert_element_type3A_927, %cond3A_928 : i32
    scf.if %cond3A_929 {
      %dma_wait3A_1235 = arith.constant 0 : i32
      %dma_wait3A_1236 = tpu.memref_slice %arg6[%add3A_429, %dma_wait3A_1235] : memref<16384x1024xf32, #tpu.memory_space<hbm>> -> memref<16x1024xf32, #tpu.memory_space<hbm>>
      %dma_wait3A_1237 = arith.constant 0 : i32
      %dma_wait3A_1238 = tpu.memref_slice %arg6[%add3A_429, %dma_wait3A_1237] : memref<16384x1024xf32, #tpu.memory_space<hbm>> -> memref<16x1024xf32, #tpu.memory_space<hbm>>
      tpu.wait_dma2 semaphore(%arg11 : memref<!tpu.dma_semaphore, #tpu.memory_space<semaphore_mem>>) src(%arg7 : memref<16x1024xf32, #tpu.memory_space<vmem>>) dst(%dma_wait3A_1238 : memref<16x1024xf32, #tpu.memory_space<hbm>>)
    } else {
    }
    %ge3A_930 = arith.constant 1 : i32
    %ge3A_931 = arith.cmpi sge, %ge3A_930, %select_n3A_253 : i32
    %convert_element_type3A_932 = arith.extui %ge3A_931 : i1 to i32
    %cond3A_933 = arith.constant 0 : i32
    %cond3A_934 = arith.cmpi ne, %convert_element_type3A_932, %cond3A_933 : i32
    scf.if %cond3A_934 {
      %dma_wait3A_1235 = arith.constant 0 : i32
      %dma_wait3A_1236 = tpu.memref_slice %arg6[%add3A_429, %dma_wait3A_1235] : memref<16384x1024xf32, #tpu.memory_space<hbm>> -> memref<16x1024xf32, #tpu.memory_space<hbm>>
      %dma_wait3A_1237 = arith.constant 0 : i32
      %dma_wait3A_1238 = tpu.memref_slice %arg6[%add3A_429, %dma_wait3A_1237] : memref<16384x1024xf32, #tpu.memory_space<hbm>> -> memref<16x1024xf32, #tpu.memory_space<hbm>>
      tpu.wait_dma2 semaphore(%arg11 : memref<!tpu.dma_semaphore, #tpu.memory_space<semaphore_mem>>) src(%arg8 : memref<16x1024xf32, #tpu.memory_space<vmem>>) dst(%dma_wait3A_1238 : memref<16x1024xf32, #tpu.memory_space<hbm>>)
    } else {
    }
    %lt3A_935 = arith.constant 2 : i32
    %lt3A_936 = arith.cmpi slt, %lt3A_935, %select_n3A_225 : i32
    %convert_element_type3A_937 = arith.extui %lt3A_936 : i1 to i32
    %cond3A_938 = arith.constant 0 : i32
    %cond3A_939 = arith.cmpi ne, %convert_element_type3A_937, %cond3A_938 : i32
    scf.if %cond3A_939 {
      %dma_wait3A_1235 = arith.constant 0 : i32
      %dma_wait3A_1236 = tpu.memref_slice %arg6[%add3A_444, %dma_wait3A_1235] : memref<16384x1024xf32, #tpu.memory_space<hbm>> -> memref<16x1024xf32, #tpu.memory_space<hbm>>
      %dma_wait3A_1237 = arith.constant 0 : i32
      %dma_wait3A_1238 = tpu.memref_slice %arg6[%add3A_444, %dma_wait3A_1237] : memref<16384x1024xf32, #tpu.memory_space<hbm>> -> memref<16x1024xf32, #tpu.memory_space<hbm>>
      tpu.wait_dma2 semaphore(%arg11 : memref<!tpu.dma_semaphore, #tpu.memory_space<semaphore_mem>>) src(%arg7 : memref<16x1024xf32, #tpu.memory_space<vmem>>) dst(%dma_wait3A_1238 : memref<16x1024xf32, #tpu.memory_space<hbm>>)
    } else {
    }
    %ge3A_940 = arith.constant 2 : i32
    %ge3A_941 = arith.cmpi sge, %ge3A_940, %select_n3A_253 : i32
    %convert_element_type3A_942 = arith.extui %ge3A_941 : i1 to i32
    %cond3A_943 = arith.constant 0 : i32
    %cond3A_944 = arith.cmpi ne, %convert_element_type3A_942, %cond3A_943 : i32
    scf.if %cond3A_944 {
      %dma_wait3A_1235 = arith.constant 0 : i32
      %dma_wait3A_1236 = tpu.memref_slice %arg6[%add3A_444, %dma_wait3A_1235] : memref<16384x1024xf32, #tpu.memory_space<hbm>> -> memref<16x1024xf32, #tpu.memory_space<hbm>>
      %dma_wait3A_1237 = arith.constant 0 : i32
      %dma_wait3A_1238 = tpu.memref_slice %arg6[%add3A_444, %dma_wait3A_1237] : memref<16384x1024xf32, #tpu.memory_space<hbm>> -> memref<16x1024xf32, #tpu.memory_space<hbm>>
      tpu.wait_dma2 semaphore(%arg11 : memref<!tpu.dma_semaphore, #tpu.memory_space<semaphore_mem>>) src(%arg8 : memref<16x1024xf32, #tpu.memory_space<vmem>>) dst(%dma_wait3A_1238 : memref<16x1024xf32, #tpu.memory_space<hbm>>)
    } else {
    }
    %lt3A_945 = arith.constant 3 : i32
    %lt3A_946 = arith.cmpi slt, %lt3A_945, %select_n3A_225 : i32
    %convert_element_type3A_947 = arith.extui %lt3A_946 : i1 to i32
    %cond3A_948 = arith.constant 0 : i32
    %cond3A_949 = arith.cmpi ne, %convert_element_type3A_947, %cond3A_948 : i32
    scf.if %cond3A_949 {
      %dma_wait3A_1235 = arith.constant 0 : i32
      %dma_wait3A_1236 = tpu.memref_slice %arg6[%add3A_459, %dma_wait3A_1235] : memref<16384x1024xf32, #tpu.memory_space<hbm>> -> memref<16x1024xf32, #tpu.memory_space<hbm>>
      %dma_wait3A_1237 = arith.constant 0 : i32
      %dma_wait3A_1238 = tpu.memref_slice %arg6[%add3A_459, %dma_wait3A_1237] : memref<16384x1024xf32, #tpu.memory_space<hbm>> -> memref<16x1024xf32, #tpu.memory_space<hbm>>
      tpu.wait_dma2 semaphore(%arg11 : memref<!tpu.dma_semaphore, #tpu.memory_space<semaphore_mem>>) src(%arg7 : memref<16x1024xf32, #tpu.memory_space<vmem>>) dst(%dma_wait3A_1238 : memref<16x1024xf32, #tpu.memory_space<hbm>>)
    } else {
    }
    %ge3A_950 = arith.constant 3 : i32
    %ge3A_951 = arith.cmpi sge, %ge3A_950, %select_n3A_253 : i32
    %convert_element_type3A_952 = arith.extui %ge3A_951 : i1 to i32
    %cond3A_953 = arith.constant 0 : i32
    %cond3A_954 = arith.cmpi ne, %convert_element_type3A_952, %cond3A_953 : i32
    scf.if %cond3A_954 {
      %dma_wait3A_1235 = arith.constant 0 : i32
      %dma_wait3A_1236 = tpu.memref_slice %arg6[%add3A_459, %dma_wait3A_1235] : memref<16384x1024xf32, #tpu.memory_space<hbm>> -> memref<16x1024xf32, #tpu.memory_space<hbm>>
      %dma_wait3A_1237 = arith.constant 0 : i32
      %dma_wait3A_1238 = tpu.memref_slice %arg6[%add3A_459, %dma_wait3A_1237] : memref<16384x1024xf32, #tpu.memory_space<hbm>> -> memref<16x1024xf32, #tpu.memory_space<hbm>>
      tpu.wait_dma2 semaphore(%arg11 : memref<!tpu.dma_semaphore, #tpu.memory_space<semaphore_mem>>) src(%arg8 : memref<16x1024xf32, #tpu.memory_space<vmem>>) dst(%dma_wait3A_1238 : memref<16x1024xf32, #tpu.memory_space<hbm>>)
    } else {
    }
    %lt3A_955 = arith.constant 4 : i32
    %lt3A_956 = arith.cmpi slt, %lt3A_955, %select_n3A_225 : i32
    %convert_element_type3A_957 = arith.extui %lt3A_956 : i1 to i32
    %cond3A_958 = arith.constant 0 : i32
    %cond3A_959 = arith.cmpi ne, %convert_element_type3A_957, %cond3A_958 : i32
    scf.if %cond3A_959 {
      %dma_wait3A_1235 = arith.constant 0 : i32
      %dma_wait3A_1236 = tpu.memref_slice %arg6[%add3A_474, %dma_wait3A_1235] : memref<16384x1024xf32, #tpu.memory_space<hbm>> -> memref<16x1024xf32, #tpu.memory_space<hbm>>
      %dma_wait3A_1237 = arith.constant 0 : i32
      %dma_wait3A_1238 = tpu.memref_slice %arg6[%add3A_474, %dma_wait3A_1237] : memref<16384x1024xf32, #tpu.memory_space<hbm>> -> memref<16x1024xf32, #tpu.memory_space<hbm>>
      tpu.wait_dma2 semaphore(%arg11 : memref<!tpu.dma_semaphore, #tpu.memory_space<semaphore_mem>>) src(%arg7 : memref<16x1024xf32, #tpu.memory_space<vmem>>) dst(%dma_wait3A_1238 : memref<16x1024xf32, #tpu.memory_space<hbm>>)
    } else {
    }
    %ge3A_960 = arith.constant 4 : i32
    %ge3A_961 = arith.cmpi sge, %ge3A_960, %select_n3A_253 : i32
    %convert_element_type3A_962 = arith.extui %ge3A_961 : i1 to i32
    %cond3A_963 = arith.constant 0 : i32
    %cond3A_964 = arith.cmpi ne, %convert_element_type3A_962, %cond3A_963 : i32
    scf.if %cond3A_964 {
      %dma_wait3A_1235 = arith.constant 0 : i32
      %dma_wait3A_1236 = tpu.memref_slice %arg6[%add3A_474, %dma_wait3A_1235] : memref<16384x1024xf32, #tpu.memory_space<hbm>> -> memref<16x1024xf32, #tpu.memory_space<hbm>>
      %dma_wait3A_1237 = arith.constant 0 : i32
      %dma_wait3A_1238 = tpu.memref_slice %arg6[%add3A_474, %dma_wait3A_1237] : memref<16384x1024xf32, #tpu.memory_space<hbm>> -> memref<16x1024xf32, #tpu.memory_space<hbm>>
      tpu.wait_dma2 semaphore(%arg11 : memref<!tpu.dma_semaphore, #tpu.memory_space<semaphore_mem>>) src(%arg8 : memref<16x1024xf32, #tpu.memory_space<vmem>>) dst(%dma_wait3A_1238 : memref<16x1024xf32, #tpu.memory_space<hbm>>)
    } else {
    }
    %lt3A_965 = arith.constant 5 : i32
    %lt3A_966 = arith.cmpi slt, %lt3A_965, %select_n3A_225 : i32
    %convert_element_type3A_967 = arith.extui %lt3A_966 : i1 to i32
    %cond3A_968 = arith.constant 0 : i32
    %cond3A_969 = arith.cmpi ne, %convert_element_type3A_967, %cond3A_968 : i32
    scf.if %cond3A_969 {
      %dma_wait3A_1235 = arith.constant 0 : i32
      %dma_wait3A_1236 = tpu.memref_slice %arg6[%add3A_489, %dma_wait3A_1235] : memref<16384x1024xf32, #tpu.memory_space<hbm>> -> memref<16x1024xf32, #tpu.memory_space<hbm>>
      %dma_wait3A_1237 = arith.constant 0 : i32
      %dma_wait3A_1238 = tpu.memref_slice %arg6[%add3A_489, %dma_wait3A_1237] : memref<16384x1024xf32, #tpu.memory_space<hbm>> -> memref<16x1024xf32, #tpu.memory_space<hbm>>
      tpu.wait_dma2 semaphore(%arg11 : memref<!tpu.dma_semaphore, #tpu.memory_space<semaphore_mem>>) src(%arg7 : memref<16x1024xf32, #tpu.memory_space<vmem>>) dst(%dma_wait3A_1238 : memref<16x1024xf32, #tpu.memory_space<hbm>>)
    } else {
    }
    %ge3A_970 = arith.constant 5 : i32
    %ge3A_971 = arith.cmpi sge, %ge3A_970, %select_n3A_253 : i32
    %convert_element_type3A_972 = arith.extui %ge3A_971 : i1 to i32
    %cond3A_973 = arith.constant 0 : i32
    %cond3A_974 = arith.cmpi ne, %convert_element_type3A_972, %cond3A_973 : i32
    scf.if %cond3A_974 {
      %dma_wait3A_1235 = arith.constant 0 : i32
      %dma_wait3A_1236 = tpu.memref_slice %arg6[%add3A_489, %dma_wait3A_1235] : memref<16384x1024xf32, #tpu.memory_space<hbm>> -> memref<16x1024xf32, #tpu.memory_space<hbm>>
      %dma_wait3A_1237 = arith.constant 0 : i32
      %dma_wait3A_1238 = tpu.memref_slice %arg6[%add3A_489, %dma_wait3A_1237] : memref<16384x1024xf32, #tpu.memory_space<hbm>> -> memref<16x1024xf32, #tpu.memory_space<hbm>>
      tpu.wait_dma2 semaphore(%arg11 : memref<!tpu.dma_semaphore, #tpu.memory_space<semaphore_mem>>) src(%arg8 : memref<16x1024xf32, #tpu.memory_space<vmem>>) dst(%dma_wait3A_1238 : memref<16x1024xf32, #tpu.memory_space<hbm>>)
    } else {
    }
    %lt3A_975 = arith.constant 6 : i32
    %lt3A_976 = arith.cmpi slt, %lt3A_975, %select_n3A_225 : i32
    %convert_element_type3A_977 = arith.extui %lt3A_976 : i1 to i32
    %cond3A_978 = arith.constant 0 : i32
    %cond3A_979 = arith.cmpi ne, %convert_element_type3A_977, %cond3A_978 : i32
    scf.if %cond3A_979 {
      %dma_wait3A_1235 = arith.constant 0 : i32
      %dma_wait3A_1236 = tpu.memref_slice %arg6[%add3A_504, %dma_wait3A_1235] : memref<16384x1024xf32, #tpu.memory_space<hbm>> -> memref<16x1024xf32, #tpu.memory_space<hbm>>
      %dma_wait3A_1237 = arith.constant 0 : i32
      %dma_wait3A_1238 = tpu.memref_slice %arg6[%add3A_504, %dma_wait3A_1237] : memref<16384x1024xf32, #tpu.memory_space<hbm>> -> memref<16x1024xf32, #tpu.memory_space<hbm>>
      tpu.wait_dma2 semaphore(%arg11 : memref<!tpu.dma_semaphore, #tpu.memory_space<semaphore_mem>>) src(%arg7 : memref<16x1024xf32, #tpu.memory_space<vmem>>) dst(%dma_wait3A_1238 : memref<16x1024xf32, #tpu.memory_space<hbm>>)
    } else {
    }
    %ge3A_980 = arith.constant 6 : i32
    %ge3A_981 = arith.cmpi sge, %ge3A_980, %select_n3A_253 : i32
    %convert_element_type3A_982 = arith.extui %ge3A_981 : i1 to i32
    %cond3A_983 = arith.constant 0 : i32
    %cond3A_984 = arith.cmpi ne, %convert_element_type3A_982, %cond3A_983 : i32
    scf.if %cond3A_984 {
      %dma_wait3A_1235 = arith.constant 0 : i32
      %dma_wait3A_1236 = tpu.memref_slice %arg6[%add3A_504, %dma_wait3A_1235] : memref<16384x1024xf32, #tpu.memory_space<hbm>> -> memref<16x1024xf32, #tpu.memory_space<hbm>>
      %dma_wait3A_1237 = arith.constant 0 : i32
      %dma_wait3A_1238 = tpu.memref_slice %arg6[%add3A_504, %dma_wait3A_1237] : memref<16384x1024xf32, #tpu.memory_space<hbm>> -> memref<16x1024xf32, #tpu.memory_space<hbm>>
      tpu.wait_dma2 semaphore(%arg11 : memref<!tpu.dma_semaphore, #tpu.memory_space<semaphore_mem>>) src(%arg8 : memref<16x1024xf32, #tpu.memory_space<vmem>>) dst(%dma_wait3A_1238 : memref<16x1024xf32, #tpu.memory_space<hbm>>)
    } else {
    }
    %lt3A_985 = arith.constant 7 : i32
    %lt3A_986 = arith.cmpi slt, %lt3A_985, %select_n3A_225 : i32
    %convert_element_type3A_987 = arith.extui %lt3A_986 : i1 to i32
    %cond3A_988 = arith.constant 0 : i32
    %cond3A_989 = arith.cmpi ne, %convert_element_type3A_987, %cond3A_988 : i32
    scf.if %cond3A_989 {
      %dma_wait3A_1235 = arith.constant 0 : i32
      %dma_wait3A_1236 = tpu.memref_slice %arg6[%add3A_519, %dma_wait3A_1235] : memref<16384x1024xf32, #tpu.memory_space<hbm>> -> memref<16x1024xf32, #tpu.memory_space<hbm>>
      %dma_wait3A_1237 = arith.constant 0 : i32
      %dma_wait3A_1238 = tpu.memref_slice %arg6[%add3A_519, %dma_wait3A_1237] : memref<16384x1024xf32, #tpu.memory_space<hbm>> -> memref<16x1024xf32, #tpu.memory_space<hbm>>
      tpu.wait_dma2 semaphore(%arg11 : memref<!tpu.dma_semaphore, #tpu.memory_space<semaphore_mem>>) src(%arg7 : memref<16x1024xf32, #tpu.memory_space<vmem>>) dst(%dma_wait3A_1238 : memref<16x1024xf32, #tpu.memory_space<hbm>>)
    } else {
    }
    %ge3A_990 = arith.constant 7 : i32
    %ge3A_991 = arith.cmpi sge, %ge3A_990, %select_n3A_253 : i32
    %convert_element_type3A_992 = arith.extui %ge3A_991 : i1 to i32
    %cond3A_993 = arith.constant 0 : i32
    %cond3A_994 = arith.cmpi ne, %convert_element_type3A_992, %cond3A_993 : i32
    scf.if %cond3A_994 {
      %dma_wait3A_1235 = arith.constant 0 : i32
      %dma_wait3A_1236 = tpu.memref_slice %arg6[%add3A_519, %dma_wait3A_1235] : memref<16384x1024xf32, #tpu.memory_space<hbm>> -> memref<16x1024xf32, #tpu.memory_space<hbm>>
      %dma_wait3A_1237 = arith.constant 0 : i32
      %dma_wait3A_1238 = tpu.memref_slice %arg6[%add3A_519, %dma_wait3A_1237] : memref<16384x1024xf32, #tpu.memory_space<hbm>> -> memref<16x1024xf32, #tpu.memory_space<hbm>>
      tpu.wait_dma2 semaphore(%arg11 : memref<!tpu.dma_semaphore, #tpu.memory_space<semaphore_mem>>) src(%arg8 : memref<16x1024xf32, #tpu.memory_space<vmem>>) dst(%dma_wait3A_1238 : memref<16x1024xf32, #tpu.memory_space<hbm>>)
    } else {
    }
    %lt3A_995 = arith.constant 8 : i32
    %lt3A_996 = arith.cmpi slt, %lt3A_995, %select_n3A_225 : i32
    %convert_element_type3A_997 = arith.extui %lt3A_996 : i1 to i32
    %cond3A_998 = arith.constant 0 : i32
    %cond3A_999 = arith.cmpi ne, %convert_element_type3A_997, %cond3A_998 : i32
    scf.if %cond3A_999 {
      %dma_wait3A_1235 = arith.constant 0 : i32
      %dma_wait3A_1236 = tpu.memref_slice %arg6[%add3A_534, %dma_wait3A_1235] : memref<16384x1024xf32, #tpu.memory_space<hbm>> -> memref<16x1024xf32, #tpu.memory_space<hbm>>
      %dma_wait3A_1237 = arith.constant 0 : i32
      %dma_wait3A_1238 = tpu.memref_slice %arg6[%add3A_534, %dma_wait3A_1237] : memref<16384x1024xf32, #tpu.memory_space<hbm>> -> memref<16x1024xf32, #tpu.memory_space<hbm>>
      tpu.wait_dma2 semaphore(%arg11 : memref<!tpu.dma_semaphore, #tpu.memory_space<semaphore_mem>>) src(%arg7 : memref<16x1024xf32, #tpu.memory_space<vmem>>) dst(%dma_wait3A_1238 : memref<16x1024xf32, #tpu.memory_space<hbm>>)
    } else {
    }
    %ge3A_1000 = arith.constant 8 : i32
    %ge3A_1001 = arith.cmpi sge, %ge3A_1000, %select_n3A_253 : i32
    %convert_element_type3A_1002 = arith.extui %ge3A_1001 : i1 to i32
    %cond3A_1003 = arith.constant 0 : i32
    %cond3A_1004 = arith.cmpi ne, %convert_element_type3A_1002, %cond3A_1003 : i32
    scf.if %cond3A_1004 {
      %dma_wait3A_1235 = arith.constant 0 : i32
      %dma_wait3A_1236 = tpu.memref_slice %arg6[%add3A_534, %dma_wait3A_1235] : memref<16384x1024xf32, #tpu.memory_space<hbm>> -> memref<16x1024xf32, #tpu.memory_space<hbm>>
      %dma_wait3A_1237 = arith.constant 0 : i32
      %dma_wait3A_1238 = tpu.memref_slice %arg6[%add3A_534, %dma_wait3A_1237] : memref<16384x1024xf32, #tpu.memory_space<hbm>> -> memref<16x1024xf32, #tpu.memory_space<hbm>>
      tpu.wait_dma2 semaphore(%arg11 : memref<!tpu.dma_semaphore, #tpu.memory_space<semaphore_mem>>) src(%arg8 : memref<16x1024xf32, #tpu.memory_space<vmem>>) dst(%dma_wait3A_1238 : memref<16x1024xf32, #tpu.memory_space<hbm>>)
    } else {
    }
    %lt3A_1005 = arith.constant 9 : i32
    %lt3A_1006 = arith.cmpi slt, %lt3A_1005, %select_n3A_225 : i32
    %convert_element_type3A_1007 = arith.extui %lt3A_1006 : i1 to i32
    %cond3A_1008 = arith.constant 0 : i32
    %cond3A_1009 = arith.cmpi ne, %convert_element_type3A_1007, %cond3A_1008 : i32
    scf.if %cond3A_1009 {
      %dma_wait3A_1235 = arith.constant 0 : i32
      %dma_wait3A_1236 = tpu.memref_slice %arg6[%add3A_549, %dma_wait3A_1235] : memref<16384x1024xf32, #tpu.memory_space<hbm>> -> memref<16x1024xf32, #tpu.memory_space<hbm>>
      %dma_wait3A_1237 = arith.constant 0 : i32
      %dma_wait3A_1238 = tpu.memref_slice %arg6[%add3A_549, %dma_wait3A_1237] : memref<16384x1024xf32, #tpu.memory_space<hbm>> -> memref<16x1024xf32, #tpu.memory_space<hbm>>
      tpu.wait_dma2 semaphore(%arg11 : memref<!tpu.dma_semaphore, #tpu.memory_space<semaphore_mem>>) src(%arg7 : memref<16x1024xf32, #tpu.memory_space<vmem>>) dst(%dma_wait3A_1238 : memref<16x1024xf32, #tpu.memory_space<hbm>>)
    } else {
    }
    %ge3A_1010 = arith.constant 9 : i32
    %ge3A_1011 = arith.cmpi sge, %ge3A_1010, %select_n3A_253 : i32
    %convert_element_type3A_1012 = arith.extui %ge3A_1011 : i1 to i32
    %cond3A_1013 = arith.constant 0 : i32
    %cond3A_1014 = arith.cmpi ne, %convert_element_type3A_1012, %cond3A_1013 : i32
    scf.if %cond3A_1014 {
      %dma_wait3A_1235 = arith.constant 0 : i32
      %dma_wait3A_1236 = tpu.memref_slice %arg6[%add3A_549, %dma_wait3A_1235] : memref<16384x1024xf32, #tpu.memory_space<hbm>> -> memref<16x1024xf32, #tpu.memory_space<hbm>>
      %dma_wait3A_1237 = arith.constant 0 : i32
      %dma_wait3A_1238 = tpu.memref_slice %arg6[%add3A_549, %dma_wait3A_1237] : memref<16384x1024xf32, #tpu.memory_space<hbm>> -> memref<16x1024xf32, #tpu.memory_space<hbm>>
      tpu.wait_dma2 semaphore(%arg11 : memref<!tpu.dma_semaphore, #tpu.memory_space<semaphore_mem>>) src(%arg8 : memref<16x1024xf32, #tpu.memory_space<vmem>>) dst(%dma_wait3A_1238 : memref<16x1024xf32, #tpu.memory_space<hbm>>)
    } else {
    }
    %lt3A_1015 = arith.constant 10 : i32
    %lt3A_1016 = arith.cmpi slt, %lt3A_1015, %select_n3A_225 : i32
    %convert_element_type3A_1017 = arith.extui %lt3A_1016 : i1 to i32
    %cond3A_1018 = arith.constant 0 : i32
    %cond3A_1019 = arith.cmpi ne, %convert_element_type3A_1017, %cond3A_1018 : i32
    scf.if %cond3A_1019 {
      %dma_wait3A_1235 = arith.constant 0 : i32
      %dma_wait3A_1236 = tpu.memref_slice %arg6[%add3A_564, %dma_wait3A_1235] : memref<16384x1024xf32, #tpu.memory_space<hbm>> -> memref<16x1024xf32, #tpu.memory_space<hbm>>
      %dma_wait3A_1237 = arith.constant 0 : i32
      %dma_wait3A_1238 = tpu.memref_slice %arg6[%add3A_564, %dma_wait3A_1237] : memref<16384x1024xf32, #tpu.memory_space<hbm>> -> memref<16x1024xf32, #tpu.memory_space<hbm>>
      tpu.wait_dma2 semaphore(%arg11 : memref<!tpu.dma_semaphore, #tpu.memory_space<semaphore_mem>>) src(%arg7 : memref<16x1024xf32, #tpu.memory_space<vmem>>) dst(%dma_wait3A_1238 : memref<16x1024xf32, #tpu.memory_space<hbm>>)
    } else {
    }
    %ge3A_1020 = arith.constant 10 : i32
    %ge3A_1021 = arith.cmpi sge, %ge3A_1020, %select_n3A_253 : i32
    %convert_element_type3A_1022 = arith.extui %ge3A_1021 : i1 to i32
    %cond3A_1023 = arith.constant 0 : i32
    %cond3A_1024 = arith.cmpi ne, %convert_element_type3A_1022, %cond3A_1023 : i32
    scf.if %cond3A_1024 {
      %dma_wait3A_1235 = arith.constant 0 : i32
      %dma_wait3A_1236 = tpu.memref_slice %arg6[%add3A_564, %dma_wait3A_1235] : memref<16384x1024xf32, #tpu.memory_space<hbm>> -> memref<16x1024xf32, #tpu.memory_space<hbm>>
      %dma_wait3A_1237 = arith.constant 0 : i32
      %dma_wait3A_1238 = tpu.memref_slice %arg6[%add3A_564, %dma_wait3A_1237] : memref<16384x1024xf32, #tpu.memory_space<hbm>> -> memref<16x1024xf32, #tpu.memory_space<hbm>>
      tpu.wait_dma2 semaphore(%arg11 : memref<!tpu.dma_semaphore, #tpu.memory_space<semaphore_mem>>) src(%arg8 : memref<16x1024xf32, #tpu.memory_space<vmem>>) dst(%dma_wait3A_1238 : memref<16x1024xf32, #tpu.memory_space<hbm>>)
    } else {
    }
    %lt3A_1025 = arith.constant 11 : i32
    %lt3A_1026 = arith.cmpi slt, %lt3A_1025, %select_n3A_225 : i32
    %convert_element_type3A_1027 = arith.extui %lt3A_1026 : i1 to i32
    %cond3A_1028 = arith.constant 0 : i32
    %cond3A_1029 = arith.cmpi ne, %convert_element_type3A_1027, %cond3A_1028 : i32
    scf.if %cond3A_1029 {
      %dma_wait3A_1235 = arith.constant 0 : i32
      %dma_wait3A_1236 = tpu.memref_slice %arg6[%add3A_579, %dma_wait3A_1235] : memref<16384x1024xf32, #tpu.memory_space<hbm>> -> memref<16x1024xf32, #tpu.memory_space<hbm>>
      %dma_wait3A_1237 = arith.constant 0 : i32
      %dma_wait3A_1238 = tpu.memref_slice %arg6[%add3A_579, %dma_wait3A_1237] : memref<16384x1024xf32, #tpu.memory_space<hbm>> -> memref<16x1024xf32, #tpu.memory_space<hbm>>
      tpu.wait_dma2 semaphore(%arg11 : memref<!tpu.dma_semaphore, #tpu.memory_space<semaphore_mem>>) src(%arg7 : memref<16x1024xf32, #tpu.memory_space<vmem>>) dst(%dma_wait3A_1238 : memref<16x1024xf32, #tpu.memory_space<hbm>>)
    } else {
    }
    %ge3A_1030 = arith.constant 11 : i32
    %ge3A_1031 = arith.cmpi sge, %ge3A_1030, %select_n3A_253 : i32
    %convert_element_type3A_1032 = arith.extui %ge3A_1031 : i1 to i32
    %cond3A_1033 = arith.constant 0 : i32
    %cond3A_1034 = arith.cmpi ne, %convert_element_type3A_1032, %cond3A_1033 : i32
    scf.if %cond3A_1034 {
      %dma_wait3A_1235 = arith.constant 0 : i32
      %dma_wait3A_1236 = tpu.memref_slice %arg6[%add3A_579, %dma_wait3A_1235] : memref<16384x1024xf32, #tpu.memory_space<hbm>> -> memref<16x1024xf32, #tpu.memory_space<hbm>>
      %dma_wait3A_1237 = arith.constant 0 : i32
      %dma_wait3A_1238 = tpu.memref_slice %arg6[%add3A_579, %dma_wait3A_1237] : memref<16384x1024xf32, #tpu.memory_space<hbm>> -> memref<16x1024xf32, #tpu.memory_space<hbm>>
      tpu.wait_dma2 semaphore(%arg11 : memref<!tpu.dma_semaphore, #tpu.memory_space<semaphore_mem>>) src(%arg8 : memref<16x1024xf32, #tpu.memory_space<vmem>>) dst(%dma_wait3A_1238 : memref<16x1024xf32, #tpu.memory_space<hbm>>)
    } else {
    }
    %lt3A_1035 = arith.constant 12 : i32
    %lt3A_1036 = arith.cmpi slt, %lt3A_1035, %select_n3A_225 : i32
    %convert_element_type3A_1037 = arith.extui %lt3A_1036 : i1 to i32
    %cond3A_1038 = arith.constant 0 : i32
    %cond3A_1039 = arith.cmpi ne, %convert_element_type3A_1037, %cond3A_1038 : i32
    scf.if %cond3A_1039 {
      %dma_wait3A_1235 = arith.constant 0 : i32
      %dma_wait3A_1236 = tpu.memref_slice %arg6[%add3A_594, %dma_wait3A_1235] : memref<16384x1024xf32, #tpu.memory_space<hbm>> -> memref<16x1024xf32, #tpu.memory_space<hbm>>
      %dma_wait3A_1237 = arith.constant 0 : i32
      %dma_wait3A_1238 = tpu.memref_slice %arg6[%add3A_594, %dma_wait3A_1237] : memref<16384x1024xf32, #tpu.memory_space<hbm>> -> memref<16x1024xf32, #tpu.memory_space<hbm>>
      tpu.wait_dma2 semaphore(%arg11 : memref<!tpu.dma_semaphore, #tpu.memory_space<semaphore_mem>>) src(%arg7 : memref<16x1024xf32, #tpu.memory_space<vmem>>) dst(%dma_wait3A_1238 : memref<16x1024xf32, #tpu.memory_space<hbm>>)
    } else {
    }
    %ge3A_1040 = arith.constant 12 : i32
    %ge3A_1041 = arith.cmpi sge, %ge3A_1040, %select_n3A_253 : i32
    %convert_element_type3A_1042 = arith.extui %ge3A_1041 : i1 to i32
    %cond3A_1043 = arith.constant 0 : i32
    %cond3A_1044 = arith.cmpi ne, %convert_element_type3A_1042, %cond3A_1043 : i32
    scf.if %cond3A_1044 {
      %dma_wait3A_1235 = arith.constant 0 : i32
      %dma_wait3A_1236 = tpu.memref_slice %arg6[%add3A_594, %dma_wait3A_1235] : memref<16384x1024xf32, #tpu.memory_space<hbm>> -> memref<16x1024xf32, #tpu.memory_space<hbm>>
      %dma_wait3A_1237 = arith.constant 0 : i32
      %dma_wait3A_1238 = tpu.memref_slice %arg6[%add3A_594, %dma_wait3A_1237] : memref<16384x1024xf32, #tpu.memory_space<hbm>> -> memref<16x1024xf32, #tpu.memory_space<hbm>>
      tpu.wait_dma2 semaphore(%arg11 : memref<!tpu.dma_semaphore, #tpu.memory_space<semaphore_mem>>) src(%arg8 : memref<16x1024xf32, #tpu.memory_space<vmem>>) dst(%dma_wait3A_1238 : memref<16x1024xf32, #tpu.memory_space<hbm>>)
    } else {
    }
    %lt3A_1045 = arith.constant 13 : i32
    %lt3A_1046 = arith.cmpi slt, %lt3A_1045, %select_n3A_225 : i32
    %convert_element_type3A_1047 = arith.extui %lt3A_1046 : i1 to i32
    %cond3A_1048 = arith.constant 0 : i32
    %cond3A_1049 = arith.cmpi ne, %convert_element_type3A_1047, %cond3A_1048 : i32
    scf.if %cond3A_1049 {
      %dma_wait3A_1235 = arith.constant 0 : i32
      %dma_wait3A_1236 = tpu.memref_slice %arg6[%add3A_609, %dma_wait3A_1235] : memref<16384x1024xf32, #tpu.memory_space<hbm>> -> memref<16x1024xf32, #tpu.memory_space<hbm>>
      %dma_wait3A_1237 = arith.constant 0 : i32
      %dma_wait3A_1238 = tpu.memref_slice %arg6[%add3A_609, %dma_wait3A_1237] : memref<16384x1024xf32, #tpu.memory_space<hbm>> -> memref<16x1024xf32, #tpu.memory_space<hbm>>
      tpu.wait_dma2 semaphore(%arg11 : memref<!tpu.dma_semaphore, #tpu.memory_space<semaphore_mem>>) src(%arg7 : memref<16x1024xf32, #tpu.memory_space<vmem>>) dst(%dma_wait3A_1238 : memref<16x1024xf32, #tpu.memory_space<hbm>>)
    } else {
    }
    %ge3A_1050 = arith.constant 13 : i32
    %ge3A_1051 = arith.cmpi sge, %ge3A_1050, %select_n3A_253 : i32
    %convert_element_type3A_1052 = arith.extui %ge3A_1051 : i1 to i32
    %cond3A_1053 = arith.constant 0 : i32
    %cond3A_1054 = arith.cmpi ne, %convert_element_type3A_1052, %cond3A_1053 : i32
    scf.if %cond3A_1054 {
      %dma_wait3A_1235 = arith.constant 0 : i32
      %dma_wait3A_1236 = tpu.memref_slice %arg6[%add3A_609, %dma_wait3A_1235] : memref<16384x1024xf32, #tpu.memory_space<hbm>> -> memref<16x1024xf32, #tpu.memory_space<hbm>>
      %dma_wait3A_1237 = arith.constant 0 : i32
      %dma_wait3A_1238 = tpu.memref_slice %arg6[%add3A_609, %dma_wait3A_1237] : memref<16384x1024xf32, #tpu.memory_space<hbm>> -> memref<16x1024xf32, #tpu.memory_space<hbm>>
      tpu.wait_dma2 semaphore(%arg11 : memref<!tpu.dma_semaphore, #tpu.memory_space<semaphore_mem>>) src(%arg8 : memref<16x1024xf32, #tpu.memory_space<vmem>>) dst(%dma_wait3A_1238 : memref<16x1024xf32, #tpu.memory_space<hbm>>)
    } else {
    }
    %lt3A_1055 = arith.constant 14 : i32
    %lt3A_1056 = arith.cmpi slt, %lt3A_1055, %select_n3A_225 : i32
    %convert_element_type3A_1057 = arith.extui %lt3A_1056 : i1 to i32
    %cond3A_1058 = arith.constant 0 : i32
    %cond3A_1059 = arith.cmpi ne, %convert_element_type3A_1057, %cond3A_1058 : i32
    scf.if %cond3A_1059 {
      %dma_wait3A_1235 = arith.constant 0 : i32
      %dma_wait3A_1236 = tpu.memref_slice %arg6[%add3A_624, %dma_wait3A_1235] : memref<16384x1024xf32, #tpu.memory_space<hbm>> -> memref<16x1024xf32, #tpu.memory_space<hbm>>
      %dma_wait3A_1237 = arith.constant 0 : i32
      %dma_wait3A_1238 = tpu.memref_slice %arg6[%add3A_624, %dma_wait3A_1237] : memref<16384x1024xf32, #tpu.memory_space<hbm>> -> memref<16x1024xf32, #tpu.memory_space<hbm>>
      tpu.wait_dma2 semaphore(%arg11 : memref<!tpu.dma_semaphore, #tpu.memory_space<semaphore_mem>>) src(%arg7 : memref<16x1024xf32, #tpu.memory_space<vmem>>) dst(%dma_wait3A_1238 : memref<16x1024xf32, #tpu.memory_space<hbm>>)
    } else {
    }
    %ge3A_1060 = arith.constant 14 : i32
    %ge3A_1061 = arith.cmpi sge, %ge3A_1060, %select_n3A_253 : i32
    %convert_element_type3A_1062 = arith.extui %ge3A_1061 : i1 to i32
    %cond3A_1063 = arith.constant 0 : i32
    %cond3A_1064 = arith.cmpi ne, %convert_element_type3A_1062, %cond3A_1063 : i32
    scf.if %cond3A_1064 {
      %dma_wait3A_1235 = arith.constant 0 : i32
      %dma_wait3A_1236 = tpu.memref_slice %arg6[%add3A_624, %dma_wait3A_1235] : memref<16384x1024xf32, #tpu.memory_space<hbm>> -> memref<16x1024xf32, #tpu.memory_space<hbm>>
      %dma_wait3A_1237 = arith.constant 0 : i32
      %dma_wait3A_1238 = tpu.memref_slice %arg6[%add3A_624, %dma_wait3A_1237] : memref<16384x1024xf32, #tpu.memory_space<hbm>> -> memref<16x1024xf32, #tpu.memory_space<hbm>>
      tpu.wait_dma2 semaphore(%arg11 : memref<!tpu.dma_semaphore, #tpu.memory_space<semaphore_mem>>) src(%arg8 : memref<16x1024xf32, #tpu.memory_space<vmem>>) dst(%dma_wait3A_1238 : memref<16x1024xf32, #tpu.memory_space<hbm>>)
    } else {
    }
    %lt3A_1065 = arith.constant 15 : i32
    %lt3A_1066 = arith.cmpi slt, %lt3A_1065, %select_n3A_225 : i32
    %convert_element_type3A_1067 = arith.extui %lt3A_1066 : i1 to i32
    %cond3A_1068 = arith.constant 0 : i32
    %cond3A_1069 = arith.cmpi ne, %convert_element_type3A_1067, %cond3A_1068 : i32
    scf.if %cond3A_1069 {
      %dma_wait3A_1235 = arith.constant 0 : i32
      %dma_wait3A_1236 = tpu.memref_slice %arg6[%add3A_639, %dma_wait3A_1235] : memref<16384x1024xf32, #tpu.memory_space<hbm>> -> memref<16x1024xf32, #tpu.memory_space<hbm>>
      %dma_wait3A_1237 = arith.constant 0 : i32
      %dma_wait3A_1238 = tpu.memref_slice %arg6[%add3A_639, %dma_wait3A_1237] : memref<16384x1024xf32, #tpu.memory_space<hbm>> -> memref<16x1024xf32, #tpu.memory_space<hbm>>
      tpu.wait_dma2 semaphore(%arg11 : memref<!tpu.dma_semaphore, #tpu.memory_space<semaphore_mem>>) src(%arg7 : memref<16x1024xf32, #tpu.memory_space<vmem>>) dst(%dma_wait3A_1238 : memref<16x1024xf32, #tpu.memory_space<hbm>>)
    } else {
    }
    %ge3A_1070 = arith.constant 15 : i32
    %ge3A_1071 = arith.cmpi sge, %ge3A_1070, %select_n3A_253 : i32
    %convert_element_type3A_1072 = arith.extui %ge3A_1071 : i1 to i32
    %cond3A_1073 = arith.constant 0 : i32
    %cond3A_1074 = arith.cmpi ne, %convert_element_type3A_1072, %cond3A_1073 : i32
    scf.if %cond3A_1074 {
      %dma_wait3A_1235 = arith.constant 0 : i32
      %dma_wait3A_1236 = tpu.memref_slice %arg6[%add3A_639, %dma_wait3A_1235] : memref<16384x1024xf32, #tpu.memory_space<hbm>> -> memref<16x1024xf32, #tpu.memory_space<hbm>>
      %dma_wait3A_1237 = arith.constant 0 : i32
      %dma_wait3A_1238 = tpu.memref_slice %arg6[%add3A_639, %dma_wait3A_1237] : memref<16384x1024xf32, #tpu.memory_space<hbm>> -> memref<16x1024xf32, #tpu.memory_space<hbm>>
      tpu.wait_dma2 semaphore(%arg11 : memref<!tpu.dma_semaphore, #tpu.memory_space<semaphore_mem>>) src(%arg8 : memref<16x1024xf32, #tpu.memory_space<vmem>>) dst(%dma_wait3A_1238 : memref<16x1024xf32, #tpu.memory_space<hbm>>)
    } else {
    }
    %lt3A_1075 = arith.constant 16 : i32
    %lt3A_1076 = arith.cmpi slt, %lt3A_1075, %select_n3A_225 : i32
    %convert_element_type3A_1077 = arith.extui %lt3A_1076 : i1 to i32
    %cond3A_1078 = arith.constant 0 : i32
    %cond3A_1079 = arith.cmpi ne, %convert_element_type3A_1077, %cond3A_1078 : i32
    scf.if %cond3A_1079 {
      %dma_wait3A_1235 = arith.constant 0 : i32
      %dma_wait3A_1236 = tpu.memref_slice %arg6[%add3A_654, %dma_wait3A_1235] : memref<16384x1024xf32, #tpu.memory_space<hbm>> -> memref<16x1024xf32, #tpu.memory_space<hbm>>
      %dma_wait3A_1237 = arith.constant 0 : i32
      %dma_wait3A_1238 = tpu.memref_slice %arg6[%add3A_654, %dma_wait3A_1237] : memref<16384x1024xf32, #tpu.memory_space<hbm>> -> memref<16x1024xf32, #tpu.memory_space<hbm>>
      tpu.wait_dma2 semaphore(%arg11 : memref<!tpu.dma_semaphore, #tpu.memory_space<semaphore_mem>>) src(%arg7 : memref<16x1024xf32, #tpu.memory_space<vmem>>) dst(%dma_wait3A_1238 : memref<16x1024xf32, #tpu.memory_space<hbm>>)
    } else {
    }
    %ge3A_1080 = arith.constant 16 : i32
    %ge3A_1081 = arith.cmpi sge, %ge3A_1080, %select_n3A_253 : i32
    %convert_element_type3A_1082 = arith.extui %ge3A_1081 : i1 to i32
    %cond3A_1083 = arith.constant 0 : i32
    %cond3A_1084 = arith.cmpi ne, %convert_element_type3A_1082, %cond3A_1083 : i32
    scf.if %cond3A_1084 {
      %dma_wait3A_1235 = arith.constant 0 : i32
      %dma_wait3A_1236 = tpu.memref_slice %arg6[%add3A_654, %dma_wait3A_1235] : memref<16384x1024xf32, #tpu.memory_space<hbm>> -> memref<16x1024xf32, #tpu.memory_space<hbm>>
      %dma_wait3A_1237 = arith.constant 0 : i32
      %dma_wait3A_1238 = tpu.memref_slice %arg6[%add3A_654, %dma_wait3A_1237] : memref<16384x1024xf32, #tpu.memory_space<hbm>> -> memref<16x1024xf32, #tpu.memory_space<hbm>>
      tpu.wait_dma2 semaphore(%arg11 : memref<!tpu.dma_semaphore, #tpu.memory_space<semaphore_mem>>) src(%arg8 : memref<16x1024xf32, #tpu.memory_space<vmem>>) dst(%dma_wait3A_1238 : memref<16x1024xf32, #tpu.memory_space<hbm>>)
    } else {
    }
    %lt3A_1085 = arith.constant 17 : i32
    %lt3A_1086 = arith.cmpi slt, %lt3A_1085, %select_n3A_225 : i32
    %convert_element_type3A_1087 = arith.extui %lt3A_1086 : i1 to i32
    %cond3A_1088 = arith.constant 0 : i32
    %cond3A_1089 = arith.cmpi ne, %convert_element_type3A_1087, %cond3A_1088 : i32
    scf.if %cond3A_1089 {
      %dma_wait3A_1235 = arith.constant 0 : i32
      %dma_wait3A_1236 = tpu.memref_slice %arg6[%add3A_669, %dma_wait3A_1235] : memref<16384x1024xf32, #tpu.memory_space<hbm>> -> memref<16x1024xf32, #tpu.memory_space<hbm>>
      %dma_wait3A_1237 = arith.constant 0 : i32
      %dma_wait3A_1238 = tpu.memref_slice %arg6[%add3A_669, %dma_wait3A_1237] : memref<16384x1024xf32, #tpu.memory_space<hbm>> -> memref<16x1024xf32, #tpu.memory_space<hbm>>
      tpu.wait_dma2 semaphore(%arg11 : memref<!tpu.dma_semaphore, #tpu.memory_space<semaphore_mem>>) src(%arg7 : memref<16x1024xf32, #tpu.memory_space<vmem>>) dst(%dma_wait3A_1238 : memref<16x1024xf32, #tpu.memory_space<hbm>>)
    } else {
    }
    %ge3A_1090 = arith.constant 17 : i32
    %ge3A_1091 = arith.cmpi sge, %ge3A_1090, %select_n3A_253 : i32
    %convert_element_type3A_1092 = arith.extui %ge3A_1091 : i1 to i32
    %cond3A_1093 = arith.constant 0 : i32
    %cond3A_1094 = arith.cmpi ne, %convert_element_type3A_1092, %cond3A_1093 : i32
    scf.if %cond3A_1094 {
      %dma_wait3A_1235 = arith.constant 0 : i32
      %dma_wait3A_1236 = tpu.memref_slice %arg6[%add3A_669, %dma_wait3A_1235] : memref<16384x1024xf32, #tpu.memory_space<hbm>> -> memref<16x1024xf32, #tpu.memory_space<hbm>>
      %dma_wait3A_1237 = arith.constant 0 : i32
      %dma_wait3A_1238 = tpu.memref_slice %arg6[%add3A_669, %dma_wait3A_1237] : memref<16384x1024xf32, #tpu.memory_space<hbm>> -> memref<16x1024xf32, #tpu.memory_space<hbm>>
      tpu.wait_dma2 semaphore(%arg11 : memref<!tpu.dma_semaphore, #tpu.memory_space<semaphore_mem>>) src(%arg8 : memref<16x1024xf32, #tpu.memory_space<vmem>>) dst(%dma_wait3A_1238 : memref<16x1024xf32, #tpu.memory_space<hbm>>)
    } else {
    }
    %lt3A_1095 = arith.constant 18 : i32
    %lt3A_1096 = arith.cmpi slt, %lt3A_1095, %select_n3A_225 : i32
    %convert_element_type3A_1097 = arith.extui %lt3A_1096 : i1 to i32
    %cond3A_1098 = arith.constant 0 : i32
    %cond3A_1099 = arith.cmpi ne, %convert_element_type3A_1097, %cond3A_1098 : i32
    scf.if %cond3A_1099 {
      %dma_wait3A_1235 = arith.constant 0 : i32
      %dma_wait3A_1236 = tpu.memref_slice %arg6[%add3A_684, %dma_wait3A_1235] : memref<16384x1024xf32, #tpu.memory_space<hbm>> -> memref<16x1024xf32, #tpu.memory_space<hbm>>
      %dma_wait3A_1237 = arith.constant 0 : i32
      %dma_wait3A_1238 = tpu.memref_slice %arg6[%add3A_684, %dma_wait3A_1237] : memref<16384x1024xf32, #tpu.memory_space<hbm>> -> memref<16x1024xf32, #tpu.memory_space<hbm>>
      tpu.wait_dma2 semaphore(%arg11 : memref<!tpu.dma_semaphore, #tpu.memory_space<semaphore_mem>>) src(%arg7 : memref<16x1024xf32, #tpu.memory_space<vmem>>) dst(%dma_wait3A_1238 : memref<16x1024xf32, #tpu.memory_space<hbm>>)
    } else {
    }
    %ge3A_1100 = arith.constant 18 : i32
    %ge3A_1101 = arith.cmpi sge, %ge3A_1100, %select_n3A_253 : i32
    %convert_element_type3A_1102 = arith.extui %ge3A_1101 : i1 to i32
    %cond3A_1103 = arith.constant 0 : i32
    %cond3A_1104 = arith.cmpi ne, %convert_element_type3A_1102, %cond3A_1103 : i32
    scf.if %cond3A_1104 {
      %dma_wait3A_1235 = arith.constant 0 : i32
      %dma_wait3A_1236 = tpu.memref_slice %arg6[%add3A_684, %dma_wait3A_1235] : memref<16384x1024xf32, #tpu.memory_space<hbm>> -> memref<16x1024xf32, #tpu.memory_space<hbm>>
      %dma_wait3A_1237 = arith.constant 0 : i32
      %dma_wait3A_1238 = tpu.memref_slice %arg6[%add3A_684, %dma_wait3A_1237] : memref<16384x1024xf32, #tpu.memory_space<hbm>> -> memref<16x1024xf32, #tpu.memory_space<hbm>>
      tpu.wait_dma2 semaphore(%arg11 : memref<!tpu.dma_semaphore, #tpu.memory_space<semaphore_mem>>) src(%arg8 : memref<16x1024xf32, #tpu.memory_space<vmem>>) dst(%dma_wait3A_1238 : memref<16x1024xf32, #tpu.memory_space<hbm>>)
    } else {
    }
    %lt3A_1105 = arith.constant 19 : i32
    %lt3A_1106 = arith.cmpi slt, %lt3A_1105, %select_n3A_225 : i32
    %convert_element_type3A_1107 = arith.extui %lt3A_1106 : i1 to i32
    %cond3A_1108 = arith.constant 0 : i32
    %cond3A_1109 = arith.cmpi ne, %convert_element_type3A_1107, %cond3A_1108 : i32
    scf.if %cond3A_1109 {
      %dma_wait3A_1235 = arith.constant 0 : i32
      %dma_wait3A_1236 = tpu.memref_slice %arg6[%add3A_699, %dma_wait3A_1235] : memref<16384x1024xf32, #tpu.memory_space<hbm>> -> memref<16x1024xf32, #tpu.memory_space<hbm>>
      %dma_wait3A_1237 = arith.constant 0 : i32
      %dma_wait3A_1238 = tpu.memref_slice %arg6[%add3A_699, %dma_wait3A_1237] : memref<16384x1024xf32, #tpu.memory_space<hbm>> -> memref<16x1024xf32, #tpu.memory_space<hbm>>
      tpu.wait_dma2 semaphore(%arg11 : memref<!tpu.dma_semaphore, #tpu.memory_space<semaphore_mem>>) src(%arg7 : memref<16x1024xf32, #tpu.memory_space<vmem>>) dst(%dma_wait3A_1238 : memref<16x1024xf32, #tpu.memory_space<hbm>>)
    } else {
    }
    %ge3A_1110 = arith.constant 19 : i32
    %ge3A_1111 = arith.cmpi sge, %ge3A_1110, %select_n3A_253 : i32
    %convert_element_type3A_1112 = arith.extui %ge3A_1111 : i1 to i32
    %cond3A_1113 = arith.constant 0 : i32
    %cond3A_1114 = arith.cmpi ne, %convert_element_type3A_1112, %cond3A_1113 : i32
    scf.if %cond3A_1114 {
      %dma_wait3A_1235 = arith.constant 0 : i32
      %dma_wait3A_1236 = tpu.memref_slice %arg6[%add3A_699, %dma_wait3A_1235] : memref<16384x1024xf32, #tpu.memory_space<hbm>> -> memref<16x1024xf32, #tpu.memory_space<hbm>>
      %dma_wait3A_1237 = arith.constant 0 : i32
      %dma_wait3A_1238 = tpu.memref_slice %arg6[%add3A_699, %dma_wait3A_1237] : memref<16384x1024xf32, #tpu.memory_space<hbm>> -> memref<16x1024xf32, #tpu.memory_space<hbm>>
      tpu.wait_dma2 semaphore(%arg11 : memref<!tpu.dma_semaphore, #tpu.memory_space<semaphore_mem>>) src(%arg8 : memref<16x1024xf32, #tpu.memory_space<vmem>>) dst(%dma_wait3A_1238 : memref<16x1024xf32, #tpu.memory_space<hbm>>)
    } else {
    }
    %lt3A_1115 = arith.constant 20 : i32
    %lt3A_1116 = arith.cmpi slt, %lt3A_1115, %select_n3A_225 : i32
    %convert_element_type3A_1117 = arith.extui %lt3A_1116 : i1 to i32
    %cond3A_1118 = arith.constant 0 : i32
    %cond3A_1119 = arith.cmpi ne, %convert_element_type3A_1117, %cond3A_1118 : i32
    scf.if %cond3A_1119 {
      %dma_wait3A_1235 = arith.constant 0 : i32
      %dma_wait3A_1236 = tpu.memref_slice %arg6[%add3A_714, %dma_wait3A_1235] : memref<16384x1024xf32, #tpu.memory_space<hbm>> -> memref<16x1024xf32, #tpu.memory_space<hbm>>
      %dma_wait3A_1237 = arith.constant 0 : i32
      %dma_wait3A_1238 = tpu.memref_slice %arg6[%add3A_714, %dma_wait3A_1237] : memref<16384x1024xf32, #tpu.memory_space<hbm>> -> memref<16x1024xf32, #tpu.memory_space<hbm>>
      tpu.wait_dma2 semaphore(%arg11 : memref<!tpu.dma_semaphore, #tpu.memory_space<semaphore_mem>>) src(%arg7 : memref<16x1024xf32, #tpu.memory_space<vmem>>) dst(%dma_wait3A_1238 : memref<16x1024xf32, #tpu.memory_space<hbm>>)
    } else {
    }
    %ge3A_1120 = arith.constant 20 : i32
    %ge3A_1121 = arith.cmpi sge, %ge3A_1120, %select_n3A_253 : i32
    %convert_element_type3A_1122 = arith.extui %ge3A_1121 : i1 to i32
    %cond3A_1123 = arith.constant 0 : i32
    %cond3A_1124 = arith.cmpi ne, %convert_element_type3A_1122, %cond3A_1123 : i32
    scf.if %cond3A_1124 {
      %dma_wait3A_1235 = arith.constant 0 : i32
      %dma_wait3A_1236 = tpu.memref_slice %arg6[%add3A_714, %dma_wait3A_1235] : memref<16384x1024xf32, #tpu.memory_space<hbm>> -> memref<16x1024xf32, #tpu.memory_space<hbm>>
      %dma_wait3A_1237 = arith.constant 0 : i32
      %dma_wait3A_1238 = tpu.memref_slice %arg6[%add3A_714, %dma_wait3A_1237] : memref<16384x1024xf32, #tpu.memory_space<hbm>> -> memref<16x1024xf32, #tpu.memory_space<hbm>>
      tpu.wait_dma2 semaphore(%arg11 : memref<!tpu.dma_semaphore, #tpu.memory_space<semaphore_mem>>) src(%arg8 : memref<16x1024xf32, #tpu.memory_space<vmem>>) dst(%dma_wait3A_1238 : memref<16x1024xf32, #tpu.memory_space<hbm>>)
    } else {
    }
    %lt3A_1125 = arith.constant 21 : i32
    %lt3A_1126 = arith.cmpi slt, %lt3A_1125, %select_n3A_225 : i32
    %convert_element_type3A_1127 = arith.extui %lt3A_1126 : i1 to i32
    %cond3A_1128 = arith.constant 0 : i32
    %cond3A_1129 = arith.cmpi ne, %convert_element_type3A_1127, %cond3A_1128 : i32
    scf.if %cond3A_1129 {
      %dma_wait3A_1235 = arith.constant 0 : i32
      %dma_wait3A_1236 = tpu.memref_slice %arg6[%add3A_729, %dma_wait3A_1235] : memref<16384x1024xf32, #tpu.memory_space<hbm>> -> memref<16x1024xf32, #tpu.memory_space<hbm>>
      %dma_wait3A_1237 = arith.constant 0 : i32
      %dma_wait3A_1238 = tpu.memref_slice %arg6[%add3A_729, %dma_wait3A_1237] : memref<16384x1024xf32, #tpu.memory_space<hbm>> -> memref<16x1024xf32, #tpu.memory_space<hbm>>
      tpu.wait_dma2 semaphore(%arg11 : memref<!tpu.dma_semaphore, #tpu.memory_space<semaphore_mem>>) src(%arg7 : memref<16x1024xf32, #tpu.memory_space<vmem>>) dst(%dma_wait3A_1238 : memref<16x1024xf32, #tpu.memory_space<hbm>>)
    } else {
    }
    %ge3A_1130 = arith.constant 21 : i32
    %ge3A_1131 = arith.cmpi sge, %ge3A_1130, %select_n3A_253 : i32
    %convert_element_type3A_1132 = arith.extui %ge3A_1131 : i1 to i32
    %cond3A_1133 = arith.constant 0 : i32
    %cond3A_1134 = arith.cmpi ne, %convert_element_type3A_1132, %cond3A_1133 : i32
    scf.if %cond3A_1134 {
      %dma_wait3A_1235 = arith.constant 0 : i32
      %dma_wait3A_1236 = tpu.memref_slice %arg6[%add3A_729, %dma_wait3A_1235] : memref<16384x1024xf32, #tpu.memory_space<hbm>> -> memref<16x1024xf32, #tpu.memory_space<hbm>>
      %dma_wait3A_1237 = arith.constant 0 : i32
      %dma_wait3A_1238 = tpu.memref_slice %arg6[%add3A_729, %dma_wait3A_1237] : memref<16384x1024xf32, #tpu.memory_space<hbm>> -> memref<16x1024xf32, #tpu.memory_space<hbm>>
      tpu.wait_dma2 semaphore(%arg11 : memref<!tpu.dma_semaphore, #tpu.memory_space<semaphore_mem>>) src(%arg8 : memref<16x1024xf32, #tpu.memory_space<vmem>>) dst(%dma_wait3A_1238 : memref<16x1024xf32, #tpu.memory_space<hbm>>)
    } else {
    }
    %lt3A_1135 = arith.constant 22 : i32
    %lt3A_1136 = arith.cmpi slt, %lt3A_1135, %select_n3A_225 : i32
    %convert_element_type3A_1137 = arith.extui %lt3A_1136 : i1 to i32
    %cond3A_1138 = arith.constant 0 : i32
    %cond3A_1139 = arith.cmpi ne, %convert_element_type3A_1137, %cond3A_1138 : i32
    scf.if %cond3A_1139 {
      %dma_wait3A_1235 = arith.constant 0 : i32
      %dma_wait3A_1236 = tpu.memref_slice %arg6[%add3A_744, %dma_wait3A_1235] : memref<16384x1024xf32, #tpu.memory_space<hbm>> -> memref<16x1024xf32, #tpu.memory_space<hbm>>
      %dma_wait3A_1237 = arith.constant 0 : i32
      %dma_wait3A_1238 = tpu.memref_slice %arg6[%add3A_744, %dma_wait3A_1237] : memref<16384x1024xf32, #tpu.memory_space<hbm>> -> memref<16x1024xf32, #tpu.memory_space<hbm>>
      tpu.wait_dma2 semaphore(%arg11 : memref<!tpu.dma_semaphore, #tpu.memory_space<semaphore_mem>>) src(%arg7 : memref<16x1024xf32, #tpu.memory_space<vmem>>) dst(%dma_wait3A_1238 : memref<16x1024xf32, #tpu.memory_space<hbm>>)
    } else {
    }
    %ge3A_1140 = arith.constant 22 : i32
    %ge3A_1141 = arith.cmpi sge, %ge3A_1140, %select_n3A_253 : i32
    %convert_element_type3A_1142 = arith.extui %ge3A_1141 : i1 to i32
    %cond3A_1143 = arith.constant 0 : i32
    %cond3A_1144 = arith.cmpi ne, %convert_element_type3A_1142, %cond3A_1143 : i32
    scf.if %cond3A_1144 {
      %dma_wait3A_1235 = arith.constant 0 : i32
      %dma_wait3A_1236 = tpu.memref_slice %arg6[%add3A_744, %dma_wait3A_1235] : memref<16384x1024xf32, #tpu.memory_space<hbm>> -> memref<16x1024xf32, #tpu.memory_space<hbm>>
      %dma_wait3A_1237 = arith.constant 0 : i32
      %dma_wait3A_1238 = tpu.memref_slice %arg6[%add3A_744, %dma_wait3A_1237] : memref<16384x1024xf32, #tpu.memory_space<hbm>> -> memref<16x1024xf32, #tpu.memory_space<hbm>>
      tpu.wait_dma2 semaphore(%arg11 : memref<!tpu.dma_semaphore, #tpu.memory_space<semaphore_mem>>) src(%arg8 : memref<16x1024xf32, #tpu.memory_space<vmem>>) dst(%dma_wait3A_1238 : memref<16x1024xf32, #tpu.memory_space<hbm>>)
    } else {
    }
    %lt3A_1145 = arith.constant 23 : i32
    %lt3A_1146 = arith.cmpi slt, %lt3A_1145, %select_n3A_225 : i32
    %convert_element_type3A_1147 = arith.extui %lt3A_1146 : i1 to i32
    %cond3A_1148 = arith.constant 0 : i32
    %cond3A_1149 = arith.cmpi ne, %convert_element_type3A_1147, %cond3A_1148 : i32
    scf.if %cond3A_1149 {
      %dma_wait3A_1235 = arith.constant 0 : i32
      %dma_wait3A_1236 = tpu.memref_slice %arg6[%add3A_759, %dma_wait3A_1235] : memref<16384x1024xf32, #tpu.memory_space<hbm>> -> memref<16x1024xf32, #tpu.memory_space<hbm>>
      %dma_wait3A_1237 = arith.constant 0 : i32
      %dma_wait3A_1238 = tpu.memref_slice %arg6[%add3A_759, %dma_wait3A_1237] : memref<16384x1024xf32, #tpu.memory_space<hbm>> -> memref<16x1024xf32, #tpu.memory_space<hbm>>
      tpu.wait_dma2 semaphore(%arg11 : memref<!tpu.dma_semaphore, #tpu.memory_space<semaphore_mem>>) src(%arg7 : memref<16x1024xf32, #tpu.memory_space<vmem>>) dst(%dma_wait3A_1238 : memref<16x1024xf32, #tpu.memory_space<hbm>>)
    } else {
    }
    %ge3A_1150 = arith.constant 23 : i32
    %ge3A_1151 = arith.cmpi sge, %ge3A_1150, %select_n3A_253 : i32
    %convert_element_type3A_1152 = arith.extui %ge3A_1151 : i1 to i32
    %cond3A_1153 = arith.constant 0 : i32
    %cond3A_1154 = arith.cmpi ne, %convert_element_type3A_1152, %cond3A_1153 : i32
    scf.if %cond3A_1154 {
      %dma_wait3A_1235 = arith.constant 0 : i32
      %dma_wait3A_1236 = tpu.memref_slice %arg6[%add3A_759, %dma_wait3A_1235] : memref<16384x1024xf32, #tpu.memory_space<hbm>> -> memref<16x1024xf32, #tpu.memory_space<hbm>>
      %dma_wait3A_1237 = arith.constant 0 : i32
      %dma_wait3A_1238 = tpu.memref_slice %arg6[%add3A_759, %dma_wait3A_1237] : memref<16384x1024xf32, #tpu.memory_space<hbm>> -> memref<16x1024xf32, #tpu.memory_space<hbm>>
      tpu.wait_dma2 semaphore(%arg11 : memref<!tpu.dma_semaphore, #tpu.memory_space<semaphore_mem>>) src(%arg8 : memref<16x1024xf32, #tpu.memory_space<vmem>>) dst(%dma_wait3A_1238 : memref<16x1024xf32, #tpu.memory_space<hbm>>)
    } else {
    }
    %lt3A_1155 = arith.constant 24 : i32
    %lt3A_1156 = arith.cmpi slt, %lt3A_1155, %select_n3A_225 : i32
    %convert_element_type3A_1157 = arith.extui %lt3A_1156 : i1 to i32
    %cond3A_1158 = arith.constant 0 : i32
    %cond3A_1159 = arith.cmpi ne, %convert_element_type3A_1157, %cond3A_1158 : i32
    scf.if %cond3A_1159 {
      %dma_wait3A_1235 = arith.constant 0 : i32
      %dma_wait3A_1236 = tpu.memref_slice %arg6[%add3A_774, %dma_wait3A_1235] : memref<16384x1024xf32, #tpu.memory_space<hbm>> -> memref<16x1024xf32, #tpu.memory_space<hbm>>
      %dma_wait3A_1237 = arith.constant 0 : i32
      %dma_wait3A_1238 = tpu.memref_slice %arg6[%add3A_774, %dma_wait3A_1237] : memref<16384x1024xf32, #tpu.memory_space<hbm>> -> memref<16x1024xf32, #tpu.memory_space<hbm>>
      tpu.wait_dma2 semaphore(%arg11 : memref<!tpu.dma_semaphore, #tpu.memory_space<semaphore_mem>>) src(%arg7 : memref<16x1024xf32, #tpu.memory_space<vmem>>) dst(%dma_wait3A_1238 : memref<16x1024xf32, #tpu.memory_space<hbm>>)
    } else {
    }
    %ge3A_1160 = arith.constant 24 : i32
    %ge3A_1161 = arith.cmpi sge, %ge3A_1160, %select_n3A_253 : i32
    %convert_element_type3A_1162 = arith.extui %ge3A_1161 : i1 to i32
    %cond3A_1163 = arith.constant 0 : i32
    %cond3A_1164 = arith.cmpi ne, %convert_element_type3A_1162, %cond3A_1163 : i32
    scf.if %cond3A_1164 {
      %dma_wait3A_1235 = arith.constant 0 : i32
      %dma_wait3A_1236 = tpu.memref_slice %arg6[%add3A_774, %dma_wait3A_1235] : memref<16384x1024xf32, #tpu.memory_space<hbm>> -> memref<16x1024xf32, #tpu.memory_space<hbm>>
      %dma_wait3A_1237 = arith.constant 0 : i32
      %dma_wait3A_1238 = tpu.memref_slice %arg6[%add3A_774, %dma_wait3A_1237] : memref<16384x1024xf32, #tpu.memory_space<hbm>> -> memref<16x1024xf32, #tpu.memory_space<hbm>>
      tpu.wait_dma2 semaphore(%arg11 : memref<!tpu.dma_semaphore, #tpu.memory_space<semaphore_mem>>) src(%arg8 : memref<16x1024xf32, #tpu.memory_space<vmem>>) dst(%dma_wait3A_1238 : memref<16x1024xf32, #tpu.memory_space<hbm>>)
    } else {
    }
    %lt3A_1165 = arith.constant 25 : i32
    %lt3A_1166 = arith.cmpi slt, %lt3A_1165, %select_n3A_225 : i32
    %convert_element_type3A_1167 = arith.extui %lt3A_1166 : i1 to i32
    %cond3A_1168 = arith.constant 0 : i32
    %cond3A_1169 = arith.cmpi ne, %convert_element_type3A_1167, %cond3A_1168 : i32
    scf.if %cond3A_1169 {
      %dma_wait3A_1235 = arith.constant 0 : i32
      %dma_wait3A_1236 = tpu.memref_slice %arg6[%add3A_789, %dma_wait3A_1235] : memref<16384x1024xf32, #tpu.memory_space<hbm>> -> memref<16x1024xf32, #tpu.memory_space<hbm>>
      %dma_wait3A_1237 = arith.constant 0 : i32
      %dma_wait3A_1238 = tpu.memref_slice %arg6[%add3A_789, %dma_wait3A_1237] : memref<16384x1024xf32, #tpu.memory_space<hbm>> -> memref<16x1024xf32, #tpu.memory_space<hbm>>
      tpu.wait_dma2 semaphore(%arg11 : memref<!tpu.dma_semaphore, #tpu.memory_space<semaphore_mem>>) src(%arg7 : memref<16x1024xf32, #tpu.memory_space<vmem>>) dst(%dma_wait3A_1238 : memref<16x1024xf32, #tpu.memory_space<hbm>>)
    } else {
    }
    %ge3A_1170 = arith.constant 25 : i32
    %ge3A_1171 = arith.cmpi sge, %ge3A_1170, %select_n3A_253 : i32
    %convert_element_type3A_1172 = arith.extui %ge3A_1171 : i1 to i32
    %cond3A_1173 = arith.constant 0 : i32
    %cond3A_1174 = arith.cmpi ne, %convert_element_type3A_1172, %cond3A_1173 : i32
    scf.if %cond3A_1174 {
      %dma_wait3A_1235 = arith.constant 0 : i32
      %dma_wait3A_1236 = tpu.memref_slice %arg6[%add3A_789, %dma_wait3A_1235] : memref<16384x1024xf32, #tpu.memory_space<hbm>> -> memref<16x1024xf32, #tpu.memory_space<hbm>>
      %dma_wait3A_1237 = arith.constant 0 : i32
      %dma_wait3A_1238 = tpu.memref_slice %arg6[%add3A_789, %dma_wait3A_1237] : memref<16384x1024xf32, #tpu.memory_space<hbm>> -> memref<16x1024xf32, #tpu.memory_space<hbm>>
      tpu.wait_dma2 semaphore(%arg11 : memref<!tpu.dma_semaphore, #tpu.memory_space<semaphore_mem>>) src(%arg8 : memref<16x1024xf32, #tpu.memory_space<vmem>>) dst(%dma_wait3A_1238 : memref<16x1024xf32, #tpu.memory_space<hbm>>)
    } else {
    }
    %lt3A_1175 = arith.constant 26 : i32
    %lt3A_1176 = arith.cmpi slt, %lt3A_1175, %select_n3A_225 : i32
    %convert_element_type3A_1177 = arith.extui %lt3A_1176 : i1 to i32
    %cond3A_1178 = arith.constant 0 : i32
    %cond3A_1179 = arith.cmpi ne, %convert_element_type3A_1177, %cond3A_1178 : i32
    scf.if %cond3A_1179 {
      %dma_wait3A_1235 = arith.constant 0 : i32
      %dma_wait3A_1236 = tpu.memref_slice %arg6[%add3A_804, %dma_wait3A_1235] : memref<16384x1024xf32, #tpu.memory_space<hbm>> -> memref<16x1024xf32, #tpu.memory_space<hbm>>
      %dma_wait3A_1237 = arith.constant 0 : i32
      %dma_wait3A_1238 = tpu.memref_slice %arg6[%add3A_804, %dma_wait3A_1237] : memref<16384x1024xf32, #tpu.memory_space<hbm>> -> memref<16x1024xf32, #tpu.memory_space<hbm>>
      tpu.wait_dma2 semaphore(%arg11 : memref<!tpu.dma_semaphore, #tpu.memory_space<semaphore_mem>>) src(%arg7 : memref<16x1024xf32, #tpu.memory_space<vmem>>) dst(%dma_wait3A_1238 : memref<16x1024xf32, #tpu.memory_space<hbm>>)
    } else {
    }
    %ge3A_1180 = arith.constant 26 : i32
    %ge3A_1181 = arith.cmpi sge, %ge3A_1180, %select_n3A_253 : i32
    %convert_element_type3A_1182 = arith.extui %ge3A_1181 : i1 to i32
    %cond3A_1183 = arith.constant 0 : i32
    %cond3A_1184 = arith.cmpi ne, %convert_element_type3A_1182, %cond3A_1183 : i32
    scf.if %cond3A_1184 {
      %dma_wait3A_1235 = arith.constant 0 : i32
      %dma_wait3A_1236 = tpu.memref_slice %arg6[%add3A_804, %dma_wait3A_1235] : memref<16384x1024xf32, #tpu.memory_space<hbm>> -> memref<16x1024xf32, #tpu.memory_space<hbm>>
      %dma_wait3A_1237 = arith.constant 0 : i32
      %dma_wait3A_1238 = tpu.memref_slice %arg6[%add3A_804, %dma_wait3A_1237] : memref<16384x1024xf32, #tpu.memory_space<hbm>> -> memref<16x1024xf32, #tpu.memory_space<hbm>>
      tpu.wait_dma2 semaphore(%arg11 : memref<!tpu.dma_semaphore, #tpu.memory_space<semaphore_mem>>) src(%arg8 : memref<16x1024xf32, #tpu.memory_space<vmem>>) dst(%dma_wait3A_1238 : memref<16x1024xf32, #tpu.memory_space<hbm>>)
    } else {
    }
    %lt3A_1185 = arith.constant 27 : i32
    %lt3A_1186 = arith.cmpi slt, %lt3A_1185, %select_n3A_225 : i32
    %convert_element_type3A_1187 = arith.extui %lt3A_1186 : i1 to i32
    %cond3A_1188 = arith.constant 0 : i32
    %cond3A_1189 = arith.cmpi ne, %convert_element_type3A_1187, %cond3A_1188 : i32
    scf.if %cond3A_1189 {
      %dma_wait3A_1235 = arith.constant 0 : i32
      %dma_wait3A_1236 = tpu.memref_slice %arg6[%add3A_819, %dma_wait3A_1235] : memref<16384x1024xf32, #tpu.memory_space<hbm>> -> memref<16x1024xf32, #tpu.memory_space<hbm>>
      %dma_wait3A_1237 = arith.constant 0 : i32
      %dma_wait3A_1238 = tpu.memref_slice %arg6[%add3A_819, %dma_wait3A_1237] : memref<16384x1024xf32, #tpu.memory_space<hbm>> -> memref<16x1024xf32, #tpu.memory_space<hbm>>
      tpu.wait_dma2 semaphore(%arg11 : memref<!tpu.dma_semaphore, #tpu.memory_space<semaphore_mem>>) src(%arg7 : memref<16x1024xf32, #tpu.memory_space<vmem>>) dst(%dma_wait3A_1238 : memref<16x1024xf32, #tpu.memory_space<hbm>>)
    } else {
    }
    %ge3A_1190 = arith.constant 27 : i32
    %ge3A_1191 = arith.cmpi sge, %ge3A_1190, %select_n3A_253 : i32
    %convert_element_type3A_1192 = arith.extui %ge3A_1191 : i1 to i32
    %cond3A_1193 = arith.constant 0 : i32
    %cond3A_1194 = arith.cmpi ne, %convert_element_type3A_1192, %cond3A_1193 : i32
    scf.if %cond3A_1194 {
      %dma_wait3A_1235 = arith.constant 0 : i32
      %dma_wait3A_1236 = tpu.memref_slice %arg6[%add3A_819, %dma_wait3A_1235] : memref<16384x1024xf32, #tpu.memory_space<hbm>> -> memref<16x1024xf32, #tpu.memory_space<hbm>>
      %dma_wait3A_1237 = arith.constant 0 : i32
      %dma_wait3A_1238 = tpu.memref_slice %arg6[%add3A_819, %dma_wait3A_1237] : memref<16384x1024xf32, #tpu.memory_space<hbm>> -> memref<16x1024xf32, #tpu.memory_space<hbm>>
      tpu.wait_dma2 semaphore(%arg11 : memref<!tpu.dma_semaphore, #tpu.memory_space<semaphore_mem>>) src(%arg8 : memref<16x1024xf32, #tpu.memory_space<vmem>>) dst(%dma_wait3A_1238 : memref<16x1024xf32, #tpu.memory_space<hbm>>)
    } else {
    }
    %lt3A_1195 = arith.constant 28 : i32
    %lt3A_1196 = arith.cmpi slt, %lt3A_1195, %select_n3A_225 : i32
    %convert_element_type3A_1197 = arith.extui %lt3A_1196 : i1 to i32
    %cond3A_1198 = arith.constant 0 : i32
    %cond3A_1199 = arith.cmpi ne, %convert_element_type3A_1197, %cond3A_1198 : i32
    scf.if %cond3A_1199 {
      %dma_wait3A_1235 = arith.constant 0 : i32
      %dma_wait3A_1236 = tpu.memref_slice %arg6[%add3A_834, %dma_wait3A_1235] : memref<16384x1024xf32, #tpu.memory_space<hbm>> -> memref<16x1024xf32, #tpu.memory_space<hbm>>
      %dma_wait3A_1237 = arith.constant 0 : i32
      %dma_wait3A_1238 = tpu.memref_slice %arg6[%add3A_834, %dma_wait3A_1237] : memref<16384x1024xf32, #tpu.memory_space<hbm>> -> memref<16x1024xf32, #tpu.memory_space<hbm>>
      tpu.wait_dma2 semaphore(%arg11 : memref<!tpu.dma_semaphore, #tpu.memory_space<semaphore_mem>>) src(%arg7 : memref<16x1024xf32, #tpu.memory_space<vmem>>) dst(%dma_wait3A_1238 : memref<16x1024xf32, #tpu.memory_space<hbm>>)
    } else {
    }
    %ge3A_1200 = arith.constant 28 : i32
    %ge3A_1201 = arith.cmpi sge, %ge3A_1200, %select_n3A_253 : i32
    %convert_element_type3A_1202 = arith.extui %ge3A_1201 : i1 to i32
    %cond3A_1203 = arith.constant 0 : i32
    %cond3A_1204 = arith.cmpi ne, %convert_element_type3A_1202, %cond3A_1203 : i32
    scf.if %cond3A_1204 {
      %dma_wait3A_1235 = arith.constant 0 : i32
      %dma_wait3A_1236 = tpu.memref_slice %arg6[%add3A_834, %dma_wait3A_1235] : memref<16384x1024xf32, #tpu.memory_space<hbm>> -> memref<16x1024xf32, #tpu.memory_space<hbm>>
      %dma_wait3A_1237 = arith.constant 0 : i32
      %dma_wait3A_1238 = tpu.memref_slice %arg6[%add3A_834, %dma_wait3A_1237] : memref<16384x1024xf32, #tpu.memory_space<hbm>> -> memref<16x1024xf32, #tpu.memory_space<hbm>>
      tpu.wait_dma2 semaphore(%arg11 : memref<!tpu.dma_semaphore, #tpu.memory_space<semaphore_mem>>) src(%arg8 : memref<16x1024xf32, #tpu.memory_space<vmem>>) dst(%dma_wait3A_1238 : memref<16x1024xf32, #tpu.memory_space<hbm>>)
    } else {
    }
    %lt3A_1205 = arith.constant 29 : i32
    %lt3A_1206 = arith.cmpi slt, %lt3A_1205, %select_n3A_225 : i32
    %convert_element_type3A_1207 = arith.extui %lt3A_1206 : i1 to i32
    %cond3A_1208 = arith.constant 0 : i32
    %cond3A_1209 = arith.cmpi ne, %convert_element_type3A_1207, %cond3A_1208 : i32
    scf.if %cond3A_1209 {
      %dma_wait3A_1235 = arith.constant 0 : i32
      %dma_wait3A_1236 = tpu.memref_slice %arg6[%add3A_849, %dma_wait3A_1235] : memref<16384x1024xf32, #tpu.memory_space<hbm>> -> memref<16x1024xf32, #tpu.memory_space<hbm>>
      %dma_wait3A_1237 = arith.constant 0 : i32
      %dma_wait3A_1238 = tpu.memref_slice %arg6[%add3A_849, %dma_wait3A_1237] : memref<16384x1024xf32, #tpu.memory_space<hbm>> -> memref<16x1024xf32, #tpu.memory_space<hbm>>
      tpu.wait_dma2 semaphore(%arg11 : memref<!tpu.dma_semaphore, #tpu.memory_space<semaphore_mem>>) src(%arg7 : memref<16x1024xf32, #tpu.memory_space<vmem>>) dst(%dma_wait3A_1238 : memref<16x1024xf32, #tpu.memory_space<hbm>>)
    } else {
    }
    %ge3A_1210 = arith.constant 29 : i32
    %ge3A_1211 = arith.cmpi sge, %ge3A_1210, %select_n3A_253 : i32
    %convert_element_type3A_1212 = arith.extui %ge3A_1211 : i1 to i32
    %cond3A_1213 = arith.constant 0 : i32
    %cond3A_1214 = arith.cmpi ne, %convert_element_type3A_1212, %cond3A_1213 : i32
    scf.if %cond3A_1214 {
      %dma_wait3A_1235 = arith.constant 0 : i32
      %dma_wait3A_1236 = tpu.memref_slice %arg6[%add3A_849, %dma_wait3A_1235] : memref<16384x1024xf32, #tpu.memory_space<hbm>> -> memref<16x1024xf32, #tpu.memory_space<hbm>>
      %dma_wait3A_1237 = arith.constant 0 : i32
      %dma_wait3A_1238 = tpu.memref_slice %arg6[%add3A_849, %dma_wait3A_1237] : memref<16384x1024xf32, #tpu.memory_space<hbm>> -> memref<16x1024xf32, #tpu.memory_space<hbm>>
      tpu.wait_dma2 semaphore(%arg11 : memref<!tpu.dma_semaphore, #tpu.memory_space<semaphore_mem>>) src(%arg8 : memref<16x1024xf32, #tpu.memory_space<vmem>>) dst(%dma_wait3A_1238 : memref<16x1024xf32, #tpu.memory_space<hbm>>)
    } else {
    }
    %lt3A_1215 = arith.constant 30 : i32
    %lt3A_1216 = arith.cmpi slt, %lt3A_1215, %select_n3A_225 : i32
    %convert_element_type3A_1217 = arith.extui %lt3A_1216 : i1 to i32
    %cond3A_1218 = arith.constant 0 : i32
    %cond3A_1219 = arith.cmpi ne, %convert_element_type3A_1217, %cond3A_1218 : i32
    scf.if %cond3A_1219 {
      %dma_wait3A_1235 = arith.constant 0 : i32
      %dma_wait3A_1236 = tpu.memref_slice %arg6[%add3A_864, %dma_wait3A_1235] : memref<16384x1024xf32, #tpu.memory_space<hbm>> -> memref<16x1024xf32, #tpu.memory_space<hbm>>
      %dma_wait3A_1237 = arith.constant 0 : i32
      %dma_wait3A_1238 = tpu.memref_slice %arg6[%add3A_864, %dma_wait3A_1237] : memref<16384x1024xf32, #tpu.memory_space<hbm>> -> memref<16x1024xf32, #tpu.memory_space<hbm>>
      tpu.wait_dma2 semaphore(%arg11 : memref<!tpu.dma_semaphore, #tpu.memory_space<semaphore_mem>>) src(%arg7 : memref<16x1024xf32, #tpu.memory_space<vmem>>) dst(%dma_wait3A_1238 : memref<16x1024xf32, #tpu.memory_space<hbm>>)
    } else {
    }
    %ge3A_1220 = arith.constant 30 : i32
    %ge3A_1221 = arith.cmpi sge, %ge3A_1220, %select_n3A_253 : i32
    %convert_element_type3A_1222 = arith.extui %ge3A_1221 : i1 to i32
    %cond3A_1223 = arith.constant 0 : i32
    %cond3A_1224 = arith.cmpi ne, %convert_element_type3A_1222, %cond3A_1223 : i32
    scf.if %cond3A_1224 {
      %dma_wait3A_1235 = arith.constant 0 : i32
      %dma_wait3A_1236 = tpu.memref_slice %arg6[%add3A_864, %dma_wait3A_1235] : memref<16384x1024xf32, #tpu.memory_space<hbm>> -> memref<16x1024xf32, #tpu.memory_space<hbm>>
      %dma_wait3A_1237 = arith.constant 0 : i32
      %dma_wait3A_1238 = tpu.memref_slice %arg6[%add3A_864, %dma_wait3A_1237] : memref<16384x1024xf32, #tpu.memory_space<hbm>> -> memref<16x1024xf32, #tpu.memory_space<hbm>>
      tpu.wait_dma2 semaphore(%arg11 : memref<!tpu.dma_semaphore, #tpu.memory_space<semaphore_mem>>) src(%arg8 : memref<16x1024xf32, #tpu.memory_space<vmem>>) dst(%dma_wait3A_1238 : memref<16x1024xf32, #tpu.memory_space<hbm>>)
    } else {
    }
    %lt3A_1225 = arith.constant 31 : i32
    %lt3A_1226 = arith.cmpi slt, %lt3A_1225, %select_n3A_225 : i32
    %convert_element_type3A_1227 = arith.extui %lt3A_1226 : i1 to i32
    %cond3A_1228 = arith.constant 0 : i32
    %cond3A_1229 = arith.cmpi ne, %convert_element_type3A_1227, %cond3A_1228 : i32
    scf.if %cond3A_1229 {
      %dma_wait3A_1235 = arith.constant 0 : i32
      %dma_wait3A_1236 = tpu.memref_slice %arg6[%add3A_879, %dma_wait3A_1235] : memref<16384x1024xf32, #tpu.memory_space<hbm>> -> memref<16x1024xf32, #tpu.memory_space<hbm>>
      %dma_wait3A_1237 = arith.constant 0 : i32
      %dma_wait3A_1238 = tpu.memref_slice %arg6[%add3A_879, %dma_wait3A_1237] : memref<16384x1024xf32, #tpu.memory_space<hbm>> -> memref<16x1024xf32, #tpu.memory_space<hbm>>
      tpu.wait_dma2 semaphore(%arg11 : memref<!tpu.dma_semaphore, #tpu.memory_space<semaphore_mem>>) src(%arg7 : memref<16x1024xf32, #tpu.memory_space<vmem>>) dst(%dma_wait3A_1238 : memref<16x1024xf32, #tpu.memory_space<hbm>>)
    } else {
    }
    %ge3A_1230 = arith.constant 31 : i32
    %ge3A_1231 = arith.cmpi sge, %ge3A_1230, %select_n3A_253 : i32
    %convert_element_type3A_1232 = arith.extui %ge3A_1231 : i1 to i32
    %cond3A_1233 = arith.constant 0 : i32
    %cond3A_1234 = arith.cmpi ne, %convert_element_type3A_1232, %cond3A_1233 : i32
    scf.if %cond3A_1234 {
      %dma_wait3A_1235 = arith.constant 0 : i32
      %dma_wait3A_1236 = tpu.memref_slice %arg6[%add3A_879, %dma_wait3A_1235] : memref<16384x1024xf32, #tpu.memory_space<hbm>> -> memref<16x1024xf32, #tpu.memory_space<hbm>>
      %dma_wait3A_1237 = arith.constant 0 : i32
      %dma_wait3A_1238 = tpu.memref_slice %arg6[%add3A_879, %dma_wait3A_1237] : memref<16384x1024xf32, #tpu.memory_space<hbm>> -> memref<16x1024xf32, #tpu.memory_space<hbm>>
      tpu.wait_dma2 semaphore(%arg11 : memref<!tpu.dma_semaphore, #tpu.memory_space<semaphore_mem>>) src(%arg8 : memref<16x1024xf32, #tpu.memory_space<vmem>>) dst(%dma_wait3A_1238 : memref<16x1024xf32, #tpu.memory_space<hbm>>)
    } else {
    }
    return
  }
}

module attributes {stable_mosaic.version = 14 : i64} {
  func.func @_count_body(%arg0: i32, %arg1: i32, %arg2: memref<1x512x1024xf32, #tpu.memory_space<vmem>>, %arg3: memref<4x128xi32, #tpu.memory_space<vmem>>) attributes {dimension_semantics = [#tpu.dimension_semantics<arbitrary>, #tpu.dimension_semantics<arbitrary>], iteration_bounds = array<i64: 4, 8>, scalar_prefetch = 0 : i64, scratch_operands = 0 : i64, tpu.core_type = #tpu.core_type<tc>, window_params = [{transform_indices = @transform_0, window_bounds = array<i64: 1, 512, 1024>}, {pipeline_mode = #tpu.pipeline_mode<synchronous>, transform_indices = @transform_1, window_bounds = array<i64: 4, 128>}]} {
    %eq3A = arith.constant 0 : i32
    %eq3A_0 = arith.cmpi eq, %arg0, %eq3A : i32
    %eq3A_1 = arith.constant 0 : i32
    %eq3A_2 = arith.cmpi eq, %arg1, %eq3A_1 : i32
    %and3A = arith.andi %eq3A_0, %eq3A_2 : i1
    %convert_element_type3A = arith.extui %and3A : i1 to i32
    %cond3A = arith.constant 0 : i32
    %cond3A_3 = arith.cmpi ne, %convert_element_type3A, %cond3A : i32
    scf.if %cond3A_3 {
      %broadcast_in_dim3A_25 = arith.constant 0 : i32
      %broadcast_in_dim3A_26 = vector.broadcast %broadcast_in_dim3A_25 : i32 to vector<4x128xi32>
      %swap3A_27 = arith.constant 0 : index
      %swap3A_28 = arith.constant 0 : index
      %swap3A_29 = vector.load %arg3[%swap3A_27, %swap3A_28] : memref<4x128xi32, #tpu.memory_space<vmem>>, vector<4x128xi32>
      tpu.vector_store %arg3[%swap3A_27, %swap3A_28], %broadcast_in_dim3A_26 {strides = array<i32>} : memref<4x128xi32, #tpu.memory_space<vmem>>, vector<4x128xi32>,
    } else {
    }
    %get3A = arith.constant 0 : index
    %get3A_4 = arith.constant 0 : index
    %get3A_5 = arith.constant 0 : index
    %get3A_6 = vector.load %arg2[%get3A, %get3A_4, %get3A_5] : memref<1x512x1024xf32, #tpu.memory_space<vmem>>, vector<1x512x1024xf32>
    %get3A_7 = vector.shape_cast %get3A_6 : vector<1x512x1024xf32> to vector<512x1024xf32>
    %reduce_sum3A = arith.constant dense<0.000000e+00> : vector<512xf32>
    %reduce_sum3A_8 = vector.multi_reduction <add>, %get3A_7, %reduce_sum3A [1] : vector<512x1024xf32> to vector<512xf32>
    %ne3A = arith.constant 0.000000e+00 : f32
    %ne3A_9 = vector.broadcast %ne3A : f32 to vector<512xf32>
    %ne3A_10 = arith.cmpf one, %reduce_sum3A_8, %ne3A_9 : vector<512xf32>
    %convert_element_type3A_11 = arith.extui %ne3A_10 : vector<512xi1> to vector<512xi32>
    %reduce_sum3A_12 = vector.shape_cast %convert_element_type3A_11 : vector<512xi32> to vector<1x512xi32>
    %reduce_sum3A_13 = arith.constant dense<0> : vector<1xi32>
    %reduce_sum3A_14 = vector.multi_reduction <add>, %reduce_sum3A_12, %reduce_sum3A_13 [1] : vector<1x512xi32> to vector<1xi32>
    %reduce_sum3A_15 = vector.shape_cast %reduce_sum3A_14 : vector<1xi32> to vector<1x1xi32>
    %reduce_sum3A_16 = vector.extract %reduce_sum3A_15[0, 0] : i32 from vector<1x1xi32>
    %iota3A = tpu.iota {dimensions = array<i32: 0>} : vector<4x128xi32>
    %get3A_17 = arith.constant 0 : index
    %get3A_18 = arith.constant 0 : index
    %get3A_19 = vector.load %arg3[%get3A_17, %get3A_18] : memref<4x128xi32, #tpu.memory_space<vmem>>, vector<4x128xi32>
    %eq3A_20 = vector.broadcast %arg0 : i32 to vector<4x128xi32>
    %eq3A_21 = arith.cmpi eq, %iota3A, %eq3A_20 : vector<4x128xi32>
    %jit3A = arith.constant 0 : i32
    %broadcast_in_dim3A = vector.broadcast %reduce_sum3A_16 : i32 to vector<4x128xi32>
    %broadcast_in_dim3A_22 = vector.broadcast %jit3A : i32 to vector<4x128xi32>
    %select_n3A = arith.select %eq3A_21, %broadcast_in_dim3A, %broadcast_in_dim3A_22 : vector<4x128xi1>, vector<4x128xi32>
    %add3A = arith.addi %get3A_19, %select_n3A : vector<4x128xi32>
    %swap3A = arith.constant 0 : index
    %swap3A_23 = arith.constant 0 : index
    %swap3A_24 = vector.load %arg3[%swap3A, %swap3A_23] : memref<4x128xi32, #tpu.memory_space<vmem>>, vector<4x128xi32>
    tpu.vector_store %arg3[%swap3A, %swap3A_23], %add3A {strides = array<i32>} : memref<4x128xi32, #tpu.memory_space<vmem>>, vector<4x128xi32>,
    return
  }
  func.func @transform_0(%arg0: i32, %arg1: i32) -> (i32, i32, i32) {
    %c0_i32 = arith.constant 0 : i32
    %c0_i32_0 = arith.constant 0 : i32
    return %arg0, %arg1, %c0_i32 : i32, i32, i32
  }
  func.func @transform_1(%arg0: i32, %arg1: i32) -> (i32, i32) {
    %c0_i32 = arith.constant 0 : i32
    %c0_i32_0 = arith.constant 0 : i32
    %c0_i32_1 = arith.constant 0 : i32
    return %c0_i32, %c0_i32_0 : i32, i32
  }
}

</mosaic_0001>

<sc_bundles>
// kernel: _run.4.cloned.1.call-start
scs
__scs_entry_jumppad:
0x0: {  	(pc) =	sbr.rel $0x88, $3  }
0x1: {  	(tag) =	ssettag $0x0;
	lr =	simm.s32 $0x1  }
0x2: {  	[smem:$0x3F9D] =	sst lr;
	_ =	strace $0xD0000000  }
0x3: {  	_ = 	snop  }
0x4: {  	_ = 	snop  }
0x5: {  	_ = 	snop  }
0x6: {  	_ = 	snop  }
0x7: {  	_ = 	snop  }
__scs_overlays_trampoline_lowered:
0x8: {  	[smem:$0x3FAC] =	sst s0  }
0x9: {  	[smem:$0x3FAD] =	sst s1  }
0xa: {  	[smem:$0x3FAE] =	sst s2  }
0xb: {  	[smem:$0x3FAF] =	sst s3  }
0xc: {  	[smem:$0x3FB0] =	sst s4  }
0xd: {  	[smem:$0x3FB1] =	sst s5  }
0xe: {  	[smem:$0x3FB2] =	sst s6  }
0xf: {  	[smem:$0x3FB3] =	sst s7  }
0x10: {  	[smem:$0x3FB4] =	sst s8  }
0x11: {  	[smem:$0x3FB5] =	sst s9;
	s0 =	simm.s32 @!p0 $0x0  }
0x12: {  	s1 =	sld [smem:$0x3F9B];
	s0 =	simm.s32 @p0 $0x1  }
0x13: {  	[smem:$0x3FB6] =	sst s0;
	s0 =	simm.s32 @!p1 $0x0  }
0x14: {  	s2 =	sld [smem:$0x3F9A];
	s0 =	simm.s32 @p1 $0x1  }
0x15: {  	[smem:$0x3FB7] =	sst s0;
	s0 =	simm.s32 @!p2 $0x0  }
0x16: {  	s3 =	sld [smem:$0x3FDB];
	s0 =	simm.s32 @p2 $0x1  }
0x17: {  	s4 =	simm.s32 $0x1BF5;
	[smem:$0x3FB9] =	sst s0  }
0x18: {  	s0 =	sld [smem:$0x3F9C];
	_ =	swait.ge [sflag:s4], $0x0  }
0x19: {  	s7 =	sld [smem:$0x3F9D]  }
0x1a: {  	s8 =	sadd.s32 $0xFFFFE003, lr  }
0x1b: {  	s9 =	sadd.s32 $0xFFFFFEF7, lr;
	s5 =	simm.s32 $0xFFFFFFFF;
	p2 =	slt.u32 s8, $0xFFFFF086  }
0x1c: {  	p1 =	slt.u32 s9, $0xF7A;
	s5 =	simm.s32 @!p2 $0x0  }
0x1d: {  	s5 =	simm.s32 @p1 $0x1;
	p0 =	seq.s32 s7, s2  }
0x1e: {  	s7 =	smul.u32 @!p0 $0xF7A, s2;
	p2 =	seq.s32 @!p0 s5, $0x0  }
0x1f: {  	s9 =	smul.u32 $0xF7A, s1;
	s8 =	simm.s32 @!p0 $0x1BF5;
	p2 =	por !p2, p0  }
0x20: {  	[sflag:s8] =	ssyncset.s32 @!p0 $0xFFFFF086;
	s6 =	sadd.s32 @!p0 s3, s7;
	s7 =	simm.s32 @!p0 $0x108  }
0x21: {  	s3 =	sadd.s32 s3, s9;
	s6 =	sadd.s32 @!p0 $0x88, s6;
	s7 =	simm.s32 @p2 $0x1082  }
0x22: {  	[simem:s7], [sflag:s8] =	dma.local @!p0 [hbm:s6], $0xF7A  }
0x23: {  	s9 =	sor.u32 $0xD0000000, s2;
	s6 =	simm.s32 $0x108;
	_ =	swait.ge @!p0 [sflag:s8], $0x0  }
0x24: {  	s3 =	sadd.s32 $0x88, s3;
	s6 =	simm.s32 @!p1 $0x1082;
	[sflag:s4] =	ssyncset.s32 $0xFFFFF086  }
0x25: {  	[simem:s6], [sflag:s4] =	dma.local [hbm:s3], $0xF7A  }
0x26: {  	[smem:$0x3F9D] =	sst s1;
	(tag) =	ssettag s2;
	_ =	strace s9  }
0x27: {  	s1 =	sld [smem:$0x3FAD]  }
0x28: {  	s2 =	sld [smem:$0x3FAE]  }
0x29: {  	s4 =	sld [smem:$0x3FB0]  }
0x2a: {  	p0 =	seq.s32 s5, $0x0;
	s5 =	sld [smem:$0x3FB1]  }
0x2b: {  	s6 =	sld [smem:$0x3FB2]  }
0x2c: {  	s7 =	sld [smem:$0x3FB3]  }
0x2d: {  	s3 =	simm.s32 $0x108;
	s8 =	sld [smem:$0x3FB4]  }
0x2e: {  	s3 =	simm.s32 @!p0 $0x1082;
	s9 =	sld [smem:$0x3FB5]  }
0x2f: {  	lr =	sadd.s32 s0, s3;
	s0 =	sld [smem:$0x3FAC]  }
0x30: {  	s3 =	sld [smem:$0x3FAF]  }
0x31: {  	[smem:$0x3FB8] =	sst s10  }
0x32: {  	s10 =	sld [smem:$0x3FB6];
	_ =	sdelay $0x3  }
0x33: {  	p0 =	seq.s32 s10, $0x1;
	s10 =	sld [smem:$0x3FB8];
	_ =	sdelay $0x3  }
0x34: {  	[smem:$0x3FB8] =	sst s10  }
0x35: {  	s10 =	sld [smem:$0x3FB7];
	_ =	sdelay $0x3  }
0x36: {  	p1 =	seq.s32 s10, $0x1;
	s10 =	sld [smem:$0x3FB8];
	_ =	sdelay $0x3  }
0x37: {  	[smem:$0x3FB8] =	sst s10  }
0x38: {  	s10 =	sld [smem:$0x3FB9]  }
0x39: {  	_ = 	snop;
	(pc) =	sbr.ind lr, $3  }
0x3a: {  	_ = 	snop  }
0x3b: {  	_ = 	snop  }
0x3c: {  	p2 =	seq.s32 s10, $0x1;
	s10 =	sld [smem:$0x3FB8]  }
0x3d: {  	_ =	shalt  }
0x3e: {  	_ =	shalt  }
0x3f: {  	_ =	shalt  }
0x40: {  	_ =	shalt  }
0x41: {  	_ =	shalt  }
0x42: {  	_ =	shalt  }
0x43: {  	_ =	shalt  }
0x44: {  	_ =	shalt  }
0x45: {  	_ =	shalt  }
0x46: {  	_ =	shalt  }
0x47: {  	_ =	shalt  }
0x48: {  	_ =	shalt  }
0x49: {  	_ =	shalt  }
0x4a: {  	_ =	shalt  }
0x4b: {  	_ =	shalt  }
0x4c: {  	_ =	shalt  }
0x4d: {  	_ =	shalt  }
0x4e: {  	_ =	shalt  }
0x4f: {  	_ =	shalt  }
0x50: {  	_ =	shalt  }
0x51: {  	_ =	shalt  }
0x52: {  	_ =	shalt  }
0x53: {  	_ =	shalt  }
0x54: {  	_ =	shalt  }
0x55: {  	_ =	shalt  }
0x56: {  	_ =	shalt  }
0x57: {  	_ =	shalt  }
0x58: {  	_ =	shalt  }
0x59: {  	_ =	shalt  }
0x5a: {  	_ =	shalt  }
0x5b: {  	_ =	shalt  }
0x5c: {  	_ =	shalt  }
0x5d: {  	_ =	shalt  }
0x5e: {  	_ =	shalt  }
0x5f: {  	_ =	shalt  }
0x60: {  	_ =	shalt  }
0x61: {  	_ =	shalt  }
0x62: {  	_ =	shalt  }
0x63: {  	_ =	shalt  }
0x64: {  	_ =	shalt  }
0x65: {  	_ =	shalt  }
0x66: {  	_ =	shalt  }
0x67: {  	_ =	shalt  }
0x68: {  	_ =	shalt  }
0x69: {  	_ =	shalt  }
0x6a: {  	_ =	shalt  }
0x6b: {  	_ =	shalt  }
0x6c: {  	_ =	shalt  }
0x6d: {  	_ =	shalt  }
0x6e: {  	_ =	shalt  }
0x6f: {  	_ =	shalt  }
0x70: {  	_ =	shalt  }
0x71: {  	_ =	shalt  }
0x72: {  	_ =	shalt  }
0x73: {  	_ =	shalt  }
0x74: {  	_ =	shalt  }
0x75: {  	_ =	shalt  }
0x76: {  	_ =	shalt  }
0x77: {  	_ =	shalt  }
0x78: {  	_ =	shalt  }
0x79: {  	_ =	shalt  }
0x7a: {  	_ =	shalt  }
0x7b: {  	_ =	shalt  }
0x7c: {  	_ =	shalt  }
0x7d: {  	_ =	shalt  }
0x7e: {  	_ =	shalt  }
0x7f: {  	_ =	shalt  }
0x80: {  	_ =	shalt  }
0x81: {  	_ =	shalt  }
0x82: {  	_ =	shalt  }
0x83: {  	_ =	shalt  }
0x84: {  	_ =	shalt  }
0x85: {  	_ =	shalt  }
0x86: {  	_ =	shalt  }
0x87: {  	_ =	shalt  }
.Lfunc_end0:
.L_simem_size_0:
called_computation_lowered:
.L_overlay_start_0:
0x88: {  	s2 =	sld [smem:$0x3FD9]  }
0x89: {  	s3 =	sld [smem:$0x3FFE];
	_ =	sdelay $0x1  }
0x8a: {  	s1 =	srdreg.scid  }
0x8b: {  	s0 =	sand.u32 $0x1, s1  }
0x8c: {  	s17 =	sshll.u32 s0, $0xA;
	s2 =	sadd.s32 s3, s2  }
0x8d: {  	s2 =	sadd.s32 s2, s17  }
0x8e: {  	[smem:$0x3FC4] =	sst s2  }
0x8f: {  	_ = 	snop  }
0x90: {  	s2 =	sld [smem:$0x3FC8]  }
0x91: {  	s18 =	sld [smem:$0x3FC7]  }
0x92: {  	s4 =	sld [smem:$0x3FC6]  }
0x93: {  	s5 =	sld [smem:$0x3FD0];
	(tm) =	ssettm $0x1  }
0x94: {  	s6 =	sld [smem:$0x3FFB];
	_ =	sdelay $0x3  }
0x95: {  	_ =	strace s6  }
0x96: {  	s6 =	sld [smem:$0x3FFC];
	_ =	sdelay $0x3  }
0x97: {  	_ =	strace s6  }
0x98: {  	s6 =	sld [smem:$0x3FFD];
	_ =	sdelay $0x3  }
0x99: {  	_ =	strace s6  }
0x9a: {  	_ =	strace $0x8FFFFFFF  }
0x9b: {  	s19 =	sld [smem:$0x3FDB];
	_ =	sdelay $0x1  }
0x9c: {  	s7 =	simm.s32 $_scs_section_size  }
0x9d: {  	s8 =	simm.s32 $_size__tile_overlayer_lowered;
	s9 =	simm.s32 $_tile_overlayer_lowered  }
0x9e: {  	s22 =	simm.s32 $0x1BFF;
	s21 =	sshll.u32 s9, $0x1;
	s6 =	sadd.s32 s7, s19  }
0x9f: {  	s10 =	simm.s32 $0x0;
	s20 =	sshll.u32 s8, $0x1;
	s8 =	sadd.s32 s21, s6  }
0xa0: {  	[timem:s10], [sflag:s22] =	dma.local [hbm:s8], s20  }
0xa1: {  	_ =	swait.ge [sflag:s22], s20  }
0xa2: {  	s7 =	ssub.s32 $0x0, s20;
	[sflag:s22] =	ssyncset.done $0x0  }
0xa3: {  	[sflag:s22] =	ssyncadd.s32 s7;
	_ =	sdelay $0x1  }
0xa4: {  	s23 =	simm.s32 $0x1B8B  }
0xa5: {  	_ =	swait.ge [sflag:s23], $0x1  }
0xa6: {  	[sflag:s23] =	ssyncset.done $0x0  }
0xa7: {  	s25 =	simm.s32 $0x1B8E;
	s24 =	sld [smem:$0x3FFE];
	[sflag:s23] =	ssyncadd.s32 $0xFFFFFFFF  }
0xa8: {  	s26 =	simm.s32 $execute0_lowered;
	[smem:$0x3FD2] =	sst s25  }
0xa9: {  	s8 =	sshll.u32 s26, $0x1;
	_ =	strace $0x80000046;
	[dreg:$0x1] =	wrdreg $0xFFFFFFFF  }
0xaa: {  	s28 =	simm.s32 $_size_execute0_lowered;
	s6 =	sadd.s32 s6, s8;
	[dreg:$0x0] =	wrdreg $0x0  }
0xab: {  	s8 =	sshll.u32 s28, $0x1;
	[dreg:$0x2] =	wrdreg s6  }
0xac: {  	[dreg:$0x3] =	wrdreg s8  }
0xad: {  	[dreg:$0x4] =	wrdreg $0xC0  }
0xae: {  	_ =	task [dreg:s10], $0x5FFFF  }
0xaf: {  	[dreg:$0x1] =	wrdreg $0xFFFFFFFF  }
0xb0: {  	[dreg:$0x0] =	wrdreg $0x60  }
0xb1: {  	[dreg:$0x2] =	wrdreg s2  }
0xb2: {  	[dreg:$0x3] =	wrdreg s18  }
0xb3: {  	[dreg:$0x4] =	wrdreg s4  }
0xb4: {  	[dreg:$0x5] =	wrdreg s24  }
0xb5: {  	[dreg:$0x6] =	wrdreg s5  }
0xb6: {  	[dreg:$0x7] =	wrdreg $0x9  }
0xb7: {  	_ =	task.clear_ibuf [dreg:s10], $0x8FFFF;
	_ =	strace $0x90000046  }
0xb8: {  	s29 =	simm.s32 $0x9;
	_ =	strace $0x80000048  }
0xb9: {  	_ =	swait.ge [sflag:s29], $0x1  }
0xba: {  	[sflag:s29] =	ssyncadd.s32 $0xFFFFFFFF  }
0xbb: {  	_ =	strace $0x90000048  }
0xbc: {  	_ =	sfence  }
0xbd: {  	s30 =	sld [smem:$0x0];
	_ =	sdelay $0x2  }
0xbe: {  	s31 =	sshll.u32 s1, $0xD;
	s1 =	sshrl.u32 s1, $0x2  }
0xbf: {  	s3 =	sand.u32 $0x4000, s31;
	s1 =	sadd.s32 s1, s30  }
0xc0: {  	s0 =	sor.u32 s3, s0;
	s1 =	sshll.u32 s1, $0x11  }
0xc1: {  	s0 =	sor.u32 s1, s0  }
0xc2: {  	s0 =	sadd.s32 $0x8F2B, s0  }
0xc3: {  	[sflag:s0] =	ssyncadd.remote.s32 $0x1  }
0xc4: {  	_ =	sfence.sel $0xFFFF  }
0xc5: {  	[dreg:$0x0] =	wrdreg $0xFFFFFFFF;
	(pc) =	sbr.abs _section_cstart, $3  }
0xc6: {  	[dreg:$0x1] =	wrdreg $0xFFFFFFFF  }
0xc7: {  	_ =	task.clear_ibuf [dreg:s10], $0x2FFFF;
	_ =	strace $0x9FFFFFFF  }
0xc8: {  	(tm) =	ssettm $0x7FFFFFFF  }
0xc9: {  	_ =	shalt  }
tec
execute0_lowered:
.L_overlay_start_1:
0x0: {  	(tag) =	ssettag $0x1  }
0x1: {  	s0 =	rddreg [dreg:$0x3]  }
0x2: {  	s5 =	rddreg [dreg:$0x4]  }
0x3: {  	s1 =	srdreg.scid;
	s6 =	simm.s32 $0x0;
	s4 =	stileid.u32  }
0x4: {  	s1 =	sand.u32 $0x1, s1;
	s3 =	sshrl.u32 s4, $0x3;
	s4 =	sshll.u32 s4, $0x9  }
0x5: {  	[smem:$0x7FF] =	sst s6;
	s2 =	sshll.u32 s1, $0x1;
	s7 =	sand.u32 $0xE00, s4  }
0x6: {  	_ =	strace $0x80000047;
	s9 =	ssub.s32 $0x2, s1;
	s2 =	sor.u32 s3, s2  }
0x7: {  	[dreg:$0x6] =	wrdreg s7;
	s12 =	sshll.u32 s2, $0x13;
	s2 =	sshll.u32 s2, $0x4  }
0x8: {  	s7 =	sshll.u32 s7, $0x7;
	s13 =	sshrl.u32 s9, $0x1;
	s0 =	sadd.s32 s2, s0  }
0x9: {  	s4 =	sor.u32 s7, s12;
	s2 =	ssub.s32 s9, s13;
	s0 =	sadd.s32 $0x600, s0  }
0xa: {  	s8 =	sadd.s32 s5, s4;
	s10 =	smax.u32 s2, $0x1;
	[dreg:$0x7] =	wrdreg s0  }
0xb: {  	s14 =	sadd.s32 $0x800, s8;
	[dreg:$0x17] =	wrdreg s10  }
0xc: {  	s15 =	sadd.s32 $0x1000, s8;
	[dreg:$0x8] =	wrdreg s14  }
0xd: {  	s16 =	sadd.s32 $0x1800, s8;
	[dreg:$0x9] =	wrdreg s15  }
0xe: {  	s17 =	sadd.s32 $0x2000, s8;
	[dreg:$0xa] =	wrdreg s16  }
0xf: {  	s18 =	sadd.s32 $0x2800, s8;
	[dreg:$0xb] =	wrdreg s17  }
0x10: {  	s19 =	sadd.s32 $0x3000, s8;
	[dreg:$0xc] =	wrdreg s18  }
0x11: {  	s20 =	sadd.s32 $0x3800, s8;
	[dreg:$0xd] =	wrdreg s19  }
0x12: {  	s21 =	sadd.s32 $0x4000, s8;
	[dreg:$0xe] =	wrdreg s20  }
0x13: {  	s22 =	sadd.s32 $0x4800, s8;
	[dreg:$0xf] =	wrdreg s21  }
0x14: {  	s23 =	sadd.s32 $0x5000, s8;
	[dreg:$0x10] =	wrdreg s22  }
0x15: {  	s24 =	sadd.s32 $0x5800, s8;
	[dreg:$0x11] =	wrdreg s23  }
0x16: {  	s25 =	sshll.u32 s1, $0xD;
	s4 =	sadd.s32 $0x6000, s8;
	[dreg:$0x12] =	wrdreg s24  }
0x17: {  	s26 =	sshll.u32 s3, $0xC;
	s7 =	sadd.s32 $0x6800, s8;
	[dreg:$0x13] =	wrdreg s4  }
0x18: {  	s0 =	sor.u32 s26, s25;
	[dreg:$0x14] =	wrdreg s7  }
0x19: {  	s9 =	sadd.s32 $0x7000, s8;
	[dreg:$0x15] =	wrdreg s0  }
0x1a: {  	s11 =	sadd.s32 $0x7800, s8;
	[dreg:$0x16] =	wrdreg s9  }
0x1b: {  	s12 =	sadd.s32 $0x8000, s8;
	[dreg:$0x18] =	wrdreg s11  }
0x1c: {  	s13 =	sadd.s32 $0x8800, s8;
	[dreg:$0x19] =	wrdreg s12  }
0x1d: {  	s25 =	sadd.s32 $0xE800, s8;
	[dreg:$0x1a] =	wrdreg s13  }
0x1e: {  	s26 =	sadd.s32 $0xF000, s8;
	[smem:$0x7FC] =	sst s25  }
0x1f: {  	s14 =	sadd.s32 $0x9000, s8;
	[smem:$0x7FD] =	sst s26  }
0x20: {  	s15 =	sadd.s32 $0x9800, s8;
	[dreg:$0x1b] =	wrdreg s14  }
0x21: {  	s28 =	simm.s32 $0x4C00;
	s16 =	sadd.s32 $0xA000, s8;
	[dreg:$0x1c] =	wrdreg s15  }
0x22: {  	s29 =	simm.s32 $0x5000;
	s17 =	sadd.s32 $0xA800, s8;
	[dreg:$0x1d] =	wrdreg s16  }
0x23: {  	s30 =	simm.s32 $0x5400;
	s18 =	sadd.s32 $0xB000, s8;
	[dreg:$0x1e] =	wrdreg s17  }
0x24: {  	s31 =	simm.s32 $0x5800;
	s19 =	sadd.s32 $0xB800, s8;
	[dreg:$0x1f] =	wrdreg s18  }
0x25: {  	s20 =	sadd.s32 $0xC000, s8;
	s21 =	sadd.s32 $0xC800, s8;
	[smem:$0x7F6] =	sst s19  }
0x26: {  	s22 =	sadd.s32 $0xD000, s8;
	s23 =	sadd.s32 $0xD800, s8;
	[smem:$0x7F7] =	sst s20  }
0x27: {  	s24 =	sadd.s32 $0xE000, s8;
	s12 =	sadd.s32 $0xF800, s8;
	[smem:$0x7F8] =	sst s21  }
0x28: {  	s13 =	simm.s32 $0x3;
	s26 =	simm.s32 $0x4800;
	[smem:$0x7F9] =	sst s22  }
.Ltmp0:
0x29: {  	s0 =	simm.s32 $0x5C00;
	[smem:$0x7FA] =	sst s23;
	(pc) =	sbr.rel .LBB2_1-.Ltmp0, $4  }
0x2a: {  	s4 =	simm.s32 $0x0;
	[smem:$0x7FB] =	sst s24;
	s14 =	simm.s32 $0x400  }
0x2b: {  	s15 =	simm.s32 $0x800;
	s16 =	simm.s32 $0xC00;
	s17 =	simm.s32 $0x1000  }
0x2c: {  	s18 =	simm.s32 $0x1400;
	s19 =	simm.s32 $0x1800;
	s20 =	simm.s32 $0x1C00  }
0x2d: {  	s21 =	simm.s32 $0x4000;
	s22 =	simm.s32 $0x2;
	s24 =	simm.s32 $0x4400  }
.LBB2_10:
0x2e: {  	s1 =	sshrl.u32 s7, $0x3  }
0x2f: {  	[sflag:s13] =	ssyncadd.s32 @p1 $0xFFFFFC00;
	s1 =	sadd.s32 s5, s1  }
0x30: {  	[hbm4b:s1+s6] =	stream.linear.scatter [tilespmem:s21], [sflag:$0x3], $0x80, $0x38;
	[tilespmem:$0x8100] =	vst v63  }
0x31: {  	s2 =	sadd.s32 $0x80, s1  }
0x32: {  	[hbm4b:s2+s6] =	stream.linear.scatter [tilespmem:s24], [sflag:$0x3], $0x80, $0x38;
	[tilespmem:$0x8100] =	vst v63  }
0x33: {  	s9 =	sadd.s32 $0x100, s1  }
0x34: {  	[hbm4b:s9+s6] =	stream.linear.scatter [tilespmem:s26], [sflag:$0x3], $0x80, $0x38;
	[tilespmem:$0x8100] =	vst v63  }
0x35: {  	s10 =	sadd.s32 $0x180, s1  }
0x36: {  	[hbm4b:s10+s6] =	stream.linear.scatter [tilespmem:s28], [sflag:$0x3], $0x80, $0x38;
	[tilespmem:$0x8100] =	vst v63  }
0x37: {  	s11 =	sadd.s32 $0x200, s1  }
0x38: {  	[hbm4b:s11+s6] =	stream.linear.scatter [tilespmem:s29], [sflag:$0x3], $0x80, $0x38;
	[tilespmem:$0x8100] =	vst v63  }
0x39: {  	s23 =	sadd.s32 $0x280, s1  }
0x3a: {  	[hbm4b:s23+s6] =	stream.linear.scatter [tilespmem:s30], [sflag:$0x3], $0x80, $0x38;
	[tilespmem:$0x8100] =	vst v63  }
0x3b: {  	s25 =	sadd.s32 $0x300, s1  }
0x3c: {  	[hbm4b:s25+s6] =	stream.linear.scatter [tilespmem:s31], [sflag:$0x3], $0x80, $0x38;
	[tilespmem:$0x8100] =	vst v63  }
0x3d: {  	s1 =	sadd.s32 $0x380, s1  }
0x3e: {  	[hbm4b:s1+s6] =	stream.linear.scatter [tilespmem:s0], [sflag:$0x3], $0x80, $0x38;
	[tilespmem:$0x8100] =	vst v63  }
0x3f: {  	_ =	swait.ge [sflag:s13], $0x400  }
0x40: {  	[sflag:s13] =	ssyncset.done $0x0  }
0x41: {  	[sflag:s13] =	ssyncadd.s32 $0xFFFFFC00  }
.LBB2_11:
0x42: {  	s1 =	sld [smem:$0x7BB];
	_ =	sdelay $0x2  }
0x43: {  	p1 =	seq.s32 s1, $0x1  }
0x44: {  	s1 =	simm.s32 @!p1 $0x1  }
0x45: {  	_ =	swait.ge @!p1 [sflag:s1], $0x4000  }
0x46: {  	[sflag:s1] =	ssyncset.done @!p1 $0x0  }
0x47: {  	[sflag:s1] =	ssyncadd.s32 @!p1 $0xFFFFC000;
	s1 =	simm.s32 @!p6 $0x1  }
0x48: {  	_ =	swait.ge @!p6 [sflag:s1], $0x4000  }
0x49: {  	s23 =	sld [smem:$0x7BC];
	_ =	sdelay $0x2  }
0x4a: {  	[sflag:s1] =	ssyncset.done @!p6 $0x0;
	p1 =	seq.s32 s23, $0x1  }
0x4b: {  	[sflag:s1] =	ssyncadd.s32 @!p6 $0xFFFFC000;
	s1 =	simm.s32 @!p1 $0x1  }
0x4c: {  	_ =	swait.ge @!p1 [sflag:s1], $0x4000  }
0x4d: {  	[sflag:s1] =	ssyncset.done @!p1 $0x0  }
0x4e: {  	[sflag:s1] =	ssyncadd.s32 @!p1 $0xFFFFC000;
	s1 =	simm.s32 @!p0 $0x1  }
0x4f: {  	_ =	swait.ge @!p0 [sflag:s1], $0x4000  }
0x50: {  	s25 =	sld [smem:$0x7BD];
	_ =	sdelay $0x1  }
0x51: {  	[sflag:s1] =	ssyncset.done @!p0 $0x0  }
0x52: {  	[sflag:s1] =	ssyncadd.s32 @!p0 $0xFFFFC000;
	p0 =	seq.s32 s25, $0x1  }
0x53: {  	s1 =	simm.s32 @!p0 $0x1  }
0x54: {  	_ =	swait.ge @!p0 [sflag:s1], $0x4000  }
0x55: {  	[sflag:s1] =	ssyncset.done @!p0 $0x0  }
0x56: {  	[sflag:s1] =	ssyncadd.s32 @!p0 $0xFFFFC000;
	s1 =	simm.s32 @!p4 $0x1  }
0x57: {  	_ =	swait.ge @!p4 [sflag:s1], $0x4000  }
0x58: {  	s2 =	sld [smem:$0x7BE];
	_ =	sdelay $0x2  }
0x59: {  	[sflag:s1] =	ssyncset.done @!p4 $0x0;
	p0 =	seq.s32 s2, $0x1  }
0x5a: {  	[sflag:s1] =	ssyncadd.s32 @!p4 $0xFFFFC000;
	s1 =	simm.s32 @!p0 $0x1  }
0x5b: {  	_ =	swait.ge @!p0 [sflag:s1], $0x4000  }
0x5c: {  	[sflag:s1] =	ssyncset.done @!p0 $0x0  }
0x5d: {  	[sflag:s1] =	ssyncadd.s32 @!p0 $0xFFFFC000;
	s1 =	simm.s32 @!p2 $0x1  }
0x5e: {  	_ =	swait.ge @!p2 [sflag:s1], $0x4000  }
0x5f: {  	s3 =	sld [smem:$0x7BF];
	_ =	sdelay $0x2  }
0x60: {  	[sflag:s1] =	ssyncset.done @!p2 $0x0;
	p0 =	seq.s32 s3, $0x1  }
0x61: {  	[sflag:s1] =	ssyncadd.s32 @!p2 $0xFFFFC000;
	s1 =	simm.s32 @!p0 $0x1  }
0x62: {  	_ =	swait.ge @!p0 [sflag:s1], $0x4000  }
0x63: {  	[sflag:s1] =	ssyncset.done @!p0 $0x0  }
0x64: {  	[sflag:s1] =	ssyncadd.s32 @!p0 $0xFFFFC000;
	s1 =	simm.s32 @!p5 $0x1  }
0x65: {  	_ =	swait.ge @!p5 [sflag:s1], $0x4000  }
0x66: {  	s7 =	sld [smem:$0x7C0];
	_ =	sdelay $0x2  }
0x67: {  	[sflag:s1] =	ssyncset.done @!p5 $0x0;
	p0 =	seq.s32 s7, $0x1  }
0x68: {  	[sflag:s1] =	ssyncadd.s32 @!p5 $0xFFFFC000;
	s1 =	simm.s32 @!p0 $0x1  }
0x69: {  	_ =	swait.ge @!p0 [sflag:s1], $0x4000  }
0x6a: {  	s9 =	sld [smem:$0x7C1];
	_ =	sdelay $0x1  }
0x6b: {  	[sflag:s1] =	ssyncset.done @!p0 $0x0  }
0x6c: {  	[sflag:s1] =	ssyncadd.s32 @!p0 $0xFFFFC000;
	p0 =	seq.s32 s9, $0x1  }
0x6d: {  	s1 =	simm.s32 @!p0 $0x1  }
0x6e: {  	_ =	swait.ge @!p0 [sflag:s1], $0x4000  }
0x6f: {  	s10 =	sld [smem:$0x7C2];
	_ =	sdelay $0x1  }
0x70: {  	[sflag:s1] =	ssyncset.done @!p0 $0x0  }
0x71: {  	[sflag:s1] =	ssyncadd.s32 @!p0 $0xFFFFC000;
	p0 =	seq.s32 s10, $0x1  }
0x72: {  	s1 =	simm.s32 @!p0 $0x1  }
0x73: {  	_ =	swait.ge @!p0 [sflag:s1], $0x4000  }
0x74: {  	s11 =	sld [smem:$0x7C3];
	_ =	sdelay $0x1  }
0x75: {  	[sflag:s1] =	ssyncset.done @!p0 $0x0  }
0x76: {  	[sflag:s1] =	ssyncadd.s32 @!p0 $0xFFFFC000;
	p0 =	seq.s32 s11, $0x1  }
0x77: {  	s1 =	simm.s32 @!p0 $0x1  }
0x78: {  	_ =	swait.ge @!p0 [sflag:s1], $0x4000  }
0x79: {  	s23 =	sld [smem:$0x7C4];
	_ =	sdelay $0x1  }
0x7a: {  	[sflag:s1] =	ssyncset.done @!p0 $0x0  }
0x7b: {  	[sflag:s1] =	ssyncadd.s32 @!p0 $0xFFFFC000;
	p0 =	seq.s32 s23, $0x1  }
0x7c: {  	s1 =	simm.s32 @!p0 $0x1  }
0x7d: {  	_ =	swait.ge @!p0 [sflag:s1], $0x4000  }
0x7e: {  	s25 =	sld [smem:$0x7C5];
	_ =	sdelay $0x1  }
0x7f: {  	[sflag:s1] =	ssyncset.done @!p0 $0x0  }
0x80: {  	[sflag:s1] =	ssyncadd.s32 @!p0 $0xFFFFC000;
	p0 =	seq.s32 s25, $0x1  }
0x81: {  	s1 =	simm.s32 @!p0 $0x1  }
0x82: {  	_ =	swait.ge @!p0 [sflag:s1], $0x4000  }
0x83: {  	s2 =	sld [smem:$0x7C6];
	_ =	sdelay $0x1  }
0x84: {  	[sflag:s1] =	ssyncset.done @!p0 $0x0  }
0x85: {  	[sflag:s1] =	ssyncadd.s32 @!p0 $0xFFFFC000;
	p0 =	seq.s32 s2, $0x1  }
0x86: {  	s1 =	simm.s32 @!p0 $0x1  }
0x87: {  	_ =	swait.ge @!p0 [sflag:s1], $0x4000  }
0x88: {  	s3 =	sld [smem:$0x7C7];
	_ =	sdelay $0x1  }
0x89: {  	[sflag:s1] =	ssyncset.done @!p0 $0x0  }
0x8a: {  	[sflag:s1] =	ssyncadd.s32 @!p0 $0xFFFFC000;
	p0 =	seq.s32 s3, $0x1  }
0x8b: {  	s1 =	simm.s32 @!p0 $0x1  }
0x8c: {  	_ =	swait.ge @!p0 [sflag:s1], $0x4000  }
0x8d: {  	s7 =	sld [smem:$0x7C8];
	_ =	sdelay $0x1  }
0x8e: {  	[sflag:s1] =	ssyncset.done @!p0 $0x0  }
0x8f: {  	[sflag:s1] =	ssyncadd.s32 @!p0 $0xFFFFC000;
	p0 =	seq.s32 s7, $0x1  }
0x90: {  	s1 =	simm.s32 @!p0 $0x1  }
0x91: {  	_ =	swait.ge @!p0 [sflag:s1], $0x4000  }
0x92: {  	s9 =	sld [smem:$0x7C9];
	_ =	sdelay $0x1  }
0x93: {  	[sflag:s1] =	ssyncset.done @!p0 $0x0  }
0x94: {  	[sflag:s1] =	ssyncadd.s32 @!p0 $0xFFFFC000;
	p0 =	seq.s32 s9, $0x1  }
0x95: {  	s1 =	simm.s32 @!p0 $0x1  }
0x96: {  	_ =	swait.ge @!p0 [sflag:s1], $0x4000  }
0x97: {  	s10 =	sld [smem:$0x7CA];
	_ =	sdelay $0x1  }
0x98: {  	[sflag:s1] =	ssyncset.done @!p0 $0x0  }
0x99: {  	[sflag:s1] =	ssyncadd.s32 @!p0 $0xFFFFC000;
	p0 =	seq.s32 s10, $0x1  }
0x9a: {  	s1 =	simm.s32 @!p0 $0x1  }
0x9b: {  	_ =	swait.ge @!p0 [sflag:s1], $0x4000  }
0x9c: {  	s11 =	sld [smem:$0x7CB];
	_ =	sdelay $0x1  }
0x9d: {  	[sflag:s1] =	ssyncset.done @!p0 $0x0  }
0x9e: {  	[sflag:s1] =	ssyncadd.s32 @!p0 $0xFFFFC000;
	p0 =	seq.s32 s11, $0x1  }
0x9f: {  	s1 =	simm.s32 @!p0 $0x1  }
0xa0: {  	_ =	swait.ge @!p0 [sflag:s1], $0x4000  }
0xa1: {  	s23 =	sld [smem:$0x7CC];
	_ =	sdelay $0x1  }
0xa2: {  	[sflag:s1] =	ssyncset.done @!p0 $0x0  }
0xa3: {  	[sflag:s1] =	ssyncadd.s32 @!p0 $0xFFFFC000;
	p0 =	seq.s32 s23, $0x1  }
0xa4: {  	s1 =	simm.s32 @!p0 $0x1  }
0xa5: {  	_ =	swait.ge @!p0 [sflag:s1], $0x4000  }
0xa6: {  	s25 =	sld [smem:$0x7CD];
	_ =	sdelay $0x1  }
0xa7: {  	[sflag:s1] =	ssyncset.done @!p0 $0x0  }
0xa8: {  	[sflag:s1] =	ssyncadd.s32 @!p0 $0xFFFFC000;
	p0 =	seq.s32 s25, $0x1  }
0xa9: {  	s1 =	simm.s32 @!p0 $0x1  }
0xaa: {  	_ =	swait.ge @!p0 [sflag:s1], $0x4000  }
0xab: {  	s2 =	sld [smem:$0x7CE];
	_ =	sdelay $0x1  }
0xac: {  	[sflag:s1] =	ssyncset.done @!p0 $0x0  }
0xad: {  	[sflag:s1] =	ssyncadd.s32 @!p0 $0xFFFFC000;
	p0 =	seq.s32 s2, $0x1  }
0xae: {  	s1 =	simm.s32 @!p0 $0x1  }
0xaf: {  	_ =	swait.ge @!p0 [sflag:s1], $0x4000  }
0xb0: {  	s3 =	sld [smem:$0x7CF];
	_ =	sdelay $0x1  }
0xb1: {  	[sflag:s1] =	ssyncset.done @!p0 $0x0  }
0xb2: {  	[sflag:s1] =	ssyncadd.s32 @!p0 $0xFFFFC000;
	p0 =	seq.s32 s3, $0x1  }
0xb3: {  	s1 =	simm.s32 @!p0 $0x1  }
0xb4: {  	_ =	swait.ge @!p0 [sflag:s1], $0x4000  }
0xb5: {  	s7 =	sld [smem:$0x7D0];
	_ =	sdelay $0x1  }
0xb6: {  	[sflag:s1] =	ssyncset.done @!p0 $0x0  }
0xb7: {  	[sflag:s1] =	ssyncadd.s32 @!p0 $0xFFFFC000;
	p0 =	seq.s32 s7, $0x1  }
0xb8: {  	s1 =	simm.s32 @!p0 $0x1  }
0xb9: {  	_ =	swait.ge @!p0 [sflag:s1], $0x4000  }
0xba: {  	s9 =	sld [smem:$0x7D1];
	_ =	sdelay $0x1  }
0xbb: {  	[sflag:s1] =	ssyncset.done @!p0 $0x0  }
0xbc: {  	[sflag:s1] =	ssyncadd.s32 @!p0 $0xFFFFC000;
	p0 =	seq.s32 s9, $0x1  }
0xbd: {  	s1 =	simm.s32 @!p0 $0x1  }
0xbe: {  	_ =	swait.ge @!p0 [sflag:s1], $0x4000  }
0xbf: {  	s10 =	sld [smem:$0x7D2];
	_ =	sdelay $0x1  }
0xc0: {  	[sflag:s1] =	ssyncset.done @!p0 $0x0  }
0xc1: {  	[sflag:s1] =	ssyncadd.s32 @!p0 $0xFFFFC000;
	p0 =	seq.s32 s10, $0x1  }
0xc2: {  	s1 =	simm.s32 @!p0 $0x1  }
0xc3: {  	_ =	swait.ge @!p0 [sflag:s1], $0x4000  }
0xc4: {  	s11 =	sld [smem:$0x7D3];
	_ =	sdelay $0x1  }
0xc5: {  	[sflag:s1] =	ssyncset.done @!p0 $0x0  }
0xc6: {  	[sflag:s1] =	ssyncadd.s32 @!p0 $0xFFFFC000;
	p0 =	seq.s32 s11, $0x1  }
0xc7: {  	s1 =	simm.s32 @!p0 $0x1  }
0xc8: {  	_ =	swait.ge @!p0 [sflag:s1], $0x4000  }
0xc9: {  	s23 =	sld [smem:$0x7D4];
	_ =	sdelay $0x1  }
0xca: {  	[sflag:s1] =	ssyncset.done @!p0 $0x0  }
0xcb: {  	[sflag:s1] =	ssyncadd.s32 @!p0 $0xFFFFC000;
	p0 =	seq.s32 s23, $0x1  }
0xcc: {  	s1 =	simm.s32 @!p0 $0x1  }
0xcd: {  	_ =	swait.ge @!p0 [sflag:s1], $0x4000  }
0xce: {  	s25 =	sld [smem:$0x7D5];
	_ =	sdelay $0x1  }
0xcf: {  	[sflag:s1] =	ssyncset.done @!p0 $0x0  }
0xd0: {  	[sflag:s1] =	ssyncadd.s32 @!p0 $0xFFFFC000;
	p0 =	seq.s32 s25, $0x1  }
0xd1: {  	s1 =	simm.s32 @!p0 $0x1  }
0xd2: {  	_ =	swait.ge @!p0 [sflag:s1], $0x4000  }
0xd3: {  	s2 =	sld [smem:$0x7D6];
	_ =	sdelay $0x1  }
0xd4: {  	[sflag:s1] =	ssyncset.done @!p0 $0x0  }
0xd5: {  	[sflag:s1] =	ssyncadd.s32 @!p0 $0xFFFFC000;
	p0 =	seq.s32 s2, $0x1  }
0xd6: {  	s1 =	simm.s32 @!p0 $0x1  }
0xd7: {  	_ =	swait.ge @!p0 [sflag:s1], $0x4000  }
0xd8: {  	s3 =	sld [smem:$0x7D7];
	_ =	sdelay $0x1  }
0xd9: {  	[sflag:s1] =	ssyncset.done @!p0 $0x0  }
0xda: {  	[sflag:s1] =	ssyncadd.s32 @!p0 $0xFFFFC000;
	p0 =	seq.s32 s3, $0x1  }
0xdb: {  	s1 =	simm.s32 @!p0 $0x1  }
0xdc: {  	_ =	swait.ge @!p0 [sflag:s1], $0x4000  }
0xdd: {  	s7 =	sld [smem:$0x7D8];
	_ =	sdelay $0x1  }
0xde: {  	[sflag:s1] =	ssyncset.done @!p0 $0x0  }
0xdf: {  	[sflag:s1] =	ssyncadd.s32 @!p0 $0xFFFFC000;
	p0 =	seq.s32 s7, $0x1  }
0xe0: {  	s1 =	simm.s32 @!p0 $0x1  }
0xe1: {  	_ =	swait.ge @!p0 [sflag:s1], $0x4000  }
0xe2: {  	s9 =	sld [smem:$0x7D9];
	_ =	sdelay $0x1  }
0xe3: {  	[sflag:s1] =	ssyncset.done @!p0 $0x0  }
0xe4: {  	[sflag:s1] =	ssyncadd.s32 @!p0 $0xFFFFC000;
	p0 =	seq.s32 s9, $0x1  }
0xe5: {  	s1 =	simm.s32 @!p0 $0x1  }
0xe6: {  	_ =	swait.ge @!p0 [sflag:s1], $0x4000  }
0xe7: {  	s10 =	sld [smem:$0x7DA];
	_ =	sdelay $0x1  }
0xe8: {  	[sflag:s1] =	ssyncset.done @!p0 $0x0  }
0xe9: {  	[sflag:s1] =	ssyncadd.s32 @!p0 $0xFFFFC000;
	p0 =	seq.s32 s10, $0x1  }
0xea: {  	s1 =	simm.s32 @!p0 $0x1  }
0xeb: {  	_ =	swait.ge @!p0 [sflag:s1], $0x4000  }
0xec: {  	s11 =	sld [smem:$0x7DB];
	_ =	sdelay $0x1  }
0xed: {  	[sflag:s1] =	ssyncset.done @!p0 $0x0  }
0xee: {  	[sflag:s1] =	ssyncadd.s32 @!p0 $0xFFFFC000;
	p0 =	seq.s32 s11, $0x1  }
0xef: {  	s1 =	simm.s32 @!p0 $0x1  }
0xf0: {  	_ =	swait.ge @!p0 [sflag:s1], $0x4000  }
0xf1: {  	s23 =	sld [smem:$0x7DC];
	_ =	sdelay $0x1  }
0xf2: {  	[sflag:s1] =	ssyncset.done @!p0 $0x0  }
0xf3: {  	[sflag:s1] =	ssyncadd.s32 @!p0 $0xFFFFC000;
	p0 =	seq.s32 s23, $0x1  }
0xf4: {  	s1 =	simm.s32 @!p0 $0x1  }
0xf5: {  	_ =	swait.ge @!p0 [sflag:s1], $0x4000  }
0xf6: {  	s25 =	sld [smem:$0x7DD];
	_ =	sdelay $0x1  }
0xf7: {  	[sflag:s1] =	ssyncset.done @!p0 $0x0  }
0xf8: {  	[sflag:s1] =	ssyncadd.s32 @!p0 $0xFFFFC000;
	p0 =	seq.s32 s25, $0x1  }
0xf9: {  	s1 =	simm.s32 @!p0 $0x1  }
0xfa: {  	_ =	swait.ge @!p0 [sflag:s1], $0x4000  }
0xfb: {  	s2 =	sld [smem:$0x7DE];
	_ =	sdelay $0x1  }
0xfc: {  	[sflag:s1] =	ssyncset.done @!p0 $0x0  }
0xfd: {  	[sflag:s1] =	ssyncadd.s32 @!p0 $0xFFFFC000;
	p0 =	seq.s32 s2, $0x1  }
0xfe: {  	s1 =	simm.s32 @!p0 $0x1  }
0xff: {  	_ =	swait.ge @!p0 [sflag:s1], $0x4000  }
0x100: {  	s3 =	sld [smem:$0x7DF];
	_ =	sdelay $0x1  }
0x101: {  	[sflag:s1] =	ssyncset.done @!p0 $0x0  }
0x102: {  	[sflag:s1] =	ssyncadd.s32 @!p0 $0xFFFFC000;
	p0 =	seq.s32 s3, $0x1  }
0x103: {  	s1 =	simm.s32 @!p0 $0x1  }
0x104: {  	_ =	swait.ge @!p0 [sflag:s1], $0x4000  }
0x105: {  	s7 =	sld [smem:$0x7E0];
	_ =	sdelay $0x1  }
0x106: {  	[sflag:s1] =	ssyncset.done @!p0 $0x0  }
0x107: {  	[sflag:s1] =	ssyncadd.s32 @!p0 $0xFFFFC000;
	p0 =	seq.s32 s7, $0x1  }
0x108: {  	s1 =	simm.s32 @!p0 $0x1  }
0x109: {  	_ =	swait.ge @!p0 [sflag:s1], $0x4000  }
0x10a: {  	s9 =	sld [smem:$0x7E1];
	_ =	sdelay $0x1  }
0x10b: {  	[sflag:s1] =	ssyncset.done @!p0 $0x0  }
0x10c: {  	[sflag:s1] =	ssyncadd.s32 @!p0 $0xFFFFC000;
	p0 =	seq.s32 s9, $0x1  }
0x10d: {  	s1 =	simm.s32 @!p0 $0x1  }
0x10e: {  	_ =	swait.ge @!p0 [sflag:s1], $0x4000  }
0x10f: {  	s10 =	sld [smem:$0x7E2];
	_ =	sdelay $0x1  }
0x110: {  	[sflag:s1] =	ssyncset.done @!p0 $0x0  }
0x111: {  	[sflag:s1] =	ssyncadd.s32 @!p0 $0xFFFFC000;
	p0 =	seq.s32 s10, $0x1  }
0x112: {  	s1 =	simm.s32 @!p0 $0x1  }
0x113: {  	_ =	swait.ge @!p0 [sflag:s1], $0x4000  }
0x114: {  	s11 =	sld [smem:$0x7E3];
	_ =	sdelay $0x1  }
0x115: {  	[sflag:s1] =	ssyncset.done @!p0 $0x0  }
0x116: {  	[sflag:s1] =	ssyncadd.s32 @!p0 $0xFFFFC000;
	p0 =	seq.s32 s11, $0x1  }
0x117: {  	s1 =	simm.s32 @!p0 $0x1  }
0x118: {  	_ =	swait.ge @!p0 [sflag:s1], $0x4000  }
0x119: {  	s23 =	sld [smem:$0x7E4];
	_ =	sdelay $0x1  }
0x11a: {  	[sflag:s1] =	ssyncset.done @!p0 $0x0  }
0x11b: {  	[sflag:s1] =	ssyncadd.s32 @!p0 $0xFFFFC000;
	p0 =	seq.s32 s23, $0x1  }
0x11c: {  	s1 =	simm.s32 @!p0 $0x1  }
0x11d: {  	_ =	swait.ge @!p0 [sflag:s1], $0x4000  }
0x11e: {  	s25 =	sld [smem:$0x7E5];
	_ =	sdelay $0x1  }
0x11f: {  	[sflag:s1] =	ssyncset.done @!p0 $0x0  }
0x120: {  	[sflag:s1] =	ssyncadd.s32 @!p0 $0xFFFFC000;
	p0 =	seq.s32 s25, $0x1  }
0x121: {  	s1 =	simm.s32 @!p0 $0x1  }
0x122: {  	_ =	swait.ge @!p0 [sflag:s1], $0x4000  }
0x123: {  	s2 =	sld [smem:$0x7E6];
	_ =	sdelay $0x1  }
0x124: {  	[sflag:s1] =	ssyncset.done @!p0 $0x0  }
0x125: {  	[sflag:s1] =	ssyncadd.s32 @!p0 $0xFFFFC000;
	p0 =	seq.s32 s2, $0x1  }
0x126: {  	s1 =	simm.s32 @!p0 $0x1  }
0x127: {  	_ =	swait.ge @!p0 [sflag:s1], $0x4000  }
0x128: {  	s3 =	sld [smem:$0x7E7];
	_ =	sdelay $0x1  }
0x129: {  	[sflag:s1] =	ssyncset.done @!p0 $0x0  }
0x12a: {  	[sflag:s1] =	ssyncadd.s32 @!p0 $0xFFFFC000;
	p0 =	seq.s32 s3, $0x1  }
0x12b: {  	s1 =	simm.s32 @!p0 $0x1  }
0x12c: {  	_ =	swait.ge @!p0 [sflag:s1], $0x4000  }
0x12d: {  	s7 =	sld [smem:$0x7E8];
	_ =	sdelay $0x1  }
0x12e: {  	[sflag:s1] =	ssyncset.done @!p0 $0x0  }
0x12f: {  	[sflag:s1] =	ssyncadd.s32 @!p0 $0xFFFFC000;
	p0 =	seq.s32 s7, $0x1  }
0x130: {  	s1 =	simm.s32 @!p0 $0x1  }
0x131: {  	_ =	swait.ge @!p0 [sflag:s1], $0x4000  }
0x132: {  	s9 =	sld [smem:$0x7E9];
	_ =	sdelay $0x1  }
0x133: {  	[sflag:s1] =	ssyncset.done @!p0 $0x0  }
0x134: {  	[sflag:s1] =	ssyncadd.s32 @!p0 $0xFFFFC000;
	p0 =	seq.s32 s9, $0x1  }
0x135: {  	s1 =	simm.s32 @!p0 $0x1  }
0x136: {  	_ =	swait.ge @!p0 [sflag:s1], $0x4000  }
0x137: {  	s10 =	sld [smem:$0x7EA];
	_ =	sdelay $0x1  }
0x138: {  	[sflag:s1] =	ssyncset.done @!p0 $0x0  }
0x139: {  	[sflag:s1] =	ssyncadd.s32 @!p0 $0xFFFFC000;
	p0 =	seq.s32 s10, $0x1  }
0x13a: {  	s1 =	simm.s32 @!p0 $0x1  }
0x13b: {  	_ =	swait.ge @!p0 [sflag:s1], $0x4000  }
0x13c: {  	s11 =	sld [smem:$0x7EB];
	_ =	sdelay $0x1  }
0x13d: {  	[sflag:s1] =	ssyncset.done @!p0 $0x0  }
0x13e: {  	[sflag:s1] =	ssyncadd.s32 @!p0 $0xFFFFC000;
	p0 =	seq.s32 s11, $0x1  }
0x13f: {  	s1 =	simm.s32 @!p0 $0x1  }
0x140: {  	_ =	swait.ge @!p0 [sflag:s1], $0x4000  }
0x141: {  	s23 =	sld [smem:$0x7EC];
	_ =	sdelay $0x1  }
0x142: {  	[sflag:s1] =	ssyncset.done @!p0 $0x0  }
0x143: {  	[sflag:s1] =	ssyncadd.s32 @!p0 $0xFFFFC000;
	p0 =	seq.s32 s23, $0x1  }
0x144: {  	s1 =	simm.s32 @!p0 $0x1  }
0x145: {  	_ =	swait.ge @!p0 [sflag:s1], $0x4000  }
0x146: {  	s25 =	sld [smem:$0x7ED];
	_ =	sdelay $0x1  }
0x147: {  	[sflag:s1] =	ssyncset.done @!p0 $0x0  }
0x148: {  	[sflag:s1] =	ssyncadd.s32 @!p0 $0xFFFFC000;
	p0 =	seq.s32 s25, $0x1  }
0x149: {  	s1 =	simm.s32 @!p0 $0x1  }
0x14a: {  	_ =	swait.ge @!p0 [sflag:s1], $0x4000  }
0x14b: {  	s2 =	sld [smem:$0x7EE];
	_ =	sdelay $0x1  }
0x14c: {  	[sflag:s1] =	ssyncset.done @!p0 $0x0  }
0x14d: {  	[sflag:s1] =	ssyncadd.s32 @!p0 $0xFFFFC000;
	p0 =	seq.s32 s2, $0x1  }
0x14e: {  	s1 =	simm.s32 @!p0 $0x1  }
0x14f: {  	_ =	swait.ge @!p0 [sflag:s1], $0x4000  }
0x150: {  	s3 =	sld [smem:$0x7EF];
	_ =	sdelay $0x1  }
0x151: {  	[sflag:s1] =	ssyncset.done @!p0 $0x0  }
0x152: {  	[sflag:s1] =	ssyncadd.s32 @!p0 $0xFFFFC000;
	p0 =	seq.s32 s3, $0x1  }
0x153: {  	s1 =	simm.s32 @!p0 $0x1  }
0x154: {  	_ =	swait.ge @!p0 [sflag:s1], $0x4000  }
0x155: {  	s7 =	sld [smem:$0x7F0];
	_ =	sdelay $0x1  }
0x156: {  	[sflag:s1] =	ssyncset.done @!p0 $0x0  }
0x157: {  	[sflag:s1] =	ssyncadd.s32 @!p0 $0xFFFFC000;
	p0 =	seq.s32 s7, $0x1  }
0x158: {  	s1 =	simm.s32 @!p0 $0x1  }
0x159: {  	_ =	swait.ge @!p0 [sflag:s1], $0x4000  }
0x15a: {  	s9 =	sld [smem:$0x7F1];
	_ =	sdelay $0x1  }
0x15b: {  	[sflag:s1] =	ssyncset.done @!p0 $0x0  }
0x15c: {  	[sflag:s1] =	ssyncadd.s32 @!p0 $0xFFFFC000;
	p0 =	seq.s32 s9, $0x1  }
0x15d: {  	s1 =	simm.s32 @!p0 $0x1  }
0x15e: {  	_ =	swait.ge @!p0 [sflag:s1], $0x4000  }
0x15f: {  	s10 =	sld [smem:$0x7F2];
	_ =	sdelay $0x1  }
0x160: {  	[sflag:s1] =	ssyncset.done @!p0 $0x0  }
0x161: {  	[sflag:s1] =	ssyncadd.s32 @!p0 $0xFFFFC000;
	p0 =	seq.s32 s10, $0x1  }
0x162: {  	s1 =	simm.s32 @!p0 $0x1  }
0x163: {  	_ =	swait.ge @!p0 [sflag:s1], $0x4000  }
0x164: {  	s11 =	sld [smem:$0x7F3];
	_ =	sdelay $0x1  }
0x165: {  	[sflag:s1] =	ssyncset.done @!p0 $0x0  }
0x166: {  	[sflag:s1] =	ssyncadd.s32 @!p0 $0xFFFFC000;
	p0 =	seq.s32 s11, $0x1  }
0x167: {  	s1 =	simm.s32 @!p0 $0x1  }
0x168: {  	_ =	swait.ge @!p0 [sflag:s1], $0x4000  }
0x169: {  	s23 =	sld [smem:$0x7F4];
	_ =	sdelay $0x1  }
0x16a: {  	[sflag:s1] =	ssyncset.done @!p0 $0x0  }
0x16b: {  	[sflag:s1] =	ssyncadd.s32 @!p0 $0xFFFFC000;
	p0 =	seq.s32 s23, $0x1  }
0x16c: {  	s1 =	simm.s32 @!p0 $0x1  }
0x16d: {  	_ =	swait.ge @!p0 [sflag:s1], $0x4000  }
0x16e: {  	s25 =	sld [smem:$0x7F5];
	_ =	sdelay $0x2  }
0x16f: {  	[sflag:s1] =	ssyncset.done @!p0 $0x0;
	p1 =	seq.s32 s25, $0x1  }
0x170: {  	[sflag:s1] =	ssyncadd.s32 @!p0 $0xFFFFC000;
	s1 =	simm.s32 @!p1 $0x1  }
0x171: {  	_ =	swait.ge @!p1 [sflag:s1], $0x4000  }
0x172: {  	s4 =	sadd.s32 $0x1, s4;
	s2 =	rddreg [dreg:$0x17]  }
0x173: {  	p0 =	sne.s32 s4, s2  }
.Ltmp1:
0x174: {  	_ = 	snop;
	(pc) =	sbr.rel @!p0 .LBB2_12-.Ltmp1, $3  }
0x175: {  	_ =	sdelay $0x1  }
0x176: {  	[sflag:s1] =	ssyncset.done @!p1 $0x0  }
0x177: {  	[sflag:s1] =	ssyncadd.s32 @!p1 $0xFFFFC000  }
.LBB2_1:
0x178: {  	s1 =	rddreg [dreg:$0x1];
	s2 =	simm.s32 $0x8000  }
0x179: {  	[tilespmem:s2], [sflag:$0x3] =	stream.linear.gather [hbm4b:s1+s6], $0x80, $0x38;
	[tilespmem:$0x8100] =	vst v63  }
0x17a: {  	_ =	swait.ge [sflag:s13], $0x80  }
0x17b: {  	[sflag:s13] =	ssyncset.done $0x0  }
0x17c: {  	[sflag:s13] =	ssyncadd.s32 $0xFFFFFF80  }
0x17d: {  	v0 =	vld [tilespmem:$0x8000];
	_ =	sdelay $0x4  }
0x17e: {  	(v2sf) =	vpush v0, $0x0;
	_ =	sdelay $0xe  }
0x17f: {  	s7 =	spop (v2sf)  }
0x180: {  	s9 =	sshll.u32 s7, $0xA;
	s1 =	sshll.u32 s7, $0x7  }
0x181: {  	s2 =	sand.u32 $0xFFFFE000, s9;
	s1 =	sand.u32 $0x380, s1  }
0x182: {  	s1 =	sor.u32 s1, s2  }
0x183: {  	s10 =	rddreg [dreg:$0x0];
	s1 =	sshrl.u32 s1, $0x3  }
0x184: {  	s1 =	sadd.s32 s10, s1  }
0x185: {  	[tilespmem:s6], [sflag:$0x2] =	stream.linear.gather [hbm4b:s1+s6], $0x80, $0x38;
	[tilespmem:$0x8100] =	vst v63  }
0x186: {  	s2 =	sadd.s32 $0x80, s1  }
0x187: {  	[tilespmem:s14], [sflag:$0x2] =	stream.linear.gather [hbm4b:s2+s6], $0x80, $0x38;
	[tilespmem:$0x8100] =	vst v63  }
0x188: {  	s3 =	sadd.s32 $0x100, s1  }
0x189: {  	[tilespmem:s15], [sflag:$0x2] =	stream.linear.gather [hbm4b:s3+s6], $0x80, $0x38;
	[tilespmem:$0x8100] =	vst v63  }
0x18a: {  	s9 =	sadd.s32 $0x180, s1  }
0x18b: {  	[tilespmem:s16], [sflag:$0x2] =	stream.linear.gather [hbm4b:s9+s6], $0x80, $0x38;
	[tilespmem:$0x8100] =	vst v63  }
0x18c: {  	s23 =	sadd.s32 $0x200, s1  }
0x18d: {  	[tilespmem:s17], [sflag:$0x2] =	stream.linear.gather [hbm4b:s23+s6], $0x80, $0x38;
	[tilespmem:$0x8100] =	vst v63  }
0x18e: {  	s25 =	sadd.s32 $0x280, s1  }
0x18f: {  	[tilespmem:s18], [sflag:$0x2] =	stream.linear.gather [hbm4b:s25+s6], $0x80, $0x38;
	[tilespmem:$0x8100] =	vst v63  }
0x190: {  	s7 =	sadd.s32 $0x300, s1  }
0x191: {  	[tilespmem:s19], [sflag:$0x2] =	stream.linear.gather [hbm4b:s7+s6], $0x80, $0x38;
	[tilespmem:$0x8100] =	vst v63  }
0x192: {  	s10 =	sadd.s32 $0x380, s1  }
0x193: {  	[tilespmem:s20], [sflag:$0x2] =	stream.linear.gather [hbm4b:s10+s6], $0x80, $0x38;
	[tilespmem:$0x8100] =	vst v63  }
0x194: {  	s11 =	simm.s32 $0x80  }
0x195: {  	[tilespmem:s11], [sflag:$0x2] =	stream.linear.gather [hbm4b:s1+s6], $0x80, $0x38;
	[tilespmem:$0x8100] =	vst v63  }
0x196: {  	s11 =	simm.s32 $0x480  }
0x197: {  	[tilespmem:s11], [sflag:$0x2] =	stream.linear.gather [hbm4b:s2+s6], $0x80, $0x38;
	[tilespmem:$0x8100] =	vst v63  }
0x198: {  	s11 =	simm.s32 $0x880  }
0x199: {  	[tilespmem:s11], [sflag:$0x2] =	stream.linear.gather [hbm4b:s3+s6], $0x80, $0x38;
	[tilespmem:$0x8100] =	vst v63  }
0x19a: {  	s11 =	simm.s32 $0xC80  }
0x19b: {  	[tilespmem:s11], [sflag:$0x2] =	stream.linear.gather [hbm4b:s9+s6], $0x80, $0x38;
	[tilespmem:$0x8100] =	vst v63  }
0x19c: {  	s11 =	simm.s32 $0x1080  }
0x19d: {  	[tilespmem:s11], [sflag:$0x2] =	stream.linear.gather [hbm4b:s23+s6], $0x80, $0x38;
	[tilespmem:$0x8100] =	vst v63  }
0x19e: {  	s11 =	simm.s32 $0x1480  }
0x19f: {  	[tilespmem:s11], [sflag:$0x2] =	stream.linear.gather [hbm4b:s25+s6], $0x80, $0x38;
	[tilespmem:$0x8100] =	vst v63  }
0x1a0: {  	s11 =	simm.s32 $0x1880  }
0x1a1: {  	[tilespmem:s11], [sflag:$0x2] =	stream.linear.gather [hbm4b:s7+s6], $0x80, $0x38;
	[tilespmem:$0x8100] =	vst v63  }
0x1a2: {  	s11 =	simm.s32 $0x1C80  }
0x1a3: {  	[tilespmem:s11], [sflag:$0x2] =	stream.linear.gather [hbm4b:s10+s6], $0x80, $0x38;
	[tilespmem:$0x8100] =	vst v63  }
0x1a4: {  	s11 =	simm.s32 $0x100  }
0x1a5: {  	[tilespmem:s11], [sflag:$0x2] =	stream.linear.gather [hbm4b:s1+s6], $0x80, $0x38;
	[tilespmem:$0x8100] =	vst v63  }
0x1a6: {  	s11 =	simm.s32 $0x500  }
0x1a7: {  	[tilespmem:s11], [sflag:$0x2] =	stream.linear.gather [hbm4b:s2+s6], $0x80, $0x38;
	[tilespmem:$0x8100] =	vst v63  }
0x1a8: {  	s11 =	simm.s32 $0x900  }
0x1a9: {  	[tilespmem:s11], [sflag:$0x2] =	stream.linear.gather [hbm4b:s3+s6], $0x80, $0x38;
	[tilespmem:$0x8100] =	vst v63  }
0x1aa: {  	s11 =	simm.s32 $0xD00  }
0x1ab: {  	[tilespmem:s11], [sflag:$0x2] =	stream.linear.gather [hbm4b:s9+s6], $0x80, $0x38;
	[tilespmem:$0x8100] =	vst v63  }
0x1ac: {  	s11 =	simm.s32 $0x1100  }
0x1ad: {  	[tilespmem:s11], [sflag:$0x2] =	stream.linear.gather [hbm4b:s23+s6], $0x80, $0x38;
	[tilespmem:$0x8100] =	vst v63  }
0x1ae: {  	s11 =	simm.s32 $0x1500  }
0x1af: {  	[tilespmem:s11], [sflag:$0x2] =	stream.linear.gather [hbm4b:s25+s6], $0x80, $0x38;
	[tilespmem:$0x8100] =	vst v63  }
0x1b0: {  	s11 =	simm.s32 $0x1900  }
0x1b1: {  	[tilespmem:s11], [sflag:$0x2] =	stream.linear.gather [hbm4b:s7+s6], $0x80, $0x38;
	[tilespmem:$0x8100] =	vst v63  }
0x1b2: {  	s11 =	simm.s32 $0x1D00  }
0x1b3: {  	[tilespmem:s11], [sflag:$0x2] =	stream.linear.gather [hbm4b:s10+s6], $0x80, $0x38;
	[tilespmem:$0x8100] =	vst v63  }
0x1b4: {  	s11 =	simm.s32 $0x180  }
0x1b5: {  	[tilespmem:s11], [sflag:$0x2] =	stream.linear.gather [hbm4b:s1+s6], $0x80, $0x38;
	[tilespmem:$0x8100] =	vst v63  }
0x1b6: {  	s11 =	simm.s32 $0x580  }
0x1b7: {  	[tilespmem:s11], [sflag:$0x2] =	stream.linear.gather [hbm4b:s2+s6], $0x80, $0x38;
	[tilespmem:$0x8100] =	vst v63  }
0x1b8: {  	s11 =	simm.s32 $0x980  }
0x1b9: {  	[tilespmem:s11], [sflag:$0x2] =	stream.linear.gather [hbm4b:s3+s6], $0x80, $0x38;
	[tilespmem:$0x8100] =	vst v63  }
0x1ba: {  	s11 =	simm.s32 $0xD80  }
0x1bb: {  	[tilespmem:s11], [sflag:$0x2] =	stream.linear.gather [hbm4b:s9+s6], $0x80, $0x38;
	[tilespmem:$0x8100] =	vst v63  }
0x1bc: {  	s11 =	simm.s32 $0x1180  }
0x1bd: {  	[tilespmem:s11], [sflag:$0x2] =	stream.linear.gather [hbm4b:s23+s6], $0x80, $0x38;
	[tilespmem:$0x8100] =	vst v63  }
0x1be: {  	s11 =	simm.s32 $0x1580  }
0x1bf: {  	[tilespmem:s11], [sflag:$0x2] =	stream.linear.gather [hbm4b:s25+s6], $0x80, $0x38;
	[tilespmem:$0x8100] =	vst v63  }
0x1c0: {  	s11 =	simm.s32 $0x1980  }
0x1c1: {  	[tilespmem:s11], [sflag:$0x2] =	stream.linear.gather [hbm4b:s7+s6], $0x80, $0x38;
	[tilespmem:$0x8100] =	vst v63  }
0x1c2: {  	s11 =	simm.s32 $0x1D80  }
0x1c3: {  	[tilespmem:s11], [sflag:$0x2] =	stream.linear.gather [hbm4b:s10+s6], $0x80, $0x38;
	[tilespmem:$0x8100] =	vst v63  }
0x1c4: {  	s11 =	simm.s32 $0x200  }
0x1c5: {  	[tilespmem:s11], [sflag:$0x2] =	stream.linear.gather [hbm4b:s1+s6], $0x80, $0x38;
	[tilespmem:$0x8100] =	vst v63  }
0x1c6: {  	s11 =	simm.s32 $0x600  }
0x1c7: {  	[tilespmem:s11], [sflag:$0x2] =	stream.linear.gather [hbm4b:s2+s6], $0x80, $0x38;
	[tilespmem:$0x8100] =	vst v63  }
0x1c8: {  	s11 =	simm.s32 $0xA00  }
0x1c9: {  	[tilespmem:s11], [sflag:$0x2] =	stream.linear.gather [hbm4b:s3+s6], $0x80, $0x38;
	[tilespmem:$0x8100] =	vst v63  }
0x1ca: {  	s11 =	simm.s32 $0xE00  }
0x1cb: {  	[tilespmem:s11], [sflag:$0x2] =	stream.linear.gather [hbm4b:s9+s6], $0x80, $0x38;
	[tilespmem:$0x8100] =	vst v63  }
0x1cc: {  	s11 =	simm.s32 $0x1200  }
0x1cd: {  	[tilespmem:s11], [sflag:$0x2] =	stream.linear.gather [hbm4b:s23+s6], $0x80, $0x38;
	[tilespmem:$0x8100] =	vst v63  }
0x1ce: {  	s11 =	simm.s32 $0x1600  }
0x1cf: {  	[tilespmem:s11], [sflag:$0x2] =	stream.linear.gather [hbm4b:s25+s6], $0x80, $0x38;
	[tilespmem:$0x8100] =	vst v63  }
0x1d0: {  	s11 =	simm.s32 $0x1A00  }
0x1d1: {  	[tilespmem:s11], [sflag:$0x2] =	stream.linear.gather [hbm4b:s7+s6], $0x80, $0x38;
	[tilespmem:$0x8100] =	vst v63  }
0x1d2: {  	s11 =	simm.s32 $0x1E00  }
0x1d3: {  	[tilespmem:s11], [sflag:$0x2] =	stream.linear.gather [hbm4b:s10+s6], $0x80, $0x38;
	[tilespmem:$0x8100] =	vst v63  }
0x1d4: {  	s11 =	simm.s32 $0x280  }
0x1d5: {  	[tilespmem:s11], [sflag:$0x2] =	stream.linear.gather [hbm4b:s1+s6], $0x80, $0x38;
	[tilespmem:$0x8100] =	vst v63  }
0x1d6: {  	s11 =	simm.s32 $0x680  }
0x1d7: {  	[tilespmem:s11], [sflag:$0x2] =	stream.linear.gather [hbm4b:s2+s6], $0x80, $0x38;
	[tilespmem:$0x8100] =	vst v63  }
0x1d8: {  	s11 =	simm.s32 $0xA80  }
0x1d9: {  	[tilespmem:s11], [sflag:$0x2] =	stream.linear.gather [hbm4b:s3+s6], $0x80, $0x38;
	[tilespmem:$0x8100] =	vst v63  }
0x1da: {  	s11 =	simm.s32 $0xE80  }
0x1db: {  	[tilespmem:s11], [sflag:$0x2] =	stream.linear.gather [hbm4b:s9+s6], $0x80, $0x38;
	[tilespmem:$0x8100] =	vst v63  }
0x1dc: {  	s11 =	simm.s32 $0x1280  }
0x1dd: {  	[tilespmem:s11], [sflag:$0x2] =	stream.linear.gather [hbm4b:s23+s6], $0x80, $0x38;
	[tilespmem:$0x8100] =	vst v63  }
0x1de: {  	s11 =	simm.s32 $0x1680  }
0x1df: {  	[tilespmem:s11], [sflag:$0x2] =	stream.linear.gather [hbm4b:s25+s6], $0x80, $0x38;
	[tilespmem:$0x8100] =	vst v63  }
0x1e0: {  	s11 =	simm.s32 $0x1A80  }
0x1e1: {  	[tilespmem:s11], [sflag:$0x2] =	stream.linear.gather [hbm4b:s7+s6], $0x80, $0x38;
	[tilespmem:$0x8100] =	vst v63  }
0x1e2: {  	s11 =	simm.s32 $0x1E80  }
0x1e3: {  	[tilespmem:s11], [sflag:$0x2] =	stream.linear.gather [hbm4b:s10+s6], $0x80, $0x38;
	[tilespmem:$0x8100] =	vst v63  }
0x1e4: {  	s11 =	simm.s32 $0x300  }
0x1e5: {  	[tilespmem:s11], [sflag:$0x2] =	stream.linear.gather [hbm4b:s1+s6], $0x80, $0x38;
	[tilespmem:$0x8100] =	vst v63  }
0x1e6: {  	s11 =	simm.s32 $0x700  }
0x1e7: {  	[tilespmem:s11], [sflag:$0x2] =	stream.linear.gather [hbm4b:s2+s6], $0x80, $0x38;
	[tilespmem:$0x8100] =	vst v63  }
0x1e8: {  	s11 =	simm.s32 $0xB00  }
0x1e9: {  	[tilespmem:s11], [sflag:$0x2] =	stream.linear.gather [hbm4b:s3+s6], $0x80, $0x38;
	[tilespmem:$0x8100] =	vst v63  }
0x1ea: {  	s11 =	simm.s32 $0xF00  }
0x1eb: {  	[tilespmem:s11], [sflag:$0x2] =	stream.linear.gather [hbm4b:s9+s6], $0x80, $0x38;
	[tilespmem:$0x8100] =	vst v63  }
0x1ec: {  	s11 =	simm.s32 $0x1300  }
0x1ed: {  	[tilespmem:s11], [sflag:$0x2] =	stream.linear.gather [hbm4b:s23+s6], $0x80, $0x38;
	[tilespmem:$0x8100] =	vst v63  }
0x1ee: {  	s11 =	simm.s32 $0x1700  }
0x1ef: {  	[tilespmem:s11], [sflag:$0x2] =	stream.linear.gather [hbm4b:s25+s6], $0x80, $0x38;
	[tilespmem:$0x8100] =	vst v63  }
0x1f0: {  	s11 =	simm.s32 $0x1B00  }
0x1f1: {  	[tilespmem:s11], [sflag:$0x2] =	stream.linear.gather [hbm4b:s7+s6], $0x80, $0x38;
	[tilespmem:$0x8100] =	vst v63  }
0x1f2: {  	s11 =	simm.s32 $0x1F00  }
0x1f3: {  	[tilespmem:s11], [sflag:$0x2] =	stream.linear.gather [hbm4b:s10+s6], $0x80, $0x38;
	[tilespmem:$0x8100] =	vst v63  }
0x1f4: {  	s11 =	simm.s32 $0x380  }
0x1f5: {  	[tilespmem:s11], [sflag:$0x2] =	stream.linear.gather [hbm4b:s1+s6], $0x80, $0x38;
	[tilespmem:$0x8100] =	vst v63  }
0x1f6: {  	s11 =	simm.s32 $0x780  }
0x1f7: {  	[tilespmem:s11], [sflag:$0x2] =	stream.linear.gather [hbm4b:s2+s6], $0x80, $0x38;
	[tilespmem:$0x8100] =	vst v63  }
0x1f8: {  	s11 =	simm.s32 $0xB80  }
0x1f9: {  	[tilespmem:s11], [sflag:$0x2] =	stream.linear.gather [hbm4b:s3+s6], $0x80, $0x38;
	[tilespmem:$0x8100] =	vst v63  }
0x1fa: {  	s11 =	simm.s32 $0xF80  }
0x1fb: {  	[tilespmem:s11], [sflag:$0x2] =	stream.linear.gather [hbm4b:s9+s6], $0x80, $0x38;
	[tilespmem:$0x8100] =	vst v63  }
0x1fc: {  	s11 =	simm.s32 $0x1380  }
0x1fd: {  	[tilespmem:s11], [sflag:$0x2] =	stream.linear.gather [hbm4b:s23+s6], $0x80, $0x38;
	[tilespmem:$0x8100] =	vst v63  }
0x1fe: {  	s11 =	simm.s32 $0x1780  }
0x1ff: {  	[tilespmem:s11], [sflag:$0x2] =	stream.linear.gather [hbm4b:s25+s6], $0x80, $0x38;
	[tilespmem:$0x8100] =	vst v63  }
0x200: {  	s11 =	simm.s32 $0x1B80  }
0x201: {  	[tilespmem:s11], [sflag:$0x2] =	stream.linear.gather [hbm4b:s7+s6], $0x80, $0x38;
	[tilespmem:$0x8100] =	vst v63  }
0x202: {  	s11 =	simm.s32 $0x1F80  }
0x203: {  	[tilespmem:s11], [sflag:$0x2] =	stream.linear.gather [hbm4b:s10+s6], $0x80, $0x38;
	[tilespmem:$0x8100] =	vst v63  }
0x204: {  	s11 =	simm.s32 $0x2000  }
0x205: {  	[tilespmem:s11], [sflag:$0x2] =	stream.linear.gather [hbm4b:s1+s6], $0x80, $0x38;
	[tilespmem:$0x8100] =	vst v63  }
0x206: {  	s11 =	simm.s32 $0x2400  }
0x207: {  	[tilespmem:s11], [sflag:$0x2] =	stream.linear.gather [hbm4b:s2+s6], $0x80, $0x38;
	[tilespmem:$0x8100] =	vst v63  }
0x208: {  	s11 =	simm.s32 $0x2800  }
0x209: {  	[tilespmem:s11], [sflag:$0x2] =	stream.linear.gather [hbm4b:s3+s6], $0x80, $0x38;
	[tilespmem:$0x8100] =	vst v63  }
0x20a: {  	s11 =	simm.s32 $0x2C00  }
0x20b: {  	[tilespmem:s11], [sflag:$0x2] =	stream.linear.gather [hbm4b:s9+s6], $0x80, $0x38;
	[tilespmem:$0x8100] =	vst v63  }
0x20c: {  	s11 =	simm.s32 $0x3000  }
0x20d: {  	[tilespmem:s11], [sflag:$0x2] =	stream.linear.gather [hbm4b:s23+s6], $0x80, $0x38;
	[tilespmem:$0x8100] =	vst v63  }
0x20e: {  	s11 =	simm.s32 $0x3400  }
0x20f: {  	[tilespmem:s11], [sflag:$0x2] =	stream.linear.gather [hbm4b:s25+s6], $0x80, $0x38;
	[tilespmem:$0x8100] =	vst v63  }
0x210: {  	s11 =	simm.s32 $0x3800  }
0x211: {  	[tilespmem:s11], [sflag:$0x2] =	stream.linear.gather [hbm4b:s7+s6], $0x80, $0x38;
	[tilespmem:$0x8100] =	vst v63  }
0x212: {  	s11 =	simm.s32 $0x3C00  }
0x213: {  	[tilespmem:s11], [sflag:$0x2] =	stream.linear.gather [hbm4b:s10+s6], $0x80, $0x38;
	[tilespmem:$0x8100] =	vst v63  }
0x214: {  	s11 =	simm.s32 $0x2080  }
0x215: {  	[tilespmem:s11], [sflag:$0x2] =	stream.linear.gather [hbm4b:s1+s6], $0x80, $0x38;
	[tilespmem:$0x8100] =	vst v63  }
0x216: {  	s11 =	simm.s32 $0x2480  }
0x217: {  	[tilespmem:s11], [sflag:$0x2] =	stream.linear.gather [hbm4b:s2+s6], $0x80, $0x38;
	[tilespmem:$0x8100] =	vst v63  }
0x218: {  	s11 =	simm.s32 $0x2880  }
0x219: {  	[tilespmem:s11], [sflag:$0x2] =	stream.linear.gather [hbm4b:s3+s6], $0x80, $0x38;
	[tilespmem:$0x8100] =	vst v63  }
0x21a: {  	s11 =	simm.s32 $0x2C80  }
0x21b: {  	[tilespmem:s11], [sflag:$0x2] =	stream.linear.gather [hbm4b:s9+s6], $0x80, $0x38;
	[tilespmem:$0x8100] =	vst v63  }
0x21c: {  	s11 =	simm.s32 $0x3080  }
0x21d: {  	[tilespmem:s11], [sflag:$0x2] =	stream.linear.gather [hbm4b:s23+s6], $0x80, $0x38;
	[tilespmem:$0x8100] =	vst v63  }
0x21e: {  	s11 =	simm.s32 $0x3480  }
0x21f: {  	[tilespmem:s11], [sflag:$0x2] =	stream.linear.gather [hbm4b:s25+s6], $0x80, $0x38;
	[tilespmem:$0x8100] =	vst v63  }
0x220: {  	s11 =	simm.s32 $0x3880  }
0x221: {  	[tilespmem:s11], [sflag:$0x2] =	stream.linear.gather [hbm4b:s7+s6], $0x80, $0x38;
	[tilespmem:$0x8100] =	vst v63  }
0x222: {  	s11 =	simm.s32 $0x3C80  }
0x223: {  	[tilespmem:s11], [sflag:$0x2] =	stream.linear.gather [hbm4b:s10+s6], $0x80, $0x38;
	[tilespmem:$0x8100] =	vst v63  }
0x224: {  	s11 =	simm.s32 $0x2100  }
0x225: {  	[tilespmem:s11], [sflag:$0x2] =	stream.linear.gather [hbm4b:s1+s6], $0x80, $0x38;
	[tilespmem:$0x8100] =	vst v63  }
0x226: {  	s11 =	simm.s32 $0x2500  }
0x227: {  	[tilespmem:s11], [sflag:$0x2] =	stream.linear.gather [hbm4b:s2+s6], $0x80, $0x38;
	[tilespmem:$0x8100] =	vst v63  }
0x228: {  	s11 =	simm.s32 $0x2900  }
0x229: {  	[tilespmem:s11], [sflag:$0x2] =	stream.linear.gather [hbm4b:s3+s6], $0x80, $0x38;
	[tilespmem:$0x8100] =	vst v63  }
0x22a: {  	s11 =	simm.s32 $0x2D00  }
0x22b: {  	[tilespmem:s11], [sflag:$0x2] =	stream.linear.gather [hbm4b:s9+s6], $0x80, $0x38;
	[tilespmem:$0x8100] =	vst v63  }
0x22c: {  	s11 =	simm.s32 $0x3100  }
0x22d: {  	[tilespmem:s11], [sflag:$0x2] =	stream.linear.gather [hbm4b:s23+s6], $0x80, $0x38;
	[tilespmem:$0x8100] =	vst v63  }
0x22e: {  	s11 =	simm.s32 $0x3500  }
0x22f: {  	[tilespmem:s11], [sflag:$0x2] =	stream.linear.gather [hbm4b:s25+s6], $0x80, $0x38;
	[tilespmem:$0x8100] =	vst v63  }
0x230: {  	s11 =	simm.s32 $0x3900  }
0x231: {  	[tilespmem:s11], [sflag:$0x2] =	stream.linear.gather [hbm4b:s7+s6], $0x80, $0x38;
	[tilespmem:$0x8100] =	vst v63  }
0x232: {  	s11 =	simm.s32 $0x3D00  }
0x233: {  	[tilespmem:s11], [sflag:$0x2] =	stream.linear.gather [hbm4b:s10+s6], $0x80, $0x38;
	[tilespmem:$0x8100] =	vst v63  }
0x234: {  	s11 =	simm.s32 $0x2180  }
0x235: {  	[tilespmem:s11], [sflag:$0x2] =	stream.linear.gather [hbm4b:s1+s6], $0x80, $0x38;
	[tilespmem:$0x8100] =	vst v63  }
0x236: {  	s11 =	simm.s32 $0x2580  }
0x237: {  	[tilespmem:s11], [sflag:$0x2] =	stream.linear.gather [hbm4b:s2+s6], $0x80, $0x38;
	[tilespmem:$0x8100] =	vst v63  }
0x238: {  	s11 =	simm.s32 $0x2980  }
0x239: {  	[tilespmem:s11], [sflag:$0x2] =	stream.linear.gather [hbm4b:s3+s6], $0x80, $0x38;
	[tilespmem:$0x8100] =	vst v63  }
0x23a: {  	s11 =	simm.s32 $0x2D80  }
0x23b: {  	[tilespmem:s11], [sflag:$0x2] =	stream.linear.gather [hbm4b:s9+s6], $0x80, $0x38;
	[tilespmem:$0x8100] =	vst v63  }
0x23c: {  	s11 =	simm.s32 $0x3180  }
0x23d: {  	[tilespmem:s11], [sflag:$0x2] =	stream.linear.gather [hbm4b:s23+s6], $0x80, $0x38;
	[tilespmem:$0x8100] =	vst v63  }
0x23e: {  	s11 =	simm.s32 $0x3580  }
0x23f: {  	[tilespmem:s11], [sflag:$0x2] =	stream.linear.gather [hbm4b:s25+s6], $0x80, $0x38;
	[tilespmem:$0x8100] =	vst v63  }
0x240: {  	s11 =	simm.s32 $0x3980  }
0x241: {  	[tilespmem:s11], [sflag:$0x2] =	stream.linear.gather [hbm4b:s7+s6], $0x80, $0x38;
	[tilespmem:$0x8100] =	vst v63  }
0x242: {  	s11 =	simm.s32 $0x3D80  }
0x243: {  	[tilespmem:s11], [sflag:$0x2] =	stream.linear.gather [hbm4b:s10+s6], $0x80, $0x38;
	[tilespmem:$0x8100] =	vst v63  }
0x244: {  	s11 =	simm.s32 $0x2200  }
0x245: {  	[tilespmem:s11], [sflag:$0x2] =	stream.linear.gather [hbm4b:s1+s6], $0x80, $0x38;
	[tilespmem:$0x8100] =	vst v63  }
0x246: {  	s11 =	simm.s32 $0x2600  }
0x247: {  	[tilespmem:s11], [sflag:$0x2] =	stream.linear.gather [hbm4b:s2+s6], $0x80, $0x38;
	[tilespmem:$0x8100] =	vst v63  }
0x248: {  	s11 =	simm.s32 $0x2A00  }
0x249: {  	[tilespmem:s11], [sflag:$0x2] =	stream.linear.gather [hbm4b:s3+s6], $0x80, $0x38;
	[tilespmem:$0x8100] =	vst v63  }
0x24a: {  	s11 =	simm.s32 $0x2E00  }
0x24b: {  	[tilespmem:s11], [sflag:$0x2] =	stream.linear.gather [hbm4b:s9+s6], $0x80, $0x38;
	[tilespmem:$0x8100] =	vst v63  }
0x24c: {  	s11 =	simm.s32 $0x3200  }
0x24d: {  	[tilespmem:s11], [sflag:$0x2] =	stream.linear.gather [hbm4b:s23+s6], $0x80, $0x38;
	[tilespmem:$0x8100] =	vst v63  }
0x24e: {  	s11 =	simm.s32 $0x3600  }
0x24f: {  	[tilespmem:s11], [sflag:$0x2] =	stream.linear.gather [hbm4b:s25+s6], $0x80, $0x38;
	[tilespmem:$0x8100] =	vst v63  }
0x250: {  	s11 =	simm.s32 $0x3A00  }
0x251: {  	[tilespmem:s11], [sflag:$0x2] =	stream.linear.gather [hbm4b:s7+s6], $0x80, $0x38;
	[tilespmem:$0x8100] =	vst v63  }
0x252: {  	s11 =	simm.s32 $0x3E00  }
0x253: {  	[tilespmem:s11], [sflag:$0x2] =	stream.linear.gather [hbm4b:s10+s6], $0x80, $0x38;
	[tilespmem:$0x8100] =	vst v63  }
0x254: {  	s11 =	simm.s32 $0x2280  }
0x255: {  	[tilespmem:s11], [sflag:$0x2] =	stream.linear.gather [hbm4b:s1+s6], $0x80, $0x38;
	[tilespmem:$0x8100] =	vst v63  }
0x256: {  	s11 =	simm.s32 $0x2680  }
0x257: {  	[tilespmem:s11], [sflag:$0x2] =	stream.linear.gather [hbm4b:s2+s6], $0x80, $0x38;
	[tilespmem:$0x8100] =	vst v63  }
0x258: {  	s11 =	simm.s32 $0x2A80  }
0x259: {  	[tilespmem:s11], [sflag:$0x2] =	stream.linear.gather [hbm4b:s3+s6], $0x80, $0x38;
	[tilespmem:$0x8100] =	vst v63  }
0x25a: {  	s11 =	simm.s32 $0x2E80  }
0x25b: {  	[tilespmem:s11], [sflag:$0x2] =	stream.linear.gather [hbm4b:s9+s6], $0x80, $0x38;
	[tilespmem:$0x8100] =	vst v63  }
0x25c: {  	s11 =	simm.s32 $0x3280  }
0x25d: {  	[tilespmem:s11], [sflag:$0x2] =	stream.linear.gather [hbm4b:s23+s6], $0x80, $0x38;
	[tilespmem:$0x8100] =	vst v63  }
0x25e: {  	s11 =	simm.s32 $0x3680  }
0x25f: {  	[tilespmem:s11], [sflag:$0x2] =	stream.linear.gather [hbm4b:s25+s6], $0x80, $0x38;
	[tilespmem:$0x8100] =	vst v63  }
0x260: {  	s11 =	simm.s32 $0x3A80  }
0x261: {  	[tilespmem:s11], [sflag:$0x2] =	stream.linear.gather [hbm4b:s7+s6], $0x80, $0x38;
	[tilespmem:$0x8100] =	vst v63  }
0x262: {  	s11 =	simm.s32 $0x3E80  }
0x263: {  	[tilespmem:s11], [sflag:$0x2] =	stream.linear.gather [hbm4b:s10+s6], $0x80, $0x38;
	[tilespmem:$0x8100] =	vst v63  }
0x264: {  	s11 =	simm.s32 $0x2300  }
0x265: {  	[tilespmem:s11], [sflag:$0x2] =	stream.linear.gather [hbm4b:s1+s6], $0x80, $0x38;
	[tilespmem:$0x8100] =	vst v63  }
0x266: {  	s11 =	simm.s32 $0x2700  }
0x267: {  	[tilespmem:s11], [sflag:$0x2] =	stream.linear.gather [hbm4b:s2+s6], $0x80, $0x38;
	[tilespmem:$0x8100] =	vst v63  }
0x268: {  	s11 =	simm.s32 $0x2B00  }
0x269: {  	[tilespmem:s11], [sflag:$0x2] =	stream.linear.gather [hbm4b:s3+s6], $0x80, $0x38;
	[tilespmem:$0x8100] =	vst v63  }
0x26a: {  	s11 =	simm.s32 $0x2F00  }
0x26b: {  	[tilespmem:s11], [sflag:$0x2] =	stream.linear.gather [hbm4b:s9+s6], $0x80, $0x38;
	[tilespmem:$0x8100] =	vst v63  }
0x26c: {  	s11 =	simm.s32 $0x3300  }
0x26d: {  	[tilespmem:s11], [sflag:$0x2] =	stream.linear.gather [hbm4b:s23+s6], $0x80, $0x38;
	[tilespmem:$0x8100] =	vst v63  }
0x26e: {  	s11 =	simm.s32 $0x3700  }
0x26f: {  	[tilespmem:s11], [sflag:$0x2] =	stream.linear.gather [hbm4b:s25+s6], $0x80, $0x38;
	[tilespmem:$0x8100] =	vst v63  }
0x270: {  	s11 =	simm.s32 $0x3B00  }
0x271: {  	[tilespmem:s11], [sflag:$0x2] =	stream.linear.gather [hbm4b:s7+s6], $0x80, $0x38;
	[tilespmem:$0x8100] =	vst v63  }
0x272: {  	s11 =	simm.s32 $0x3F00  }
0x273: {  	[tilespmem:s11], [sflag:$0x2] =	stream.linear.gather [hbm4b:s10+s6], $0x80, $0x38;
	[tilespmem:$0x8100] =	vst v63  }
0x274: {  	s11 =	simm.s32 $0x2380  }
0x275: {  	[tilespmem:s11], [sflag:$0x2] =	stream.linear.gather [hbm4b:s1+s6], $0x80, $0x38;
	[tilespmem:$0x8100] =	vst v63  }
0x276: {  	s11 =	simm.s32 $0x2780  }
0x277: {  	[tilespmem:s11], [sflag:$0x2] =	stream.linear.gather [hbm4b:s2+s6], $0x80, $0x38;
	[tilespmem:$0x8100] =	vst v63  }
0x278: {  	s2 =	simm.s32 $0x2B80  }
0x279: {  	[tilespmem:s2], [sflag:$0x2] =	stream.linear.gather [hbm4b:s3+s6], $0x80, $0x38;
	[tilespmem:$0x8100] =	vst v63  }
0x27a: {  	s3 =	simm.s32 $0x2F80  }
0x27b: {  	[tilespmem:s3], [sflag:$0x2] =	stream.linear.gather [hbm4b:s9+s6], $0x80, $0x38;
	[tilespmem:$0x8100] =	vst v63  }
0x27c: {  	s11 =	simm.s32 $0x3380  }
0x27d: {  	[tilespmem:s11], [sflag:$0x2] =	stream.linear.gather [hbm4b:s23+s6], $0x80, $0x38;
	[tilespmem:$0x8100] =	vst v63  }
0x27e: {  	s23 =	simm.s32 $0x3780  }
0x27f: {  	[tilespmem:s23], [sflag:$0x2] =	stream.linear.gather [hbm4b:s25+s6], $0x80, $0x38;
	[tilespmem:$0x8100] =	vst v63  }
0x280: {  	s25 =	simm.s32 $0x3B80  }
0x281: {  	[tilespmem:s25], [sflag:$0x2] =	stream.linear.gather [hbm4b:s7+s6], $0x80, $0x38;
	[tilespmem:$0x8100] =	vst v63  }
0x282: {  	s2 =	simm.s32 $0x3F80  }
0x283: {  	[tilespmem:s2], [sflag:$0x2] =	stream.linear.gather [hbm4b:s10+s6], $0x80, $0x38;
	[tilespmem:$0x8100] =	vst v63  }
0x284: {  	s3 =	rddreg [dreg:$0x2]  }
0x285: {  	[tilespmem:s21], [sflag:$0x2] =	stream.linear.gather [hbm4b:s3+s6], $0x4000, $0x38;
	[tilespmem:$0x8100] =	vst v63  }
0x286: {  	s9 =	simm.s32 $0x8080;
	s7 =	rddreg [dreg:$0x7]  }
0x287: {  	[tilespmem:s9], [sflag:$0x3] =	stream.linear.gather [hbm4b:s7+s6], $0x80, $0x38;
	[tilespmem:$0x8100] =	vst v63  }
0x288: {  	_ =	swait.ge [sflag:s13], $0x80  }
0x289: {  	[sflag:s13] =	ssyncset.done $0x0  }
0x28a: {  	[sflag:s13] =	ssyncadd.s32 $0xFFFFFF80  }
0x28b: {  	v63 =	vld [tilespmem:$0x8080];
	_ =	sdelay $0x4  }
0x28c: {  	(v2sf) =	vpush v63, $0x0;
	_ =	sdelay $0xe  }
0x28d: {  	s10 =	spop (v2sf)  }
0x28e: {  	_ =	swait.ge [sflag:s22], $0x400  }
0x28f: {  	[sflag:s22] =	ssyncset.done $0x0  }
0x290: {  	[sflag:s22] =	ssyncadd.s32 $0xFFFFFC00  }
0x291: {  	_ =	swait.ge [sflag:s22], $0x400  }
0x292: {  	[sflag:s22] =	ssyncset.done $0x0  }
0x293: {  	[sflag:s22] =	ssyncadd.s32 $0xFFFFFC00  }
0x294: {  	_ =	swait.ge [sflag:s22], $0x400  }
0x295: {  	[sflag:s22] =	ssyncset.done $0x0  }
0x296: {  	[sflag:s22] =	ssyncadd.s32 $0xFFFFFC00  }
0x297: {  	_ =	swait.ge [sflag:s22], $0x400  }
0x298: {  	[sflag:s22] =	ssyncset.done $0x0  }
0x299: {  	[sflag:s22] =	ssyncadd.s32 $0xFFFFFC00  }
0x29a: {  	_ =	swait.ge [sflag:s22], $0x400  }
0x29b: {  	[sflag:s22] =	ssyncset.done $0x0  }
0x29c: {  	[sflag:s22] =	ssyncadd.s32 $0xFFFFFC00  }
0x29d: {  	_ =	swait.ge [sflag:s22], $0x400  }
0x29e: {  	[sflag:s22] =	ssyncset.done $0x0  }
0x29f: {  	[sflag:s22] =	ssyncadd.s32 $0xFFFFFC00  }
0x2a0: {  	_ =	swait.ge [sflag:s22], $0x400  }
0x2a1: {  	[sflag:s22] =	ssyncset.done $0x0  }
0x2a2: {  	[sflag:s22] =	ssyncadd.s32 $0xFFFFFC00  }
0x2a3: {  	_ =	swait.ge [sflag:s22], $0x400  }
0x2a4: {  	[sflag:s22] =	ssyncset.done $0x0  }
0x2a5: {  	[sflag:s22] =	ssyncadd.s32 $0xFFFFFC00  }
0x2a6: {  	_ =	swait.ge [sflag:s22], $0x400  }
0x2a7: {  	[sflag:s22] =	ssyncset.done $0x0  }
0x2a8: {  	[sflag:s22] =	ssyncadd.s32 $0xFFFFFC00  }
0x2a9: {  	_ =	swait.ge [sflag:s22], $0x400  }
0x2aa: {  	[sflag:s22] =	ssyncset.done $0x0  }
0x2ab: {  	[sflag:s22] =	ssyncadd.s32 $0xFFFFFC00  }
0x2ac: {  	_ =	swait.ge [sflag:s22], $0x400  }
0x2ad: {  	[sflag:s22] =	ssyncset.done $0x0  }
0x2ae: {  	[sflag:s22] =	ssyncadd.s32 $0xFFFFFC00  }
0x2af: {  	_ =	swait.ge [sflag:s22], $0x400  }
0x2b0: {  	[sflag:s22] =	ssyncset.done $0x0  }
0x2b1: {  	[sflag:s22] =	ssyncadd.s32 $0xFFFFFC00  }
0x2b2: {  	_ =	swait.ge [sflag:s22], $0x400  }
0x2b3: {  	s11 =	rddreg [dreg:$0x6]  }
0x2b4: {  	[sflag:s22] =	ssyncset.done $0x0;
	s2 =	ssub.s32 s10, s11  }
0x2b5: {  	[sflag:s22] =	ssyncadd.s32 $0xFFFFFC00;
	p6 =	sgt.s32 s2, $0x0;
	s1 =	smov.u32 s2  }
0x2b6: {  	_ =	swait.ge [sflag:s22], $0x400;
	s1 =	simm.s32 @!p6 $0x0  }
0x2b7: {  	[sflag:s22] =	ssyncset.done $0x0;
	s1 =	smin.u32 s1, $0x200  }
0x2b8: {  	[sflag:s22] =	ssyncadd.s32 $0xFFFFFC00;
	s23 =	sand.u32 $0xF, s1  }
0x2b9: {  	p0 =	slt.s32 s2, $0x1;
	_ =	swait.ge [sflag:s22], $0x400;
	p1 =	sne.s32 s23, $0x0  }
0x2ba: {  	[sflag:s22] =	ssyncset.done $0x0;
	p0 =	por !p0, !p1  }
0x2bb: {  	s7 =	simm.s32 $0x1;
	[sflag:s22] =	ssyncadd.s32 $0xFFFFFC00;
	p3 =	por !p0, !p0  }
0x2bc: {  	s3 =	sshrl.u32 s1, $0x4;
	_ =	swait.ge [sflag:s22], $0x400;
	s7 =	simm.s32 @!p3 $0x0  }
0x2bd: {  	[sflag:s22] =	ssyncset.done $0x0;
	s25 =	ssub.s32 s3, s7  }
0x2be: {  	[sflag:s22] =	ssyncadd.s32 $0xFFFFFC00;
	p0 =	slt.s32 s25, $0x1  }
0x2bf: {  	_ =	swait.ge [sflag:s22], $0x4000;
	s10 =	simm.s32 @!p0 $0x0  }
0x2c0: {  	[sflag:s22] =	ssyncset.done $0x0;
	s10 =	simm.s32 @p0 $0x1  }
0x2c1: {  	s7 =	simm.s32 @!p0 $0x0;
	[sflag:s22] =	ssyncadd.s32 $0xFFFFC000;
	[smem:$0x7BB] =	sst s10  }
0x2c2: {  	[hbm4b:s8+s7] =	stream.linear.scatter @!p0 [tilespmem:s7], [sflag:$0x1], $0x4000, $0x38;
	[tilespmem:$0x8100] =	vst v63  }
0x2c3: {  	s7 =	simm.s32 @!p6 $0x0;
	s10 =	simm.s32 @!p6 $0x4000;
	p0 =	slt.s32 s25, $0x2  }
0x2c4: {  	[hbm4b:s8+s7] =	stream.linear.scatter @!p6 [tilespmem:s10], [sflag:$0x1], $0x4000, $0x38;
	[tilespmem:$0x8100] =	vst v63  }
0x2c5: {  	s23 =	rddreg [dreg:$0x8];
	s7 =	simm.s32 @!p0 $0x0;
	s10 =	simm.s32 @!p0 $0x0  }
0x2c6: {  	[hbm4b:s23+s7] =	stream.linear.scatter @!p0 [tilespmem:s7], [sflag:$0x1], $0x4000, $0x38;
	[tilespmem:$0x8100] =	vst v63  }
0x2c7: {  	p1 =	slt.s32 s25, $0x3;
	s10 =	simm.s32 @p0 $0x1;
	p0 =	sgt.s32 s2, $0x10  }
0x2c8: {  	[smem:$0x7BC] =	sst s10;
	s7 =	simm.s32 @!p0 $0x0;
	s10 =	simm.s32 @!p0 $0x4000  }
0x2c9: {  	[hbm4b:s23+s7] =	stream.linear.scatter @!p0 [tilespmem:s10], [sflag:$0x1], $0x4000, $0x38;
	[tilespmem:$0x8100] =	vst v63  }
0x2ca: {  	s10 =	simm.s32 @!p1 $0x0  }
0x2cb: {  	s23 =	rddreg [dreg:$0x9];
	s10 =	simm.s32 @p1 $0x1  }
0x2cc: {  	p4 =	sgt.s32 s2, $0x20;
	s7 =	simm.s32 @!p1 $0x0;
	[smem:$0x7BD] =	sst s10  }
0x2cd: {  	[hbm4b:s23+s7] =	stream.linear.scatter @!p1 [tilespmem:s7], [sflag:$0x1], $0x4000, $0x38;
	[tilespmem:$0x8100] =	vst v63  }
0x2ce: {  	s7 =	simm.s32 @!p4 $0x0;
	s10 =	simm.s32 @!p4 $0x4000;
	p1 =	slt.s32 s25, $0x4  }
0x2cf: {  	[hbm4b:s23+s7] =	stream.linear.scatter @!p4 [tilespmem:s10], [sflag:$0x1], $0x4000, $0x38;
	[tilespmem:$0x8100] =	vst v63  }
0x2d0: {  	s10 =	simm.s32 @!p1 $0x0  }
0x2d1: {  	s23 =	rddreg [dreg:$0xa];
	s10 =	simm.s32 @p1 $0x1  }
0x2d2: {  	p2 =	sgt.s32 s2, $0x30;
	s7 =	simm.s32 @!p1 $0x0;
	[smem:$0x7BE] =	sst s10  }
0x2d3: {  	[hbm4b:s23+s7] =	stream.linear.scatter @!p1 [tilespmem:s7], [sflag:$0x1], $0x4000, $0x38;
	[tilespmem:$0x8100] =	vst v63  }
0x2d4: {  	s7 =	simm.s32 @!p2 $0x0;
	s10 =	simm.s32 @!p2 $0x4000;
	p1 =	slt.s32 s25, $0x5  }
0x2d5: {  	[hbm4b:s23+s7] =	stream.linear.scatter @!p2 [tilespmem:s10], [sflag:$0x1], $0x4000, $0x38;
	[tilespmem:$0x8100] =	vst v63  }
0x2d6: {  	s10 =	simm.s32 @!p1 $0x0  }
0x2d7: {  	s23 =	rddreg [dreg:$0xb];
	s10 =	simm.s32 @p1 $0x1  }
0x2d8: {  	p5 =	sgt.s32 s2, $0x40;
	s7 =	simm.s32 @!p1 $0x0;
	[smem:$0x7BF] =	sst s10  }
0x2d9: {  	[hbm4b:s23+s7] =	stream.linear.scatter @!p1 [tilespmem:s7], [sflag:$0x1], $0x4000, $0x38;
	[tilespmem:$0x8100] =	vst v63  }
0x2da: {  	s7 =	simm.s32 @!p5 $0x0;
	s10 =	simm.s32 @!p5 $0x4000;
	p1 =	slt.s32 s25, $0x6  }
0x2db: {  	[hbm4b:s23+s7] =	stream.linear.scatter @!p5 [tilespmem:s10], [sflag:$0x1], $0x4000, $0x38;
	[tilespmem:$0x8100] =	vst v63  }
0x2dc: {  	s10 =	simm.s32 @!p1 $0x0  }
0x2dd: {  	s7 =	simm.s32 @!p1 $0x0;
	s23 =	rddreg [dreg:$0xc];
	s10 =	simm.s32 @p1 $0x1  }
0x2de: {  	[hbm4b:s23+s7] =	stream.linear.scatter @!p1 [tilespmem:s7], [sflag:$0x1], $0x4000, $0x38;
	[tilespmem:$0x8100] =	vst v63  }
0x2df: {  	[smem:$0x7C0] =	sst s10;
	p1 =	sgt.s32 s2, $0x50  }
0x2e0: {  	s7 =	simm.s32 @!p1 $0x0;
	s10 =	simm.s32 @!p1 $0x4000;
	s11 =	simm.s32 @!p1 $0x0  }
0x2e1: {  	[hbm4b:s23+s7] =	stream.linear.scatter @!p1 [tilespmem:s10], [sflag:$0x1], $0x4000, $0x38;
	[tilespmem:$0x8100] =	vst v63  }
0x2e2: {  	s11 =	simm.s32 @p1 $0x1;
	p1 =	slt.s32 s25, $0x7  }
0x2e3: {  	s23 =	rddreg [dreg:$0xd];
	s10 =	simm.s32 @!p1 $0x0  }
0x2e4: {  	[smem:$0x7C1] =	sst s11;
	s7 =	simm.s32 @!p1 $0x0;
	s10 =	simm.s32 @p1 $0x1  }
0x2e5: {  	[hbm4b:s23+s7] =	stream.linear.scatter @!p1 [tilespmem:s7], [sflag:$0x1], $0x4000, $0x38;
	[tilespmem:$0x8100] =	vst v63  }
0x2e6: {  	p1 =	sgt.s32 s2, $0x60;
	[smem:$0x7C2] =	sst s10  }
0x2e7: {  	s7 =	simm.s32 @!p1 $0x0;
	s10 =	simm.s32 @!p1 $0x4000;
	s11 =	simm.s32 @!p1 $0x0  }
0x2e8: {  	[hbm4b:s23+s7] =	stream.linear.scatter @!p1 [tilespmem:s10], [sflag:$0x1], $0x4000, $0x38;
	[tilespmem:$0x8100] =	vst v63  }
0x2e9: {  	s11 =	simm.s32 @p1 $0x1;
	p1 =	slt.s32 s25, $0x8  }
0x2ea: {  	s23 =	rddreg [dreg:$0xe];
	s10 =	simm.s32 @!p1 $0x0  }
0x2eb: {  	[smem:$0x7C3] =	sst s11;
	s7 =	simm.s32 @!p1 $0x0;
	s10 =	simm.s32 @p1 $0x1  }
0x2ec: {  	[hbm4b:s23+s7] =	stream.linear.scatter @!p1 [tilespmem:s7], [sflag:$0x1], $0x4000, $0x38;
	[tilespmem:$0x8100] =	vst v63  }
0x2ed: {  	p1 =	sgt.s32 s2, $0x70;
	[smem:$0x7C4] =	sst s10  }
0x2ee: {  	s7 =	simm.s32 @!p1 $0x0;
	s10 =	simm.s32 @!p1 $0x4000;
	s11 =	simm.s32 @!p1 $0x0  }
0x2ef: {  	[hbm4b:s23+s7] =	stream.linear.scatter @!p1 [tilespmem:s10], [sflag:$0x1], $0x4000, $0x38;
	[tilespmem:$0x8100] =	vst v63  }
0x2f0: {  	s11 =	simm.s32 @p1 $0x1;
	p1 =	slt.s32 s25, $0x9  }
0x2f1: {  	s23 =	rddreg [dreg:$0xf];
	s10 =	simm.s32 @!p1 $0x0  }
0x2f2: {  	[smem:$0x7C5] =	sst s11;
	s7 =	simm.s32 @!p1 $0x0;
	s10 =	simm.s32 @p1 $0x1  }
0x2f3: {  	[hbm4b:s23+s7] =	stream.linear.scatter @!p1 [tilespmem:s7], [sflag:$0x1], $0x4000, $0x38;
	[tilespmem:$0x8100] =	vst v63  }
0x2f4: {  	p1 =	sgt.s32 s2, $0x80;
	[smem:$0x7C6] =	sst s10  }
0x2f5: {  	s7 =	simm.s32 @!p1 $0x0;
	s10 =	simm.s32 @!p1 $0x4000;
	s11 =	simm.s32 @!p1 $0x0  }
0x2f6: {  	[hbm4b:s23+s7] =	stream.linear.scatter @!p1 [tilespmem:s10], [sflag:$0x1], $0x4000, $0x38;
	[tilespmem:$0x8100] =	vst v63  }
0x2f7: {  	s11 =	simm.s32 @p1 $0x1;
	p1 =	slt.s32 s25, $0xA  }
0x2f8: {  	s23 =	rddreg [dreg:$0x10];
	s10 =	simm.s32 @!p1 $0x0  }
0x2f9: {  	[smem:$0x7C7] =	sst s11;
	s7 =	simm.s32 @!p1 $0x0;
	s10 =	simm.s32 @p1 $0x1  }
0x2fa: {  	[hbm4b:s23+s7] =	stream.linear.scatter @!p1 [tilespmem:s7], [sflag:$0x1], $0x4000, $0x38;
	[tilespmem:$0x8100] =	vst v63  }
0x2fb: {  	p1 =	sgt.s32 s2, $0x90;
	[smem:$0x7C8] =	sst s10  }
0x2fc: {  	s7 =	simm.s32 @!p1 $0x0;
	s10 =	simm.s32 @!p1 $0x4000;
	s11 =	simm.s32 @!p1 $0x0  }
0x2fd: {  	[hbm4b:s23+s7] =	stream.linear.scatter @!p1 [tilespmem:s10], [sflag:$0x1], $0x4000, $0x38;
	[tilespmem:$0x8100] =	vst v63  }
0x2fe: {  	s11 =	simm.s32 @p1 $0x1;
	p1 =	slt.s32 s25, $0xB  }
0x2ff: {  	s23 =	rddreg [dreg:$0x11];
	s10 =	simm.s32 @!p1 $0x0  }
0x300: {  	[smem:$0x7C9] =	sst s11;
	s7 =	simm.s32 @!p1 $0x0;
	s10 =	simm.s32 @p1 $0x1  }
0x301: {  	[hbm4b:s23+s7] =	stream.linear.scatter @!p1 [tilespmem:s7], [sflag:$0x1], $0x4000, $0x38;
	[tilespmem:$0x8100] =	vst v63  }
0x302: {  	p1 =	sgt.s32 s2, $0xA0;
	[smem:$0x7CA] =	sst s10  }
0x303: {  	s7 =	simm.s32 @!p1 $0x0;
	s10 =	simm.s32 @!p1 $0x4000;
	s11 =	simm.s32 @!p1 $0x0  }
0x304: {  	[hbm4b:s23+s7] =	stream.linear.scatter @!p1 [tilespmem:s10], [sflag:$0x1], $0x4000, $0x38;
	[tilespmem:$0x8100] =	vst v63  }
0x305: {  	s11 =	simm.s32 @p1 $0x1;
	p1 =	slt.s32 s25, $0xC  }
0x306: {  	s23 =	rddreg [dreg:$0x12];
	s10 =	simm.s32 @!p1 $0x0  }
0x307: {  	[smem:$0x7CB] =	sst s11;
	s7 =	simm.s32 @!p1 $0x0;
	s10 =	simm.s32 @p1 $0x1  }
0x308: {  	[hbm4b:s23+s7] =	stream.linear.scatter @!p1 [tilespmem:s7], [sflag:$0x1], $0x4000, $0x38;
	[tilespmem:$0x8100] =	vst v63  }
0x309: {  	p1 =	sgt.s32 s2, $0xB0;
	[smem:$0x7CC] =	sst s10  }
0x30a: {  	s7 =	simm.s32 @!p1 $0x0;
	s10 =	simm.s32 @!p1 $0x4000;
	s11 =	simm.s32 @!p1 $0x0  }
0x30b: {  	[hbm4b:s23+s7] =	stream.linear.scatter @!p1 [tilespmem:s10], [sflag:$0x1], $0x4000, $0x38;
	[tilespmem:$0x8100] =	vst v63  }
0x30c: {  	s11 =	simm.s32 @p1 $0x1;
	p1 =	slt.s32 s25, $0xD  }
0x30d: {  	s23 =	rddreg [dreg:$0x13];
	s10 =	simm.s32 @!p1 $0x0  }
0x30e: {  	[smem:$0x7CD] =	sst s11;
	s7 =	simm.s32 @!p1 $0x0;
	s10 =	simm.s32 @p1 $0x1  }
0x30f: {  	[hbm4b:s23+s7] =	stream.linear.scatter @!p1 [tilespmem:s7], [sflag:$0x1], $0x4000, $0x38;
	[tilespmem:$0x8100] =	vst v63  }
0x310: {  	p1 =	sgt.s32 s2, $0xC0;
	[smem:$0x7CE] =	sst s10  }
0x311: {  	s7 =	simm.s32 @!p1 $0x0;
	s10 =	simm.s32 @!p1 $0x4000;
	s11 =	simm.s32 @!p1 $0x0  }
0x312: {  	[hbm4b:s23+s7] =	stream.linear.scatter @!p1 [tilespmem:s10], [sflag:$0x1], $0x4000, $0x38;
	[tilespmem:$0x8100] =	vst v63  }
0x313: {  	s11 =	simm.s32 @p1 $0x1;
	p1 =	slt.s32 s25, $0xE  }
0x314: {  	s23 =	rddreg [dreg:$0x14];
	s10 =	simm.s32 @!p1 $0x0  }
0x315: {  	[smem:$0x7CF] =	sst s11;
	s7 =	simm.s32 @!p1 $0x0;
	s10 =	simm.s32 @p1 $0x1  }
0x316: {  	[hbm4b:s23+s7] =	stream.linear.scatter @!p1 [tilespmem:s7], [sflag:$0x1], $0x4000, $0x38;
	[tilespmem:$0x8100] =	vst v63  }
0x317: {  	p1 =	sgt.s32 s2, $0xD0;
	[smem:$0x7D0] =	sst s10  }
0x318: {  	s7 =	simm.s32 @!p1 $0x0;
	s10 =	simm.s32 @!p1 $0x4000;
	s11 =	simm.s32 @!p1 $0x0  }
0x319: {  	[hbm4b:s23+s7] =	stream.linear.scatter @!p1 [tilespmem:s10], [sflag:$0x1], $0x4000, $0x38;
	[tilespmem:$0x8100] =	vst v63  }
0x31a: {  	s11 =	simm.s32 @p1 $0x1;
	p1 =	slt.s32 s25, $0xF  }
0x31b: {  	s23 =	rddreg [dreg:$0x16];
	s10 =	simm.s32 @!p1 $0x0  }
0x31c: {  	[smem:$0x7D1] =	sst s11;
	s7 =	simm.s32 @!p1 $0x0;
	s10 =	simm.s32 @p1 $0x1  }
0x31d: {  	[hbm4b:s23+s7] =	stream.linear.scatter @!p1 [tilespmem:s7], [sflag:$0x1], $0x4000, $0x38;
	[tilespmem:$0x8100] =	vst v63  }
0x31e: {  	p1 =	sgt.s32 s2, $0xE0;
	[smem:$0x7D2] =	sst s10  }
0x31f: {  	s7 =	simm.s32 @!p1 $0x0;
	s10 =	simm.s32 @!p1 $0x4000;
	s11 =	simm.s32 @!p1 $0x0  }
0x320: {  	[hbm4b:s23+s7] =	stream.linear.scatter @!p1 [tilespmem:s10], [sflag:$0x1], $0x4000, $0x38;
	[tilespmem:$0x8100] =	vst v63  }
0x321: {  	s11 =	simm.s32 @p1 $0x1;
	p1 =	slt.s32 s25, $0x10  }
0x322: {  	s23 =	rddreg [dreg:$0x18];
	s10 =	simm.s32 @!p1 $0x0  }
0x323: {  	[smem:$0x7D3] =	sst s11;
	s7 =	simm.s32 @!p1 $0x0;
	s10 =	simm.s32 @p1 $0x1  }
0x324: {  	[hbm4b:s23+s7] =	stream.linear.scatter @!p1 [tilespmem:s7], [sflag:$0x1], $0x4000, $0x38;
	[tilespmem:$0x8100] =	vst v63  }
0x325: {  	p1 =	sgt.s32 s2, $0xF0;
	[smem:$0x7D4] =	sst s10  }
0x326: {  	s7 =	simm.s32 @!p1 $0x0;
	s10 =	simm.s32 @!p1 $0x4000;
	s11 =	simm.s32 @!p1 $0x0  }
0x327: {  	[hbm4b:s23+s7] =	stream.linear.scatter @!p1 [tilespmem:s10], [sflag:$0x1], $0x4000, $0x38;
	[tilespmem:$0x8100] =	vst v63  }
0x328: {  	s11 =	simm.s32 @p1 $0x1;
	p1 =	slt.s32 s25, $0x11  }
0x329: {  	s23 =	rddreg [dreg:$0x19];
	s10 =	simm.s32 @!p1 $0x0  }
0x32a: {  	[smem:$0x7D5] =	sst s11;
	s7 =	simm.s32 @!p1 $0x0;
	s10 =	simm.s32 @p1 $0x1  }
0x32b: {  	[hbm4b:s23+s7] =	stream.linear.scatter @!p1 [tilespmem:s7], [sflag:$0x1], $0x4000, $0x38;
	[tilespmem:$0x8100] =	vst v63  }
0x32c: {  	p1 =	sgt.s32 s2, $0x100;
	[smem:$0x7D6] =	sst s10  }
0x32d: {  	s7 =	simm.s32 @!p1 $0x0;
	s10 =	simm.s32 @!p1 $0x4000;
	s11 =	simm.s32 @!p1 $0x0  }
0x32e: {  	[hbm4b:s23+s7] =	stream.linear.scatter @!p1 [tilespmem:s10], [sflag:$0x1], $0x4000, $0x38;
	[tilespmem:$0x8100] =	vst v63  }
0x32f: {  	s11 =	simm.s32 @p1 $0x1;
	p1 =	slt.s32 s25, $0x12  }
0x330: {  	s23 =	rddreg [dreg:$0x1a];
	s10 =	simm.s32 @!p1 $0x0  }
0x331: {  	[smem:$0x7D7] =	sst s11;
	s7 =	simm.s32 @!p1 $0x0;
	s10 =	simm.s32 @p1 $0x1  }
0x332: {  	[hbm4b:s23+s7] =	stream.linear.scatter @!p1 [tilespmem:s7], [sflag:$0x1], $0x4000, $0x38;
	[tilespmem:$0x8100] =	vst v63  }
0x333: {  	p1 =	sgt.s32 s2, $0x110;
	[smem:$0x7D8] =	sst s10  }
0x334: {  	s7 =	simm.s32 @!p1 $0x0;
	s10 =	simm.s32 @!p1 $0x4000;
	s11 =	simm.s32 @!p1 $0x0  }
0x335: {  	[hbm4b:s23+s7] =	stream.linear.scatter @!p1 [tilespmem:s10], [sflag:$0x1], $0x4000, $0x38;
	[tilespmem:$0x8100] =	vst v63  }
0x336: {  	s11 =	simm.s32 @p1 $0x1;
	p1 =	slt.s32 s25, $0x13  }
0x337: {  	s23 =	rddreg [dreg:$0x1b];
	s10 =	simm.s32 @!p1 $0x0  }
0x338: {  	[smem:$0x7D9] =	sst s11;
	s7 =	simm.s32 @!p1 $0x0;
	s10 =	simm.s32 @p1 $0x1  }
0x339: {  	[hbm4b:s23+s7] =	stream.linear.scatter @!p1 [tilespmem:s7], [sflag:$0x1], $0x4000, $0x38;
	[tilespmem:$0x8100] =	vst v63  }
0x33a: {  	p1 =	sgt.s32 s2, $0x120;
	[smem:$0x7DA] =	sst s10  }
0x33b: {  	s7 =	simm.s32 @!p1 $0x0;
	s10 =	simm.s32 @!p1 $0x4000;
	s11 =	simm.s32 @!p1 $0x0  }
0x33c: {  	[hbm4b:s23+s7] =	stream.linear.scatter @!p1 [tilespmem:s10], [sflag:$0x1], $0x4000, $0x38;
	[tilespmem:$0x8100] =	vst v63  }
0x33d: {  	s11 =	simm.s32 @p1 $0x1;
	p1 =	slt.s32 s25, $0x14  }
0x33e: {  	s23 =	rddreg [dreg:$0x1c];
	s10 =	simm.s32 @!p1 $0x0  }
0x33f: {  	[smem:$0x7DB] =	sst s11;
	s7 =	simm.s32 @!p1 $0x0;
	s10 =	simm.s32 @p1 $0x1  }
0x340: {  	[hbm4b:s23+s7] =	stream.linear.scatter @!p1 [tilespmem:s7], [sflag:$0x1], $0x4000, $0x38;
	[tilespmem:$0x8100] =	vst v63  }
0x341: {  	p1 =	sgt.s32 s2, $0x130;
	[smem:$0x7DC] =	sst s10  }
0x342: {  	s7 =	simm.s32 @!p1 $0x0;
	s10 =	simm.s32 @!p1 $0x4000;
	s11 =	simm.s32 @!p1 $0x0  }
0x343: {  	[hbm4b:s23+s7] =	stream.linear.scatter @!p1 [tilespmem:s10], [sflag:$0x1], $0x4000, $0x38;
	[tilespmem:$0x8100] =	vst v63  }
0x344: {  	s11 =	simm.s32 @p1 $0x1;
	p1 =	slt.s32 s25, $0x15  }
0x345: {  	s23 =	rddreg [dreg:$0x1d];
	s10 =	simm.s32 @!p1 $0x0  }
0x346: {  	[smem:$0x7DD] =	sst s11;
	s7 =	simm.s32 @!p1 $0x0;
	s10 =	simm.s32 @p1 $0x1  }
0x347: {  	[hbm4b:s23+s7] =	stream.linear.scatter @!p1 [tilespmem:s7], [sflag:$0x1], $0x4000, $0x38;
	[tilespmem:$0x8100] =	vst v63  }
0x348: {  	p1 =	sgt.s32 s2, $0x140;
	[smem:$0x7DE] =	sst s10  }
0x349: {  	s7 =	simm.s32 @!p1 $0x0;
	s10 =	simm.s32 @!p1 $0x4000;
	s11 =	simm.s32 @!p1 $0x0  }
0x34a: {  	[hbm4b:s23+s7] =	stream.linear.scatter @!p1 [tilespmem:s10], [sflag:$0x1], $0x4000, $0x38;
	[tilespmem:$0x8100] =	vst v63  }
0x34b: {  	s11 =	simm.s32 @p1 $0x1;
	p1 =	slt.s32 s25, $0x16  }
0x34c: {  	s23 =	rddreg [dreg:$0x1e];
	s10 =	simm.s32 @!p1 $0x0  }
0x34d: {  	[smem:$0x7DF] =	sst s11;
	s7 =	simm.s32 @!p1 $0x0;
	s10 =	simm.s32 @p1 $0x1  }
0x34e: {  	[hbm4b:s23+s7] =	stream.linear.scatter @!p1 [tilespmem:s7], [sflag:$0x1], $0x4000, $0x38;
	[tilespmem:$0x8100] =	vst v63  }
0x34f: {  	p1 =	sgt.s32 s2, $0x150;
	[smem:$0x7E0] =	sst s10  }
0x350: {  	s7 =	simm.s32 @!p1 $0x0;
	s10 =	simm.s32 @!p1 $0x4000;
	s11 =	simm.s32 @!p1 $0x0  }
0x351: {  	[hbm4b:s23+s7] =	stream.linear.scatter @!p1 [tilespmem:s10], [sflag:$0x1], $0x4000, $0x38;
	[tilespmem:$0x8100] =	vst v63  }
0x352: {  	s11 =	simm.s32 @p1 $0x1;
	p1 =	slt.s32 s25, $0x17  }
0x353: {  	s23 =	rddreg [dreg:$0x1f];
	s7 =	simm.s32 @!p1 $0x0;
	s10 =	simm.s32 @!p1 $0x0  }
0x354: {  	[hbm4b:s23+s7] =	stream.linear.scatter @!p1 [tilespmem:s7], [sflag:$0x1], $0x4000, $0x38;
	[tilespmem:$0x8100] =	vst v63  }
0x355: {  	[smem:$0x7E1] =	sst s11;
	s10 =	simm.s32 @p1 $0x1;
	p1 =	sgt.s32 s2, $0x160  }
0x356: {  	[smem:$0x7E2] =	sst s10;
	s7 =	simm.s32 @!p1 $0x0;
	s10 =	simm.s32 @!p1 $0x4000  }
0x357: {  	[hbm4b:s23+s7] =	stream.linear.scatter @!p1 [tilespmem:s10], [sflag:$0x1], $0x4000, $0x38;
	[tilespmem:$0x8100] =	vst v63  }
0x358: {  	s11 =	simm.s32 @!p1 $0x0;
	s23 =	sld [smem:$0x7F6]  }
0x359: {  	s11 =	simm.s32 @p1 $0x1;
	p1 =	slt.s32 s25, $0x18  }
0x35a: {  	s7 =	simm.s32 @!p1 $0x0;
	s10 =	simm.s32 @!p1 $0x0  }
0x35b: {  	[hbm4b:s23+s7] =	stream.linear.scatter @!p1 [tilespmem:s7], [sflag:$0x1], $0x4000, $0x38;
	[tilespmem:$0x8100] =	vst v63  }
0x35c: {  	[smem:$0x7E3] =	sst s11;
	s10 =	simm.s32 @p1 $0x1;
	p1 =	sgt.s32 s2, $0x170  }
0x35d: {  	[smem:$0x7E4] =	sst s10;
	s7 =	simm.s32 @!p1 $0x0;
	s10 =	simm.s32 @!p1 $0x4000  }
0x35e: {  	[hbm4b:s23+s7] =	stream.linear.scatter @!p1 [tilespmem:s10], [sflag:$0x1], $0x4000, $0x38;
	[tilespmem:$0x8100] =	vst v63  }
0x35f: {  	s11 =	simm.s32 @!p1 $0x0;
	s23 =	sld [smem:$0x7F7]  }
0x360: {  	s11 =	simm.s32 @p1 $0x1;
	p1 =	slt.s32 s25, $0x19  }
0x361: {  	s7 =	simm.s32 @!p1 $0x0;
	s10 =	simm.s32 @!p1 $0x0  }
0x362: {  	[hbm4b:s23+s7] =	stream.linear.scatter @!p1 [tilespmem:s7], [sflag:$0x1], $0x4000, $0x38;
	[tilespmem:$0x8100] =	vst v63  }
0x363: {  	[smem:$0x7E5] =	sst s11;
	s10 =	simm.s32 @p1 $0x1;
	p1 =	sgt.s32 s2, $0x180  }
0x364: {  	[smem:$0x7E6] =	sst s10;
	s7 =	simm.s32 @!p1 $0x0;
	s10 =	simm.s32 @!p1 $0x4000  }
0x365: {  	[hbm4b:s23+s7] =	stream.linear.scatter @!p1 [tilespmem:s10], [sflag:$0x1], $0x4000, $0x38;
	[tilespmem:$0x8100] =	vst v63  }
0x366: {  	s11 =	simm.s32 @!p1 $0x0;
	s23 =	sld [smem:$0x7F8]  }
0x367: {  	s11 =	simm.s32 @p1 $0x1;
	p1 =	slt.s32 s25, $0x1A  }
0x368: {  	s7 =	simm.s32 @!p1 $0x0;
	s10 =	simm.s32 @!p1 $0x0  }
0x369: {  	[hbm4b:s23+s7] =	stream.linear.scatter @!p1 [tilespmem:s7], [sflag:$0x1], $0x4000, $0x38;
	[tilespmem:$0x8100] =	vst v63  }
0x36a: {  	[smem:$0x7E7] =	sst s11;
	s10 =	simm.s32 @p1 $0x1;
	p1 =	sgt.s32 s2, $0x190  }
0x36b: {  	[smem:$0x7E8] =	sst s10;
	s7 =	simm.s32 @!p1 $0x0;
	s10 =	simm.s32 @!p1 $0x4000  }
0x36c: {  	[hbm4b:s23+s7] =	stream.linear.scatter @!p1 [tilespmem:s10], [sflag:$0x1], $0x4000, $0x38;
	[tilespmem:$0x8100] =	vst v63  }
0x36d: {  	s11 =	simm.s32 @!p1 $0x0;
	s23 =	sld [smem:$0x7F9]  }
0x36e: {  	s11 =	simm.s32 @p1 $0x1;
	p1 =	slt.s32 s25, $0x1B  }
0x36f: {  	s7 =	simm.s32 @!p1 $0x0;
	s10 =	simm.s32 @!p1 $0x0  }
0x370: {  	[hbm4b:s23+s7] =	stream.linear.scatter @!p1 [tilespmem:s7], [sflag:$0x1], $0x4000, $0x38;
	[tilespmem:$0x8100] =	vst v63  }
0x371: {  	[smem:$0x7E9] =	sst s11;
	s10 =	simm.s32 @p1 $0x1;
	p1 =	sgt.s32 s2, $0x1A0  }
0x372: {  	[smem:$0x7EA] =	sst s10;
	s7 =	simm.s32 @!p1 $0x0;
	s10 =	simm.s32 @!p1 $0x4000  }
0x373: {  	[hbm4b:s23+s7] =	stream.linear.scatter @!p1 [tilespmem:s10], [sflag:$0x1], $0x4000, $0x38;
	[tilespmem:$0x8100] =	vst v63  }
0x374: {  	s11 =	simm.s32 @!p1 $0x0;
	s23 =	sld [smem:$0x7FA]  }
0x375: {  	s11 =	simm.s32 @p1 $0x1;
	p1 =	slt.s32 s25, $0x1C  }
0x376: {  	s7 =	simm.s32 @!p1 $0x0;
	s10 =	simm.s32 @!p1 $0x0  }
0x377: {  	[hbm4b:s23+s7] =	stream.linear.scatter @!p1 [tilespmem:s7], [sflag:$0x1], $0x4000, $0x38;
	[tilespmem:$0x8100] =	vst v63  }
0x378: {  	[smem:$0x7EB] =	sst s11;
	s10 =	simm.s32 @p1 $0x1;
	p1 =	sgt.s32 s2, $0x1B0  }
0x379: {  	[smem:$0x7EC] =	sst s10;
	s7 =	simm.s32 @!p1 $0x0;
	s10 =	simm.s32 @!p1 $0x4000  }
0x37a: {  	[hbm4b:s23+s7] =	stream.linear.scatter @!p1 [tilespmem:s10], [sflag:$0x1], $0x4000, $0x38;
	[tilespmem:$0x8100] =	vst v63  }
0x37b: {  	s11 =	simm.s32 @!p1 $0x0;
	s23 =	sld [smem:$0x7FB]  }
0x37c: {  	s11 =	simm.s32 @p1 $0x1;
	p1 =	slt.s32 s25, $0x1D  }
0x37d: {  	s7 =	simm.s32 @!p1 $0x0;
	s10 =	simm.s32 @!p1 $0x0  }
0x37e: {  	[hbm4b:s23+s7] =	stream.linear.scatter @!p1 [tilespmem:s7], [sflag:$0x1], $0x4000, $0x38;
	[tilespmem:$0x8100] =	vst v63  }
0x37f: {  	[smem:$0x7ED] =	sst s11;
	s10 =	simm.s32 @p1 $0x1;
	p1 =	sgt.s32 s2, $0x1C0  }
0x380: {  	[smem:$0x7EE] =	sst s10;
	s7 =	simm.s32 @!p1 $0x0;
	s10 =	simm.s32 @!p1 $0x4000  }
0x381: {  	[hbm4b:s23+s7] =	stream.linear.scatter @!p1 [tilespmem:s10], [sflag:$0x1], $0x4000, $0x38;
	[tilespmem:$0x8100] =	vst v63  }
0x382: {  	s11 =	simm.s32 @!p1 $0x0;
	s23 =	sld [smem:$0x7FC]  }
0x383: {  	s11 =	simm.s32 @p1 $0x1;
	p1 =	slt.s32 s25, $0x1E  }
0x384: {  	s7 =	simm.s32 @!p1 $0x0;
	s10 =	simm.s32 @!p1 $0x0  }
0x385: {  	[hbm4b:s23+s7] =	stream.linear.scatter @!p1 [tilespmem:s7], [sflag:$0x1], $0x4000, $0x38;
	[tilespmem:$0x8100] =	vst v63  }
0x386: {  	[smem:$0x7EF] =	sst s11;
	s10 =	simm.s32 @p1 $0x1;
	p1 =	sgt.s32 s2, $0x1D0  }
0x387: {  	[smem:$0x7F0] =	sst s10;
	s11 =	simm.s32 @!p1 $0x0  }
0x388: {  	s7 =	simm.s32 @!p1 $0x0;
	s10 =	simm.s32 @!p1 $0x4000;
	s11 =	simm.s32 @p1 $0x1  }
0x389: {  	[hbm4b:s23+s7] =	stream.linear.scatter @!p1 [tilespmem:s10], [sflag:$0x1], $0x4000, $0x38;
	[tilespmem:$0x8100] =	vst v63  }
0x38a: {  	[smem:$0x7F1] =	sst s11  }
0x38b: {  	p1 =	slt.s32 s25, $0x1F;
	s11 =	sld [smem:$0x7FD]  }
0x38c: {  	s10 =	simm.s32 @!p1 $0x0  }
0x38d: {  	s7 =	simm.s32 @!p1 $0x0;
	s10 =	simm.s32 @p1 $0x1  }
0x38e: {  	[hbm4b:s11+s7] =	stream.linear.scatter @!p1 [tilespmem:s7], [sflag:$0x1], $0x4000, $0x38;
	[tilespmem:$0x8100] =	vst v63  }
0x38f: {  	[smem:$0x7F2] =	sst s10;
	p1 =	sgt.s32 s2, $0x1E0  }
0x390: {  	s7 =	simm.s32 @!p1 $0x0;
	s10 =	simm.s32 @!p1 $0x4000;
	s23 =	simm.s32 @!p1 $0x0  }
0x391: {  	[hbm4b:s11+s7] =	stream.linear.scatter @!p1 [tilespmem:s10], [sflag:$0x1], $0x4000, $0x38;
	[tilespmem:$0x8100] =	vst v63  }
0x392: {  	s23 =	simm.s32 @p1 $0x1;
	p1 =	slt.s32 s25, $0x20  }
0x393: {  	s7 =	simm.s32 @!p1 $0x0;
	s10 =	simm.s32 @!p1 $0x0  }
0x394: {  	[hbm4b:s12+s7] =	stream.linear.scatter @!p1 [tilespmem:s7], [sflag:$0x1], $0x4000, $0x38;
	[tilespmem:$0x8100] =	vst v63  }
0x395: {  	s10 =	simm.s32 @p1 $0x1;
	p1 =	sgt.s32 s2, $0x1F0  }
0x396: {  	s2 =	simm.s32 @!p1 $0x0;
	s7 =	simm.s32 @!p1 $0x4000  }
0x397: {  	[hbm4b:s12+s2] =	stream.linear.scatter @!p1 [tilespmem:s7], [sflag:$0x1], $0x4000, $0x38;
	[tilespmem:$0x8100] =	vst v63  }
0x398: {  	[smem:$0x7F4] =	sst s10;
	s10 =	simm.s32 @!p1 $0x0;
	s2 =	sshll.u32 s25, $0x4  }
0x399: {  	s10 =	simm.s32 @p1 $0x1;
	p1 =	sle.s32 s1, s2  }
.Ltmp2:
0x39a: {  	_ = 	snop;
	(pc) =	sbr.rel @p1 .LBB2_6-.Ltmp2, $3  }
0x39b: {  	_ =	sdelay $0x1  }
0x39c: {  	[smem:$0x7F3] =	sst s23  }
0x39d: {  	[smem:$0x7F5] =	sst s10  }
0x39e: {  	s7 =	simm.s32 $0xFFFFFFFF;
	s25 =	ssub.s32 s1, s2  }
0x39f: {  	s7 =	simm.s32 @!p3 $0x0;
	p3 =	sne.s32 s25, $0x1  }
.Ltmp3:
0x3a0: {  	s23 =	rddreg [dreg:$0x15];
	(pc) =	sbr.rel @!p3 .LBB2_5-.Ltmp3, $4  }
0x3a1: {  	s3 =	sadd.s32 s7, s3;
	s7 =	sadd.s32 s2, s23  }
0x3a2: {  	s3 =	sshll.u32 s3, $0xB;
	s7 =	sshll.u32 s7, $0xA  }
0x3a3: {  	s9 =	sand.u32 $0xFFFFE000, s7;
	s10 =	sand.u32 $0x380, s3  }
0x3a4: {  	p1 =	por $0x0, $0x0;
	s2 =	sadd.s32 $0xFFFFFFFF, s25;
	s9 =	sor.u32 s10, s9  }
0x3a5: {  	s9 =	sshrl.u32 s9, $0x3  }
0x3a6: {  	s9 =	sadd.s32 s5, s9  }
0x3a7: {  	[hbm4b:s9+s6] =	stream.linear.scatter [tilespmem:s6], [sflag:$0x3], $0x80, $0x38;
	[tilespmem:$0x8100] =	vst v63  }
0x3a8: {  	s10 =	sadd.s32 $0x80, s9  }
0x3a9: {  	[hbm4b:s10+s6] =	stream.linear.scatter [tilespmem:s14], [sflag:$0x3], $0x80, $0x38;
	[tilespmem:$0x8100] =	vst v63  }
0x3aa: {  	s25 =	sadd.s32 $0x100, s9  }
0x3ab: {  	[hbm4b:s25+s6] =	stream.linear.scatter [tilespmem:s15], [sflag:$0x3], $0x80, $0x38;
	[tilespmem:$0x8100] =	vst v63  }
0x3ac: {  	s11 =	sadd.s32 $0x180, s9  }
0x3ad: {  	[hbm4b:s11+s6] =	stream.linear.scatter [tilespmem:s16], [sflag:$0x3], $0x80, $0x38;
	[tilespmem:$0x8100] =	vst v63  }
0x3ae: {  	s23 =	sadd.s32 $0x200, s9  }
0x3af: {  	[hbm4b:s23+s6] =	stream.linear.scatter [tilespmem:s17], [sflag:$0x3], $0x80, $0x38;
	[tilespmem:$0x8100] =	vst v63  }
0x3b0: {  	s25 =	sadd.s32 $0x280, s9  }
0x3b1: {  	[hbm4b:s25+s6] =	stream.linear.scatter [tilespmem:s18], [sflag:$0x3], $0x80, $0x38;
	[tilespmem:$0x8100] =	vst v63  }
0x3b2: {  	p3 =	sne.s32 s2, $0x1;
	s11 =	sadd.s32 $0x300, s9  }
0x3b3: {  	[hbm4b:s11+s6] =	stream.linear.scatter [tilespmem:s19], [sflag:$0x3], $0x80, $0x38;
	[tilespmem:$0x8100] =	vst v63  }
.Ltmp4:
0x3b4: {  	s2 =	sadd.s32 $0xFFFFFFFF, s2;
	(pc) =	sbr.rel @!p3 .LBB2_5-.Ltmp4, $4  }
0x3b5: {  	s3 =	sadd.s32 $0x80, s3;
	s7 =	sadd.s32 $0x400, s7;
	s9 =	sadd.s32 $0x380, s9  }
0x3b6: {  	[hbm4b:s9+s6] =	stream.linear.scatter [tilespmem:s20], [sflag:$0x3], $0x80, $0x38;
	[tilespmem:$0x8100] =	vst v63  }
0x3b7: {  	s23 =	sand.u32 $0xFFFFE000, s7;
	s25 =	sand.u32 $0x380, s3;
	_ =	swait.ge [sflag:s13], $0x400  }
0x3b8: {  	p1 =	por $0x1, $0x1;
	s9 =	sor.u32 s25, s23;
	[sflag:s13] =	ssyncset.done $0x0  }
.LBB2_4:
0x3b9: {  	p3 =	sne.s32 s2, $0x1;
	s9 =	sshrl.u32 s9, $0x3;
	[sflag:s13] =	ssyncadd.s32 $0xFFFFFC00  }
0x3ba: {  	s2 =	sadd.s32 $0xFFFFFFFF, s2;
	s9 =	sadd.s32 s5, s9  }
0x3bb: {  	[hbm4b:s9+s6] =	stream.linear.scatter [tilespmem:s6], [sflag:$0x3], $0x80, $0x38;
	[tilespmem:$0x8100] =	vst v63  }
0x3bc: {  	s10 =	sadd.s32 $0x80, s9;
	s23 =	sadd.s32 $0x100, s9;
	s25 =	sadd.s32 $0x300, s9  }
0x3bd: {  	[hbm4b:s10+s6] =	stream.linear.scatter [tilespmem:s14], [sflag:$0x3], $0x80, $0x38;
	[tilespmem:$0x8100] =	vst v63  }
0x3be: {  	_ = 	snop  }
0x3bf: {  	[hbm4b:s23+s6] =	stream.linear.scatter [tilespmem:s15], [sflag:$0x3], $0x80, $0x38;
	[tilespmem:$0x8100] =	vst v63  }
0x3c0: {  	s10 =	sadd.s32 $0x180, s9  }
0x3c1: {  	[hbm4b:s10+s6] =	stream.linear.scatter [tilespmem:s16], [sflag:$0x3], $0x80, $0x38;
	[tilespmem:$0x8100] =	vst v63  }
0x3c2: {  	s10 =	sadd.s32 $0x200, s9  }
0x3c3: {  	[hbm4b:s10+s6] =	stream.linear.scatter [tilespmem:s17], [sflag:$0x3], $0x80, $0x38;
	[tilespmem:$0x8100] =	vst v63  }
0x3c4: {  	s10 =	sadd.s32 $0x280, s9  }
0x3c5: {  	[hbm4b:s10+s6] =	stream.linear.scatter [tilespmem:s18], [sflag:$0x3], $0x80, $0x38;
	[tilespmem:$0x8100] =	vst v63  }
0x3c6: {  	_ = 	snop  }
0x3c7: {  	[hbm4b:s25+s6] =	stream.linear.scatter [tilespmem:s19], [sflag:$0x3], $0x80, $0x38;
	[tilespmem:$0x8100] =	vst v63  }
.Ltmp5:
0x3c8: {  	_ = 	snop;
	(pc) =	sbr.rel @p3 .LBB2_4-.Ltmp5, $4  }
0x3c9: {  	s3 =	sadd.s32 $0x80, s3;
	s7 =	sadd.s32 $0x400, s7;
	s9 =	sadd.s32 $0x380, s9  }
0x3ca: {  	[hbm4b:s9+s6] =	stream.linear.scatter [tilespmem:s20], [sflag:$0x3], $0x80, $0x38;
	[tilespmem:$0x8100] =	vst v63  }
0x3cb: {  	s10 =	sand.u32 $0x380, s3;
	s9 =	sand.u32 $0xFFFFE000, s7;
	_ =	swait.ge [sflag:s13], $0x400  }
0x3cc: {  	s9 =	sor.u32 s10, s9;
	[sflag:s13] =	ssyncset.done $0x0  }
.LBB2_5:
0x3cd: {  	s2 =	sshrl.u32 s9, $0x3  }
0x3ce: {  	[sflag:s13] =	ssyncadd.s32 @p1 $0xFFFFFC00;
	s2 =	sadd.s32 s5, s2  }
0x3cf: {  	[hbm4b:s2+s6] =	stream.linear.scatter [tilespmem:s6], [sflag:$0x3], $0x80, $0x38;
	[tilespmem:$0x8100] =	vst v63  }
0x3d0: {  	s3 =	sadd.s32 $0x80, s2  }
0x3d1: {  	[hbm4b:s3+s6] =	stream.linear.scatter [tilespmem:s14], [sflag:$0x3], $0x80, $0x38;
	[tilespmem:$0x8100] =	vst v63  }
0x3d2: {  	s9 =	sadd.s32 $0x100, s2  }
0x3d3: {  	[hbm4b:s9+s6] =	stream.linear.scatter [tilespmem:s15], [sflag:$0x3], $0x80, $0x38;
	[tilespmem:$0x8100] =	vst v63  }
0x3d4: {  	s10 =	sadd.s32 $0x180, s2  }
0x3d5: {  	[hbm4b:s10+s6] =	stream.linear.scatter [tilespmem:s16], [sflag:$0x3], $0x80, $0x38;
	[tilespmem:$0x8100] =	vst v63  }
0x3d6: {  	s11 =	sadd.s32 $0x200, s2  }
0x3d7: {  	[hbm4b:s11+s6] =	stream.linear.scatter [tilespmem:s17], [sflag:$0x3], $0x80, $0x38;
	[tilespmem:$0x8100] =	vst v63  }
0x3d8: {  	s23 =	sadd.s32 $0x280, s2  }
0x3d9: {  	[hbm4b:s23+s6] =	stream.linear.scatter [tilespmem:s18], [sflag:$0x3], $0x80, $0x38;
	[tilespmem:$0x8100] =	vst v63  }
0x3da: {  	s25 =	sadd.s32 $0x300, s2  }
0x3db: {  	[hbm4b:s25+s6] =	stream.linear.scatter [tilespmem:s19], [sflag:$0x3], $0x80, $0x38;
	[tilespmem:$0x8100] =	vst v63  }
0x3dc: {  	s2 =	sadd.s32 $0x380, s2  }
0x3dd: {  	[hbm4b:s2+s6] =	stream.linear.scatter [tilespmem:s20], [sflag:$0x3], $0x80, $0x38;
	[tilespmem:$0x8100] =	vst v63  }
0x3de: {  	_ =	swait.ge [sflag:s13], $0x400  }
0x3df: {  	[sflag:s13] =	ssyncset.done $0x0  }
0x3e0: {  	[sflag:s13] =	ssyncadd.s32 $0xFFFFFC00  }
.LBB2_6:
0x3e1: {  	s2 =	sadd.s32 $0xF, s1  }
0x3e2: {  	s2 =	sand.u32 $0x7F0, s2  }
0x3e3: {  	p1 =	sle.u32 s2, s1  }
.Ltmp6:
0x3e4: {  	_ = 	snop;
	(pc) =	sbr.rel @p1 .LBB2_11-.Ltmp6, $1  }
0x3e5: {  	_ =	sdelay $0x3  }
0x3e6: {  	s7 =	ssub.s32 s2, s1  }
0x3e7: {  	p3 =	sne.s32 s7, $0x1  }
.Ltmp7:
0x3e8: {  	s3 =	rddreg [dreg:$0x15];
	(pc) =	sbr.rel @!p3 .LBB2_10-.Ltmp7, $4  }
0x3e9: {  	s3 =	sadd.s32 s1, s3  }
0x3ea: {  	s2 =	sshll.u32 s1, $0x7;
	s3 =	sshll.u32 s3, $0xA  }
0x3eb: {  	s10 =	sand.u32 $0x380, s2;
	s9 =	sand.u32 $0xFFFFE000, s3  }
0x3ec: {  	p1 =	por $0x0, $0x0;
	s1 =	sadd.s32 $0xFFFFFFFF, s7;
	s7 =	sor.u32 s10, s9  }
0x3ed: {  	s7 =	sshrl.u32 s7, $0x3  }
0x3ee: {  	s7 =	sadd.s32 s5, s7  }
0x3ef: {  	[hbm4b:s7+s6] =	stream.linear.scatter [tilespmem:s21], [sflag:$0x3], $0x80, $0x38;
	[tilespmem:$0x8100] =	vst v63  }
0x3f0: {  	s9 =	sadd.s32 $0x80, s7  }
0x3f1: {  	[hbm4b:s9+s6] =	stream.linear.scatter [tilespmem:s24], [sflag:$0x3], $0x80, $0x38;
	[tilespmem:$0x8100] =	vst v63  }
0x3f2: {  	s11 =	sadd.s32 $0x100, s7  }
0x3f3: {  	[hbm4b:s11+s6] =	stream.linear.scatter [tilespmem:s26], [sflag:$0x3], $0x80, $0x38;
	[tilespmem:$0x8100] =	vst v63  }
0x3f4: {  	s23 =	sadd.s32 $0x180, s7  }
0x3f5: {  	[hbm4b:s23+s6] =	stream.linear.scatter [tilespmem:s28], [sflag:$0x3], $0x80, $0x38;
	[tilespmem:$0x8100] =	vst v63  }
0x3f6: {  	s25 =	sadd.s32 $0x200, s7  }
0x3f7: {  	[hbm4b:s25+s6] =	stream.linear.scatter [tilespmem:s29], [sflag:$0x3], $0x80, $0x38;
	[tilespmem:$0x8100] =	vst v63  }
0x3f8: {  	s10 =	sadd.s32 $0x280, s7  }
0x3f9: {  	[hbm4b:s10+s6] =	stream.linear.scatter [tilespmem:s30], [sflag:$0x3], $0x80, $0x38;
	[tilespmem:$0x8100] =	vst v63  }
0x3fa: {  	p3 =	sne.s32 s1, $0x1;
	s11 =	sadd.s32 $0x300, s7  }
0x3fb: {  	[hbm4b:s11+s6] =	stream.linear.scatter [tilespmem:s31], [sflag:$0x3], $0x80, $0x38;
	[tilespmem:$0x8100] =	vst v63  }
.Ltmp8:
0x3fc: {  	s1 =	sadd.s32 $0xFFFFFFFF, s1;
	(pc) =	sbr.rel @!p3 .LBB2_10-.Ltmp8, $4  }
0x3fd: {  	s2 =	sadd.s32 $0x80, s2;
	s3 =	sadd.s32 $0x400, s3;
	s7 =	sadd.s32 $0x380, s7  }
0x3fe: {  	[hbm4b:s7+s6] =	stream.linear.scatter [tilespmem:s0], [sflag:$0x3], $0x80, $0x38;
	[tilespmem:$0x8100] =	vst v63  }
0x3ff: {  	s23 =	sand.u32 $0xFFFFE000, s3;
	s25 =	sand.u32 $0x380, s2;
	_ =	swait.ge [sflag:s13], $0x400  }
0x400: {  	p1 =	por $0x1, $0x1;
	s7 =	sor.u32 s25, s23;
	[sflag:s13] =	ssyncset.done $0x0  }
.LBB2_9:
0x401: {  	p3 =	sne.s32 s1, $0x1;
	s7 =	sshrl.u32 s7, $0x3;
	[sflag:s13] =	ssyncadd.s32 $0xFFFFFC00  }
0x402: {  	s1 =	sadd.s32 $0xFFFFFFFF, s1;
	s7 =	sadd.s32 s5, s7  }
0x403: {  	[hbm4b:s7+s6] =	stream.linear.scatter [tilespmem:s21], [sflag:$0x3], $0x80, $0x38;
	[tilespmem:$0x8100] =	vst v63  }
0x404: {  	s9 =	sadd.s32 $0x80, s7;
	s10 =	sadd.s32 $0x100, s7;
	s23 =	sadd.s32 $0x300, s7  }
0x405: {  	[hbm4b:s9+s6] =	stream.linear.scatter [tilespmem:s24], [sflag:$0x3], $0x80, $0x38;
	[tilespmem:$0x8100] =	vst v63  }
0x406: {  	_ = 	snop  }
0x407: {  	[hbm4b:s10+s6] =	stream.linear.scatter [tilespmem:s26], [sflag:$0x3], $0x80, $0x38;
	[tilespmem:$0x8100] =	vst v63  }
0x408: {  	s9 =	sadd.s32 $0x180, s7  }
0x409: {  	[hbm4b:s9+s6] =	stream.linear.scatter [tilespmem:s28], [sflag:$0x3], $0x80, $0x38;
	[tilespmem:$0x8100] =	vst v63  }
0x40a: {  	s9 =	sadd.s32 $0x200, s7  }
0x40b: {  	[hbm4b:s9+s6] =	stream.linear.scatter [tilespmem:s29], [sflag:$0x3], $0x80, $0x38;
	[tilespmem:$0x8100] =	vst v63  }
0x40c: {  	s9 =	sadd.s32 $0x280, s7  }
0x40d: {  	[hbm4b:s9+s6] =	stream.linear.scatter [tilespmem:s30], [sflag:$0x3], $0x80, $0x38;
	[tilespmem:$0x8100] =	vst v63  }
0x40e: {  	_ = 	snop  }
0x40f: {  	[hbm4b:s23+s6] =	stream.linear.scatter [tilespmem:s31], [sflag:$0x3], $0x80, $0x38;
	[tilespmem:$0x8100] =	vst v63  }
.Ltmp9:
0x410: {  	_ = 	snop;
	(pc) =	sbr.rel @p3 .LBB2_9-.Ltmp9, $4  }
0x411: {  	s2 =	sadd.s32 $0x80, s2;
	s3 =	sadd.s32 $0x400, s3;
	s7 =	sadd.s32 $0x380, s7  }
0x412: {  	[hbm4b:s7+s6] =	stream.linear.scatter [tilespmem:s0], [sflag:$0x3], $0x80, $0x38;
	[tilespmem:$0x8100] =	vst v63  }
0x413: {  	s9 =	sand.u32 $0x380, s2;
	s7 =	sand.u32 $0xFFFFE000, s3;
	_ =	swait.ge [sflag:s13], $0x400  }
0x414: {  	s7 =	sor.u32 s9, s7;
	[sflag:s13] =	ssyncset.done $0x0  }
.Ltmp10:
0x415: {  	_ = 	snop;
	(pc) =	sbr.rel .LBB2_10-.Ltmp10, $1  }
0x416: {  	_ =	sdelay $0x3  }
.LBB2_12:
0x417: {  	_ =	sfence.sel $0x180000  }
0x418: {  	[bflag:$0x0] =	sbarrier.arrive $0xFFFF  }
0x419: {  	_ =	strace $0x90000047  }
0x41a: {  	s0 =	stileid.u32;
	[bflag:$0x2] =	sbarrier.arrive $0xFFFF  }
0x41b: {  	p0 =	sne.s32 s0, $0x0;
	s0 =	rddreg [dreg:$0x5]  }
0x41c: {  	s0 =	sadd.s32 @!p0 $0x100000, s0  }
0x41d: {  	[sflag:s0] =	ssyncadd.tile.s32 @!p0 $0x1;
	_ =	shalt  }
.Lfunc_end2:
_tile_overlayer_lowered:
.L_overlay_start_2:
0x41e: {  	(tag) =	ssettag $0x2  }
0x41f: {  	s0 =	rddreg [dreg:$0x0];
	s2 =	stileid.u32  }
0x420: {  	s1 =	rddreg [dreg:$0x1];
	p0 =	sne.s32 s2, $0x0  }
0x421: {  	s3 =	rddreg [dreg:$0x2];
	[bflag:$0x3] =	sbarrier.arrive $0xFFFF;
	s2 =	simm.s32 @!p0 $0x1C03  }
0x422: {  	[timem:s3], [sflag:s2] =	dma.local @!p0 [hbm:s0], s1  }
0x423: {  	s0 =	simm.s32 @!p0 $0x3  }
0x424: {  	_ =	swait.ge @!p0 [sflag:s0], s1  }
0x425: {  	s1 =	ssub.s32 @!p0 $0x0, s1;
	[sflag:s0] =	ssyncset.done @!p0 $0x0  }
0x426: {  	[sflag:s0] =	ssyncadd.s32 @!p0 s1  }
0x427: {  	[bflag:$0x3] =	sbarrier.arrive $0xFFFF  }
0x428: {  	_ =	shalt  }

</sc_bundles>
